<compile_context>
chip_gen: v7x
topology: tpu7x:2x2x1
jax: 0.10.2.dev20260603
libtpu: 0.0.44.dev20260713+nightly
codegen_flags: <defaults>
</compile_context>

<pallas_src>
import functools

import jax
import jax.numpy as jnp
from jax import lax
from jax.experimental import pallas as pl
from jax.experimental.pallas import tpu as pltpu
from jax.experimental.pallas import tpu_sc as plsc

N = 10000
E = 320000
D = 128
LAYERS = 6
G = 64
NP = 10240
TILES = 32
CH = 128
CHUNKS = 80
PH = 2
CPP = CHUNKS // PH
EP = TILES * CHUNKS * CH
RPT = NP // 16
BLK = 256
NB = NP // BLK

_mesh = plsc.VectorSubcoreMesh(core_axis_name="c", subcore_axis_name="s")



@functools.partial(
    pl.kernel,
    out_type=jax.ShapeDtypeStruct((2, NP, D), jnp.float32),
    mesh=_mesh,
    scratch_types=[
        pltpu.VMEM((CPP, CH), jnp.int32),
        pltpu.VMEM((CH, D), jnp.float32),
        pltpu.VMEM_SHARED((NP, D), jnp.float32),
    ],
)
def _deg_sc(dst_hbm, ones_hbm, zeros_hbm, out_hbm, dst_v, ones_v, acc_s):
    cid = lax.axis_index("c")
    sid = lax.axis_index("s")
    eb = cid * 16 + sid
    pltpu.sync_copy(ones_hbm, ones_v)
    pltpu.sync_copy(zeros_hbm, acc_s.at[pl.ds(sid * RPT, RPT)])
    plsc.subcore_barrier()

    for ph in range(PH):
        pltpu.sync_copy(dst_hbm.at[eb, ph], dst_v)

        def body(c, carry):
            pltpu.sync_copy(ones_v, acc_s.at[dst_v.at[c]], add=True)
            return carry

        lax.fori_loop(0, CPP, body, 0)
    plsc.subcore_barrier()
    pltpu.sync_copy(acc_s.at[pl.ds(sid * RPT, RPT)],
                    out_hbm.at[cid, pl.ds(sid * RPT, RPT)])



@functools.partial(
    pl.kernel,
    out_type=jax.ShapeDtypeStruct((2, NP, D), jnp.float32),
    mesh=_mesh,
    scratch_types=[
        pltpu.VMEM((CPP, CH), jnp.int32),
        pltpu.VMEM((CPP, CH), jnp.int32),
        pltpu.VMEM((CH, D), jnp.float32),
        pltpu.VMEM((CH, D), jnp.float32),
        pltpu.VMEM_SHARED((NP, D), jnp.float32),
        pltpu.SemaphoreType.DMA,
        pltpu.SemaphoreType.DMA,
    ],
)
def _spmm_sc(g_hbm, src_hbm, dst_hbm, zeros_hbm, out_hbm,
             src_v, dst_v, rows0, rows1, acc_s, sem0, sem1):
    cid = lax.axis_index("c")
    sid = lax.axis_index("s")
    eb = cid * 16 + sid
    pltpu.sync_copy(zeros_hbm, acc_s.at[pl.ds(sid * RPT, RPT)])
    plsc.subcore_barrier()

    for ph in range(PH):
        pltpu.sync_copy(src_hbm.at[eb, ph], src_v)
        pltpu.sync_copy(dst_hbm.at[eb, ph], dst_v)
        pltpu.async_copy(g_hbm.at[src_v.at[0]], rows0, sem0)
        pltpu.async_copy(g_hbm.at[src_v.at[1]], rows1, sem1)

        def body(i, carry):
            c0 = i * 2
            c1 = c0 + 1
            pltpu.make_async_copy(g_hbm.at[src_v.at[c0]], rows0, sem0).wait()
            pltpu.sync_copy(rows0, acc_s.at[dst_v.at[c0]], add=True)
            pltpu.async_copy(
                g_hbm.at[src_v.at[jnp.minimum(c0 + 2, CPP - 1)]], rows0, sem0)
            pltpu.make_async_copy(g_hbm.at[src_v.at[c1]], rows1, sem1).wait()
            pltpu.sync_copy(rows1, acc_s.at[dst_v.at[c1]], add=True)
            pltpu.async_copy(
                g_hbm.at[src_v.at[jnp.minimum(c1 + 2, CPP - 1)]], rows1, sem1)
            return carry

        lax.fori_loop(0, CPP // 2, body, 0)
        pltpu.make_async_copy(g_hbm.at[src_v.at[CPP - 1]], rows0, sem0).wait()
        pltpu.make_async_copy(g_hbm.at[src_v.at[CPP - 1]], rows1, sem1).wait()
    plsc.subcore_barrier()
    pltpu.sync_copy(acc_s.at[pl.ds(sid * RPT, RPT)],
                    out_hbm.at[cid, pl.ds(sid * RPT, RPT)])



def _xw_body(x_ref, w_ref, o_ref):
    o_ref[...] = jnp.dot(x_ref[...], w_ref[...])


_tc_xw = pl.pallas_call(
    _xw_body,
    grid=(NB,),
    in_specs=[
        pl.BlockSpec((BLK, D), lambda i: (i, 0)),
        pl.BlockSpec((D, D), lambda i: (0, 0)),
    ],
    out_specs=pl.BlockSpec((BLK, D), lambda i: (i, 0)),
    out_shape=jax.ShapeDtypeStruct((NP, D), jnp.float32),
)


def _init_body(deg_ref, xw_ref, g_ref, dinv_ref):
    i = pl.program_id(0)
    d = deg_ref[0] + deg_ref[1]
    deg = d[:, 0:1] + 1.0
    dinv = 1.0 / jnp.sqrt(deg)
    rows = i * BLK + lax.broadcasted_iota(jnp.int32, (BLK, 1), 0)
    dinv = jnp.where(rows < N, dinv, 0.0)
    dinvb = jnp.broadcast_to(dinv, (BLK, D))
    g_ref[...] = dinvb * xw_ref[...]
    dinv_ref[...] = dinvb


_tc_init = pl.pallas_call(
    _init_body,
    grid=(NB,),
    in_specs=[
        pl.BlockSpec((2, BLK, D), lambda i: (0, i, 0)),
        pl.BlockSpec((BLK, D), lambda i: (i, 0)),
    ],
    out_specs=[
        pl.BlockSpec((BLK, D), lambda i: (i, 0)),
        pl.BlockSpec((BLK, D), lambda i: (i, 0)),
    ],
    out_shape=[
        jax.ShapeDtypeStruct((NP, D), jnp.float32),
        jax.ShapeDtypeStruct((NP, D), jnp.float32),
    ],
)


def _mid_body(p_ref, g_ref, dinv_ref, w_ref, b_ref, o_ref):
    dinv = dinv_ref[...]
    h = jnp.maximum(dinv * (p_ref[0] + p_ref[1] + g_ref[...]) + b_ref[...], 0.0)
    o_ref[...] = dinv * jnp.dot(h, w_ref[...])


_tc_mid = pl.pallas_call(
    _mid_body,
    grid=(NB,),
    in_specs=[
        pl.BlockSpec((2, BLK, D), lambda i: (0, i, 0)),
        pl.BlockSpec((BLK, D), lambda i: (i, 0)),
        pl.BlockSpec((BLK, D), lambda i: (i, 0)),
        pl.BlockSpec((D, D), lambda i: (0, 0)),
        pl.BlockSpec((1, D), lambda i: (0, 0)),
    ],
    out_specs=pl.BlockSpec((BLK, D), lambda i: (i, 0)),
    out_shape=jax.ShapeDtypeStruct((NP, D), jnp.float32),
)


def _final_body(p_ref, g_ref, dinv_ref, b_ref, batch_ref, w1_ref, b1_ref,
                w2_ref, b2_ref, o_ref, pool_acc, cnt_acc):
    i = pl.program_id(0)
    dinv = dinv_ref[...]
    h = jnp.maximum(dinv * (p_ref[0] + p_ref[1] + g_ref[...]) + b_ref[...], 0.0)
    bb = batch_ref[0]
    gid = lax.broadcasted_iota(jnp.int32, (G, BLK), 0)
    m = (gid == jnp.broadcast_to(bb, (G, BLK))).astype(jnp.float32)

    @pl.when(i == 0)
    def _():
        pool_acc[...] = jnp.zeros((G, D), jnp.float32)
        cnt_acc[...] = jnp.zeros((G, D), jnp.float32)

    pool_acc[...] += jnp.dot(m, h, precision=lax.Precision.HIGHEST)
    cnt_acc[...] += jnp.broadcast_to(jnp.sum(m, axis=1, keepdims=True), (G, D))

    @pl.when(i == NB - 1)
    def _():
        pooled = pool_acc[...] / jnp.maximum(cnt_acc[...], 1.0)
        z = jnp.maximum(jnp.dot(pooled, w1_ref[...]) + b1_ref[...], 0.0)
        o_ref[...] = jnp.dot(z, w2_ref[...]) + b2_ref[...]


_tc_final = pl.pallas_call(
    _final_body,
    grid=(NB,),
    in_specs=[
        pl.BlockSpec((2, BLK, D), lambda i: (0, i, 0)),
        pl.BlockSpec((BLK, D), lambda i: (i, 0)),
        pl.BlockSpec((BLK, D), lambda i: (i, 0)),
        pl.BlockSpec((1, D), lambda i: (0, 0)),
        pl.BlockSpec((1, 1, BLK), lambda i: (i, 0, 0)),
        pl.BlockSpec((D, D), lambda i: (0, 0)),
        pl.BlockSpec((1, D), lambda i: (0, 0)),
        pl.BlockSpec((D, D), lambda i: (0, 0)),
        pl.BlockSpec((1, D), lambda i: (0, 0)),
    ],
    out_specs=pl.BlockSpec((G, D), lambda i: (0, 0)),
    out_shape=jax.ShapeDtypeStruct((G, D), jnp.float32),
    scratch_shapes=[
        pltpu.VMEM((G, D), jnp.float32),
        pltpu.VMEM((G, D), jnp.float32),
    ],
)


def kernel(x, edge_index, batch, Ws, bs, hW1, hb1, hW2, hb2):
    pad = EP - E
    fill = jnp.full((pad,), N, jnp.int32)
    src3 = jnp.concatenate([edge_index[0], fill]).reshape(TILES, PH, CPP, CH)
    dst3 = jnp.concatenate([edge_index[1], fill]).reshape(TILES, PH, CPP, CH)
    x_pad = jnp.pad(x, ((0, NP - N), (0, 0)))
    batch3 = jnp.concatenate(
        [batch, jnp.full((NP - N,), G, jnp.int32)]).reshape(NB, 1, BLK)
    zeros_rows = jnp.zeros((RPT, D), jnp.float32)
    ones_rows = jnp.ones((CH, D), jnp.float32)
    w1p = jnp.zeros((D, D), jnp.float32).at[:, :D // 2].set(hW1)
    b1p = jnp.zeros((1, D), jnp.float32).at[0, :D // 2].set(hb1)
    w2p = jnp.zeros((D, D), jnp.float32).at[:D // 2, 0].set(hW2[:, 0])
    b2p = jnp.broadcast_to(hb2.reshape(1, 1), (1, D))

    xw = _tc_xw(x_pad, Ws[0])
    degp = _deg_sc(dst3, ones_rows, zeros_rows)
    g, dinv = _tc_init(degp, xw)
    for i in range(1, LAYERS):
        p = _spmm_sc(g, src3, dst3, zeros_rows)
        g = _tc_mid(p, g, dinv, Ws[i], bs[i - 1].reshape(1, D))
    p = _spmm_sc(g, src3, dst3, zeros_rows)
    outm = _tc_final(p, g, dinv, bs[LAYERS - 1].reshape(1, D), batch3,
                     w1p, b1p, w2p, b2p)
    return outm[:, 0]

# --- scband reference (transcript-rebuilt; emitter-appended) ---
"""Pipeline reference for scband-simple-gcn-15814069584049 (READ-ONLY COPY).

The authoritative reference and input builder live on the scoring server;
editing this copy changes nothing except your own understanding.
"""

import jax, jax.numpy as jnp
import numpy as np

N = 10000
E = 320000
D = 128
L = 6
G = 64

def setup_inputs(seed: int = 0) -> dict:
    key = jax.random.key(seed)
    ks = jax.random.split(key, 8)
    x = jax.random.normal(ks[0], (N, D), dtype=jnp.float32)
    edge_index = jax.random.randint(ks[1], (2, E), 0, N, dtype=jnp.int32)
    batch = jnp.sort(jax.random.randint(ks[2], (N,), 0, G, dtype=jnp.int32))
    Ws = jax.random.normal(ks[3], (L, D, D), dtype=jnp.float32) * 0.05
    bs = jnp.zeros((L, D), dtype=jnp.float32)
    hW1 = jax.random.normal(ks[4], (D, D // 2), dtype=jnp.float32) * 0.05
    hb1 = jnp.zeros((D // 2,), dtype=jnp.float32)
    hW2 = jax.random.normal(ks[5], (D // 2, 1), dtype=jnp.float32) * 0.05
    hb2 = jnp.zeros((1,), dtype=jnp.float32)
    return {"x": x, "edge_index": edge_index, "batch": batch, "Ws": Ws, "bs": bs,
            "hW1": hW1, "hb1": hb1, "hW2": hW2, "hb2": hb2}

def reference(x, edge_index, batch, Ws, bs, hW1, hb1, hW2, hb2):
    # GCNConv with self-loops and symmetric normalization, stacked L times with ReLU
    loop = jnp.arange(N, dtype=edge_index.dtype)
    src = jnp.concatenate([edge_index[0], loop])
    dst = jnp.concatenate([edge_index[1], loop])
    deg = jax.ops.segment_sum(jnp.ones_like(dst, dtype=x.dtype), dst, num_segments=N)
    dinv = jnp.where(deg > 0, 1.0 / jnp.sqrt(deg), 0.0)
    norm = dinv[src] * dinv[dst]
    h = x
    for i in range(L):
        hw = h @ Ws[i]
        msg = hw[src] * norm[:, None]
        agg = jax.ops.segment_sum(msg, dst, num_segments=N) + bs[i]
        h = jax.nn.relu(agg)
    # global mean pool over graph assignment
    counts = jax.ops.segment_sum(jnp.ones((N,), h.dtype), batch, num_segments=G)
    pooled = jax.ops.segment_sum(h, batch, num_segments=G) / jnp.maximum(counts, 1.0)[:, None]
    z = jax.nn.relu(pooled @ hW1 + hb1)
    out = (z @ hW2 + hb2)
    return out.squeeze(-1)

if __name__ == "__main__":
    import jax
    _d = setup_inputs()
    print(jax.jit(kernel)(*tuple(_d.values())))

</pallas_src>

<mosaic_0001>
#map = affine_map<(d0, d1) -> (0, 0)>
#map1 = affine_map<(d0, d1) -> (0, 0, 0, 0)>
#map2 = affine_map<(d0, d1) -> (0, 0, 0)>
module attributes {stable_mosaic.version = 14 : i64} {
  func.func @_spmm_sc(%arg0: i32, %arg1: i32, %arg2: memref<10240x128xf32, #tpu.memory_space<hbm>>, %arg3: memref<32x2x40x128xi32, #tpu.memory_space<hbm>>, %arg4: memref<32x2x40x128xi32, #tpu.memory_space<hbm>>, %arg5: memref<640x128xf32, #tpu.memory_space<hbm>>, %arg6: memref<2x10240x128xf32, #tpu.memory_space<hbm>>, %arg7: memref<40x128xi32, #tpu.memory_space<vmem>>, %arg8: memref<40x128xi32, #tpu.memory_space<vmem>>, %arg9: memref<128x128xf32, #tpu.memory_space<vmem>>, %arg10: memref<128x128xf32, #tpu.memory_space<vmem>>, %arg11: memref<10240x128xf32, #tpu.memory_space<vmem_shared>>, %arg12: memref<!tpu.dma_semaphore, #tpu.memory_space<semaphore_mem>>, %arg13: memref<!tpu.dma_semaphore, #tpu.memory_space<semaphore_mem>>) attributes {dimension_semantics = [#tpu.dimension_semantics<core_parallel>, #tpu.dimension_semantics<subcore_parallel>], iteration_bounds = array<i64: 2, 16>, scalar_prefetch = 0 : i64, scratch_operands = 7 : i64, tpu.core_type = #tpu.core_type<sc_vector_subcore>, window_params = [{transform_indices = #map}, {transform_indices = #map1}, {transform_indices = #map1}, {transform_indices = #map}, {transform_indices = #map2}]} {
    %mul3A = arith.constant 16 : i32
    %mul3A_0 = arith.muli %arg0, %mul3A : i32
    %add3A = arith.addi %mul3A_0, %arg1 : i32
    %mul3A_1 = arith.constant 640 : i32
    %mul3A_2 = arith.muli %arg1, %mul3A_1 : i32
    "tpu.region"() ({
      %run_scoped3A_76 = tpu.sem_alloc : memref<!tpu.dma_semaphore, #tpu.memory_space<semaphore_mem>>
      %dma_start3A_77 = arith.constant 0 : i32
      %dma_start3A_78 = tpu.memref_slice %arg11[%mul3A_2, %dma_start3A_77] : memref<10240x128xf32, #tpu.memory_space<vmem_shared>> -> memref<640x128xf32, #tpu.memory_space<vmem_shared>>
      tpu.enqueue_dma source(%arg5 : memref<640x128xf32, #tpu.memory_space<hbm>>) target(%dma_start3A_78 : memref<640x128xf32, #tpu.memory_space<vmem_shared>>) target_semaphore(%run_scoped3A_76 : memref<!tpu.dma_semaphore, #tpu.memory_space<semaphore_mem>>)
      %dma_wait3A_79 = arith.constant 0 : i32
      %dma_wait3A_80 = tpu.memref_slice %arg11[%mul3A_2, %dma_wait3A_79] : memref<10240x128xf32, #tpu.memory_space<vmem_shared>> -> memref<640x128xf32, #tpu.memory_space<vmem_shared>>
      tpu.wait_dma2 semaphore(%run_scoped3A_76 : memref<!tpu.dma_semaphore, #tpu.memory_space<semaphore_mem>>) src(%arg5 : memref<640x128xf32, #tpu.memory_space<hbm>>) dst(%dma_wait3A_80 : memref<640x128xf32, #tpu.memory_space<vmem_shared>>)
      tpu.yield
    }) : () -> ()
    %barrier3A = arith.constant 0 : index
    tpu.barrier barrier_id(%barrier3A)
    %run_scoped3A = arith.constant 0 : i32
    "tpu.region"() ({
      %run_scoped3A_76 = tpu.sem_alloc : memref<!tpu.dma_semaphore, #tpu.memory_space<semaphore_mem>>
      %dma_start3A_77 = arith.constant 0 : i32
      %dma_start3A_78 = arith.constant 0 : i32
      %dma_start3A_79 = tpu.memref_slice %arg3[%add3A, %run_scoped3A, %dma_start3A_77, %dma_start3A_78] : memref<32x2x40x128xi32, #tpu.memory_space<hbm>> -> memref<1x1x40x128xi32, #tpu.memory_space<hbm>>
      %dma_start3A_80 = tpu.memref_squeeze %dma_start3A_79 : memref<1x1x40x128xi32, #tpu.memory_space<hbm>> -> memref<40x128xi32, #tpu.memory_space<hbm>>
      %dma_start3A_81 = arith.constant 0 : i32
      %dma_start3A_82 = arith.constant 0 : i32
      %dma_start3A_83 = tpu.memref_slice %arg3[%add3A, %run_scoped3A, %dma_start3A_81, %dma_start3A_82] : memref<32x2x40x128xi32, #tpu.memory_space<hbm>> -> memref<1x1x40x128xi32, #tpu.memory_space<hbm>>
      %dma_start3A_84 = tpu.memref_squeeze %dma_start3A_83 : memref<1x1x40x128xi32, #tpu.memory_space<hbm>> -> memref<40x128xi32, #tpu.memory_space<hbm>>
      tpu.enqueue_dma source(%dma_start3A_84 : memref<40x128xi32, #tpu.memory_space<hbm>>) target(%arg7 : memref<40x128xi32, #tpu.memory_space<vmem>>) target_semaphore(%run_scoped3A_76 : memref<!tpu.dma_semaphore, #tpu.memory_space<semaphore_mem>>)
      %dma_wait3A_85 = arith.constant 0 : i32
      %dma_wait3A_86 = arith.constant 0 : i32
      %dma_wait3A_87 = tpu.memref_slice %arg3[%add3A, %run_scoped3A, %dma_wait3A_85, %dma_wait3A_86] : memref<32x2x40x128xi32, #tpu.memory_space<hbm>> -> memref<1x1x40x128xi32, #tpu.memory_space<hbm>>
      %dma_wait3A_88 = tpu.memref_squeeze %dma_wait3A_87 : memref<1x1x40x128xi32, #tpu.memory_space<hbm>> -> memref<40x128xi32, #tpu.memory_space<hbm>>
      %dma_wait3A_89 = arith.constant 0 : i32
      %dma_wait3A_90 = arith.constant 0 : i32
      %dma_wait3A_91 = tpu.memref_slice %arg3[%add3A, %run_scoped3A, %dma_wait3A_89, %dma_wait3A_90] : memref<32x2x40x128xi32, #tpu.memory_space<hbm>> -> memref<1x1x40x128xi32, #tpu.memory_space<hbm>>
      %dma_wait3A_92 = tpu.memref_squeeze %dma_wait3A_91 : memref<1x1x40x128xi32, #tpu.memory_space<hbm>> -> memref<40x128xi32, #tpu.memory_space<hbm>>
      tpu.wait_dma2 semaphore(%run_scoped3A_76 : memref<!tpu.dma_semaphore, #tpu.memory_space<semaphore_mem>>) src(%dma_wait3A_92 : memref<40x128xi32, #tpu.memory_space<hbm>>) dst(%arg7 : memref<40x128xi32, #tpu.memory_space<vmem>>)
      tpu.yield
    }) : () -> ()
    %run_scoped3A_3 = arith.constant 0 : i32
    "tpu.region"() ({
      %run_scoped3A_76 = tpu.sem_alloc : memref<!tpu.dma_semaphore, #tpu.memory_space<semaphore_mem>>
      %dma_start3A_77 = arith.constant 0 : i32
      %dma_start3A_78 = arith.constant 0 : i32
      %dma_start3A_79 = tpu.memref_slice %arg4[%add3A, %run_scoped3A_3, %dma_start3A_77, %dma_start3A_78] : memref<32x2x40x128xi32, #tpu.memory_space<hbm>> -> memref<1x1x40x128xi32, #tpu.memory_space<hbm>>
      %dma_start3A_80 = tpu.memref_squeeze %dma_start3A_79 : memref<1x1x40x128xi32, #tpu.memory_space<hbm>> -> memref<40x128xi32, #tpu.memory_space<hbm>>
      %dma_start3A_81 = arith.constant 0 : i32
      %dma_start3A_82 = arith.constant 0 : i32
      %dma_start3A_83 = tpu.memref_slice %arg4[%add3A, %run_scoped3A_3, %dma_start3A_81, %dma_start3A_82] : memref<32x2x40x128xi32, #tpu.memory_space<hbm>> -> memref<1x1x40x128xi32, #tpu.memory_space<hbm>>
      %dma_start3A_84 = tpu.memref_squeeze %dma_start3A_83 : memref<1x1x40x128xi32, #tpu.memory_space<hbm>> -> memref<40x128xi32, #tpu.memory_space<hbm>>
      tpu.enqueue_dma source(%dma_start3A_84 : memref<40x128xi32, #tpu.memory_space<hbm>>) target(%arg8 : memref<40x128xi32, #tpu.memory_space<vmem>>) target_semaphore(%run_scoped3A_76 : memref<!tpu.dma_semaphore, #tpu.memory_space<semaphore_mem>>)
      %dma_wait3A_85 = arith.constant 0 : i32
      %dma_wait3A_86 = arith.constant 0 : i32
      %dma_wait3A_87 = tpu.memref_slice %arg4[%add3A, %run_scoped3A_3, %dma_wait3A_85, %dma_wait3A_86] : memref<32x2x40x128xi32, #tpu.memory_space<hbm>> -> memref<1x1x40x128xi32, #tpu.memory_space<hbm>>
      %dma_wait3A_88 = tpu.memref_squeeze %dma_wait3A_87 : memref<1x1x40x128xi32, #tpu.memory_space<hbm>> -> memref<40x128xi32, #tpu.memory_space<hbm>>
      %dma_wait3A_89 = arith.constant 0 : i32
      %dma_wait3A_90 = arith.constant 0 : i32
      %dma_wait3A_91 = tpu.memref_slice %arg4[%add3A, %run_scoped3A_3, %dma_wait3A_89, %dma_wait3A_90] : memref<32x2x40x128xi32, #tpu.memory_space<hbm>> -> memref<1x1x40x128xi32, #tpu.memory_space<hbm>>
      %dma_wait3A_92 = tpu.memref_squeeze %dma_wait3A_91 : memref<1x1x40x128xi32, #tpu.memory_space<hbm>> -> memref<40x128xi32, #tpu.memory_space<hbm>>
      tpu.wait_dma2 semaphore(%run_scoped3A_76 : memref<!tpu.dma_semaphore, #tpu.memory_space<semaphore_mem>>) src(%dma_wait3A_92 : memref<40x128xi32, #tpu.memory_space<hbm>>) dst(%arg8 : memref<40x128xi32, #tpu.memory_space<vmem>>)
      tpu.yield
    }) : () -> ()
    %dma_start3A = arith.constant 0 : i32
    %dma_start3A_4 = arith.constant 0 : i32
    %dma_start3A_5 = tpu.memref_slice %arg7[%dma_start3A, %dma_start3A_4] : memref<40x128xi32, #tpu.memory_space<vmem>> -> memref<1x128xi32, #tpu.memory_space<vmem>>
    %dma_start3A_6 = tpu.memref_squeeze %dma_start3A_5 : memref<1x128xi32, #tpu.memory_space<vmem>> -> memref<128xi32, #tpu.memory_space<vmem>>
    %dma_start3A_7 = arith.constant 0 : i32
    %dma_start3A_8 = arith.constant 0 : i32
    %dma_start3A_9 = tpu.memref_slice %arg2[%dma_start3A_7, %dma_start3A_8] : memref<10240x128xf32, #tpu.memory_space<hbm>> -> memref<10240x128xf32, #tpu.memory_space<hbm>>
    tpu.enqueue_indirect_dma source(%dma_start3A_9 : memref<10240x128xf32, #tpu.memory_space<hbm>>) target(%arg9 : memref<128x128xf32, #tpu.memory_space<vmem>>) offsets(%dma_start3A_6 : memref<128xi32, #tpu.memory_space<vmem>>) semaphore(%arg12 : memref<!tpu.dma_semaphore, #tpu.memory_space<semaphore_mem>>)
    %dma_start3A_10 = arith.constant 1 : i32
    %dma_start3A_11 = arith.constant 0 : i32
    %dma_start3A_12 = tpu.memref_slice %arg7[%dma_start3A_10, %dma_start3A_11] : memref<40x128xi32, #tpu.memory_space<vmem>> -> memref<1x128xi32, #tpu.memory_space<vmem>>
    %dma_start3A_13 = tpu.memref_squeeze %dma_start3A_12 : memref<1x128xi32, #tpu.memory_space<vmem>> -> memref<128xi32, #tpu.memory_space<vmem>>
    %dma_start3A_14 = arith.constant 0 : i32
    %dma_start3A_15 = arith.constant 0 : i32
    %dma_start3A_16 = tpu.memref_slice %arg2[%dma_start3A_14, %dma_start3A_15] : memref<10240x128xf32, #tpu.memory_space<hbm>> -> memref<10240x128xf32, #tpu.memory_space<hbm>>
    tpu.enqueue_indirect_dma source(%dma_start3A_16 : memref<10240x128xf32, #tpu.memory_space<hbm>>) target(%arg10 : memref<128x128xf32, #tpu.memory_space<vmem>>) offsets(%dma_start3A_13 : memref<128xi32, #tpu.memory_space<vmem>>) semaphore(%arg13 : memref<!tpu.dma_semaphore, #tpu.memory_space<semaphore_mem>>)
    %scan3A = arith.constant 0 : i32
    %scan3A_17 = arith.constant 0 : i32
    %scan3A_18 = arith.constant 20 : i32
    %scan3A_19 = arith.addi %scan3A_17, %scan3A_18 : i32
    %scan3A_20 = arith.constant 1 : i32
    scf.for %scan3A_76 = %scan3A_17 to %scan3A_19 step %scan3A_20  : i32 {
      %mul3A_77 = arith.constant 2 : i32
      %mul3A_78 = arith.muli %scan3A_76, %mul3A_77 : i32
      %add3A_79 = arith.constant 1 : i32
      %add3A_80 = arith.addi %mul3A_78, %add3A_79 : i32
      %dma_wait3A_81 = arith.constant 0 : i32
      %dma_wait3A_82 = tpu.memref_slice %arg7[%mul3A_78, %dma_wait3A_81] : memref<40x128xi32, #tpu.memory_space<vmem>> -> memref<1x128xi32, #tpu.memory_space<vmem>>
      %dma_wait3A_83 = tpu.memref_squeeze %dma_wait3A_82 : memref<1x128xi32, #tpu.memory_space<vmem>> -> memref<128xi32, #tpu.memory_space<vmem>>
      %dma_wait3A_84 = arith.constant 0 : i32
      %dma_wait3A_85 = arith.constant 0 : i32
      %dma_wait3A_86 = tpu.memref_slice %arg2[%dma_wait3A_84, %dma_wait3A_85] : memref<10240x128xf32, #tpu.memory_space<hbm>> -> memref<10240x128xf32, #tpu.memory_space<hbm>>
      tpu.wait_indirect_dma semaphore(%arg12 : memref<!tpu.dma_semaphore, #tpu.memory_space<semaphore_mem>>) src(%dma_wait3A_86 : memref<10240x128xf32, #tpu.memory_space<hbm>>) dst(%arg9 : memref<128x128xf32, #tpu.memory_space<vmem>>)
      "tpu.region"() ({
        %run_scoped3A_112 = tpu.sem_alloc : memref<!tpu.dma_semaphore, #tpu.memory_space<semaphore_mem>>
        %dma_start3A_113 = arith.constant 0 : i32
        %dma_start3A_114 = tpu.memref_slice %arg8[%mul3A_78, %dma_start3A_113] : memref<40x128xi32, #tpu.memory_space<vmem>> -> memref<1x128xi32, #tpu.memory_space<vmem>>
        %dma_start3A_115 = tpu.memref_squeeze %dma_start3A_114 : memref<1x128xi32, #tpu.memory_space<vmem>> -> memref<128xi32, #tpu.memory_space<vmem>>
        %dma_start3A_116 = arith.constant 0 : i32
        %dma_start3A_117 = arith.constant 0 : i32
        %dma_start3A_118 = tpu.memref_slice %arg11[%dma_start3A_116, %dma_start3A_117] : memref<10240x128xf32, #tpu.memory_space<vmem_shared>> -> memref<10240x128xf32, #tpu.memory_space<vmem_shared>>
        tpu.enqueue_indirect_dma source(%arg9 : memref<128x128xf32, #tpu.memory_space<vmem>>) target(%dma_start3A_118 : memref<10240x128xf32, #tpu.memory_space<vmem_shared>>) offsets(%dma_start3A_115 : memref<128xi32, #tpu.memory_space<vmem>>) semaphore(%run_scoped3A_112 : memref<!tpu.dma_semaphore, #tpu.memory_space<semaphore_mem>>) {add = true}
        %dma_wait3A_119 = arith.constant 0 : i32
        %dma_wait3A_120 = tpu.memref_slice %arg8[%mul3A_78, %dma_wait3A_119] : memref<40x128xi32, #tpu.memory_space<vmem>> -> memref<1x128xi32, #tpu.memory_space<vmem>>
        %dma_wait3A_121 = tpu.memref_squeeze %dma_wait3A_120 : memref<1x128xi32, #tpu.memory_space<vmem>> -> memref<128xi32, #tpu.memory_space<vmem>>
        %dma_wait3A_122 = arith.constant 0 : i32
        %dma_wait3A_123 = arith.constant 0 : i32
        %dma_wait3A_124 = tpu.memref_slice %arg11[%dma_wait3A_122, %dma_wait3A_123] : memref<10240x128xf32, #tpu.memory_space<vmem_shared>> -> memref<10240x128xf32, #tpu.memory_space<vmem_shared>>
        tpu.wait_indirect_dma semaphore(%run_scoped3A_112 : memref<!tpu.dma_semaphore, #tpu.memory_space<semaphore_mem>>) src(%arg9 : memref<128x128xf32, #tpu.memory_space<vmem>>) dst(%dma_wait3A_124 : memref<10240x128xf32, #tpu.memory_space<vmem_shared>>)
        tpu.yield
      }) : () -> ()
      %add3A_87 = arith.constant 2 : i32
      %add3A_88 = arith.addi %mul3A_78, %add3A_87 : i32
      %min3A = arith.constant 39 : i32
      %min3A_89 = arith.minsi %add3A_88, %min3A : i32
      %dma_start3A_90 = arith.constant 0 : i32
      %dma_start3A_91 = tpu.memref_slice %arg7[%min3A_89, %dma_start3A_90] : memref<40x128xi32, #tpu.memory_space<vmem>> -> memref<1x128xi32, #tpu.memory_space<vmem>>
      %dma_start3A_92 = tpu.memref_squeeze %dma_start3A_91 : memref<1x128xi32, #tpu.memory_space<vmem>> -> memref<128xi32, #tpu.memory_space<vmem>>
      %dma_start3A_93 = arith.constant 0 : i32
      %dma_start3A_94 = arith.constant 0 : i32
      %dma_start3A_95 = tpu.memref_slice %arg2[%dma_start3A_93, %dma_start3A_94] : memref<10240x128xf32, #tpu.memory_space<hbm>> -> memref<10240x128xf32, #tpu.memory_space<hbm>>
      tpu.enqueue_indirect_dma source(%dma_start3A_95 : memref<10240x128xf32, #tpu.memory_space<hbm>>) target(%arg9 : memref<128x128xf32, #tpu.memory_space<vmem>>) offsets(%dma_start3A_92 : memref<128xi32, #tpu.memory_space<vmem>>) semaphore(%arg12 : memref<!tpu.dma_semaphore, #tpu.memory_space<semaphore_mem>>)
      %dma_wait3A_96 = arith.constant 0 : i32
      %dma_wait3A_97 = tpu.memref_slice %arg7[%add3A_80, %dma_wait3A_96] : memref<40x128xi32, #tpu.memory_space<vmem>> -> memref<1x128xi32, #tpu.memory_space<vmem>>
      %dma_wait3A_98 = tpu.memref_squeeze %dma_wait3A_97 : memref<1x128xi32, #tpu.memory_space<vmem>> -> memref<128xi32, #tpu.memory_space<vmem>>
      %dma_wait3A_99 = arith.constant 0 : i32
      %dma_wait3A_100 = arith.constant 0 : i32
      %dma_wait3A_101 = tpu.memref_slice %arg2[%dma_wait3A_99, %dma_wait3A_100] : memref<10240x128xf32, #tpu.memory_space<hbm>> -> memref<10240x128xf32, #tpu.memory_space<hbm>>
      tpu.wait_indirect_dma semaphore(%arg13 : memref<!tpu.dma_semaphore, #tpu.memory_space<semaphore_mem>>) src(%dma_wait3A_101 : memref<10240x128xf32, #tpu.memory_space<hbm>>) dst(%arg10 : memref<128x128xf32, #tpu.memory_space<vmem>>)
      "tpu.region"() ({
        %run_scoped3A_112 = tpu.sem_alloc : memref<!tpu.dma_semaphore, #tpu.memory_space<semaphore_mem>>
        %dma_start3A_113 = arith.constant 0 : i32
        %dma_start3A_114 = tpu.memref_slice %arg8[%add3A_80, %dma_start3A_113] : memref<40x128xi32, #tpu.memory_space<vmem>> -> memref<1x128xi32, #tpu.memory_space<vmem>>
        %dma_start3A_115 = tpu.memref_squeeze %dma_start3A_114 : memref<1x128xi32, #tpu.memory_space<vmem>> -> memref<128xi32, #tpu.memory_space<vmem>>
        %dma_start3A_116 = arith.constant 0 : i32
        %dma_start3A_117 = arith.constant 0 : i32
        %dma_start3A_118 = tpu.memref_slice %arg11[%dma_start3A_116, %dma_start3A_117] : memref<10240x128xf32, #tpu.memory_space<vmem_shared>> -> memref<10240x128xf32, #tpu.memory_space<vmem_shared>>
        tpu.enqueue_indirect_dma source(%arg10 : memref<128x128xf32, #tpu.memory_space<vmem>>) target(%dma_start3A_118 : memref<10240x128xf32, #tpu.memory_space<vmem_shared>>) offsets(%dma_start3A_115 : memref<128xi32, #tpu.memory_space<vmem>>) semaphore(%run_scoped3A_112 : memref<!tpu.dma_semaphore, #tpu.memory_space<semaphore_mem>>) {add = true}
        %dma_wait3A_119 = arith.constant 0 : i32
        %dma_wait3A_120 = tpu.memref_slice %arg8[%add3A_80, %dma_wait3A_119] : memref<40x128xi32, #tpu.memory_space<vmem>> -> memref<1x128xi32, #tpu.memory_space<vmem>>
        %dma_wait3A_121 = tpu.memref_squeeze %dma_wait3A_120 : memref<1x128xi32, #tpu.memory_space<vmem>> -> memref<128xi32, #tpu.memory_space<vmem>>
        %dma_wait3A_122 = arith.constant 0 : i32
        %dma_wait3A_123 = arith.constant 0 : i32
        %dma_wait3A_124 = tpu.memref_slice %arg11[%dma_wait3A_122, %dma_wait3A_123] : memref<10240x128xf32, #tpu.memory_space<vmem_shared>> -> memref<10240x128xf32, #tpu.memory_space<vmem_shared>>
        tpu.wait_indirect_dma semaphore(%run_scoped3A_112 : memref<!tpu.dma_semaphore, #tpu.memory_space<semaphore_mem>>) src(%arg10 : memref<128x128xf32, #tpu.memory_space<vmem>>) dst(%dma_wait3A_124 : memref<10240x128xf32, #tpu.memory_space<vmem_shared>>)
        tpu.yield
      }) : () -> ()
      %add3A_102 = arith.constant 2 : i32
      %add3A_103 = arith.addi %add3A_80, %add3A_102 : i32
      %min3A_104 = arith.constant 39 : i32
      %min3A_105 = arith.minsi %add3A_103, %min3A_104 : i32
      %dma_start3A_106 = arith.constant 0 : i32
      %dma_start3A_107 = tpu.memref_slice %arg7[%min3A_105, %dma_start3A_106] : memref<40x128xi32, #tpu.memory_space<vmem>> -> memref<1x128xi32, #tpu.memory_space<vmem>>
      %dma_start3A_108 = tpu.memref_squeeze %dma_start3A_107 : memref<1x128xi32, #tpu.memory_space<vmem>> -> memref<128xi32, #tpu.memory_space<vmem>>
      %dma_start3A_109 = arith.constant 0 : i32
      %dma_start3A_110 = arith.constant 0 : i32
      %dma_start3A_111 = tpu.memref_slice %arg2[%dma_start3A_109, %dma_start3A_110] : memref<10240x128xf32, #tpu.memory_space<hbm>> -> memref<10240x128xf32, #tpu.memory_space<hbm>>
      tpu.enqueue_indirect_dma source(%dma_start3A_111 : memref<10240x128xf32, #tpu.memory_space<hbm>>) target(%arg10 : memref<128x128xf32, #tpu.memory_space<vmem>>) offsets(%dma_start3A_108 : memref<128xi32, #tpu.memory_space<vmem>>) semaphore(%arg13 : memref<!tpu.dma_semaphore, #tpu.memory_space<semaphore_mem>>)
    }
    %scan3A_21 = arith.constant 20 : i32
    %dma_wait3A = arith.constant 39 : i32
    %dma_wait3A_22 = arith.constant 0 : i32
    %dma_wait3A_23 = tpu.memref_slice %arg7[%dma_wait3A, %dma_wait3A_22] : memref<40x128xi32, #tpu.memory_space<vmem>> -> memref<1x128xi32, #tpu.memory_space<vmem>>
    %dma_wait3A_24 = tpu.memref_squeeze %dma_wait3A_23 : memref<1x128xi32, #tpu.memory_space<vmem>> -> memref<128xi32, #tpu.memory_space<vmem>>
    %dma_wait3A_25 = arith.constant 0 : i32
    %dma_wait3A_26 = arith.constant 0 : i32
    %dma_wait3A_27 = tpu.memref_slice %arg2[%dma_wait3A_25, %dma_wait3A_26] : memref<10240x128xf32, #tpu.memory_space<hbm>> -> memref<10240x128xf32, #tpu.memory_space<hbm>>
    tpu.wait_indirect_dma semaphore(%arg12 : memref<!tpu.dma_semaphore, #tpu.memory_space<semaphore_mem>>) src(%dma_wait3A_27 : memref<10240x128xf32, #tpu.memory_space<hbm>>) dst(%arg9 : memref<128x128xf32, #tpu.memory_space<vmem>>)
    %dma_wait3A_28 = arith.constant 39 : i32
    %dma_wait3A_29 = arith.constant 0 : i32
    %dma_wait3A_30 = tpu.memref_slice %arg7[%dma_wait3A_28, %dma_wait3A_29] : memref<40x128xi32, #tpu.memory_space<vmem>> -> memref<1x128xi32, #tpu.memory_space<vmem>>
    %dma_wait3A_31 = tpu.memref_squeeze %dma_wait3A_30 : memref<1x128xi32, #tpu.memory_space<vmem>> -> memref<128xi32, #tpu.memory_space<vmem>>
    %dma_wait3A_32 = arith.constant 0 : i32
    %dma_wait3A_33 = arith.constant 0 : i32
    %dma_wait3A_34 = tpu.memref_slice %arg2[%dma_wait3A_32, %dma_wait3A_33] : memref<10240x128xf32, #tpu.memory_space<hbm>> -> memref<10240x128xf32, #tpu.memory_space<hbm>>
    tpu.wait_indirect_dma semaphore(%arg13 : memref<!tpu.dma_semaphore, #tpu.memory_space<semaphore_mem>>) src(%dma_wait3A_34 : memref<10240x128xf32, #tpu.memory_space<hbm>>) dst(%arg10 : memref<128x128xf32, #tpu.memory_space<vmem>>)
    %run_scoped3A_35 = arith.constant 1 : i32
    "tpu.region"() ({
      %run_scoped3A_76 = tpu.sem_alloc : memref<!tpu.dma_semaphore, #tpu.memory_space<semaphore_mem>>
      %dma_start3A_77 = arith.constant 0 : i32
      %dma_start3A_78 = arith.constant 0 : i32
      %dma_start3A_79 = tpu.memref_slice %arg3[%add3A, %run_scoped3A_35, %dma_start3A_77, %dma_start3A_78] : memref<32x2x40x128xi32, #tpu.memory_space<hbm>> -> memref<1x1x40x128xi32, #tpu.memory_space<hbm>>
      %dma_start3A_80 = tpu.memref_squeeze %dma_start3A_79 : memref<1x1x40x128xi32, #tpu.memory_space<hbm>> -> memref<40x128xi32, #tpu.memory_space<hbm>>
      %dma_start3A_81 = arith.constant 0 : i32
      %dma_start3A_82 = arith.constant 0 : i32
      %dma_start3A_83 = tpu.memref_slice %arg3[%add3A, %run_scoped3A_35, %dma_start3A_81, %dma_start3A_82] : memref<32x2x40x128xi32, #tpu.memory_space<hbm>> -> memref<1x1x40x128xi32, #tpu.memory_space<hbm>>
      %dma_start3A_84 = tpu.memref_squeeze %dma_start3A_83 : memref<1x1x40x128xi32, #tpu.memory_space<hbm>> -> memref<40x128xi32, #tpu.memory_space<hbm>>
      tpu.enqueue_dma source(%dma_start3A_84 : memref<40x128xi32, #tpu.memory_space<hbm>>) target(%arg7 : memref<40x128xi32, #tpu.memory_space<vmem>>) target_semaphore(%run_scoped3A_76 : memref<!tpu.dma_semaphore, #tpu.memory_space<semaphore_mem>>)
      %dma_wait3A_85 = arith.constant 0 : i32
      %dma_wait3A_86 = arith.constant 0 : i32
      %dma_wait3A_87 = tpu.memref_slice %arg3[%add3A, %run_scoped3A_35, %dma_wait3A_85, %dma_wait3A_86] : memref<32x2x40x128xi32, #tpu.memory_space<hbm>> -> memref<1x1x40x128xi32, #tpu.memory_space<hbm>>
      %dma_wait3A_88 = tpu.memref_squeeze %dma_wait3A_87 : memref<1x1x40x128xi32, #tpu.memory_space<hbm>> -> memref<40x128xi32, #tpu.memory_space<hbm>>
      %dma_wait3A_89 = arith.constant 0 : i32
      %dma_wait3A_90 = arith.constant 0 : i32
      %dma_wait3A_91 = tpu.memref_slice %arg3[%add3A, %run_scoped3A_35, %dma_wait3A_89, %dma_wait3A_90] : memref<32x2x40x128xi32, #tpu.memory_space<hbm>> -> memref<1x1x40x128xi32, #tpu.memory_space<hbm>>
      %dma_wait3A_92 = tpu.memref_squeeze %dma_wait3A_91 : memref<1x1x40x128xi32, #tpu.memory_space<hbm>> -> memref<40x128xi32, #tpu.memory_space<hbm>>
      tpu.wait_dma2 semaphore(%run_scoped3A_76 : memref<!tpu.dma_semaphore, #tpu.memory_space<semaphore_mem>>) src(%dma_wait3A_92 : memref<40x128xi32, #tpu.memory_space<hbm>>) dst(%arg7 : memref<40x128xi32, #tpu.memory_space<vmem>>)
      tpu.yield
    }) : () -> ()
    %run_scoped3A_36 = arith.constant 1 : i32
    "tpu.region"() ({
      %run_scoped3A_76 = tpu.sem_alloc : memref<!tpu.dma_semaphore, #tpu.memory_space<semaphore_mem>>
      %dma_start3A_77 = arith.constant 0 : i32
      %dma_start3A_78 = arith.constant 0 : i32
      %dma_start3A_79 = tpu.memref_slice %arg4[%add3A, %run_scoped3A_36, %dma_start3A_77, %dma_start3A_78] : memref<32x2x40x128xi32, #tpu.memory_space<hbm>> -> memref<1x1x40x128xi32, #tpu.memory_space<hbm>>
      %dma_start3A_80 = tpu.memref_squeeze %dma_start3A_79 : memref<1x1x40x128xi32, #tpu.memory_space<hbm>> -> memref<40x128xi32, #tpu.memory_space<hbm>>
      %dma_start3A_81 = arith.constant 0 : i32
      %dma_start3A_82 = arith.constant 0 : i32
      %dma_start3A_83 = tpu.memref_slice %arg4[%add3A, %run_scoped3A_36, %dma_start3A_81, %dma_start3A_82] : memref<32x2x40x128xi32, #tpu.memory_space<hbm>> -> memref<1x1x40x128xi32, #tpu.memory_space<hbm>>
      %dma_start3A_84 = tpu.memref_squeeze %dma_start3A_83 : memref<1x1x40x128xi32, #tpu.memory_space<hbm>> -> memref<40x128xi32, #tpu.memory_space<hbm>>
      tpu.enqueue_dma source(%dma_start3A_84 : memref<40x128xi32, #tpu.memory_space<hbm>>) target(%arg8 : memref<40x128xi32, #tpu.memory_space<vmem>>) target_semaphore(%run_scoped3A_76 : memref<!tpu.dma_semaphore, #tpu.memory_space<semaphore_mem>>)
      %dma_wait3A_85 = arith.constant 0 : i32
      %dma_wait3A_86 = arith.constant 0 : i32
      %dma_wait3A_87 = tpu.memref_slice %arg4[%add3A, %run_scoped3A_36, %dma_wait3A_85, %dma_wait3A_86] : memref<32x2x40x128xi32, #tpu.memory_space<hbm>> -> memref<1x1x40x128xi32, #tpu.memory_space<hbm>>
      %dma_wait3A_88 = tpu.memref_squeeze %dma_wait3A_87 : memref<1x1x40x128xi32, #tpu.memory_space<hbm>> -> memref<40x128xi32, #tpu.memory_space<hbm>>
      %dma_wait3A_89 = arith.constant 0 : i32
      %dma_wait3A_90 = arith.constant 0 : i32
      %dma_wait3A_91 = tpu.memref_slice %arg4[%add3A, %run_scoped3A_36, %dma_wait3A_89, %dma_wait3A_90] : memref<32x2x40x128xi32, #tpu.memory_space<hbm>> -> memref<1x1x40x128xi32, #tpu.memory_space<hbm>>
      %dma_wait3A_92 = tpu.memref_squeeze %dma_wait3A_91 : memref<1x1x40x128xi32, #tpu.memory_space<hbm>> -> memref<40x128xi32, #tpu.memory_space<hbm>>
      tpu.wait_dma2 semaphore(%run_scoped3A_76 : memref<!tpu.dma_semaphore, #tpu.memory_space<semaphore_mem>>) src(%dma_wait3A_92 : memref<40x128xi32, #tpu.memory_space<hbm>>) dst(%arg8 : memref<40x128xi32, #tpu.memory_space<vmem>>)
      tpu.yield
    }) : () -> ()
    %dma_start3A_37 = arith.constant 0 : i32
    %dma_start3A_38 = arith.constant 0 : i32
    %dma_start3A_39 = tpu.memref_slice %arg7[%dma_start3A_37, %dma_start3A_38] : memref<40x128xi32, #tpu.memory_space<vmem>> -> memref<1x128xi32, #tpu.memory_space<vmem>>
    %dma_start3A_40 = tpu.memref_squeeze %dma_start3A_39 : memref<1x128xi32, #tpu.memory_space<vmem>> -> memref<128xi32, #tpu.memory_space<vmem>>
    %dma_start3A_41 = arith.constant 0 : i32
    %dma_start3A_42 = arith.constant 0 : i32
    %dma_start3A_43 = tpu.memref_slice %arg2[%dma_start3A_41, %dma_start3A_42] : memref<10240x128xf32, #tpu.memory_space<hbm>> -> memref<10240x128xf32, #tpu.memory_space<hbm>>
    tpu.enqueue_indirect_dma source(%dma_start3A_43 : memref<10240x128xf32, #tpu.memory_space<hbm>>) target(%arg9 : memref<128x128xf32, #tpu.memory_space<vmem>>) offsets(%dma_start3A_40 : memref<128xi32, #tpu.memory_space<vmem>>) semaphore(%arg12 : memref<!tpu.dma_semaphore, #tpu.memory_space<semaphore_mem>>)
    %dma_start3A_44 = arith.constant 1 : i32
    %dma_start3A_45 = arith.constant 0 : i32
    %dma_start3A_46 = tpu.memref_slice %arg7[%dma_start3A_44, %dma_start3A_45] : memref<40x128xi32, #tpu.memory_space<vmem>> -> memref<1x128xi32, #tpu.memory_space<vmem>>
    %dma_start3A_47 = tpu.memref_squeeze %dma_start3A_46 : memref<1x128xi32, #tpu.memory_space<vmem>> -> memref<128xi32, #tpu.memory_space<vmem>>
    %dma_start3A_48 = arith.constant 0 : i32
    %dma_start3A_49 = arith.constant 0 : i32
    %dma_start3A_50 = tpu.memref_slice %arg2[%dma_start3A_48, %dma_start3A_49] : memref<10240x128xf32, #tpu.memory_space<hbm>> -> memref<10240x128xf32, #tpu.memory_space<hbm>>
    tpu.enqueue_indirect_dma source(%dma_start3A_50 : memref<10240x128xf32, #tpu.memory_space<hbm>>) target(%arg10 : memref<128x128xf32, #tpu.memory_space<vmem>>) offsets(%dma_start3A_47 : memref<128xi32, #tpu.memory_space<vmem>>) semaphore(%arg13 : memref<!tpu.dma_semaphore, #tpu.memory_space<semaphore_mem>>)
    %scan3A_51 = arith.constant 0 : i32
    %scan3A_52 = arith.constant 0 : i32
    %scan3A_53 = arith.constant 20 : i32
    %scan3A_54 = arith.addi %scan3A_52, %scan3A_53 : i32
    %scan3A_55 = arith.constant 1 : i32
    scf.for %scan3A_76 = %scan3A_52 to %scan3A_54 step %scan3A_55  : i32 {
      %mul3A_77 = arith.constant 2 : i32
      %mul3A_78 = arith.muli %scan3A_76, %mul3A_77 : i32
      %add3A_79 = arith.constant 1 : i32
      %add3A_80 = arith.addi %mul3A_78, %add3A_79 : i32
      %dma_wait3A_81 = arith.constant 0 : i32
      %dma_wait3A_82 = tpu.memref_slice %arg7[%mul3A_78, %dma_wait3A_81] : memref<40x128xi32, #tpu.memory_space<vmem>> -> memref<1x128xi32, #tpu.memory_space<vmem>>
      %dma_wait3A_83 = tpu.memref_squeeze %dma_wait3A_82 : memref<1x128xi32, #tpu.memory_space<vmem>> -> memref<128xi32, #tpu.memory_space<vmem>>
      %dma_wait3A_84 = arith.constant 0 : i32
      %dma_wait3A_85 = arith.constant 0 : i32
      %dma_wait3A_86 = tpu.memref_slice %arg2[%dma_wait3A_84, %dma_wait3A_85] : memref<10240x128xf32, #tpu.memory_space<hbm>> -> memref<10240x128xf32, #tpu.memory_space<hbm>>
      tpu.wait_indirect_dma semaphore(%arg12 : memref<!tpu.dma_semaphore, #tpu.memory_space<semaphore_mem>>) src(%dma_wait3A_86 : memref<10240x128xf32, #tpu.memory_space<hbm>>) dst(%arg9 : memref<128x128xf32, #tpu.memory_space<vmem>>)
      "tpu.region"() ({
        %run_scoped3A_112 = tpu.sem_alloc : memref<!tpu.dma_semaphore, #tpu.memory_space<semaphore_mem>>
        %dma_start3A_113 = arith.constant 0 : i32
        %dma_start3A_114 = tpu.memref_slice %arg8[%mul3A_78, %dma_start3A_113] : memref<40x128xi32, #tpu.memory_space<vmem>> -> memref<1x128xi32, #tpu.memory_space<vmem>>
        %dma_start3A_115 = tpu.memref_squeeze %dma_start3A_114 : memref<1x128xi32, #tpu.memory_space<vmem>> -> memref<128xi32, #tpu.memory_space<vmem>>
        %dma_start3A_116 = arith.constant 0 : i32
        %dma_start3A_117 = arith.constant 0 : i32
        %dma_start3A_118 = tpu.memref_slice %arg11[%dma_start3A_116, %dma_start3A_117] : memref<10240x128xf32, #tpu.memory_space<vmem_shared>> -> memref<10240x128xf32, #tpu.memory_space<vmem_shared>>
        tpu.enqueue_indirect_dma source(%arg9 : memref<128x128xf32, #tpu.memory_space<vmem>>) target(%dma_start3A_118 : memref<10240x128xf32, #tpu.memory_space<vmem_shared>>) offsets(%dma_start3A_115 : memref<128xi32, #tpu.memory_space<vmem>>) semaphore(%run_scoped3A_112 : memref<!tpu.dma_semaphore, #tpu.memory_space<semaphore_mem>>) {add = true}
        %dma_wait3A_119 = arith.constant 0 : i32
        %dma_wait3A_120 = tpu.memref_slice %arg8[%mul3A_78, %dma_wait3A_119] : memref<40x128xi32, #tpu.memory_space<vmem>> -> memref<1x128xi32, #tpu.memory_space<vmem>>
        %dma_wait3A_121 = tpu.memref_squeeze %dma_wait3A_120 : memref<1x128xi32, #tpu.memory_space<vmem>> -> memref<128xi32, #tpu.memory_space<vmem>>
        %dma_wait3A_122 = arith.constant 0 : i32
        %dma_wait3A_123 = arith.constant 0 : i32
        %dma_wait3A_124 = tpu.memref_slice %arg11[%dma_wait3A_122, %dma_wait3A_123] : memref<10240x128xf32, #tpu.memory_space<vmem_shared>> -> memref<10240x128xf32, #tpu.memory_space<vmem_shared>>
        tpu.wait_indirect_dma semaphore(%run_scoped3A_112 : memref<!tpu.dma_semaphore, #tpu.memory_space<semaphore_mem>>) src(%arg9 : memref<128x128xf32, #tpu.memory_space<vmem>>) dst(%dma_wait3A_124 : memref<10240x128xf32, #tpu.memory_space<vmem_shared>>)
        tpu.yield
      }) : () -> ()
      %add3A_87 = arith.constant 2 : i32
      %add3A_88 = arith.addi %mul3A_78, %add3A_87 : i32
      %min3A = arith.constant 39 : i32
      %min3A_89 = arith.minsi %add3A_88, %min3A : i32
      %dma_start3A_90 = arith.constant 0 : i32
      %dma_start3A_91 = tpu.memref_slice %arg7[%min3A_89, %dma_start3A_90] : memref<40x128xi32, #tpu.memory_space<vmem>> -> memref<1x128xi32, #tpu.memory_space<vmem>>
      %dma_start3A_92 = tpu.memref_squeeze %dma_start3A_91 : memref<1x128xi32, #tpu.memory_space<vmem>> -> memref<128xi32, #tpu.memory_space<vmem>>
      %dma_start3A_93 = arith.constant 0 : i32
      %dma_start3A_94 = arith.constant 0 : i32
      %dma_start3A_95 = tpu.memref_slice %arg2[%dma_start3A_93, %dma_start3A_94] : memref<10240x128xf32, #tpu.memory_space<hbm>> -> memref<10240x128xf32, #tpu.memory_space<hbm>>
      tpu.enqueue_indirect_dma source(%dma_start3A_95 : memref<10240x128xf32, #tpu.memory_space<hbm>>) target(%arg9 : memref<128x128xf32, #tpu.memory_space<vmem>>) offsets(%dma_start3A_92 : memref<128xi32, #tpu.memory_space<vmem>>) semaphore(%arg12 : memref<!tpu.dma_semaphore, #tpu.memory_space<semaphore_mem>>)
      %dma_wait3A_96 = arith.constant 0 : i32
      %dma_wait3A_97 = tpu.memref_slice %arg7[%add3A_80, %dma_wait3A_96] : memref<40x128xi32, #tpu.memory_space<vmem>> -> memref<1x128xi32, #tpu.memory_space<vmem>>
      %dma_wait3A_98 = tpu.memref_squeeze %dma_wait3A_97 : memref<1x128xi32, #tpu.memory_space<vmem>> -> memref<128xi32, #tpu.memory_space<vmem>>
      %dma_wait3A_99 = arith.constant 0 : i32
      %dma_wait3A_100 = arith.constant 0 : i32
      %dma_wait3A_101 = tpu.memref_slice %arg2[%dma_wait3A_99, %dma_wait3A_100] : memref<10240x128xf32, #tpu.memory_space<hbm>> -> memref<10240x128xf32, #tpu.memory_space<hbm>>
      tpu.wait_indirect_dma semaphore(%arg13 : memref<!tpu.dma_semaphore, #tpu.memory_space<semaphore_mem>>) src(%dma_wait3A_101 : memref<10240x128xf32, #tpu.memory_space<hbm>>) dst(%arg10 : memref<128x128xf32, #tpu.memory_space<vmem>>)
      "tpu.region"() ({
        %run_scoped3A_112 = tpu.sem_alloc : memref<!tpu.dma_semaphore, #tpu.memory_space<semaphore_mem>>
        %dma_start3A_113 = arith.constant 0 : i32
        %dma_start3A_114 = tpu.memref_slice %arg8[%add3A_80, %dma_start3A_113] : memref<40x128xi32, #tpu.memory_space<vmem>> -> memref<1x128xi32, #tpu.memory_space<vmem>>
        %dma_start3A_115 = tpu.memref_squeeze %dma_start3A_114 : memref<1x128xi32, #tpu.memory_space<vmem>> -> memref<128xi32, #tpu.memory_space<vmem>>
        %dma_start3A_116 = arith.constant 0 : i32
        %dma_start3A_117 = arith.constant 0 : i32
        %dma_start3A_118 = tpu.memref_slice %arg11[%dma_start3A_116, %dma_start3A_117] : memref<10240x128xf32, #tpu.memory_space<vmem_shared>> -> memref<10240x128xf32, #tpu.memory_space<vmem_shared>>
        tpu.enqueue_indirect_dma source(%arg10 : memref<128x128xf32, #tpu.memory_space<vmem>>) target(%dma_start3A_118 : memref<10240x128xf32, #tpu.memory_space<vmem_shared>>) offsets(%dma_start3A_115 : memref<128xi32, #tpu.memory_space<vmem>>) semaphore(%run_scoped3A_112 : memref<!tpu.dma_semaphore, #tpu.memory_space<semaphore_mem>>) {add = true}
        %dma_wait3A_119 = arith.constant 0 : i32
        %dma_wait3A_120 = tpu.memref_slice %arg8[%add3A_80, %dma_wait3A_119] : memref<40x128xi32, #tpu.memory_space<vmem>> -> memref<1x128xi32, #tpu.memory_space<vmem>>
        %dma_wait3A_121 = tpu.memref_squeeze %dma_wait3A_120 : memref<1x128xi32, #tpu.memory_space<vmem>> -> memref<128xi32, #tpu.memory_space<vmem>>
        %dma_wait3A_122 = arith.constant 0 : i32
        %dma_wait3A_123 = arith.constant 0 : i32
        %dma_wait3A_124 = tpu.memref_slice %arg11[%dma_wait3A_122, %dma_wait3A_123] : memref<10240x128xf32, #tpu.memory_space<vmem_shared>> -> memref<10240x128xf32, #tpu.memory_space<vmem_shared>>
        tpu.wait_indirect_dma semaphore(%run_scoped3A_112 : memref<!tpu.dma_semaphore, #tpu.memory_space<semaphore_mem>>) src(%arg10 : memref<128x128xf32, #tpu.memory_space<vmem>>) dst(%dma_wait3A_124 : memref<10240x128xf32, #tpu.memory_space<vmem_shared>>)
        tpu.yield
      }) : () -> ()
      %add3A_102 = arith.constant 2 : i32
      %add3A_103 = arith.addi %add3A_80, %add3A_102 : i32
      %min3A_104 = arith.constant 39 : i32
      %min3A_105 = arith.minsi %add3A_103, %min3A_104 : i32
      %dma_start3A_106 = arith.constant 0 : i32
      %dma_start3A_107 = tpu.memref_slice %arg7[%min3A_105, %dma_start3A_106] : memref<40x128xi32, #tpu.memory_space<vmem>> -> memref<1x128xi32, #tpu.memory_space<vmem>>
      %dma_start3A_108 = tpu.memref_squeeze %dma_start3A_107 : memref<1x128xi32, #tpu.memory_space<vmem>> -> memref<128xi32, #tpu.memory_space<vmem>>
      %dma_start3A_109 = arith.constant 0 : i32
      %dma_start3A_110 = arith.constant 0 : i32
      %dma_start3A_111 = tpu.memref_slice %arg2[%dma_start3A_109, %dma_start3A_110] : memref<10240x128xf32, #tpu.memory_space<hbm>> -> memref<10240x128xf32, #tpu.memory_space<hbm>>
      tpu.enqueue_indirect_dma source(%dma_start3A_111 : memref<10240x128xf32, #tpu.memory_space<hbm>>) target(%arg10 : memref<128x128xf32, #tpu.memory_space<vmem>>) offsets(%dma_start3A_108 : memref<128xi32, #tpu.memory_space<vmem>>) semaphore(%arg13 : memref<!tpu.dma_semaphore, #tpu.memory_space<semaphore_mem>>)
    }
    %scan3A_56 = arith.constant 20 : i32
    %dma_wait3A_57 = arith.constant 39 : i32
    %dma_wait3A_58 = arith.constant 0 : i32
    %dma_wait3A_59 = tpu.memref_slice %arg7[%dma_wait3A_57, %dma_wait3A_58] : memref<40x128xi32, #tpu.memory_space<vmem>> -> memref<1x128xi32, #tpu.memory_space<vmem>>
    %dma_wait3A_60 = tpu.memref_squeeze %dma_wait3A_59 : memref<1x128xi32, #tpu.memory_space<vmem>> -> memref<128xi32, #tpu.memory_space<vmem>>
    %dma_wait3A_61 = arith.constant 0 : i32
    %dma_wait3A_62 = arith.constant 0 : i32
    %dma_wait3A_63 = tpu.memref_slice %arg2[%dma_wait3A_61, %dma_wait3A_62] : memref<10240x128xf32, #tpu.memory_space<hbm>> -> memref<10240x128xf32, #tpu.memory_space<hbm>>
    tpu.wait_indirect_dma semaphore(%arg12 : memref<!tpu.dma_semaphore, #tpu.memory_space<semaphore_mem>>) src(%dma_wait3A_63 : memref<10240x128xf32, #tpu.memory_space<hbm>>) dst(%arg9 : memref<128x128xf32, #tpu.memory_space<vmem>>)
    %dma_wait3A_64 = arith.constant 39 : i32
    %dma_wait3A_65 = arith.constant 0 : i32
    %dma_wait3A_66 = tpu.memref_slice %arg7[%dma_wait3A_64, %dma_wait3A_65] : memref<40x128xi32, #tpu.memory_space<vmem>> -> memref<1x128xi32, #tpu.memory_space<vmem>>
    %dma_wait3A_67 = tpu.memref_squeeze %dma_wait3A_66 : memref<1x128xi32, #tpu.memory_space<vmem>> -> memref<128xi32, #tpu.memory_space<vmem>>
    %dma_wait3A_68 = arith.constant 0 : i32
    %dma_wait3A_69 = arith.constant 0 : i32
    %dma_wait3A_70 = tpu.memref_slice %arg2[%dma_wait3A_68, %dma_wait3A_69] : memref<10240x128xf32, #tpu.memory_space<hbm>> -> memref<10240x128xf32, #tpu.memory_space<hbm>>
    tpu.wait_indirect_dma semaphore(%arg13 : memref<!tpu.dma_semaphore, #tpu.memory_space<semaphore_mem>>) src(%dma_wait3A_70 : memref<10240x128xf32, #tpu.memory_space<hbm>>) dst(%arg10 : memref<128x128xf32, #tpu.memory_space<vmem>>)
    %barrier3A_71 = arith.constant 0 : index
    tpu.barrier barrier_id(%barrier3A_71)
    %mul3A_72 = arith.constant 640 : i32
    %mul3A_73 = arith.muli %arg1, %mul3A_72 : i32
    %mul3A_74 = arith.constant 640 : i32
    %mul3A_75 = arith.muli %arg1, %mul3A_74 : i32
    "tpu.region"() ({
      %run_scoped3A_76 = tpu.sem_alloc : memref<!tpu.dma_semaphore, #tpu.memory_space<semaphore_mem>>
      %dma_start3A_77 = arith.constant 0 : i32
      %dma_start3A_78 = tpu.memref_slice %arg6[%arg0, %mul3A_75, %dma_start3A_77] : memref<2x10240x128xf32, #tpu.memory_space<hbm>> -> memref<1x640x128xf32, #tpu.memory_space<hbm>>
      %dma_start3A_79 = tpu.memref_squeeze %dma_start3A_78 : memref<1x640x128xf32, #tpu.memory_space<hbm>> -> memref<640x128xf32, #tpu.memory_space<hbm>>
      %dma_start3A_80 = arith.constant 0 : i32
      %dma_start3A_81 = tpu.memref_slice %arg11[%mul3A_73, %dma_start3A_80] : memref<10240x128xf32, #tpu.memory_space<vmem_shared>> -> memref<640x128xf32, #tpu.memory_space<vmem_shared>>
      tpu.enqueue_dma source(%dma_start3A_81 : memref<640x128xf32, #tpu.memory_space<vmem_shared>>) target(%dma_start3A_79 : memref<640x128xf32, #tpu.memory_space<hbm>>) target_semaphore(%run_scoped3A_76 : memref<!tpu.dma_semaphore, #tpu.memory_space<semaphore_mem>>)
      %dma_wait3A_82 = arith.constant 0 : i32
      %dma_wait3A_83 = tpu.memref_slice %arg6[%arg0, %mul3A_75, %dma_wait3A_82] : memref<2x10240x128xf32, #tpu.memory_space<hbm>> -> memref<1x640x128xf32, #tpu.memory_space<hbm>>
      %dma_wait3A_84 = tpu.memref_squeeze %dma_wait3A_83 : memref<1x640x128xf32, #tpu.memory_space<hbm>> -> memref<640x128xf32, #tpu.memory_space<hbm>>
      %dma_wait3A_85 = arith.constant 0 : i32
      %dma_wait3A_86 = tpu.memref_slice %arg11[%mul3A_73, %dma_wait3A_85] : memref<10240x128xf32, #tpu.memory_space<vmem_shared>> -> memref<640x128xf32, #tpu.memory_space<vmem_shared>>
      tpu.wait_dma2 semaphore(%run_scoped3A_76 : memref<!tpu.dma_semaphore, #tpu.memory_space<semaphore_mem>>) src(%dma_wait3A_86 : memref<640x128xf32, #tpu.memory_space<vmem_shared>>) dst(%dma_wait3A_84 : memref<640x128xf32, #tpu.memory_space<hbm>>)
      tpu.yield
    }) : () -> ()
    return
  }
}

#map = affine_map<(d0, d1) -> (0, 0)>
#map1 = affine_map<(d0, d1) -> (0, 0, 0, 0)>
#map2 = affine_map<(d0, d1) -> (0, 0, 0)>
module attributes {stable_mosaic.version = 14 : i64} {
  func.func @_spmm_sc(%arg0: i32, %arg1: i32, %arg2: memref<10240x128xf32, #tpu.memory_space<hbm>>, %arg3: memref<32x2x40x128xi32, #tpu.memory_space<hbm>>, %arg4: memref<32x2x40x128xi32, #tpu.memory_space<hbm>>, %arg5: memref<640x128xf32, #tpu.memory_space<hbm>>, %arg6: memref<2x10240x128xf32, #tpu.memory_space<hbm>>, %arg7: memref<40x128xi32, #tpu.memory_space<vmem>>, %arg8: memref<40x128xi32, #tpu.memory_space<vmem>>, %arg9: memref<128x128xf32, #tpu.memory_space<vmem>>, %arg10: memref<128x128xf32, #tpu.memory_space<vmem>>, %arg11: memref<10240x128xf32, #tpu.memory_space<vmem_shared>>, %arg12: memref<!tpu.dma_semaphore, #tpu.memory_space<semaphore_mem>>, %arg13: memref<!tpu.dma_semaphore, #tpu.memory_space<semaphore_mem>>) attributes {dimension_semantics = [#tpu.dimension_semantics<core_parallel>, #tpu.dimension_semantics<subcore_parallel>], iteration_bounds = array<i64: 2, 16>, scalar_prefetch = 0 : i64, scratch_operands = 7 : i64, tpu.core_type = #tpu.core_type<sc_vector_subcore>, window_params = [{transform_indices = #map}, {transform_indices = #map1}, {transform_indices = #map1}, {transform_indices = #map}, {transform_indices = #map2}]} {
    %mul3A = arith.constant 16 : i32
    %mul3A_0 = arith.muli %arg0, %mul3A : i32
    %add3A = arith.addi %mul3A_0, %arg1 : i32
    %mul3A_1 = arith.constant 640 : i32
    %mul3A_2 = arith.muli %arg1, %mul3A_1 : i32
    "tpu.region"() ({
      %run_scoped3A_76 = tpu.sem_alloc : memref<!tpu.dma_semaphore, #tpu.memory_space<semaphore_mem>>
      %dma_start3A_77 = arith.constant 0 : i32
      %dma_start3A_78 = tpu.memref_slice %arg11[%mul3A_2, %dma_start3A_77] : memref<10240x128xf32, #tpu.memory_space<vmem_shared>> -> memref<640x128xf32, #tpu.memory_space<vmem_shared>>
      tpu.enqueue_dma source(%arg5 : memref<640x128xf32, #tpu.memory_space<hbm>>) target(%dma_start3A_78 : memref<640x128xf32, #tpu.memory_space<vmem_shared>>) target_semaphore(%run_scoped3A_76 : memref<!tpu.dma_semaphore, #tpu.memory_space<semaphore_mem>>)
      %dma_wait3A_79 = arith.constant 0 : i32
      %dma_wait3A_80 = tpu.memref_slice %arg11[%mul3A_2, %dma_wait3A_79] : memref<10240x128xf32, #tpu.memory_space<vmem_shared>> -> memref<640x128xf32, #tpu.memory_space<vmem_shared>>
      tpu.wait_dma2 semaphore(%run_scoped3A_76 : memref<!tpu.dma_semaphore, #tpu.memory_space<semaphore_mem>>) src(%arg5 : memref<640x128xf32, #tpu.memory_space<hbm>>) dst(%dma_wait3A_80 : memref<640x128xf32, #tpu.memory_space<vmem_shared>>)
      tpu.yield
    }) : () -> ()
    %barrier3A = arith.constant 0 : index
    tpu.barrier barrier_id(%barrier3A)
    %run_scoped3A = arith.constant 0 : i32
    "tpu.region"() ({
      %run_scoped3A_76 = tpu.sem_alloc : memref<!tpu.dma_semaphore, #tpu.memory_space<semaphore_mem>>
      %dma_start3A_77 = arith.constant 0 : i32
      %dma_start3A_78 = arith.constant 0 : i32
      %dma_start3A_79 = tpu.memref_slice %arg3[%add3A, %run_scoped3A, %dma_start3A_77, %dma_start3A_78] : memref<32x2x40x128xi32, #tpu.memory_space<hbm>> -> memref<1x1x40x128xi32, #tpu.memory_space<hbm>>
      %dma_start3A_80 = tpu.memref_squeeze %dma_start3A_79 : memref<1x1x40x128xi32, #tpu.memory_space<hbm>> -> memref<40x128xi32, #tpu.memory_space<hbm>>
      %dma_start3A_81 = arith.constant 0 : i32
      %dma_start3A_82 = arith.constant 0 : i32
      %dma_start3A_83 = tpu.memref_slice %arg3[%add3A, %run_scoped3A, %dma_start3A_81, %dma_start3A_82] : memref<32x2x40x128xi32, #tpu.memory_space<hbm>> -> memref<1x1x40x128xi32, #tpu.memory_space<hbm>>
      %dma_start3A_84 = tpu.memref_squeeze %dma_start3A_83 : memref<1x1x40x128xi32, #tpu.memory_space<hbm>> -> memref<40x128xi32, #tpu.memory_space<hbm>>
      tpu.enqueue_dma source(%dma_start3A_84 : memref<40x128xi32, #tpu.memory_space<hbm>>) target(%arg7 : memref<40x128xi32, #tpu.memory_space<vmem>>) target_semaphore(%run_scoped3A_76 : memref<!tpu.dma_semaphore, #tpu.memory_space<semaphore_mem>>)
      %dma_wait3A_85 = arith.constant 0 : i32
      %dma_wait3A_86 = arith.constant 0 : i32
      %dma_wait3A_87 = tpu.memref_slice %arg3[%add3A, %run_scoped3A, %dma_wait3A_85, %dma_wait3A_86] : memref<32x2x40x128xi32, #tpu.memory_space<hbm>> -> memref<1x1x40x128xi32, #tpu.memory_space<hbm>>
      %dma_wait3A_88 = tpu.memref_squeeze %dma_wait3A_87 : memref<1x1x40x128xi32, #tpu.memory_space<hbm>> -> memref<40x128xi32, #tpu.memory_space<hbm>>
      %dma_wait3A_89 = arith.constant 0 : i32
      %dma_wait3A_90 = arith.constant 0 : i32
      %dma_wait3A_91 = tpu.memref_slice %arg3[%add3A, %run_scoped3A, %dma_wait3A_89, %dma_wait3A_90] : memref<32x2x40x128xi32, #tpu.memory_space<hbm>> -> memref<1x1x40x128xi32, #tpu.memory_space<hbm>>
      %dma_wait3A_92 = tpu.memref_squeeze %dma_wait3A_91 : memref<1x1x40x128xi32, #tpu.memory_space<hbm>> -> memref<40x128xi32, #tpu.memory_space<hbm>>
      tpu.wait_dma2 semaphore(%run_scoped3A_76 : memref<!tpu.dma_semaphore, #tpu.memory_space<semaphore_mem>>) src(%dma_wait3A_92 : memref<40x128xi32, #tpu.memory_space<hbm>>) dst(%arg7 : memref<40x128xi32, #tpu.memory_space<vmem>>)
      tpu.yield
    }) : () -> ()
    %run_scoped3A_3 = arith.constant 0 : i32
    "tpu.region"() ({
      %run_scoped3A_76 = tpu.sem_alloc : memref<!tpu.dma_semaphore, #tpu.memory_space<semaphore_mem>>
      %dma_start3A_77 = arith.constant 0 : i32
      %dma_start3A_78 = arith.constant 0 : i32
      %dma_start3A_79 = tpu.memref_slice %arg4[%add3A, %run_scoped3A_3, %dma_start3A_77, %dma_start3A_78] : memref<32x2x40x128xi32, #tpu.memory_space<hbm>> -> memref<1x1x40x128xi32, #tpu.memory_space<hbm>>
      %dma_start3A_80 = tpu.memref_squeeze %dma_start3A_79 : memref<1x1x40x128xi32, #tpu.memory_space<hbm>> -> memref<40x128xi32, #tpu.memory_space<hbm>>
      %dma_start3A_81 = arith.constant 0 : i32
      %dma_start3A_82 = arith.constant 0 : i32
      %dma_start3A_83 = tpu.memref_slice %arg4[%add3A, %run_scoped3A_3, %dma_start3A_81, %dma_start3A_82] : memref<32x2x40x128xi32, #tpu.memory_space<hbm>> -> memref<1x1x40x128xi32, #tpu.memory_space<hbm>>
      %dma_start3A_84 = tpu.memref_squeeze %dma_start3A_83 : memref<1x1x40x128xi32, #tpu.memory_space<hbm>> -> memref<40x128xi32, #tpu.memory_space<hbm>>
      tpu.enqueue_dma source(%dma_start3A_84 : memref<40x128xi32, #tpu.memory_space<hbm>>) target(%arg8 : memref<40x128xi32, #tpu.memory_space<vmem>>) target_semaphore(%run_scoped3A_76 : memref<!tpu.dma_semaphore, #tpu.memory_space<semaphore_mem>>)
      %dma_wait3A_85 = arith.constant 0 : i32
      %dma_wait3A_86 = arith.constant 0 : i32
      %dma_wait3A_87 = tpu.memref_slice %arg4[%add3A, %run_scoped3A_3, %dma_wait3A_85, %dma_wait3A_86] : memref<32x2x40x128xi32, #tpu.memory_space<hbm>> -> memref<1x1x40x128xi32, #tpu.memory_space<hbm>>
      %dma_wait3A_88 = tpu.memref_squeeze %dma_wait3A_87 : memref<1x1x40x128xi32, #tpu.memory_space<hbm>> -> memref<40x128xi32, #tpu.memory_space<hbm>>
      %dma_wait3A_89 = arith.constant 0 : i32
      %dma_wait3A_90 = arith.constant 0 : i32
      %dma_wait3A_91 = tpu.memref_slice %arg4[%add3A, %run_scoped3A_3, %dma_wait3A_89, %dma_wait3A_90] : memref<32x2x40x128xi32, #tpu.memory_space<hbm>> -> memref<1x1x40x128xi32, #tpu.memory_space<hbm>>
      %dma_wait3A_92 = tpu.memref_squeeze %dma_wait3A_91 : memref<1x1x40x128xi32, #tpu.memory_space<hbm>> -> memref<40x128xi32, #tpu.memory_space<hbm>>
      tpu.wait_dma2 semaphore(%run_scoped3A_76 : memref<!tpu.dma_semaphore, #tpu.memory_space<semaphore_mem>>) src(%dma_wait3A_92 : memref<40x128xi32, #tpu.memory_space<hbm>>) dst(%arg8 : memref<40x128xi32, #tpu.memory_space<vmem>>)
      tpu.yield
    }) : () -> ()
    %dma_start3A = arith.constant 0 : i32
    %dma_start3A_4 = arith.constant 0 : i32
    %dma_start3A_5 = tpu.memref_slice %arg7[%dma_start3A, %dma_start3A_4] : memref<40x128xi32, #tpu.memory_space<vmem>> -> memref<1x128xi32, #tpu.memory_space<vmem>>
    %dma_start3A_6 = tpu.memref_squeeze %dma_start3A_5 : memref<1x128xi32, #tpu.memory_space<vmem>> -> memref<128xi32, #tpu.memory_space<vmem>>
    %dma_start3A_7 = arith.constant 0 : i32
    %dma_start3A_8 = arith.constant 0 : i32
    %dma_start3A_9 = tpu.memref_slice %arg2[%dma_start3A_7, %dma_start3A_8] : memref<10240x128xf32, #tpu.memory_space<hbm>> -> memref<10240x128xf32, #tpu.memory_space<hbm>>
    tpu.enqueue_indirect_dma source(%dma_start3A_9 : memref<10240x128xf32, #tpu.memory_space<hbm>>) target(%arg9 : memref<128x128xf32, #tpu.memory_space<vmem>>) offsets(%dma_start3A_6 : memref<128xi32, #tpu.memory_space<vmem>>) semaphore(%arg12 : memref<!tpu.dma_semaphore, #tpu.memory_space<semaphore_mem>>)
    %dma_start3A_10 = arith.constant 1 : i32
    %dma_start3A_11 = arith.constant 0 : i32
    %dma_start3A_12 = tpu.memref_slice %arg7[%dma_start3A_10, %dma_start3A_11] : memref<40x128xi32, #tpu.memory_space<vmem>> -> memref<1x128xi32, #tpu.memory_space<vmem>>
    %dma_start3A_13 = tpu.memref_squeeze %dma_start3A_12 : memref<1x128xi32, #tpu.memory_space<vmem>> -> memref<128xi32, #tpu.memory_space<vmem>>
    %dma_start3A_14 = arith.constant 0 : i32
    %dma_start3A_15 = arith.constant 0 : i32
    %dma_start3A_16 = tpu.memref_slice %arg2[%dma_start3A_14, %dma_start3A_15] : memref<10240x128xf32, #tpu.memory_space<hbm>> -> memref<10240x128xf32, #tpu.memory_space<hbm>>
    tpu.enqueue_indirect_dma source(%dma_start3A_16 : memref<10240x128xf32, #tpu.memory_space<hbm>>) target(%arg10 : memref<128x128xf32, #tpu.memory_space<vmem>>) offsets(%dma_start3A_13 : memref<128xi32, #tpu.memory_space<vmem>>) semaphore(%arg13 : memref<!tpu.dma_semaphore, #tpu.memory_space<semaphore_mem>>)
    %scan3A = arith.constant 0 : i32
    %scan3A_17 = arith.constant 0 : i32
    %scan3A_18 = arith.constant 20 : i32
    %scan3A_19 = arith.addi %scan3A_17, %scan3A_18 : i32
    %scan3A_20 = arith.constant 1 : i32
    scf.for %scan3A_76 = %scan3A_17 to %scan3A_19 step %scan3A_20  : i32 {
      %mul3A_77 = arith.constant 2 : i32
      %mul3A_78 = arith.muli %scan3A_76, %mul3A_77 : i32
      %add3A_79 = arith.constant 1 : i32
      %add3A_80 = arith.addi %mul3A_78, %add3A_79 : i32
      %dma_wait3A_81 = arith.constant 0 : i32
      %dma_wait3A_82 = tpu.memref_slice %arg7[%mul3A_78, %dma_wait3A_81] : memref<40x128xi32, #tpu.memory_space<vmem>> -> memref<1x128xi32, #tpu.memory_space<vmem>>
      %dma_wait3A_83 = tpu.memref_squeeze %dma_wait3A_82 : memref<1x128xi32, #tpu.memory_space<vmem>> -> memref<128xi32, #tpu.memory_space<vmem>>
      %dma_wait3A_84 = arith.constant 0 : i32
      %dma_wait3A_85 = arith.constant 0 : i32
      %dma_wait3A_86 = tpu.memref_slice %arg2[%dma_wait3A_84, %dma_wait3A_85] : memref<10240x128xf32, #tpu.memory_space<hbm>> -> memref<10240x128xf32, #tpu.memory_space<hbm>>
      tpu.wait_indirect_dma semaphore(%arg12 : memref<!tpu.dma_semaphore, #tpu.memory_space<semaphore_mem>>) src(%dma_wait3A_86 : memref<10240x128xf32, #tpu.memory_space<hbm>>) dst(%arg9 : memref<128x128xf32, #tpu.memory_space<vmem>>)
      "tpu.region"() ({
        %run_scoped3A_112 = tpu.sem_alloc : memref<!tpu.dma_semaphore, #tpu.memory_space<semaphore_mem>>
        %dma_start3A_113 = arith.constant 0 : i32
        %dma_start3A_114 = tpu.memref_slice %arg8[%mul3A_78, %dma_start3A_113] : memref<40x128xi32, #tpu.memory_space<vmem>> -> memref<1x128xi32, #tpu.memory_space<vmem>>
        %dma_start3A_115 = tpu.memref_squeeze %dma_start3A_114 : memref<1x128xi32, #tpu.memory_space<vmem>> -> memref<128xi32, #tpu.memory_space<vmem>>
        %dma_start3A_116 = arith.constant 0 : i32
        %dma_start3A_117 = arith.constant 0 : i32
        %dma_start3A_118 = tpu.memref_slice %arg11[%dma_start3A_116, %dma_start3A_117] : memref<10240x128xf32, #tpu.memory_space<vmem_shared>> -> memref<10240x128xf32, #tpu.memory_space<vmem_shared>>
        tpu.enqueue_indirect_dma source(%arg9 : memref<128x128xf32, #tpu.memory_space<vmem>>) target(%dma_start3A_118 : memref<10240x128xf32, #tpu.memory_space<vmem_shared>>) offsets(%dma_start3A_115 : memref<128xi32, #tpu.memory_space<vmem>>) semaphore(%run_scoped3A_112 : memref<!tpu.dma_semaphore, #tpu.memory_space<semaphore_mem>>) {add = true}
        %dma_wait3A_119 = arith.constant 0 : i32
        %dma_wait3A_120 = tpu.memref_slice %arg8[%mul3A_78, %dma_wait3A_119] : memref<40x128xi32, #tpu.memory_space<vmem>> -> memref<1x128xi32, #tpu.memory_space<vmem>>
        %dma_wait3A_121 = tpu.memref_squeeze %dma_wait3A_120 : memref<1x128xi32, #tpu.memory_space<vmem>> -> memref<128xi32, #tpu.memory_space<vmem>>
        %dma_wait3A_122 = arith.constant 0 : i32
        %dma_wait3A_123 = arith.constant 0 : i32
        %dma_wait3A_124 = tpu.memref_slice %arg11[%dma_wait3A_122, %dma_wait3A_123] : memref<10240x128xf32, #tpu.memory_space<vmem_shared>> -> memref<10240x128xf32, #tpu.memory_space<vmem_shared>>
        tpu.wait_indirect_dma semaphore(%run_scoped3A_112 : memref<!tpu.dma_semaphore, #tpu.memory_space<semaphore_mem>>) src(%arg9 : memref<128x128xf32, #tpu.memory_space<vmem>>) dst(%dma_wait3A_124 : memref<10240x128xf32, #tpu.memory_space<vmem_shared>>)
        tpu.yield
      }) : () -> ()
      %add3A_87 = arith.constant 2 : i32
      %add3A_88 = arith.addi %mul3A_78, %add3A_87 : i32
      %min3A = arith.constant 39 : i32
      %min3A_89 = arith.minsi %add3A_88, %min3A : i32
      %dma_start3A_90 = arith.constant 0 : i32
      %dma_start3A_91 = tpu.memref_slice %arg7[%min3A_89, %dma_start3A_90] : memref<40x128xi32, #tpu.memory_space<vmem>> -> memref<1x128xi32, #tpu.memory_space<vmem>>
      %dma_start3A_92 = tpu.memref_squeeze %dma_start3A_91 : memref<1x128xi32, #tpu.memory_space<vmem>> -> memref<128xi32, #tpu.memory_space<vmem>>
      %dma_start3A_93 = arith.constant 0 : i32
      %dma_start3A_94 = arith.constant 0 : i32
      %dma_start3A_95 = tpu.memref_slice %arg2[%dma_start3A_93, %dma_start3A_94] : memref<10240x128xf32, #tpu.memory_space<hbm>> -> memref<10240x128xf32, #tpu.memory_space<hbm>>
      tpu.enqueue_indirect_dma source(%dma_start3A_95 : memref<10240x128xf32, #tpu.memory_space<hbm>>) target(%arg9 : memref<128x128xf32, #tpu.memory_space<vmem>>) offsets(%dma_start3A_92 : memref<128xi32, #tpu.memory_space<vmem>>) semaphore(%arg12 : memref<!tpu.dma_semaphore, #tpu.memory_space<semaphore_mem>>)
      %dma_wait3A_96 = arith.constant 0 : i32
      %dma_wait3A_97 = tpu.memref_slice %arg7[%add3A_80, %dma_wait3A_96] : memref<40x128xi32, #tpu.memory_space<vmem>> -> memref<1x128xi32, #tpu.memory_space<vmem>>
      %dma_wait3A_98 = tpu.memref_squeeze %dma_wait3A_97 : memref<1x128xi32, #tpu.memory_space<vmem>> -> memref<128xi32, #tpu.memory_space<vmem>>
      %dma_wait3A_99 = arith.constant 0 : i32
      %dma_wait3A_100 = arith.constant 0 : i32
      %dma_wait3A_101 = tpu.memref_slice %arg2[%dma_wait3A_99, %dma_wait3A_100] : memref<10240x128xf32, #tpu.memory_space<hbm>> -> memref<10240x128xf32, #tpu.memory_space<hbm>>
      tpu.wait_indirect_dma semaphore(%arg13 : memref<!tpu.dma_semaphore, #tpu.memory_space<semaphore_mem>>) src(%dma_wait3A_101 : memref<10240x128xf32, #tpu.memory_space<hbm>>) dst(%arg10 : memref<128x128xf32, #tpu.memory_space<vmem>>)
      "tpu.region"() ({
        %run_scoped3A_112 = tpu.sem_alloc : memref<!tpu.dma_semaphore, #tpu.memory_space<semaphore_mem>>
        %dma_start3A_113 = arith.constant 0 : i32
        %dma_start3A_114 = tpu.memref_slice %arg8[%add3A_80, %dma_start3A_113] : memref<40x128xi32, #tpu.memory_space<vmem>> -> memref<1x128xi32, #tpu.memory_space<vmem>>
        %dma_start3A_115 = tpu.memref_squeeze %dma_start3A_114 : memref<1x128xi32, #tpu.memory_space<vmem>> -> memref<128xi32, #tpu.memory_space<vmem>>
        %dma_start3A_116 = arith.constant 0 : i32
        %dma_start3A_117 = arith.constant 0 : i32
        %dma_start3A_118 = tpu.memref_slice %arg11[%dma_start3A_116, %dma_start3A_117] : memref<10240x128xf32, #tpu.memory_space<vmem_shared>> -> memref<10240x128xf32, #tpu.memory_space<vmem_shared>>
        tpu.enqueue_indirect_dma source(%arg10 : memref<128x128xf32, #tpu.memory_space<vmem>>) target(%dma_start3A_118 : memref<10240x128xf32, #tpu.memory_space<vmem_shared>>) offsets(%dma_start3A_115 : memref<128xi32, #tpu.memory_space<vmem>>) semaphore(%run_scoped3A_112 : memref<!tpu.dma_semaphore, #tpu.memory_space<semaphore_mem>>) {add = true}
        %dma_wait3A_119 = arith.constant 0 : i32
        %dma_wait3A_120 = tpu.memref_slice %arg8[%add3A_80, %dma_wait3A_119] : memref<40x128xi32, #tpu.memory_space<vmem>> -> memref<1x128xi32, #tpu.memory_space<vmem>>
        %dma_wait3A_121 = tpu.memref_squeeze %dma_wait3A_120 : memref<1x128xi32, #tpu.memory_space<vmem>> -> memref<128xi32, #tpu.memory_space<vmem>>
        %dma_wait3A_122 = arith.constant 0 : i32
        %dma_wait3A_123 = arith.constant 0 : i32
        %dma_wait3A_124 = tpu.memref_slice %arg11[%dma_wait3A_122, %dma_wait3A_123] : memref<10240x128xf32, #tpu.memory_space<vmem_shared>> -> memref<10240x128xf32, #tpu.memory_space<vmem_shared>>
        tpu.wait_indirect_dma semaphore(%run_scoped3A_112 : memref<!tpu.dma_semaphore, #tpu.memory_space<semaphore_mem>>) src(%arg10 : memref<128x128xf32, #tpu.memory_space<vmem>>) dst(%dma_wait3A_124 : memref<10240x128xf32, #tpu.memory_space<vmem_shared>>)
        tpu.yield
      }) : () -> ()
      %add3A_102 = arith.constant 2 : i32
      %add3A_103 = arith.addi %add3A_80, %add3A_102 : i32
      %min3A_104 = arith.constant 39 : i32
      %min3A_105 = arith.minsi %add3A_103, %min3A_104 : i32
      %dma_start3A_106 = arith.constant 0 : i32
      %dma_start3A_107 = tpu.memref_slice %arg7[%min3A_105, %dma_start3A_106] : memref<40x128xi32, #tpu.memory_space<vmem>> -> memref<1x128xi32, #tpu.memory_space<vmem>>
      %dma_start3A_108 = tpu.memref_squeeze %dma_start3A_107 : memref<1x128xi32, #tpu.memory_space<vmem>> -> memref<128xi32, #tpu.memory_space<vmem>>
      %dma_start3A_109 = arith.constant 0 : i32
      %dma_start3A_110 = arith.constant 0 : i32
      %dma_start3A_111 = tpu.memref_slice %arg2[%dma_start3A_109, %dma_start3A_110] : memref<10240x128xf32, #tpu.memory_space<hbm>> -> memref<10240x128xf32, #tpu.memory_space<hbm>>
      tpu.enqueue_indirect_dma source(%dma_start3A_111 : memref<10240x128xf32, #tpu.memory_space<hbm>>) target(%arg10 : memref<128x128xf32, #tpu.memory_space<vmem>>) offsets(%dma_start3A_108 : memref<128xi32, #tpu.memory_space<vmem>>) semaphore(%arg13 : memref<!tpu.dma_semaphore, #tpu.memory_space<semaphore_mem>>)
    }
    %scan3A_21 = arith.constant 20 : i32
    %dma_wait3A = arith.constant 39 : i32
    %dma_wait3A_22 = arith.constant 0 : i32
    %dma_wait3A_23 = tpu.memref_slice %arg7[%dma_wait3A, %dma_wait3A_22] : memref<40x128xi32, #tpu.memory_space<vmem>> -> memref<1x128xi32, #tpu.memory_space<vmem>>
    %dma_wait3A_24 = tpu.memref_squeeze %dma_wait3A_23 : memref<1x128xi32, #tpu.memory_space<vmem>> -> memref<128xi32, #tpu.memory_space<vmem>>
    %dma_wait3A_25 = arith.constant 0 : i32
    %dma_wait3A_26 = arith.constant 0 : i32
    %dma_wait3A_27 = tpu.memref_slice %arg2[%dma_wait3A_25, %dma_wait3A_26] : memref<10240x128xf32, #tpu.memory_space<hbm>> -> memref<10240x128xf32, #tpu.memory_space<hbm>>
    tpu.wait_indirect_dma semaphore(%arg12 : memref<!tpu.dma_semaphore, #tpu.memory_space<semaphore_mem>>) src(%dma_wait3A_27 : memref<10240x128xf32, #tpu.memory_space<hbm>>) dst(%arg9 : memref<128x128xf32, #tpu.memory_space<vmem>>)
    %dma_wait3A_28 = arith.constant 39 : i32
    %dma_wait3A_29 = arith.constant 0 : i32
    %dma_wait3A_30 = tpu.memref_slice %arg7[%dma_wait3A_28, %dma_wait3A_29] : memref<40x128xi32, #tpu.memory_space<vmem>> -> memref<1x128xi32, #tpu.memory_space<vmem>>
    %dma_wait3A_31 = tpu.memref_squeeze %dma_wait3A_30 : memref<1x128xi32, #tpu.memory_space<vmem>> -> memref<128xi32, #tpu.memory_space<vmem>>
    %dma_wait3A_32 = arith.constant 0 : i32
    %dma_wait3A_33 = arith.constant 0 : i32
    %dma_wait3A_34 = tpu.memref_slice %arg2[%dma_wait3A_32, %dma_wait3A_33] : memref<10240x128xf32, #tpu.memory_space<hbm>> -> memref<10240x128xf32, #tpu.memory_space<hbm>>
    tpu.wait_indirect_dma semaphore(%arg13 : memref<!tpu.dma_semaphore, #tpu.memory_space<semaphore_mem>>) src(%dma_wait3A_34 : memref<10240x128xf32, #tpu.memory_space<hbm>>) dst(%arg10 : memref<128x128xf32, #tpu.memory_space<vmem>>)
    %run_scoped3A_35 = arith.constant 1 : i32
    "tpu.region"() ({
      %run_scoped3A_76 = tpu.sem_alloc : memref<!tpu.dma_semaphore, #tpu.memory_space<semaphore_mem>>
      %dma_start3A_77 = arith.constant 0 : i32
      %dma_start3A_78 = arith.constant 0 : i32
      %dma_start3A_79 = tpu.memref_slice %arg3[%add3A, %run_scoped3A_35, %dma_start3A_77, %dma_start3A_78] : memref<32x2x40x128xi32, #tpu.memory_space<hbm>> -> memref<1x1x40x128xi32, #tpu.memory_space<hbm>>
      %dma_start3A_80 = tpu.memref_squeeze %dma_start3A_79 : memref<1x1x40x128xi32, #tpu.memory_space<hbm>> -> memref<40x128xi32, #tpu.memory_space<hbm>>
      %dma_start3A_81 = arith.constant 0 : i32
      %dma_start3A_82 = arith.constant 0 : i32
      %dma_start3A_83 = tpu.memref_slice %arg3[%add3A, %run_scoped3A_35, %dma_start3A_81, %dma_start3A_82] : memref<32x2x40x128xi32, #tpu.memory_space<hbm>> -> memref<1x1x40x128xi32, #tpu.memory_space<hbm>>
      %dma_start3A_84 = tpu.memref_squeeze %dma_start3A_83 : memref<1x1x40x128xi32, #tpu.memory_space<hbm>> -> memref<40x128xi32, #tpu.memory_space<hbm>>
      tpu.enqueue_dma source(%dma_start3A_84 : memref<40x128xi32, #tpu.memory_space<hbm>>) target(%arg7 : memref<40x128xi32, #tpu.memory_space<vmem>>) target_semaphore(%run_scoped3A_76 : memref<!tpu.dma_semaphore, #tpu.memory_space<semaphore_mem>>)
      %dma_wait3A_85 = arith.constant 0 : i32
      %dma_wait3A_86 = arith.constant 0 : i32
      %dma_wait3A_87 = tpu.memref_slice %arg3[%add3A, %run_scoped3A_35, %dma_wait3A_85, %dma_wait3A_86] : memref<32x2x40x128xi32, #tpu.memory_space<hbm>> -> memref<1x1x40x128xi32, #tpu.memory_space<hbm>>
      %dma_wait3A_88 = tpu.memref_squeeze %dma_wait3A_87 : memref<1x1x40x128xi32, #tpu.memory_space<hbm>> -> memref<40x128xi32, #tpu.memory_space<hbm>>
      %dma_wait3A_89 = arith.constant 0 : i32
      %dma_wait3A_90 = arith.constant 0 : i32
      %dma_wait3A_91 = tpu.memref_slice %arg3[%add3A, %run_scoped3A_35, %dma_wait3A_89, %dma_wait3A_90] : memref<32x2x40x128xi32, #tpu.memory_space<hbm>> -> memref<1x1x40x128xi32, #tpu.memory_space<hbm>>
      %dma_wait3A_92 = tpu.memref_squeeze %dma_wait3A_91 : memref<1x1x40x128xi32, #tpu.memory_space<hbm>> -> memref<40x128xi32, #tpu.memory_space<hbm>>
      tpu.wait_dma2 semaphore(%run_scoped3A_76 : memref<!tpu.dma_semaphore, #tpu.memory_space<semaphore_mem>>) src(%dma_wait3A_92 : memref<40x128xi32, #tpu.memory_space<hbm>>) dst(%arg7 : memref<40x128xi32, #tpu.memory_space<vmem>>)
      tpu.yield
    }) : () -> ()
    %run_scoped3A_36 = arith.constant 1 : i32
    "tpu.region"() ({
      %run_scoped3A_76 = tpu.sem_alloc : memref<!tpu.dma_semaphore, #tpu.memory_space<semaphore_mem>>
      %dma_start3A_77 = arith.constant 0 : i32
      %dma_start3A_78 = arith.constant 0 : i32
      %dma_start3A_79 = tpu.memref_slice %arg4[%add3A, %run_scoped3A_36, %dma_start3A_77, %dma_start3A_78] : memref<32x2x40x128xi32, #tpu.memory_space<hbm>> -> memref<1x1x40x128xi32, #tpu.memory_space<hbm>>
      %dma_start3A_80 = tpu.memref_squeeze %dma_start3A_79 : memref<1x1x40x128xi32, #tpu.memory_space<hbm>> -> memref<40x128xi32, #tpu.memory_space<hbm>>
      %dma_start3A_81 = arith.constant 0 : i32
      %dma_start3A_82 = arith.constant 0 : i32
      %dma_start3A_83 = tpu.memref_slice %arg4[%add3A, %run_scoped3A_36, %dma_start3A_81, %dma_start3A_82] : memref<32x2x40x128xi32, #tpu.memory_space<hbm>> -> memref<1x1x40x128xi32, #tpu.memory_space<hbm>>
      %dma_start3A_84 = tpu.memref_squeeze %dma_start3A_83 : memref<1x1x40x128xi32, #tpu.memory_space<hbm>> -> memref<40x128xi32, #tpu.memory_space<hbm>>
      tpu.enqueue_dma source(%dma_start3A_84 : memref<40x128xi32, #tpu.memory_space<hbm>>) target(%arg8 : memref<40x128xi32, #tpu.memory_space<vmem>>) target_semaphore(%run_scoped3A_76 : memref<!tpu.dma_semaphore, #tpu.memory_space<semaphore_mem>>)
      %dma_wait3A_85 = arith.constant 0 : i32
      %dma_wait3A_86 = arith.constant 0 : i32
      %dma_wait3A_87 = tpu.memref_slice %arg4[%add3A, %run_scoped3A_36, %dma_wait3A_85, %dma_wait3A_86] : memref<32x2x40x128xi32, #tpu.memory_space<hbm>> -> memref<1x1x40x128xi32, #tpu.memory_space<hbm>>
      %dma_wait3A_88 = tpu.memref_squeeze %dma_wait3A_87 : memref<1x1x40x128xi32, #tpu.memory_space<hbm>> -> memref<40x128xi32, #tpu.memory_space<hbm>>
      %dma_wait3A_89 = arith.constant 0 : i32
      %dma_wait3A_90 = arith.constant 0 : i32
      %dma_wait3A_91 = tpu.memref_slice %arg4[%add3A, %run_scoped3A_36, %dma_wait3A_89, %dma_wait3A_90] : memref<32x2x40x128xi32, #tpu.memory_space<hbm>> -> memref<1x1x40x128xi32, #tpu.memory_space<hbm>>
      %dma_wait3A_92 = tpu.memref_squeeze %dma_wait3A_91 : memref<1x1x40x128xi32, #tpu.memory_space<hbm>> -> memref<40x128xi32, #tpu.memory_space<hbm>>
      tpu.wait_dma2 semaphore(%run_scoped3A_76 : memref<!tpu.dma_semaphore, #tpu.memory_space<semaphore_mem>>) src(%dma_wait3A_92 : memref<40x128xi32, #tpu.memory_space<hbm>>) dst(%arg8 : memref<40x128xi32, #tpu.memory_space<vmem>>)
      tpu.yield
    }) : () -> ()
    %dma_start3A_37 = arith.constant 0 : i32
    %dma_start3A_38 = arith.constant 0 : i32
    %dma_start3A_39 = tpu.memref_slice %arg7[%dma_start3A_37, %dma_start3A_38] : memref<40x128xi32, #tpu.memory_space<vmem>> -> memref<1x128xi32, #tpu.memory_space<vmem>>
    %dma_start3A_40 = tpu.memref_squeeze %dma_start3A_39 : memref<1x128xi32, #tpu.memory_space<vmem>> -> memref<128xi32, #tpu.memory_space<vmem>>
    %dma_start3A_41 = arith.constant 0 : i32
    %dma_start3A_42 = arith.constant 0 : i32
    %dma_start3A_43 = tpu.memref_slice %arg2[%dma_start3A_41, %dma_start3A_42] : memref<10240x128xf32, #tpu.memory_space<hbm>> -> memref<10240x128xf32, #tpu.memory_space<hbm>>
    tpu.enqueue_indirect_dma source(%dma_start3A_43 : memref<10240x128xf32, #tpu.memory_space<hbm>>) target(%arg9 : memref<128x128xf32, #tpu.memory_space<vmem>>) offsets(%dma_start3A_40 : memref<128xi32, #tpu.memory_space<vmem>>) semaphore(%arg12 : memref<!tpu.dma_semaphore, #tpu.memory_space<semaphore_mem>>)
    %dma_start3A_44 = arith.constant 1 : i32
    %dma_start3A_45 = arith.constant 0 : i32
    %dma_start3A_46 = tpu.memref_slice %arg7[%dma_start3A_44, %dma_start3A_45] : memref<40x128xi32, #tpu.memory_space<vmem>> -> memref<1x128xi32, #tpu.memory_space<vmem>>
    %dma_start3A_47 = tpu.memref_squeeze %dma_start3A_46 : memref<1x128xi32, #tpu.memory_space<vmem>> -> memref<128xi32, #tpu.memory_space<vmem>>
    %dma_start3A_48 = arith.constant 0 : i32
    %dma_start3A_49 = arith.constant 0 : i32
    %dma_start3A_50 = tpu.memref_slice %arg2[%dma_start3A_48, %dma_start3A_49] : memref<10240x128xf32, #tpu.memory_space<hbm>> -> memref<10240x128xf32, #tpu.memory_space<hbm>>
    tpu.enqueue_indirect_dma source(%dma_start3A_50 : memref<10240x128xf32, #tpu.memory_space<hbm>>) target(%arg10 : memref<128x128xf32, #tpu.memory_space<vmem>>) offsets(%dma_start3A_47 : memref<128xi32, #tpu.memory_space<vmem>>) semaphore(%arg13 : memref<!tpu.dma_semaphore, #tpu.memory_space<semaphore_mem>>)
    %scan3A_51 = arith.constant 0 : i32
    %scan3A_52 = arith.constant 0 : i32
    %scan3A_53 = arith.constant 20 : i32
    %scan3A_54 = arith.addi %scan3A_52, %scan3A_53 : i32
    %scan3A_55 = arith.constant 1 : i32
    scf.for %scan3A_76 = %scan3A_52 to %scan3A_54 step %scan3A_55  : i32 {
      %mul3A_77 = arith.constant 2 : i32
      %mul3A_78 = arith.muli %scan3A_76, %mul3A_77 : i32
      %add3A_79 = arith.constant 1 : i32
      %add3A_80 = arith.addi %mul3A_78, %add3A_79 : i32
      %dma_wait3A_81 = arith.constant 0 : i32
      %dma_wait3A_82 = tpu.memref_slice %arg7[%mul3A_78, %dma_wait3A_81] : memref<40x128xi32, #tpu.memory_space<vmem>> -> memref<1x128xi32, #tpu.memory_space<vmem>>
      %dma_wait3A_83 = tpu.memref_squeeze %dma_wait3A_82 : memref<1x128xi32, #tpu.memory_space<vmem>> -> memref<128xi32, #tpu.memory_space<vmem>>
      %dma_wait3A_84 = arith.constant 0 : i32
      %dma_wait3A_85 = arith.constant 0 : i32
      %dma_wait3A_86 = tpu.memref_slice %arg2[%dma_wait3A_84, %dma_wait3A_85] : memref<10240x128xf32, #tpu.memory_space<hbm>> -> memref<10240x128xf32, #tpu.memory_space<hbm>>
      tpu.wait_indirect_dma semaphore(%arg12 : memref<!tpu.dma_semaphore, #tpu.memory_space<semaphore_mem>>) src(%dma_wait3A_86 : memref<10240x128xf32, #tpu.memory_space<hbm>>) dst(%arg9 : memref<128x128xf32, #tpu.memory_space<vmem>>)
      "tpu.region"() ({
        %run_scoped3A_112 = tpu.sem_alloc : memref<!tpu.dma_semaphore, #tpu.memory_space<semaphore_mem>>
        %dma_start3A_113 = arith.constant 0 : i32
        %dma_start3A_114 = tpu.memref_slice %arg8[%mul3A_78, %dma_start3A_113] : memref<40x128xi32, #tpu.memory_space<vmem>> -> memref<1x128xi32, #tpu.memory_space<vmem>>
        %dma_start3A_115 = tpu.memref_squeeze %dma_start3A_114 : memref<1x128xi32, #tpu.memory_space<vmem>> -> memref<128xi32, #tpu.memory_space<vmem>>
        %dma_start3A_116 = arith.constant 0 : i32
        %dma_start3A_117 = arith.constant 0 : i32
        %dma_start3A_118 = tpu.memref_slice %arg11[%dma_start3A_116, %dma_start3A_117] : memref<10240x128xf32, #tpu.memory_space<vmem_shared>> -> memref<10240x128xf32, #tpu.memory_space<vmem_shared>>
        tpu.enqueue_indirect_dma source(%arg9 : memref<128x128xf32, #tpu.memory_space<vmem>>) target(%dma_start3A_118 : memref<10240x128xf32, #tpu.memory_space<vmem_shared>>) offsets(%dma_start3A_115 : memref<128xi32, #tpu.memory_space<vmem>>) semaphore(%run_scoped3A_112 : memref<!tpu.dma_semaphore, #tpu.memory_space<semaphore_mem>>) {add = true}
        %dma_wait3A_119 = arith.constant 0 : i32
        %dma_wait3A_120 = tpu.memref_slice %arg8[%mul3A_78, %dma_wait3A_119] : memref<40x128xi32, #tpu.memory_space<vmem>> -> memref<1x128xi32, #tpu.memory_space<vmem>>
        %dma_wait3A_121 = tpu.memref_squeeze %dma_wait3A_120 : memref<1x128xi32, #tpu.memory_space<vmem>> -> memref<128xi32, #tpu.memory_space<vmem>>
        %dma_wait3A_122 = arith.constant 0 : i32
        %dma_wait3A_123 = arith.constant 0 : i32
        %dma_wait3A_124 = tpu.memref_slice %arg11[%dma_wait3A_122, %dma_wait3A_123] : memref<10240x128xf32, #tpu.memory_space<vmem_shared>> -> memref<10240x128xf32, #tpu.memory_space<vmem_shared>>
        tpu.wait_indirect_dma semaphore(%run_scoped3A_112 : memref<!tpu.dma_semaphore, #tpu.memory_space<semaphore_mem>>) src(%arg9 : memref<128x128xf32, #tpu.memory_space<vmem>>) dst(%dma_wait3A_124 : memref<10240x128xf32, #tpu.memory_space<vmem_shared>>)
        tpu.yield
      }) : () -> ()
      %add3A_87 = arith.constant 2 : i32
      %add3A_88 = arith.addi %mul3A_78, %add3A_87 : i32
      %min3A = arith.constant 39 : i32
      %min3A_89 = arith.minsi %add3A_88, %min3A : i32
      %dma_start3A_90 = arith.constant 0 : i32
      %dma_start3A_91 = tpu.memref_slice %arg7[%min3A_89, %dma_start3A_90] : memref<40x128xi32, #tpu.memory_space<vmem>> -> memref<1x128xi32, #tpu.memory_space<vmem>>
      %dma_start3A_92 = tpu.memref_squeeze %dma_start3A_91 : memref<1x128xi32, #tpu.memory_space<vmem>> -> memref<128xi32, #tpu.memory_space<vmem>>
      %dma_start3A_93 = arith.constant 0 : i32
      %dma_start3A_94 = arith.constant 0 : i32
      %dma_start3A_95 = tpu.memref_slice %arg2[%dma_start3A_93, %dma_start3A_94] : memref<10240x128xf32, #tpu.memory_space<hbm>> -> memref<10240x128xf32, #tpu.memory_space<hbm>>
      tpu.enqueue_indirect_dma source(%dma_start3A_95 : memref<10240x128xf32, #tpu.memory_space<hbm>>) target(%arg9 : memref<128x128xf32, #tpu.memory_space<vmem>>) offsets(%dma_start3A_92 : memref<128xi32, #tpu.memory_space<vmem>>) semaphore(%arg12 : memref<!tpu.dma_semaphore, #tpu.memory_space<semaphore_mem>>)
      %dma_wait3A_96 = arith.constant 0 : i32
      %dma_wait3A_97 = tpu.memref_slice %arg7[%add3A_80, %dma_wait3A_96] : memref<40x128xi32, #tpu.memory_space<vmem>> -> memref<1x128xi32, #tpu.memory_space<vmem>>
      %dma_wait3A_98 = tpu.memref_squeeze %dma_wait3A_97 : memref<1x128xi32, #tpu.memory_space<vmem>> -> memref<128xi32, #tpu.memory_space<vmem>>
      %dma_wait3A_99 = arith.constant 0 : i32
      %dma_wait3A_100 = arith.constant 0 : i32
      %dma_wait3A_101 = tpu.memref_slice %arg2[%dma_wait3A_99, %dma_wait3A_100] : memref<10240x128xf32, #tpu.memory_space<hbm>> -> memref<10240x128xf32, #tpu.memory_space<hbm>>
      tpu.wait_indirect_dma semaphore(%arg13 : memref<!tpu.dma_semaphore, #tpu.memory_space<semaphore_mem>>) src(%dma_wait3A_101 : memref<10240x128xf32, #tpu.memory_space<hbm>>) dst(%arg10 : memref<128x128xf32, #tpu.memory_space<vmem>>)
      "tpu.region"() ({
        %run_scoped3A_112 = tpu.sem_alloc : memref<!tpu.dma_semaphore, #tpu.memory_space<semaphore_mem>>
        %dma_start3A_113 = arith.constant 0 : i32
        %dma_start3A_114 = tpu.memref_slice %arg8[%add3A_80, %dma_start3A_113] : memref<40x128xi32, #tpu.memory_space<vmem>> -> memref<1x128xi32, #tpu.memory_space<vmem>>
        %dma_start3A_115 = tpu.memref_squeeze %dma_start3A_114 : memref<1x128xi32, #tpu.memory_space<vmem>> -> memref<128xi32, #tpu.memory_space<vmem>>
        %dma_start3A_116 = arith.constant 0 : i32
        %dma_start3A_117 = arith.constant 0 : i32
        %dma_start3A_118 = tpu.memref_slice %arg11[%dma_start3A_116, %dma_start3A_117] : memref<10240x128xf32, #tpu.memory_space<vmem_shared>> -> memref<10240x128xf32, #tpu.memory_space<vmem_shared>>
        tpu.enqueue_indirect_dma source(%arg10 : memref<128x128xf32, #tpu.memory_space<vmem>>) target(%dma_start3A_118 : memref<10240x128xf32, #tpu.memory_space<vmem_shared>>) offsets(%dma_start3A_115 : memref<128xi32, #tpu.memory_space<vmem>>) semaphore(%run_scoped3A_112 : memref<!tpu.dma_semaphore, #tpu.memory_space<semaphore_mem>>) {add = true}
        %dma_wait3A_119 = arith.constant 0 : i32
        %dma_wait3A_120 = tpu.memref_slice %arg8[%add3A_80, %dma_wait3A_119] : memref<40x128xi32, #tpu.memory_space<vmem>> -> memref<1x128xi32, #tpu.memory_space<vmem>>
        %dma_wait3A_121 = tpu.memref_squeeze %dma_wait3A_120 : memref<1x128xi32, #tpu.memory_space<vmem>> -> memref<128xi32, #tpu.memory_space<vmem>>
        %dma_wait3A_122 = arith.constant 0 : i32
        %dma_wait3A_123 = arith.constant 0 : i32
        %dma_wait3A_124 = tpu.memref_slice %arg11[%dma_wait3A_122, %dma_wait3A_123] : memref<10240x128xf32, #tpu.memory_space<vmem_shared>> -> memref<10240x128xf32, #tpu.memory_space<vmem_shared>>
        tpu.wait_indirect_dma semaphore(%run_scoped3A_112 : memref<!tpu.dma_semaphore, #tpu.memory_space<semaphore_mem>>) src(%arg10 : memref<128x128xf32, #tpu.memory_space<vmem>>) dst(%dma_wait3A_124 : memref<10240x128xf32, #tpu.memory_space<vmem_shared>>)
        tpu.yield
      }) : () -> ()
      %add3A_102 = arith.constant 2 : i32
      %add3A_103 = arith.addi %add3A_80, %add3A_102 : i32
      %min3A_104 = arith.constant 39 : i32
      %min3A_105 = arith.minsi %add3A_103, %min3A_104 : i32
      %dma_start3A_106 = arith.constant 0 : i32
      %dma_start3A_107 = tpu.memref_slice %arg7[%min3A_105, %dma_start3A_106] : memref<40x128xi32, #tpu.memory_space<vmem>> -> memref<1x128xi32, #tpu.memory_space<vmem>>
      %dma_start3A_108 = tpu.memref_squeeze %dma_start3A_107 : memref<1x128xi32, #tpu.memory_space<vmem>> -> memref<128xi32, #tpu.memory_space<vmem>>
      %dma_start3A_109 = arith.constant 0 : i32
      %dma_start3A_110 = arith.constant 0 : i32
      %dma_start3A_111 = tpu.memref_slice %arg2[%dma_start3A_109, %dma_start3A_110] : memref<10240x128xf32, #tpu.memory_space<hbm>> -> memref<10240x128xf32, #tpu.memory_space<hbm>>
      tpu.enqueue_indirect_dma source(%dma_start3A_111 : memref<10240x128xf32, #tpu.memory_space<hbm>>) target(%arg10 : memref<128x128xf32, #tpu.memory_space<vmem>>) offsets(%dma_start3A_108 : memref<128xi32, #tpu.memory_space<vmem>>) semaphore(%arg13 : memref<!tpu.dma_semaphore, #tpu.memory_space<semaphore_mem>>)
    }
    %scan3A_56 = arith.constant 20 : i32
    %dma_wait3A_57 = arith.constant 39 : i32
    %dma_wait3A_58 = arith.constant 0 : i32
    %dma_wait3A_59 = tpu.memref_slice %arg7[%dma_wait3A_57, %dma_wait3A_58] : memref<40x128xi32, #tpu.memory_space<vmem>> -> memref<1x128xi32, #tpu.memory_space<vmem>>
    %dma_wait3A_60 = tpu.memref_squeeze %dma_wait3A_59 : memref<1x128xi32, #tpu.memory_space<vmem>> -> memref<128xi32, #tpu.memory_space<vmem>>
    %dma_wait3A_61 = arith.constant 0 : i32
    %dma_wait3A_62 = arith.constant 0 : i32
    %dma_wait3A_63 = tpu.memref_slice %arg2[%dma_wait3A_61, %dma_wait3A_62] : memref<10240x128xf32, #tpu.memory_space<hbm>> -> memref<10240x128xf32, #tpu.memory_space<hbm>>
    tpu.wait_indirect_dma semaphore(%arg12 : memref<!tpu.dma_semaphore, #tpu.memory_space<semaphore_mem>>) src(%dma_wait3A_63 : memref<10240x128xf32, #tpu.memory_space<hbm>>) dst(%arg9 : memref<128x128xf32, #tpu.memory_space<vmem>>)
    %dma_wait3A_64 = arith.constant 39 : i32
    %dma_wait3A_65 = arith.constant 0 : i32
    %dma_wait3A_66 = tpu.memref_slice %arg7[%dma_wait3A_64, %dma_wait3A_65] : memref<40x128xi32, #tpu.memory_space<vmem>> -> memref<1x128xi32, #tpu.memory_space<vmem>>
    %dma_wait3A_67 = tpu.memref_squeeze %dma_wait3A_66 : memref<1x128xi32, #tpu.memory_space<vmem>> -> memref<128xi32, #tpu.memory_space<vmem>>
    %dma_wait3A_68 = arith.constant 0 : i32
    %dma_wait3A_69 = arith.constant 0 : i32
    %dma_wait3A_70 = tpu.memref_slice %arg2[%dma_wait3A_68, %dma_wait3A_69] : memref<10240x128xf32, #tpu.memory_space<hbm>> -> memref<10240x128xf32, #tpu.memory_space<hbm>>
    tpu.wait_indirect_dma semaphore(%arg13 : memref<!tpu.dma_semaphore, #tpu.memory_space<semaphore_mem>>) src(%dma_wait3A_70 : memref<10240x128xf32, #tpu.memory_space<hbm>>) dst(%arg10 : memref<128x128xf32, #tpu.memory_space<vmem>>)
    %barrier3A_71 = arith.constant 0 : index
    tpu.barrier barrier_id(%barrier3A_71)
    %mul3A_72 = arith.constant 640 : i32
    %mul3A_73 = arith.muli %arg1, %mul3A_72 : i32
    %mul3A_74 = arith.constant 640 : i32
    %mul3A_75 = arith.muli %arg1, %mul3A_74 : i32
    "tpu.region"() ({
      %run_scoped3A_76 = tpu.sem_alloc : memref<!tpu.dma_semaphore, #tpu.memory_space<semaphore_mem>>
      %dma_start3A_77 = arith.constant 0 : i32
      %dma_start3A_78 = tpu.memref_slice %arg6[%arg0, %mul3A_75, %dma_start3A_77] : memref<2x10240x128xf32, #tpu.memory_space<hbm>> -> memref<1x640x128xf32, #tpu.memory_space<hbm>>
      %dma_start3A_79 = tpu.memref_squeeze %dma_start3A_78 : memref<1x640x128xf32, #tpu.memory_space<hbm>> -> memref<640x128xf32, #tpu.memory_space<hbm>>
      %dma_start3A_80 = arith.constant 0 : i32
      %dma_start3A_81 = tpu.memref_slice %arg11[%mul3A_73, %dma_start3A_80] : memref<10240x128xf32, #tpu.memory_space<vmem_shared>> -> memref<640x128xf32, #tpu.memory_space<vmem_shared>>
      tpu.enqueue_dma source(%dma_start3A_81 : memref<640x128xf32, #tpu.memory_space<vmem_shared>>) target(%dma_start3A_79 : memref<640x128xf32, #tpu.memory_space<hbm>>) target_semaphore(%run_scoped3A_76 : memref<!tpu.dma_semaphore, #tpu.memory_space<semaphore_mem>>)
      %dma_wait3A_82 = arith.constant 0 : i32
      %dma_wait3A_83 = tpu.memref_slice %arg6[%arg0, %mul3A_75, %dma_wait3A_82] : memref<2x10240x128xf32, #tpu.memory_space<hbm>> -> memref<1x640x128xf32, #tpu.memory_space<hbm>>
      %dma_wait3A_84 = tpu.memref_squeeze %dma_wait3A_83 : memref<1x640x128xf32, #tpu.memory_space<hbm>> -> memref<640x128xf32, #tpu.memory_space<hbm>>
      %dma_wait3A_85 = arith.constant 0 : i32
      %dma_wait3A_86 = tpu.memref_slice %arg11[%mul3A_73, %dma_wait3A_85] : memref<10240x128xf32, #tpu.memory_space<vmem_shared>> -> memref<640x128xf32, #tpu.memory_space<vmem_shared>>
      tpu.wait_dma2 semaphore(%run_scoped3A_76 : memref<!tpu.dma_semaphore, #tpu.memory_space<semaphore_mem>>) src(%dma_wait3A_86 : memref<640x128xf32, #tpu.memory_space<vmem_shared>>) dst(%dma_wait3A_84 : memref<640x128xf32, #tpu.memory_space<hbm>>)
      tpu.yield
    }) : () -> ()
    return
  }
}

#map = affine_map<(d0, d1) -> (0, 0, 0, 0)>
#map1 = affine_map<(d0, d1) -> (0, 0)>
#map2 = affine_map<(d0, d1) -> (0, 0, 0)>
module attributes {stable_mosaic.version = 14 : i64} {
  func.func @_deg_sc(%arg0: i32, %arg1: i32, %arg2: memref<32x2x40x128xi32, #tpu.memory_space<hbm>>, %arg3: memref<128x128xf32, #tpu.memory_space<hbm>>, %arg4: memref<640x128xf32, #tpu.memory_space<hbm>>, %arg5: memref<2x10240x128xf32, #tpu.memory_space<hbm>>, %arg6: memref<40x128xi32, #tpu.memory_space<vmem>>, %arg7: memref<128x128xf32, #tpu.memory_space<vmem>>, %arg8: memref<10240x128xf32, #tpu.memory_space<vmem_shared>>) attributes {dimension_semantics = [#tpu.dimension_semantics<core_parallel>, #tpu.dimension_semantics<subcore_parallel>], iteration_bounds = array<i64: 2, 16>, scalar_prefetch = 0 : i64, scratch_operands = 3 : i64, tpu.core_type = #tpu.core_type<sc_vector_subcore>, window_params = [{transform_indices = #map}, {transform_indices = #map1}, {transform_indices = #map1}, {transform_indices = #map2}]} {
    %mul3A = arith.constant 16 : i32
    %mul3A_0 = arith.muli %arg0, %mul3A : i32
    %add3A = arith.addi %mul3A_0, %arg1 : i32
    "tpu.region"() ({
      %run_scoped3A_20 = tpu.sem_alloc : memref<!tpu.dma_semaphore, #tpu.memory_space<semaphore_mem>>
      tpu.enqueue_dma source(%arg3 : memref<128x128xf32, #tpu.memory_space<hbm>>) target(%arg7 : memref<128x128xf32, #tpu.memory_space<vmem>>) target_semaphore(%run_scoped3A_20 : memref<!tpu.dma_semaphore, #tpu.memory_space<semaphore_mem>>)
      tpu.wait_dma2 semaphore(%run_scoped3A_20 : memref<!tpu.dma_semaphore, #tpu.memory_space<semaphore_mem>>) src(%arg3 : memref<128x128xf32, #tpu.memory_space<hbm>>) dst(%arg7 : memref<128x128xf32, #tpu.memory_space<vmem>>)
      tpu.yield
    }) : () -> ()
    %mul3A_1 = arith.constant 640 : i32
    %mul3A_2 = arith.muli %arg1, %mul3A_1 : i32
    "tpu.region"() ({
      %run_scoped3A_20 = tpu.sem_alloc : memref<!tpu.dma_semaphore, #tpu.memory_space<semaphore_mem>>
      %dma_start3A = arith.constant 0 : i32
      %dma_start3A_21 = tpu.memref_slice %arg8[%mul3A_2, %dma_start3A] : memref<10240x128xf32, #tpu.memory_space<vmem_shared>> -> memref<640x128xf32, #tpu.memory_space<vmem_shared>>
      tpu.enqueue_dma source(%arg4 : memref<640x128xf32, #tpu.memory_space<hbm>>) target(%dma_start3A_21 : memref<640x128xf32, #tpu.memory_space<vmem_shared>>) target_semaphore(%run_scoped3A_20 : memref<!tpu.dma_semaphore, #tpu.memory_space<semaphore_mem>>)
      %dma_wait3A = arith.constant 0 : i32
      %dma_wait3A_22 = tpu.memref_slice %arg8[%mul3A_2, %dma_wait3A] : memref<10240x128xf32, #tpu.memory_space<vmem_shared>> -> memref<640x128xf32, #tpu.memory_space<vmem_shared>>
      tpu.wait_dma2 semaphore(%run_scoped3A_20 : memref<!tpu.dma_semaphore, #tpu.memory_space<semaphore_mem>>) src(%arg4 : memref<640x128xf32, #tpu.memory_space<hbm>>) dst(%dma_wait3A_22 : memref<640x128xf32, #tpu.memory_space<vmem_shared>>)
      tpu.yield
    }) : () -> ()
    %barrier3A = arith.constant 0 : index
    tpu.barrier barrier_id(%barrier3A)
    %run_scoped3A = arith.constant 0 : i32
    "tpu.region"() ({
      %run_scoped3A_20 = tpu.sem_alloc : memref<!tpu.dma_semaphore, #tpu.memory_space<semaphore_mem>>
      %dma_start3A = arith.constant 0 : i32
      %dma_start3A_21 = arith.constant 0 : i32
      %dma_start3A_22 = tpu.memref_slice %arg2[%add3A, %run_scoped3A, %dma_start3A, %dma_start3A_21] : memref<32x2x40x128xi32, #tpu.memory_space<hbm>> -> memref<1x1x40x128xi32, #tpu.memory_space<hbm>>
      %dma_start3A_23 = tpu.memref_squeeze %dma_start3A_22 : memref<1x1x40x128xi32, #tpu.memory_space<hbm>> -> memref<40x128xi32, #tpu.memory_space<hbm>>
      %dma_start3A_24 = arith.constant 0 : i32
      %dma_start3A_25 = arith.constant 0 : i32
      %dma_start3A_26 = tpu.memref_slice %arg2[%add3A, %run_scoped3A, %dma_start3A_24, %dma_start3A_25] : memref<32x2x40x128xi32, #tpu.memory_space<hbm>> -> memref<1x1x40x128xi32, #tpu.memory_space<hbm>>
      %dma_start3A_27 = tpu.memref_squeeze %dma_start3A_26 : memref<1x1x40x128xi32, #tpu.memory_space<hbm>> -> memref<40x128xi32, #tpu.memory_space<hbm>>
      tpu.enqueue_dma source(%dma_start3A_27 : memref<40x128xi32, #tpu.memory_space<hbm>>) target(%arg6 : memref<40x128xi32, #tpu.memory_space<vmem>>) target_semaphore(%run_scoped3A_20 : memref<!tpu.dma_semaphore, #tpu.memory_space<semaphore_mem>>)
      %dma_wait3A = arith.constant 0 : i32
      %dma_wait3A_28 = arith.constant 0 : i32
      %dma_wait3A_29 = tpu.memref_slice %arg2[%add3A, %run_scoped3A, %dma_wait3A, %dma_wait3A_28] : memref<32x2x40x128xi32, #tpu.memory_space<hbm>> -> memref<1x1x40x128xi32, #tpu.memory_space<hbm>>
      %dma_wait3A_30 = tpu.memref_squeeze %dma_wait3A_29 : memref<1x1x40x128xi32, #tpu.memory_space<hbm>> -> memref<40x128xi32, #tpu.memory_space<hbm>>
      %dma_wait3A_31 = arith.constant 0 : i32
      %dma_wait3A_32 = arith.constant 0 : i32
      %dma_wait3A_33 = tpu.memref_slice %arg2[%add3A, %run_scoped3A, %dma_wait3A_31, %dma_wait3A_32] : memref<32x2x40x128xi32, #tpu.memory_space<hbm>> -> memref<1x1x40x128xi32, #tpu.memory_space<hbm>>
      %dma_wait3A_34 = tpu.memref_squeeze %dma_wait3A_33 : memref<1x1x40x128xi32, #tpu.memory_space<hbm>> -> memref<40x128xi32, #tpu.memory_space<hbm>>
      tpu.wait_dma2 semaphore(%run_scoped3A_20 : memref<!tpu.dma_semaphore, #tpu.memory_space<semaphore_mem>>) src(%dma_wait3A_34 : memref<40x128xi32, #tpu.memory_space<hbm>>) dst(%arg6 : memref<40x128xi32, #tpu.memory_space<vmem>>)
      tpu.yield
    }) : () -> ()
    %scan3A = arith.constant 0 : i32
    %scan3A_3 = arith.constant 0 : i32
    %scan3A_4 = arith.constant 40 : i32
    %scan3A_5 = arith.addi %scan3A_3, %scan3A_4 : i32
    %scan3A_6 = arith.constant 1 : i32
    scf.for %scan3A_20 = %scan3A_3 to %scan3A_5 step %scan3A_6  : i32 {
      "tpu.region"() ({
        %run_scoped3A_21 = tpu.sem_alloc : memref<!tpu.dma_semaphore, #tpu.memory_space<semaphore_mem>>
        %dma_start3A = arith.constant 0 : i32
        %dma_start3A_22 = tpu.memref_slice %arg6[%scan3A_20, %dma_start3A] : memref<40x128xi32, #tpu.memory_space<vmem>> -> memref<1x128xi32, #tpu.memory_space<vmem>>
        %dma_start3A_23 = tpu.memref_squeeze %dma_start3A_22 : memref<1x128xi32, #tpu.memory_space<vmem>> -> memref<128xi32, #tpu.memory_space<vmem>>
        %dma_start3A_24 = arith.constant 0 : i32
        %dma_start3A_25 = arith.constant 0 : i32
        %dma_start3A_26 = tpu.memref_slice %arg8[%dma_start3A_24, %dma_start3A_25] : memref<10240x128xf32, #tpu.memory_space<vmem_shared>> -> memref<10240x128xf32, #tpu.memory_space<vmem_shared>>
        tpu.enqueue_indirect_dma source(%arg7 : memref<128x128xf32, #tpu.memory_space<vmem>>) target(%dma_start3A_26 : memref<10240x128xf32, #tpu.memory_space<vmem_shared>>) offsets(%dma_start3A_23 : memref<128xi32, #tpu.memory_space<vmem>>) semaphore(%run_scoped3A_21 : memref<!tpu.dma_semaphore, #tpu.memory_space<semaphore_mem>>) {add = true}
        %dma_wait3A = arith.constant 0 : i32
        %dma_wait3A_27 = tpu.memref_slice %arg6[%scan3A_20, %dma_wait3A] : memref<40x128xi32, #tpu.memory_space<vmem>> -> memref<1x128xi32, #tpu.memory_space<vmem>>
        %dma_wait3A_28 = tpu.memref_squeeze %dma_wait3A_27 : memref<1x128xi32, #tpu.memory_space<vmem>> -> memref<128xi32, #tpu.memory_space<vmem>>
        %dma_wait3A_29 = arith.constant 0 : i32
        %dma_wait3A_30 = arith.constant 0 : i32
        %dma_wait3A_31 = tpu.memref_slice %arg8[%dma_wait3A_29, %dma_wait3A_30] : memref<10240x128xf32, #tpu.memory_space<vmem_shared>> -> memref<10240x128xf32, #tpu.memory_space<vmem_shared>>
        tpu.wait_indirect_dma semaphore(%run_scoped3A_21 : memref<!tpu.dma_semaphore, #tpu.memory_space<semaphore_mem>>) src(%arg7 : memref<128x128xf32, #tpu.memory_space<vmem>>) dst(%dma_wait3A_31 : memref<10240x128xf32, #tpu.memory_space<vmem_shared>>)
        tpu.yield
      }) : () -> ()
    }
    %scan3A_7 = arith.constant 40 : i32
    %run_scoped3A_8 = arith.constant 1 : i32
    "tpu.region"() ({
      %run_scoped3A_20 = tpu.sem_alloc : memref<!tpu.dma_semaphore, #tpu.memory_space<semaphore_mem>>
      %dma_start3A = arith.constant 0 : i32
      %dma_start3A_21 = arith.constant 0 : i32
      %dma_start3A_22 = tpu.memref_slice %arg2[%add3A, %run_scoped3A_8, %dma_start3A, %dma_start3A_21] : memref<32x2x40x128xi32, #tpu.memory_space<hbm>> -> memref<1x1x40x128xi32, #tpu.memory_space<hbm>>
      %dma_start3A_23 = tpu.memref_squeeze %dma_start3A_22 : memref<1x1x40x128xi32, #tpu.memory_space<hbm>> -> memref<40x128xi32, #tpu.memory_space<hbm>>
      %dma_start3A_24 = arith.constant 0 : i32
      %dma_start3A_25 = arith.constant 0 : i32
      %dma_start3A_26 = tpu.memref_slice %arg2[%add3A, %run_scoped3A_8, %dma_start3A_24, %dma_start3A_25] : memref<32x2x40x128xi32, #tpu.memory_space<hbm>> -> memref<1x1x40x128xi32, #tpu.memory_space<hbm>>
      %dma_start3A_27 = tpu.memref_squeeze %dma_start3A_26 : memref<1x1x40x128xi32, #tpu.memory_space<hbm>> -> memref<40x128xi32, #tpu.memory_space<hbm>>
      tpu.enqueue_dma source(%dma_start3A_27 : memref<40x128xi32, #tpu.memory_space<hbm>>) target(%arg6 : memref<40x128xi32, #tpu.memory_space<vmem>>) target_semaphore(%run_scoped3A_20 : memref<!tpu.dma_semaphore, #tpu.memory_space<semaphore_mem>>)
      %dma_wait3A = arith.constant 0 : i32
      %dma_wait3A_28 = arith.constant 0 : i32
      %dma_wait3A_29 = tpu.memref_slice %arg2[%add3A, %run_scoped3A_8, %dma_wait3A, %dma_wait3A_28] : memref<32x2x40x128xi32, #tpu.memory_space<hbm>> -> memref<1x1x40x128xi32, #tpu.memory_space<hbm>>
      %dma_wait3A_30 = tpu.memref_squeeze %dma_wait3A_29 : memref<1x1x40x128xi32, #tpu.memory_space<hbm>> -> memref<40x128xi32, #tpu.memory_space<hbm>>
      %dma_wait3A_31 = arith.constant 0 : i32
      %dma_wait3A_32 = arith.constant 0 : i32
      %dma_wait3A_33 = tpu.memref_slice %arg2[%add3A, %run_scoped3A_8, %dma_wait3A_31, %dma_wait3A_32] : memref<32x2x40x128xi32, #tpu.memory_space<hbm>> -> memref<1x1x40x128xi32, #tpu.memory_space<hbm>>
      %dma_wait3A_34 = tpu.memref_squeeze %dma_wait3A_33 : memref<1x1x40x128xi32, #tpu.memory_space<hbm>> -> memref<40x128xi32, #tpu.memory_space<hbm>>
      tpu.wait_dma2 semaphore(%run_scoped3A_20 : memref<!tpu.dma_semaphore, #tpu.memory_space<semaphore_mem>>) src(%dma_wait3A_34 : memref<40x128xi32, #tpu.memory_space<hbm>>) dst(%arg6 : memref<40x128xi32, #tpu.memory_space<vmem>>)
      tpu.yield
    }) : () -> ()
    %scan3A_9 = arith.constant 0 : i32
    %scan3A_10 = arith.constant 0 : i32
    %scan3A_11 = arith.constant 40 : i32
    %scan3A_12 = arith.addi %scan3A_10, %scan3A_11 : i32
    %scan3A_13 = arith.constant 1 : i32
    scf.for %scan3A_20 = %scan3A_10 to %scan3A_12 step %scan3A_13  : i32 {
      "tpu.region"() ({
        %run_scoped3A_21 = tpu.sem_alloc : memref<!tpu.dma_semaphore, #tpu.memory_space<semaphore_mem>>
        %dma_start3A = arith.constant 0 : i32
        %dma_start3A_22 = tpu.memref_slice %arg6[%scan3A_20, %dma_start3A] : memref<40x128xi32, #tpu.memory_space<vmem>> -> memref<1x128xi32, #tpu.memory_space<vmem>>
        %dma_start3A_23 = tpu.memref_squeeze %dma_start3A_22 : memref<1x128xi32, #tpu.memory_space<vmem>> -> memref<128xi32, #tpu.memory_space<vmem>>
        %dma_start3A_24 = arith.constant 0 : i32
        %dma_start3A_25 = arith.constant 0 : i32
        %dma_start3A_26 = tpu.memref_slice %arg8[%dma_start3A_24, %dma_start3A_25] : memref<10240x128xf32, #tpu.memory_space<vmem_shared>> -> memref<10240x128xf32, #tpu.memory_space<vmem_shared>>
        tpu.enqueue_indirect_dma source(%arg7 : memref<128x128xf32, #tpu.memory_space<vmem>>) target(%dma_start3A_26 : memref<10240x128xf32, #tpu.memory_space<vmem_shared>>) offsets(%dma_start3A_23 : memref<128xi32, #tpu.memory_space<vmem>>) semaphore(%run_scoped3A_21 : memref<!tpu.dma_semaphore, #tpu.memory_space<semaphore_mem>>) {add = true}
        %dma_wait3A = arith.constant 0 : i32
        %dma_wait3A_27 = tpu.memref_slice %arg6[%scan3A_20, %dma_wait3A] : memref<40x128xi32, #tpu.memory_space<vmem>> -> memref<1x128xi32, #tpu.memory_space<vmem>>
        %dma_wait3A_28 = tpu.memref_squeeze %dma_wait3A_27 : memref<1x128xi32, #tpu.memory_space<vmem>> -> memref<128xi32, #tpu.memory_space<vmem>>
        %dma_wait3A_29 = arith.constant 0 : i32
        %dma_wait3A_30 = arith.constant 0 : i32
        %dma_wait3A_31 = tpu.memref_slice %arg8[%dma_wait3A_29, %dma_wait3A_30] : memref<10240x128xf32, #tpu.memory_space<vmem_shared>> -> memref<10240x128xf32, #tpu.memory_space<vmem_shared>>
        tpu.wait_indirect_dma semaphore(%run_scoped3A_21 : memref<!tpu.dma_semaphore, #tpu.memory_space<semaphore_mem>>) src(%arg7 : memref<128x128xf32, #tpu.memory_space<vmem>>) dst(%dma_wait3A_31 : memref<10240x128xf32, #tpu.memory_space<vmem_shared>>)
        tpu.yield
      }) : () -> ()
    }
    %scan3A_14 = arith.constant 40 : i32
    %barrier3A_15 = arith.constant 0 : index
    tpu.barrier barrier_id(%barrier3A_15)
    %mul3A_16 = arith.constant 640 : i32
    %mul3A_17 = arith.muli %arg1, %mul3A_16 : i32
    %mul3A_18 = arith.constant 640 : i32
    %mul3A_19 = arith.muli %arg1, %mul3A_18 : i32
    "tpu.region"() ({
      %run_scoped3A_20 = tpu.sem_alloc : memref<!tpu.dma_semaphore, #tpu.memory_space<semaphore_mem>>
      %dma_start3A = arith.constant 0 : i32
      %dma_start3A_21 = tpu.memref_slice %arg5[%arg0, %mul3A_19, %dma_start3A] : memref<2x10240x128xf32, #tpu.memory_space<hbm>> -> memref<1x640x128xf32, #tpu.memory_space<hbm>>
      %dma_start3A_22 = tpu.memref_squeeze %dma_start3A_21 : memref<1x640x128xf32, #tpu.memory_space<hbm>> -> memref<640x128xf32, #tpu.memory_space<hbm>>
      %dma_start3A_23 = arith.constant 0 : i32
      %dma_start3A_24 = tpu.memref_slice %arg8[%mul3A_17, %dma_start3A_23] : memref<10240x128xf32, #tpu.memory_space<vmem_shared>> -> memref<640x128xf32, #tpu.memory_space<vmem_shared>>
      tpu.enqueue_dma source(%dma_start3A_24 : memref<640x128xf32, #tpu.memory_space<vmem_shared>>) target(%dma_start3A_22 : memref<640x128xf32, #tpu.memory_space<hbm>>) target_semaphore(%run_scoped3A_20 : memref<!tpu.dma_semaphore, #tpu.memory_space<semaphore_mem>>)
      %dma_wait3A = arith.constant 0 : i32
      %dma_wait3A_25 = tpu.memref_slice %arg5[%arg0, %mul3A_19, %dma_wait3A] : memref<2x10240x128xf32, #tpu.memory_space<hbm>> -> memref<1x640x128xf32, #tpu.memory_space<hbm>>
      %dma_wait3A_26 = tpu.memref_squeeze %dma_wait3A_25 : memref<1x640x128xf32, #tpu.memory_space<hbm>> -> memref<640x128xf32, #tpu.memory_space<hbm>>
      %dma_wait3A_27 = arith.constant 0 : i32
      %dma_wait3A_28 = tpu.memref_slice %arg8[%mul3A_17, %dma_wait3A_27] : memref<10240x128xf32, #tpu.memory_space<vmem_shared>> -> memref<640x128xf32, #tpu.memory_space<vmem_shared>>
      tpu.wait_dma2 semaphore(%run_scoped3A_20 : memref<!tpu.dma_semaphore, #tpu.memory_space<semaphore_mem>>) src(%dma_wait3A_28 : memref<640x128xf32, #tpu.memory_space<vmem_shared>>) dst(%dma_wait3A_26 : memref<640x128xf32, #tpu.memory_space<hbm>>)
      tpu.yield
    }) : () -> ()
    return
  }
}

#map = affine_map<(d0, d1) -> (0, 0)>
#map1 = affine_map<(d0, d1) -> (0, 0, 0, 0)>
#map2 = affine_map<(d0, d1) -> (0, 0, 0)>
module attributes {stable_mosaic.version = 14 : i64} {
  func.func @_spmm_sc(%arg0: i32, %arg1: i32, %arg2: memref<10240x128xf32, #tpu.memory_space<hbm>>, %arg3: memref<32x2x40x128xi32, #tpu.memory_space<hbm>>, %arg4: memref<32x2x40x128xi32, #tpu.memory_space<hbm>>, %arg5: memref<640x128xf32, #tpu.memory_space<hbm>>, %arg6: memref<2x10240x128xf32, #tpu.memory_space<hbm>>, %arg7: memref<40x128xi32, #tpu.memory_space<vmem>>, %arg8: memref<40x128xi32, #tpu.memory_space<vmem>>, %arg9: memref<128x128xf32, #tpu.memory_space<vmem>>, %arg10: memref<128x128xf32, #tpu.memory_space<vmem>>, %arg11: memref<10240x128xf32, #tpu.memory_space<vmem_shared>>, %arg12: memref<!tpu.dma_semaphore, #tpu.memory_space<semaphore_mem>>, %arg13: memref<!tpu.dma_semaphore, #tpu.memory_space<semaphore_mem>>) attributes {dimension_semantics = [#tpu.dimension_semantics<core_parallel>, #tpu.dimension_semantics<subcore_parallel>], iteration_bounds = array<i64: 2, 16>, scalar_prefetch = 0 : i64, scratch_operands = 7 : i64, tpu.core_type = #tpu.core_type<sc_vector_subcore>, window_params = [{transform_indices = #map}, {transform_indices = #map1}, {transform_indices = #map1}, {transform_indices = #map}, {transform_indices = #map2}]} {
    %mul3A = arith.constant 16 : i32
    %mul3A_0 = arith.muli %arg0, %mul3A : i32
    %add3A = arith.addi %mul3A_0, %arg1 : i32
    %mul3A_1 = arith.constant 640 : i32
    %mul3A_2 = arith.muli %arg1, %mul3A_1 : i32
    "tpu.region"() ({
      %run_scoped3A_76 = tpu.sem_alloc : memref<!tpu.dma_semaphore, #tpu.memory_space<semaphore_mem>>
      %dma_start3A_77 = arith.constant 0 : i32
      %dma_start3A_78 = tpu.memref_slice %arg11[%mul3A_2, %dma_start3A_77] : memref<10240x128xf32, #tpu.memory_space<vmem_shared>> -> memref<640x128xf32, #tpu.memory_space<vmem_shared>>
      tpu.enqueue_dma source(%arg5 : memref<640x128xf32, #tpu.memory_space<hbm>>) target(%dma_start3A_78 : memref<640x128xf32, #tpu.memory_space<vmem_shared>>) target_semaphore(%run_scoped3A_76 : memref<!tpu.dma_semaphore, #tpu.memory_space<semaphore_mem>>)
      %dma_wait3A_79 = arith.constant 0 : i32
      %dma_wait3A_80 = tpu.memref_slice %arg11[%mul3A_2, %dma_wait3A_79] : memref<10240x128xf32, #tpu.memory_space<vmem_shared>> -> memref<640x128xf32, #tpu.memory_space<vmem_shared>>
      tpu.wait_dma2 semaphore(%run_scoped3A_76 : memref<!tpu.dma_semaphore, #tpu.memory_space<semaphore_mem>>) src(%arg5 : memref<640x128xf32, #tpu.memory_space<hbm>>) dst(%dma_wait3A_80 : memref<640x128xf32, #tpu.memory_space<vmem_shared>>)
      tpu.yield
    }) : () -> ()
    %barrier3A = arith.constant 0 : index
    tpu.barrier barrier_id(%barrier3A)
    %run_scoped3A = arith.constant 0 : i32
    "tpu.region"() ({
      %run_scoped3A_76 = tpu.sem_alloc : memref<!tpu.dma_semaphore, #tpu.memory_space<semaphore_mem>>
      %dma_start3A_77 = arith.constant 0 : i32
      %dma_start3A_78 = arith.constant 0 : i32
      %dma_start3A_79 = tpu.memref_slice %arg3[%add3A, %run_scoped3A, %dma_start3A_77, %dma_start3A_78] : memref<32x2x40x128xi32, #tpu.memory_space<hbm>> -> memref<1x1x40x128xi32, #tpu.memory_space<hbm>>
      %dma_start3A_80 = tpu.memref_squeeze %dma_start3A_79 : memref<1x1x40x128xi32, #tpu.memory_space<hbm>> -> memref<40x128xi32, #tpu.memory_space<hbm>>
      %dma_start3A_81 = arith.constant 0 : i32
      %dma_start3A_82 = arith.constant 0 : i32
      %dma_start3A_83 = tpu.memref_slice %arg3[%add3A, %run_scoped3A, %dma_start3A_81, %dma_start3A_82] : memref<32x2x40x128xi32, #tpu.memory_space<hbm>> -> memref<1x1x40x128xi32, #tpu.memory_space<hbm>>
      %dma_start3A_84 = tpu.memref_squeeze %dma_start3A_83 : memref<1x1x40x128xi32, #tpu.memory_space<hbm>> -> memref<40x128xi32, #tpu.memory_space<hbm>>
      tpu.enqueue_dma source(%dma_start3A_84 : memref<40x128xi32, #tpu.memory_space<hbm>>) target(%arg7 : memref<40x128xi32, #tpu.memory_space<vmem>>) target_semaphore(%run_scoped3A_76 : memref<!tpu.dma_semaphore, #tpu.memory_space<semaphore_mem>>)
      %dma_wait3A_85 = arith.constant 0 : i32
      %dma_wait3A_86 = arith.constant 0 : i32
      %dma_wait3A_87 = tpu.memref_slice %arg3[%add3A, %run_scoped3A, %dma_wait3A_85, %dma_wait3A_86] : memref<32x2x40x128xi32, #tpu.memory_space<hbm>> -> memref<1x1x40x128xi32, #tpu.memory_space<hbm>>
      %dma_wait3A_88 = tpu.memref_squeeze %dma_wait3A_87 : memref<1x1x40x128xi32, #tpu.memory_space<hbm>> -> memref<40x128xi32, #tpu.memory_space<hbm>>
      %dma_wait3A_89 = arith.constant 0 : i32
      %dma_wait3A_90 = arith.constant 0 : i32
      %dma_wait3A_91 = tpu.memref_slice %arg3[%add3A, %run_scoped3A, %dma_wait3A_89, %dma_wait3A_90] : memref<32x2x40x128xi32, #tpu.memory_space<hbm>> -> memref<1x1x40x128xi32, #tpu.memory_space<hbm>>
      %dma_wait3A_92 = tpu.memref_squeeze %dma_wait3A_91 : memref<1x1x40x128xi32, #tpu.memory_space<hbm>> -> memref<40x128xi32, #tpu.memory_space<hbm>>
      tpu.wait_dma2 semaphore(%run_scoped3A_76 : memref<!tpu.dma_semaphore, #tpu.memory_space<semaphore_mem>>) src(%dma_wait3A_92 : memref<40x128xi32, #tpu.memory_space<hbm>>) dst(%arg7 : memref<40x128xi32, #tpu.memory_space<vmem>>)
      tpu.yield
    }) : () -> ()
    %run_scoped3A_3 = arith.constant 0 : i32
    "tpu.region"() ({
      %run_scoped3A_76 = tpu.sem_alloc : memref<!tpu.dma_semaphore, #tpu.memory_space<semaphore_mem>>
      %dma_start3A_77 = arith.constant 0 : i32
      %dma_start3A_78 = arith.constant 0 : i32
      %dma_start3A_79 = tpu.memref_slice %arg4[%add3A, %run_scoped3A_3, %dma_start3A_77, %dma_start3A_78] : memref<32x2x40x128xi32, #tpu.memory_space<hbm>> -> memref<1x1x40x128xi32, #tpu.memory_space<hbm>>
      %dma_start3A_80 = tpu.memref_squeeze %dma_start3A_79 : memref<1x1x40x128xi32, #tpu.memory_space<hbm>> -> memref<40x128xi32, #tpu.memory_space<hbm>>
      %dma_start3A_81 = arith.constant 0 : i32
      %dma_start3A_82 = arith.constant 0 : i32
      %dma_start3A_83 = tpu.memref_slice %arg4[%add3A, %run_scoped3A_3, %dma_start3A_81, %dma_start3A_82] : memref<32x2x40x128xi32, #tpu.memory_space<hbm>> -> memref<1x1x40x128xi32, #tpu.memory_space<hbm>>
      %dma_start3A_84 = tpu.memref_squeeze %dma_start3A_83 : memref<1x1x40x128xi32, #tpu.memory_space<hbm>> -> memref<40x128xi32, #tpu.memory_space<hbm>>
      tpu.enqueue_dma source(%dma_start3A_84 : memref<40x128xi32, #tpu.memory_space<hbm>>) target(%arg8 : memref<40x128xi32, #tpu.memory_space<vmem>>) target_semaphore(%run_scoped3A_76 : memref<!tpu.dma_semaphore, #tpu.memory_space<semaphore_mem>>)
      %dma_wait3A_85 = arith.constant 0 : i32
      %dma_wait3A_86 = arith.constant 0 : i32
      %dma_wait3A_87 = tpu.memref_slice %arg4[%add3A, %run_scoped3A_3, %dma_wait3A_85, %dma_wait3A_86] : memref<32x2x40x128xi32, #tpu.memory_space<hbm>> -> memref<1x1x40x128xi32, #tpu.memory_space<hbm>>
      %dma_wait3A_88 = tpu.memref_squeeze %dma_wait3A_87 : memref<1x1x40x128xi32, #tpu.memory_space<hbm>> -> memref<40x128xi32, #tpu.memory_space<hbm>>
      %dma_wait3A_89 = arith.constant 0 : i32
      %dma_wait3A_90 = arith.constant 0 : i32
      %dma_wait3A_91 = tpu.memref_slice %arg4[%add3A, %run_scoped3A_3, %dma_wait3A_89, %dma_wait3A_90] : memref<32x2x40x128xi32, #tpu.memory_space<hbm>> -> memref<1x1x40x128xi32, #tpu.memory_space<hbm>>
      %dma_wait3A_92 = tpu.memref_squeeze %dma_wait3A_91 : memref<1x1x40x128xi32, #tpu.memory_space<hbm>> -> memref<40x128xi32, #tpu.memory_space<hbm>>
      tpu.wait_dma2 semaphore(%run_scoped3A_76 : memref<!tpu.dma_semaphore, #tpu.memory_space<semaphore_mem>>) src(%dma_wait3A_92 : memref<40x128xi32, #tpu.memory_space<hbm>>) dst(%arg8 : memref<40x128xi32, #tpu.memory_space<vmem>>)
      tpu.yield
    }) : () -> ()
    %dma_start3A = arith.constant 0 : i32
    %dma_start3A_4 = arith.constant 0 : i32
    %dma_start3A_5 = tpu.memref_slice %arg7[%dma_start3A, %dma_start3A_4] : memref<40x128xi32, #tpu.memory_space<vmem>> -> memref<1x128xi32, #tpu.memory_space<vmem>>
    %dma_start3A_6 = tpu.memref_squeeze %dma_start3A_5 : memref<1x128xi32, #tpu.memory_space<vmem>> -> memref<128xi32, #tpu.memory_space<vmem>>
    %dma_start3A_7 = arith.constant 0 : i32
    %dma_start3A_8 = arith.constant 0 : i32
    %dma_start3A_9 = tpu.memref_slice %arg2[%dma_start3A_7, %dma_start3A_8] : memref<10240x128xf32, #tpu.memory_space<hbm>> -> memref<10240x128xf32, #tpu.memory_space<hbm>>
    tpu.enqueue_indirect_dma source(%dma_start3A_9 : memref<10240x128xf32, #tpu.memory_space<hbm>>) target(%arg9 : memref<128x128xf32, #tpu.memory_space<vmem>>) offsets(%dma_start3A_6 : memref<128xi32, #tpu.memory_space<vmem>>) semaphore(%arg12 : memref<!tpu.dma_semaphore, #tpu.memory_space<semaphore_mem>>)
    %dma_start3A_10 = arith.constant 1 : i32
    %dma_start3A_11 = arith.constant 0 : i32
    %dma_start3A_12 = tpu.memref_slice %arg7[%dma_start3A_10, %dma_start3A_11] : memref<40x128xi32, #tpu.memory_space<vmem>> -> memref<1x128xi32, #tpu.memory_space<vmem>>
    %dma_start3A_13 = tpu.memref_squeeze %dma_start3A_12 : memref<1x128xi32, #tpu.memory_space<vmem>> -> memref<128xi32, #tpu.memory_space<vmem>>
    %dma_start3A_14 = arith.constant 0 : i32
    %dma_start3A_15 = arith.constant 0 : i32
    %dma_start3A_16 = tpu.memref_slice %arg2[%dma_start3A_14, %dma_start3A_15] : memref<10240x128xf32, #tpu.memory_space<hbm>> -> memref<10240x128xf32, #tpu.memory_space<hbm>>
    tpu.enqueue_indirect_dma source(%dma_start3A_16 : memref<10240x128xf32, #tpu.memory_space<hbm>>) target(%arg10 : memref<128x128xf32, #tpu.memory_space<vmem>>) offsets(%dma_start3A_13 : memref<128xi32, #tpu.memory_space<vmem>>) semaphore(%arg13 : memref<!tpu.dma_semaphore, #tpu.memory_space<semaphore_mem>>)
    %scan3A = arith.constant 0 : i32
    %scan3A_17 = arith.constant 0 : i32
    %scan3A_18 = arith.constant 20 : i32
    %scan3A_19 = arith.addi %scan3A_17, %scan3A_18 : i32
    %scan3A_20 = arith.constant 1 : i32
    scf.for %scan3A_76 = %scan3A_17 to %scan3A_19 step %scan3A_20  : i32 {
      %mul3A_77 = arith.constant 2 : i32
      %mul3A_78 = arith.muli %scan3A_76, %mul3A_77 : i32
      %add3A_79 = arith.constant 1 : i32
      %add3A_80 = arith.addi %mul3A_78, %add3A_79 : i32
      %dma_wait3A_81 = arith.constant 0 : i32
      %dma_wait3A_82 = tpu.memref_slice %arg7[%mul3A_78, %dma_wait3A_81] : memref<40x128xi32, #tpu.memory_space<vmem>> -> memref<1x128xi32, #tpu.memory_space<vmem>>
      %dma_wait3A_83 = tpu.memref_squeeze %dma_wait3A_82 : memref<1x128xi32, #tpu.memory_space<vmem>> -> memref<128xi32, #tpu.memory_space<vmem>>
      %dma_wait3A_84 = arith.constant 0 : i32
      %dma_wait3A_85 = arith.constant 0 : i32
      %dma_wait3A_86 = tpu.memref_slice %arg2[%dma_wait3A_84, %dma_wait3A_85] : memref<10240x128xf32, #tpu.memory_space<hbm>> -> memref<10240x128xf32, #tpu.memory_space<hbm>>
      tpu.wait_indirect_dma semaphore(%arg12 : memref<!tpu.dma_semaphore, #tpu.memory_space<semaphore_mem>>) src(%dma_wait3A_86 : memref<10240x128xf32, #tpu.memory_space<hbm>>) dst(%arg9 : memref<128x128xf32, #tpu.memory_space<vmem>>)
      "tpu.region"() ({
        %run_scoped3A_112 = tpu.sem_alloc : memref<!tpu.dma_semaphore, #tpu.memory_space<semaphore_mem>>
        %dma_start3A_113 = arith.constant 0 : i32
        %dma_start3A_114 = tpu.memref_slice %arg8[%mul3A_78, %dma_start3A_113] : memref<40x128xi32, #tpu.memory_space<vmem>> -> memref<1x128xi32, #tpu.memory_space<vmem>>
        %dma_start3A_115 = tpu.memref_squeeze %dma_start3A_114 : memref<1x128xi32, #tpu.memory_space<vmem>> -> memref<128xi32, #tpu.memory_space<vmem>>
        %dma_start3A_116 = arith.constant 0 : i32
        %dma_start3A_117 = arith.constant 0 : i32
        %dma_start3A_118 = tpu.memref_slice %arg11[%dma_start3A_116, %dma_start3A_117] : memref<10240x128xf32, #tpu.memory_space<vmem_shared>> -> memref<10240x128xf32, #tpu.memory_space<vmem_shared>>
        tpu.enqueue_indirect_dma source(%arg9 : memref<128x128xf32, #tpu.memory_space<vmem>>) target(%dma_start3A_118 : memref<10240x128xf32, #tpu.memory_space<vmem_shared>>) offsets(%dma_start3A_115 : memref<128xi32, #tpu.memory_space<vmem>>) semaphore(%run_scoped3A_112 : memref<!tpu.dma_semaphore, #tpu.memory_space<semaphore_mem>>) {add = true}
        %dma_wait3A_119 = arith.constant 0 : i32
        %dma_wait3A_120 = tpu.memref_slice %arg8[%mul3A_78, %dma_wait3A_119] : memref<40x128xi32, #tpu.memory_space<vmem>> -> memref<1x128xi32, #tpu.memory_space<vmem>>
        %dma_wait3A_121 = tpu.memref_squeeze %dma_wait3A_120 : memref<1x128xi32, #tpu.memory_space<vmem>> -> memref<128xi32, #tpu.memory_space<vmem>>
        %dma_wait3A_122 = arith.constant 0 : i32
        %dma_wait3A_123 = arith.constant 0 : i32
        %dma_wait3A_124 = tpu.memref_slice %arg11[%dma_wait3A_122, %dma_wait3A_123] : memref<10240x128xf32, #tpu.memory_space<vmem_shared>> -> memref<10240x128xf32, #tpu.memory_space<vmem_shared>>
        tpu.wait_indirect_dma semaphore(%run_scoped3A_112 : memref<!tpu.dma_semaphore, #tpu.memory_space<semaphore_mem>>) src(%arg9 : memref<128x128xf32, #tpu.memory_space<vmem>>) dst(%dma_wait3A_124 : memref<10240x128xf32, #tpu.memory_space<vmem_shared>>)
        tpu.yield
      }) : () -> ()
      %add3A_87 = arith.constant 2 : i32
      %add3A_88 = arith.addi %mul3A_78, %add3A_87 : i32
      %min3A = arith.constant 39 : i32
      %min3A_89 = arith.minsi %add3A_88, %min3A : i32
      %dma_start3A_90 = arith.constant 0 : i32
      %dma_start3A_91 = tpu.memref_slice %arg7[%min3A_89, %dma_start3A_90] : memref<40x128xi32, #tpu.memory_space<vmem>> -> memref<1x128xi32, #tpu.memory_space<vmem>>
      %dma_start3A_92 = tpu.memref_squeeze %dma_start3A_91 : memref<1x128xi32, #tpu.memory_space<vmem>> -> memref<128xi32, #tpu.memory_space<vmem>>
      %dma_start3A_93 = arith.constant 0 : i32
      %dma_start3A_94 = arith.constant 0 : i32
      %dma_start3A_95 = tpu.memref_slice %arg2[%dma_start3A_93, %dma_start3A_94] : memref<10240x128xf32, #tpu.memory_space<hbm>> -> memref<10240x128xf32, #tpu.memory_space<hbm>>
      tpu.enqueue_indirect_dma source(%dma_start3A_95 : memref<10240x128xf32, #tpu.memory_space<hbm>>) target(%arg9 : memref<128x128xf32, #tpu.memory_space<vmem>>) offsets(%dma_start3A_92 : memref<128xi32, #tpu.memory_space<vmem>>) semaphore(%arg12 : memref<!tpu.dma_semaphore, #tpu.memory_space<semaphore_mem>>)
      %dma_wait3A_96 = arith.constant 0 : i32
      %dma_wait3A_97 = tpu.memref_slice %arg7[%add3A_80, %dma_wait3A_96] : memref<40x128xi32, #tpu.memory_space<vmem>> -> memref<1x128xi32, #tpu.memory_space<vmem>>
      %dma_wait3A_98 = tpu.memref_squeeze %dma_wait3A_97 : memref<1x128xi32, #tpu.memory_space<vmem>> -> memref<128xi32, #tpu.memory_space<vmem>>
      %dma_wait3A_99 = arith.constant 0 : i32
      %dma_wait3A_100 = arith.constant 0 : i32
      %dma_wait3A_101 = tpu.memref_slice %arg2[%dma_wait3A_99, %dma_wait3A_100] : memref<10240x128xf32, #tpu.memory_space<hbm>> -> memref<10240x128xf32, #tpu.memory_space<hbm>>
      tpu.wait_indirect_dma semaphore(%arg13 : memref<!tpu.dma_semaphore, #tpu.memory_space<semaphore_mem>>) src(%dma_wait3A_101 : memref<10240x128xf32, #tpu.memory_space<hbm>>) dst(%arg10 : memref<128x128xf32, #tpu.memory_space<vmem>>)
      "tpu.region"() ({
        %run_scoped3A_112 = tpu.sem_alloc : memref<!tpu.dma_semaphore, #tpu.memory_space<semaphore_mem>>
        %dma_start3A_113 = arith.constant 0 : i32
        %dma_start3A_114 = tpu.memref_slice %arg8[%add3A_80, %dma_start3A_113] : memref<40x128xi32, #tpu.memory_space<vmem>> -> memref<1x128xi32, #tpu.memory_space<vmem>>
        %dma_start3A_115 = tpu.memref_squeeze %dma_start3A_114 : memref<1x128xi32, #tpu.memory_space<vmem>> -> memref<128xi32, #tpu.memory_space<vmem>>
        %dma_start3A_116 = arith.constant 0 : i32
        %dma_start3A_117 = arith.constant 0 : i32
        %dma_start3A_118 = tpu.memref_slice %arg11[%dma_start3A_116, %dma_start3A_117] : memref<10240x128xf32, #tpu.memory_space<vmem_shared>> -> memref<10240x128xf32, #tpu.memory_space<vmem_shared>>
        tpu.enqueue_indirect_dma source(%arg10 : memref<128x128xf32, #tpu.memory_space<vmem>>) target(%dma_start3A_118 : memref<10240x128xf32, #tpu.memory_space<vmem_shared>>) offsets(%dma_start3A_115 : memref<128xi32, #tpu.memory_space<vmem>>) semaphore(%run_scoped3A_112 : memref<!tpu.dma_semaphore, #tpu.memory_space<semaphore_mem>>) {add = true}
        %dma_wait3A_119 = arith.constant 0 : i32
        %dma_wait3A_120 = tpu.memref_slice %arg8[%add3A_80, %dma_wait3A_119] : memref<40x128xi32, #tpu.memory_space<vmem>> -> memref<1x128xi32, #tpu.memory_space<vmem>>
        %dma_wait3A_121 = tpu.memref_squeeze %dma_wait3A_120 : memref<1x128xi32, #tpu.memory_space<vmem>> -> memref<128xi32, #tpu.memory_space<vmem>>
        %dma_wait3A_122 = arith.constant 0 : i32
        %dma_wait3A_123 = arith.constant 0 : i32
        %dma_wait3A_124 = tpu.memref_slice %arg11[%dma_wait3A_122, %dma_wait3A_123] : memref<10240x128xf32, #tpu.memory_space<vmem_shared>> -> memref<10240x128xf32, #tpu.memory_space<vmem_shared>>
        tpu.wait_indirect_dma semaphore(%run_scoped3A_112 : memref<!tpu.dma_semaphore, #tpu.memory_space<semaphore_mem>>) src(%arg10 : memref<128x128xf32, #tpu.memory_space<vmem>>) dst(%dma_wait3A_124 : memref<10240x128xf32, #tpu.memory_space<vmem_shared>>)
        tpu.yield
      }) : () -> ()
      %add3A_102 = arith.constant 2 : i32
      %add3A_103 = arith.addi %add3A_80, %add3A_102 : i32
      %min3A_104 = arith.constant 39 : i32
      %min3A_105 = arith.minsi %add3A_103, %min3A_104 : i32
      %dma_start3A_106 = arith.constant 0 : i32
      %dma_start3A_107 = tpu.memref_slice %arg7[%min3A_105, %dma_start3A_106] : memref<40x128xi32, #tpu.memory_space<vmem>> -> memref<1x128xi32, #tpu.memory_space<vmem>>
      %dma_start3A_108 = tpu.memref_squeeze %dma_start3A_107 : memref<1x128xi32, #tpu.memory_space<vmem>> -> memref<128xi32, #tpu.memory_space<vmem>>
      %dma_start3A_109 = arith.constant 0 : i32
      %dma_start3A_110 = arith.constant 0 : i32
      %dma_start3A_111 = tpu.memref_slice %arg2[%dma_start3A_109, %dma_start3A_110] : memref<10240x128xf32, #tpu.memory_space<hbm>> -> memref<10240x128xf32, #tpu.memory_space<hbm>>
      tpu.enqueue_indirect_dma source(%dma_start3A_111 : memref<10240x128xf32, #tpu.memory_space<hbm>>) target(%arg10 : memref<128x128xf32, #tpu.memory_space<vmem>>) offsets(%dma_start3A_108 : memref<128xi32, #tpu.memory_space<vmem>>) semaphore(%arg13 : memref<!tpu.dma_semaphore, #tpu.memory_space<semaphore_mem>>)
    }
    %scan3A_21 = arith.constant 20 : i32
    %dma_wait3A = arith.constant 39 : i32
    %dma_wait3A_22 = arith.constant 0 : i32
    %dma_wait3A_23 = tpu.memref_slice %arg7[%dma_wait3A, %dma_wait3A_22] : memref<40x128xi32, #tpu.memory_space<vmem>> -> memref<1x128xi32, #tpu.memory_space<vmem>>
    %dma_wait3A_24 = tpu.memref_squeeze %dma_wait3A_23 : memref<1x128xi32, #tpu.memory_space<vmem>> -> memref<128xi32, #tpu.memory_space<vmem>>
    %dma_wait3A_25 = arith.constant 0 : i32
    %dma_wait3A_26 = arith.constant 0 : i32
    %dma_wait3A_27 = tpu.memref_slice %arg2[%dma_wait3A_25, %dma_wait3A_26] : memref<10240x128xf32, #tpu.memory_space<hbm>> -> memref<10240x128xf32, #tpu.memory_space<hbm>>
    tpu.wait_indirect_dma semaphore(%arg12 : memref<!tpu.dma_semaphore, #tpu.memory_space<semaphore_mem>>) src(%dma_wait3A_27 : memref<10240x128xf32, #tpu.memory_space<hbm>>) dst(%arg9 : memref<128x128xf32, #tpu.memory_space<vmem>>)
    %dma_wait3A_28 = arith.constant 39 : i32
    %dma_wait3A_29 = arith.constant 0 : i32
    %dma_wait3A_30 = tpu.memref_slice %arg7[%dma_wait3A_28, %dma_wait3A_29] : memref<40x128xi32, #tpu.memory_space<vmem>> -> memref<1x128xi32, #tpu.memory_space<vmem>>
    %dma_wait3A_31 = tpu.memref_squeeze %dma_wait3A_30 : memref<1x128xi32, #tpu.memory_space<vmem>> -> memref<128xi32, #tpu.memory_space<vmem>>
    %dma_wait3A_32 = arith.constant 0 : i32
    %dma_wait3A_33 = arith.constant 0 : i32
    %dma_wait3A_34 = tpu.memref_slice %arg2[%dma_wait3A_32, %dma_wait3A_33] : memref<10240x128xf32, #tpu.memory_space<hbm>> -> memref<10240x128xf32, #tpu.memory_space<hbm>>
    tpu.wait_indirect_dma semaphore(%arg13 : memref<!tpu.dma_semaphore, #tpu.memory_space<semaphore_mem>>) src(%dma_wait3A_34 : memref<10240x128xf32, #tpu.memory_space<hbm>>) dst(%arg10 : memref<128x128xf32, #tpu.memory_space<vmem>>)
    %run_scoped3A_35 = arith.constant 1 : i32
    "tpu.region"() ({
      %run_scoped3A_76 = tpu.sem_alloc : memref<!tpu.dma_semaphore, #tpu.memory_space<semaphore_mem>>
      %dma_start3A_77 = arith.constant 0 : i32
      %dma_start3A_78 = arith.constant 0 : i32
      %dma_start3A_79 = tpu.memref_slice %arg3[%add3A, %run_scoped3A_35, %dma_start3A_77, %dma_start3A_78] : memref<32x2x40x128xi32, #tpu.memory_space<hbm>> -> memref<1x1x40x128xi32, #tpu.memory_space<hbm>>
      %dma_start3A_80 = tpu.memref_squeeze %dma_start3A_79 : memref<1x1x40x128xi32, #tpu.memory_space<hbm>> -> memref<40x128xi32, #tpu.memory_space<hbm>>
      %dma_start3A_81 = arith.constant 0 : i32
      %dma_start3A_82 = arith.constant 0 : i32
      %dma_start3A_83 = tpu.memref_slice %arg3[%add3A, %run_scoped3A_35, %dma_start3A_81, %dma_start3A_82] : memref<32x2x40x128xi32, #tpu.memory_space<hbm>> -> memref<1x1x40x128xi32, #tpu.memory_space<hbm>>
      %dma_start3A_84 = tpu.memref_squeeze %dma_start3A_83 : memref<1x1x40x128xi32, #tpu.memory_space<hbm>> -> memref<40x128xi32, #tpu.memory_space<hbm>>
      tpu.enqueue_dma source(%dma_start3A_84 : memref<40x128xi32, #tpu.memory_space<hbm>>) target(%arg7 : memref<40x128xi32, #tpu.memory_space<vmem>>) target_semaphore(%run_scoped3A_76 : memref<!tpu.dma_semaphore, #tpu.memory_space<semaphore_mem>>)
      %dma_wait3A_85 = arith.constant 0 : i32
      %dma_wait3A_86 = arith.constant 0 : i32
      %dma_wait3A_87 = tpu.memref_slice %arg3[%add3A, %run_scoped3A_35, %dma_wait3A_85, %dma_wait3A_86] : memref<32x2x40x128xi32, #tpu.memory_space<hbm>> -> memref<1x1x40x128xi32, #tpu.memory_space<hbm>>
      %dma_wait3A_88 = tpu.memref_squeeze %dma_wait3A_87 : memref<1x1x40x128xi32, #tpu.memory_space<hbm>> -> memref<40x128xi32, #tpu.memory_space<hbm>>
      %dma_wait3A_89 = arith.constant 0 : i32
      %dma_wait3A_90 = arith.constant 0 : i32
      %dma_wait3A_91 = tpu.memref_slice %arg3[%add3A, %run_scoped3A_35, %dma_wait3A_89, %dma_wait3A_90] : memref<32x2x40x128xi32, #tpu.memory_space<hbm>> -> memref<1x1x40x128xi32, #tpu.memory_space<hbm>>
      %dma_wait3A_92 = tpu.memref_squeeze %dma_wait3A_91 : memref<1x1x40x128xi32, #tpu.memory_space<hbm>> -> memref<40x128xi32, #tpu.memory_space<hbm>>
      tpu.wait_dma2 semaphore(%run_scoped3A_76 : memref<!tpu.dma_semaphore, #tpu.memory_space<semaphore_mem>>) src(%dma_wait3A_92 : memref<40x128xi32, #tpu.memory_space<hbm>>) dst(%arg7 : memref<40x128xi32, #tpu.memory_space<vmem>>)
      tpu.yield
    }) : () -> ()
    %run_scoped3A_36 = arith.constant 1 : i32
    "tpu.region"() ({
      %run_scoped3A_76 = tpu.sem_alloc : memref<!tpu.dma_semaphore, #tpu.memory_space<semaphore_mem>>
      %dma_start3A_77 = arith.constant 0 : i32
      %dma_start3A_78 = arith.constant 0 : i32
      %dma_start3A_79 = tpu.memref_slice %arg4[%add3A, %run_scoped3A_36, %dma_start3A_77, %dma_start3A_78] : memref<32x2x40x128xi32, #tpu.memory_space<hbm>> -> memref<1x1x40x128xi32, #tpu.memory_space<hbm>>
      %dma_start3A_80 = tpu.memref_squeeze %dma_start3A_79 : memref<1x1x40x128xi32, #tpu.memory_space<hbm>> -> memref<40x128xi32, #tpu.memory_space<hbm>>
      %dma_start3A_81 = arith.constant 0 : i32
      %dma_start3A_82 = arith.constant 0 : i32
      %dma_start3A_83 = tpu.memref_slice %arg4[%add3A, %run_scoped3A_36, %dma_start3A_81, %dma_start3A_82] : memref<32x2x40x128xi32, #tpu.memory_space<hbm>> -> memref<1x1x40x128xi32, #tpu.memory_space<hbm>>
      %dma_start3A_84 = tpu.memref_squeeze %dma_start3A_83 : memref<1x1x40x128xi32, #tpu.memory_space<hbm>> -> memref<40x128xi32, #tpu.memory_space<hbm>>
      tpu.enqueue_dma source(%dma_start3A_84 : memref<40x128xi32, #tpu.memory_space<hbm>>) target(%arg8 : memref<40x128xi32, #tpu.memory_space<vmem>>) target_semaphore(%run_scoped3A_76 : memref<!tpu.dma_semaphore, #tpu.memory_space<semaphore_mem>>)
      %dma_wait3A_85 = arith.constant 0 : i32
      %dma_wait3A_86 = arith.constant 0 : i32
      %dma_wait3A_87 = tpu.memref_slice %arg4[%add3A, %run_scoped3A_36, %dma_wait3A_85, %dma_wait3A_86] : memref<32x2x40x128xi32, #tpu.memory_space<hbm>> -> memref<1x1x40x128xi32, #tpu.memory_space<hbm>>
      %dma_wait3A_88 = tpu.memref_squeeze %dma_wait3A_87 : memref<1x1x40x128xi32, #tpu.memory_space<hbm>> -> memref<40x128xi32, #tpu.memory_space<hbm>>
      %dma_wait3A_89 = arith.constant 0 : i32
      %dma_wait3A_90 = arith.constant 0 : i32
      %dma_wait3A_91 = tpu.memref_slice %arg4[%add3A, %run_scoped3A_36, %dma_wait3A_89, %dma_wait3A_90] : memref<32x2x40x128xi32, #tpu.memory_space<hbm>> -> memref<1x1x40x128xi32, #tpu.memory_space<hbm>>
      %dma_wait3A_92 = tpu.memref_squeeze %dma_wait3A_91 : memref<1x1x40x128xi32, #tpu.memory_space<hbm>> -> memref<40x128xi32, #tpu.memory_space<hbm>>
      tpu.wait_dma2 semaphore(%run_scoped3A_76 : memref<!tpu.dma_semaphore, #tpu.memory_space<semaphore_mem>>) src(%dma_wait3A_92 : memref<40x128xi32, #tpu.memory_space<hbm>>) dst(%arg8 : memref<40x128xi32, #tpu.memory_space<vmem>>)
      tpu.yield
    }) : () -> ()
    %dma_start3A_37 = arith.constant 0 : i32
    %dma_start3A_38 = arith.constant 0 : i32
    %dma_start3A_39 = tpu.memref_slice %arg7[%dma_start3A_37, %dma_start3A_38] : memref<40x128xi32, #tpu.memory_space<vmem>> -> memref<1x128xi32, #tpu.memory_space<vmem>>
    %dma_start3A_40 = tpu.memref_squeeze %dma_start3A_39 : memref<1x128xi32, #tpu.memory_space<vmem>> -> memref<128xi32, #tpu.memory_space<vmem>>
    %dma_start3A_41 = arith.constant 0 : i32
    %dma_start3A_42 = arith.constant 0 : i32
    %dma_start3A_43 = tpu.memref_slice %arg2[%dma_start3A_41, %dma_start3A_42] : memref<10240x128xf32, #tpu.memory_space<hbm>> -> memref<10240x128xf32, #tpu.memory_space<hbm>>
    tpu.enqueue_indirect_dma source(%dma_start3A_43 : memref<10240x128xf32, #tpu.memory_space<hbm>>) target(%arg9 : memref<128x128xf32, #tpu.memory_space<vmem>>) offsets(%dma_start3A_40 : memref<128xi32, #tpu.memory_space<vmem>>) semaphore(%arg12 : memref<!tpu.dma_semaphore, #tpu.memory_space<semaphore_mem>>)
    %dma_start3A_44 = arith.constant 1 : i32
    %dma_start3A_45 = arith.constant 0 : i32
    %dma_start3A_46 = tpu.memref_slice %arg7[%dma_start3A_44, %dma_start3A_45] : memref<40x128xi32, #tpu.memory_space<vmem>> -> memref<1x128xi32, #tpu.memory_space<vmem>>
    %dma_start3A_47 = tpu.memref_squeeze %dma_start3A_46 : memref<1x128xi32, #tpu.memory_space<vmem>> -> memref<128xi32, #tpu.memory_space<vmem>>
    %dma_start3A_48 = arith.constant 0 : i32
    %dma_start3A_49 = arith.constant 0 : i32
    %dma_start3A_50 = tpu.memref_slice %arg2[%dma_start3A_48, %dma_start3A_49] : memref<10240x128xf32, #tpu.memory_space<hbm>> -> memref<10240x128xf32, #tpu.memory_space<hbm>>
    tpu.enqueue_indirect_dma source(%dma_start3A_50 : memref<10240x128xf32, #tpu.memory_space<hbm>>) target(%arg10 : memref<128x128xf32, #tpu.memory_space<vmem>>) offsets(%dma_start3A_47 : memref<128xi32, #tpu.memory_space<vmem>>) semaphore(%arg13 : memref<!tpu.dma_semaphore, #tpu.memory_space<semaphore_mem>>)
    %scan3A_51 = arith.constant 0 : i32
    %scan3A_52 = arith.constant 0 : i32
    %scan3A_53 = arith.constant 20 : i32
    %scan3A_54 = arith.addi %scan3A_52, %scan3A_53 : i32
    %scan3A_55 = arith.constant 1 : i32
    scf.for %scan3A_76 = %scan3A_52 to %scan3A_54 step %scan3A_55  : i32 {
      %mul3A_77 = arith.constant 2 : i32
      %mul3A_78 = arith.muli %scan3A_76, %mul3A_77 : i32
      %add3A_79 = arith.constant 1 : i32
      %add3A_80 = arith.addi %mul3A_78, %add3A_79 : i32
      %dma_wait3A_81 = arith.constant 0 : i32
      %dma_wait3A_82 = tpu.memref_slice %arg7[%mul3A_78, %dma_wait3A_81] : memref<40x128xi32, #tpu.memory_space<vmem>> -> memref<1x128xi32, #tpu.memory_space<vmem>>
      %dma_wait3A_83 = tpu.memref_squeeze %dma_wait3A_82 : memref<1x128xi32, #tpu.memory_space<vmem>> -> memref<128xi32, #tpu.memory_space<vmem>>
      %dma_wait3A_84 = arith.constant 0 : i32
      %dma_wait3A_85 = arith.constant 0 : i32
      %dma_wait3A_86 = tpu.memref_slice %arg2[%dma_wait3A_84, %dma_wait3A_85] : memref<10240x128xf32, #tpu.memory_space<hbm>> -> memref<10240x128xf32, #tpu.memory_space<hbm>>
      tpu.wait_indirect_dma semaphore(%arg12 : memref<!tpu.dma_semaphore, #tpu.memory_space<semaphore_mem>>) src(%dma_wait3A_86 : memref<10240x128xf32, #tpu.memory_space<hbm>>) dst(%arg9 : memref<128x128xf32, #tpu.memory_space<vmem>>)
      "tpu.region"() ({
        %run_scoped3A_112 = tpu.sem_alloc : memref<!tpu.dma_semaphore, #tpu.memory_space<semaphore_mem>>
        %dma_start3A_113 = arith.constant 0 : i32
        %dma_start3A_114 = tpu.memref_slice %arg8[%mul3A_78, %dma_start3A_113] : memref<40x128xi32, #tpu.memory_space<vmem>> -> memref<1x128xi32, #tpu.memory_space<vmem>>
        %dma_start3A_115 = tpu.memref_squeeze %dma_start3A_114 : memref<1x128xi32, #tpu.memory_space<vmem>> -> memref<128xi32, #tpu.memory_space<vmem>>
        %dma_start3A_116 = arith.constant 0 : i32
        %dma_start3A_117 = arith.constant 0 : i32
        %dma_start3A_118 = tpu.memref_slice %arg11[%dma_start3A_116, %dma_start3A_117] : memref<10240x128xf32, #tpu.memory_space<vmem_shared>> -> memref<10240x128xf32, #tpu.memory_space<vmem_shared>>
        tpu.enqueue_indirect_dma source(%arg9 : memref<128x128xf32, #tpu.memory_space<vmem>>) target(%dma_start3A_118 : memref<10240x128xf32, #tpu.memory_space<vmem_shared>>) offsets(%dma_start3A_115 : memref<128xi32, #tpu.memory_space<vmem>>) semaphore(%run_scoped3A_112 : memref<!tpu.dma_semaphore, #tpu.memory_space<semaphore_mem>>) {add = true}
        %dma_wait3A_119 = arith.constant 0 : i32
        %dma_wait3A_120 = tpu.memref_slice %arg8[%mul3A_78, %dma_wait3A_119] : memref<40x128xi32, #tpu.memory_space<vmem>> -> memref<1x128xi32, #tpu.memory_space<vmem>>
        %dma_wait3A_121 = tpu.memref_squeeze %dma_wait3A_120 : memref<1x128xi32, #tpu.memory_space<vmem>> -> memref<128xi32, #tpu.memory_space<vmem>>
        %dma_wait3A_122 = arith.constant 0 : i32
        %dma_wait3A_123 = arith.constant 0 : i32
        %dma_wait3A_124 = tpu.memref_slice %arg11[%dma_wait3A_122, %dma_wait3A_123] : memref<10240x128xf32, #tpu.memory_space<vmem_shared>> -> memref<10240x128xf32, #tpu.memory_space<vmem_shared>>
        tpu.wait_indirect_dma semaphore(%run_scoped3A_112 : memref<!tpu.dma_semaphore, #tpu.memory_space<semaphore_mem>>) src(%arg9 : memref<128x128xf32, #tpu.memory_space<vmem>>) dst(%dma_wait3A_124 : memref<10240x128xf32, #tpu.memory_space<vmem_shared>>)
        tpu.yield
      }) : () -> ()
      %add3A_87 = arith.constant 2 : i32
      %add3A_88 = arith.addi %mul3A_78, %add3A_87 : i32
      %min3A = arith.constant 39 : i32
      %min3A_89 = arith.minsi %add3A_88, %min3A : i32
      %dma_start3A_90 = arith.constant 0 : i32
      %dma_start3A_91 = tpu.memref_slice %arg7[%min3A_89, %dma_start3A_90] : memref<40x128xi32, #tpu.memory_space<vmem>> -> memref<1x128xi32, #tpu.memory_space<vmem>>
      %dma_start3A_92 = tpu.memref_squeeze %dma_start3A_91 : memref<1x128xi32, #tpu.memory_space<vmem>> -> memref<128xi32, #tpu.memory_space<vmem>>
      %dma_start3A_93 = arith.constant 0 : i32
      %dma_start3A_94 = arith.constant 0 : i32
      %dma_start3A_95 = tpu.memref_slice %arg2[%dma_start3A_93, %dma_start3A_94] : memref<10240x128xf32, #tpu.memory_space<hbm>> -> memref<10240x128xf32, #tpu.memory_space<hbm>>
      tpu.enqueue_indirect_dma source(%dma_start3A_95 : memref<10240x128xf32, #tpu.memory_space<hbm>>) target(%arg9 : memref<128x128xf32, #tpu.memory_space<vmem>>) offsets(%dma_start3A_92 : memref<128xi32, #tpu.memory_space<vmem>>) semaphore(%arg12 : memref<!tpu.dma_semaphore, #tpu.memory_space<semaphore_mem>>)
      %dma_wait3A_96 = arith.constant 0 : i32
      %dma_wait3A_97 = tpu.memref_slice %arg7[%add3A_80, %dma_wait3A_96] : memref<40x128xi32, #tpu.memory_space<vmem>> -> memref<1x128xi32, #tpu.memory_space<vmem>>
      %dma_wait3A_98 = tpu.memref_squeeze %dma_wait3A_97 : memref<1x128xi32, #tpu.memory_space<vmem>> -> memref<128xi32, #tpu.memory_space<vmem>>
      %dma_wait3A_99 = arith.constant 0 : i32
      %dma_wait3A_100 = arith.constant 0 : i32
      %dma_wait3A_101 = tpu.memref_slice %arg2[%dma_wait3A_99, %dma_wait3A_100] : memref<10240x128xf32, #tpu.memory_space<hbm>> -> memref<10240x128xf32, #tpu.memory_space<hbm>>
      tpu.wait_indirect_dma semaphore(%arg13 : memref<!tpu.dma_semaphore, #tpu.memory_space<semaphore_mem>>) src(%dma_wait3A_101 : memref<10240x128xf32, #tpu.memory_space<hbm>>) dst(%arg10 : memref<128x128xf32, #tpu.memory_space<vmem>>)
      "tpu.region"() ({
        %run_scoped3A_112 = tpu.sem_alloc : memref<!tpu.dma_semaphore, #tpu.memory_space<semaphore_mem>>
        %dma_start3A_113 = arith.constant 0 : i32
        %dma_start3A_114 = tpu.memref_slice %arg8[%add3A_80, %dma_start3A_113] : memref<40x128xi32, #tpu.memory_space<vmem>> -> memref<1x128xi32, #tpu.memory_space<vmem>>
        %dma_start3A_115 = tpu.memref_squeeze %dma_start3A_114 : memref<1x128xi32, #tpu.memory_space<vmem>> -> memref<128xi32, #tpu.memory_space<vmem>>
        %dma_start3A_116 = arith.constant 0 : i32
        %dma_start3A_117 = arith.constant 0 : i32
        %dma_start3A_118 = tpu.memref_slice %arg11[%dma_start3A_116, %dma_start3A_117] : memref<10240x128xf32, #tpu.memory_space<vmem_shared>> -> memref<10240x128xf32, #tpu.memory_space<vmem_shared>>
        tpu.enqueue_indirect_dma source(%arg10 : memref<128x128xf32, #tpu.memory_space<vmem>>) target(%dma_start3A_118 : memref<10240x128xf32, #tpu.memory_space<vmem_shared>>) offsets(%dma_start3A_115 : memref<128xi32, #tpu.memory_space<vmem>>) semaphore(%run_scoped3A_112 : memref<!tpu.dma_semaphore, #tpu.memory_space<semaphore_mem>>) {add = true}
        %dma_wait3A_119 = arith.constant 0 : i32
        %dma_wait3A_120 = tpu.memref_slice %arg8[%add3A_80, %dma_wait3A_119] : memref<40x128xi32, #tpu.memory_space<vmem>> -> memref<1x128xi32, #tpu.memory_space<vmem>>
        %dma_wait3A_121 = tpu.memref_squeeze %dma_wait3A_120 : memref<1x128xi32, #tpu.memory_space<vmem>> -> memref<128xi32, #tpu.memory_space<vmem>>
        %dma_wait3A_122 = arith.constant 0 : i32
        %dma_wait3A_123 = arith.constant 0 : i32
        %dma_wait3A_124 = tpu.memref_slice %arg11[%dma_wait3A_122, %dma_wait3A_123] : memref<10240x128xf32, #tpu.memory_space<vmem_shared>> -> memref<10240x128xf32, #tpu.memory_space<vmem_shared>>
        tpu.wait_indirect_dma semaphore(%run_scoped3A_112 : memref<!tpu.dma_semaphore, #tpu.memory_space<semaphore_mem>>) src(%arg10 : memref<128x128xf32, #tpu.memory_space<vmem>>) dst(%dma_wait3A_124 : memref<10240x128xf32, #tpu.memory_space<vmem_shared>>)
        tpu.yield
      }) : () -> ()
      %add3A_102 = arith.constant 2 : i32
      %add3A_103 = arith.addi %add3A_80, %add3A_102 : i32
      %min3A_104 = arith.constant 39 : i32
      %min3A_105 = arith.minsi %add3A_103, %min3A_104 : i32
      %dma_start3A_106 = arith.constant 0 : i32
      %dma_start3A_107 = tpu.memref_slice %arg7[%min3A_105, %dma_start3A_106] : memref<40x128xi32, #tpu.memory_space<vmem>> -> memref<1x128xi32, #tpu.memory_space<vmem>>
      %dma_start3A_108 = tpu.memref_squeeze %dma_start3A_107 : memref<1x128xi32, #tpu.memory_space<vmem>> -> memref<128xi32, #tpu.memory_space<vmem>>
      %dma_start3A_109 = arith.constant 0 : i32
      %dma_start3A_110 = arith.constant 0 : i32
      %dma_start3A_111 = tpu.memref_slice %arg2[%dma_start3A_109, %dma_start3A_110] : memref<10240x128xf32, #tpu.memory_space<hbm>> -> memref<10240x128xf32, #tpu.memory_space<hbm>>
      tpu.enqueue_indirect_dma source(%dma_start3A_111 : memref<10240x128xf32, #tpu.memory_space<hbm>>) target(%arg10 : memref<128x128xf32, #tpu.memory_space<vmem>>) offsets(%dma_start3A_108 : memref<128xi32, #tpu.memory_space<vmem>>) semaphore(%arg13 : memref<!tpu.dma_semaphore, #tpu.memory_space<semaphore_mem>>)
    }
    %scan3A_56 = arith.constant 20 : i32
    %dma_wait3A_57 = arith.constant 39 : i32
    %dma_wait3A_58 = arith.constant 0 : i32
    %dma_wait3A_59 = tpu.memref_slice %arg7[%dma_wait3A_57, %dma_wait3A_58] : memref<40x128xi32, #tpu.memory_space<vmem>> -> memref<1x128xi32, #tpu.memory_space<vmem>>
    %dma_wait3A_60 = tpu.memref_squeeze %dma_wait3A_59 : memref<1x128xi32, #tpu.memory_space<vmem>> -> memref<128xi32, #tpu.memory_space<vmem>>
    %dma_wait3A_61 = arith.constant 0 : i32
    %dma_wait3A_62 = arith.constant 0 : i32
    %dma_wait3A_63 = tpu.memref_slice %arg2[%dma_wait3A_61, %dma_wait3A_62] : memref<10240x128xf32, #tpu.memory_space<hbm>> -> memref<10240x128xf32, #tpu.memory_space<hbm>>
    tpu.wait_indirect_dma semaphore(%arg12 : memref<!tpu.dma_semaphore, #tpu.memory_space<semaphore_mem>>) src(%dma_wait3A_63 : memref<10240x128xf32, #tpu.memory_space<hbm>>) dst(%arg9 : memref<128x128xf32, #tpu.memory_space<vmem>>)
    %dma_wait3A_64 = arith.constant 39 : i32
    %dma_wait3A_65 = arith.constant 0 : i32
    %dma_wait3A_66 = tpu.memref_slice %arg7[%dma_wait3A_64, %dma_wait3A_65] : memref<40x128xi32, #tpu.memory_space<vmem>> -> memref<1x128xi32, #tpu.memory_space<vmem>>
    %dma_wait3A_67 = tpu.memref_squeeze %dma_wait3A_66 : memref<1x128xi32, #tpu.memory_space<vmem>> -> memref<128xi32, #tpu.memory_space<vmem>>
    %dma_wait3A_68 = arith.constant 0 : i32
    %dma_wait3A_69 = arith.constant 0 : i32
    %dma_wait3A_70 = tpu.memref_slice %arg2[%dma_wait3A_68, %dma_wait3A_69] : memref<10240x128xf32, #tpu.memory_space<hbm>> -> memref<10240x128xf32, #tpu.memory_space<hbm>>
    tpu.wait_indirect_dma semaphore(%arg13 : memref<!tpu.dma_semaphore, #tpu.memory_space<semaphore_mem>>) src(%dma_wait3A_70 : memref<10240x128xf32, #tpu.memory_space<hbm>>) dst(%arg10 : memref<128x128xf32, #tpu.memory_space<vmem>>)
    %barrier3A_71 = arith.constant 0 : index
    tpu.barrier barrier_id(%barrier3A_71)
    %mul3A_72 = arith.constant 640 : i32
    %mul3A_73 = arith.muli %arg1, %mul3A_72 : i32
    %mul3A_74 = arith.constant 640 : i32
    %mul3A_75 = arith.muli %arg1, %mul3A_74 : i32
    "tpu.region"() ({
      %run_scoped3A_76 = tpu.sem_alloc : memref<!tpu.dma_semaphore, #tpu.memory_space<semaphore_mem>>
      %dma_start3A_77 = arith.constant 0 : i32
      %dma_start3A_78 = tpu.memref_slice %arg6[%arg0, %mul3A_75, %dma_start3A_77] : memref<2x10240x128xf32, #tpu.memory_space<hbm>> -> memref<1x640x128xf32, #tpu.memory_space<hbm>>
      %dma_start3A_79 = tpu.memref_squeeze %dma_start3A_78 : memref<1x640x128xf32, #tpu.memory_space<hbm>> -> memref<640x128xf32, #tpu.memory_space<hbm>>
      %dma_start3A_80 = arith.constant 0 : i32
      %dma_start3A_81 = tpu.memref_slice %arg11[%mul3A_73, %dma_start3A_80] : memref<10240x128xf32, #tpu.memory_space<vmem_shared>> -> memref<640x128xf32, #tpu.memory_space<vmem_shared>>
      tpu.enqueue_dma source(%dma_start3A_81 : memref<640x128xf32, #tpu.memory_space<vmem_shared>>) target(%dma_start3A_79 : memref<640x128xf32, #tpu.memory_space<hbm>>) target_semaphore(%run_scoped3A_76 : memref<!tpu.dma_semaphore, #tpu.memory_space<semaphore_mem>>)
      %dma_wait3A_82 = arith.constant 0 : i32
      %dma_wait3A_83 = tpu.memref_slice %arg6[%arg0, %mul3A_75, %dma_wait3A_82] : memref<2x10240x128xf32, #tpu.memory_space<hbm>> -> memref<1x640x128xf32, #tpu.memory_space<hbm>>
      %dma_wait3A_84 = tpu.memref_squeeze %dma_wait3A_83 : memref<1x640x128xf32, #tpu.memory_space<hbm>> -> memref<640x128xf32, #tpu.memory_space<hbm>>
      %dma_wait3A_85 = arith.constant 0 : i32
      %dma_wait3A_86 = tpu.memref_slice %arg11[%mul3A_73, %dma_wait3A_85] : memref<10240x128xf32, #tpu.memory_space<vmem_shared>> -> memref<640x128xf32, #tpu.memory_space<vmem_shared>>
      tpu.wait_dma2 semaphore(%run_scoped3A_76 : memref<!tpu.dma_semaphore, #tpu.memory_space<semaphore_mem>>) src(%dma_wait3A_86 : memref<640x128xf32, #tpu.memory_space<vmem_shared>>) dst(%dma_wait3A_84 : memref<640x128xf32, #tpu.memory_space<hbm>>)
      tpu.yield
    }) : () -> ()
    return
  }
}

#map = affine_map<(d0, d1) -> (0, 0)>
#map1 = affine_map<(d0, d1) -> (0, 0, 0, 0)>
#map2 = affine_map<(d0, d1) -> (0, 0, 0)>
module attributes {stable_mosaic.version = 14 : i64} {
  func.func @_spmm_sc(%arg0: i32, %arg1: i32, %arg2: memref<10240x128xf32, #tpu.memory_space<hbm>>, %arg3: memref<32x2x40x128xi32, #tpu.memory_space<hbm>>, %arg4: memref<32x2x40x128xi32, #tpu.memory_space<hbm>>, %arg5: memref<640x128xf32, #tpu.memory_space<hbm>>, %arg6: memref<2x10240x128xf32, #tpu.memory_space<hbm>>, %arg7: memref<40x128xi32, #tpu.memory_space<vmem>>, %arg8: memref<40x128xi32, #tpu.memory_space<vmem>>, %arg9: memref<128x128xf32, #tpu.memory_space<vmem>>, %arg10: memref<128x128xf32, #tpu.memory_space<vmem>>, %arg11: memref<10240x128xf32, #tpu.memory_space<vmem_shared>>, %arg12: memref<!tpu.dma_semaphore, #tpu.memory_space<semaphore_mem>>, %arg13: memref<!tpu.dma_semaphore, #tpu.memory_space<semaphore_mem>>) attributes {dimension_semantics = [#tpu.dimension_semantics<core_parallel>, #tpu.dimension_semantics<subcore_parallel>], iteration_bounds = array<i64: 2, 16>, scalar_prefetch = 0 : i64, scratch_operands = 7 : i64, tpu.core_type = #tpu.core_type<sc_vector_subcore>, window_params = [{transform_indices = #map}, {transform_indices = #map1}, {transform_indices = #map1}, {transform_indices = #map}, {transform_indices = #map2}]} {
    %mul3A = arith.constant 16 : i32
    %mul3A_0 = arith.muli %arg0, %mul3A : i32
    %add3A = arith.addi %mul3A_0, %arg1 : i32
    %mul3A_1 = arith.constant 640 : i32
    %mul3A_2 = arith.muli %arg1, %mul3A_1 : i32
    "tpu.region"() ({
      %run_scoped3A_76 = tpu.sem_alloc : memref<!tpu.dma_semaphore, #tpu.memory_space<semaphore_mem>>
      %dma_start3A_77 = arith.constant 0 : i32
      %dma_start3A_78 = tpu.memref_slice %arg11[%mul3A_2, %dma_start3A_77] : memref<10240x128xf32, #tpu.memory_space<vmem_shared>> -> memref<640x128xf32, #tpu.memory_space<vmem_shared>>
      tpu.enqueue_dma source(%arg5 : memref<640x128xf32, #tpu.memory_space<hbm>>) target(%dma_start3A_78 : memref<640x128xf32, #tpu.memory_space<vmem_shared>>) target_semaphore(%run_scoped3A_76 : memref<!tpu.dma_semaphore, #tpu.memory_space<semaphore_mem>>)
      %dma_wait3A_79 = arith.constant 0 : i32
      %dma_wait3A_80 = tpu.memref_slice %arg11[%mul3A_2, %dma_wait3A_79] : memref<10240x128xf32, #tpu.memory_space<vmem_shared>> -> memref<640x128xf32, #tpu.memory_space<vmem_shared>>
      tpu.wait_dma2 semaphore(%run_scoped3A_76 : memref<!tpu.dma_semaphore, #tpu.memory_space<semaphore_mem>>) src(%arg5 : memref<640x128xf32, #tpu.memory_space<hbm>>) dst(%dma_wait3A_80 : memref<640x128xf32, #tpu.memory_space<vmem_shared>>)
      tpu.yield
    }) : () -> ()
    %barrier3A = arith.constant 0 : index
    tpu.barrier barrier_id(%barrier3A)
    %run_scoped3A = arith.constant 0 : i32
    "tpu.region"() ({
      %run_scoped3A_76 = tpu.sem_alloc : memref<!tpu.dma_semaphore, #tpu.memory_space<semaphore_mem>>
      %dma_start3A_77 = arith.constant 0 : i32
      %dma_start3A_78 = arith.constant 0 : i32
      %dma_start3A_79 = tpu.memref_slice %arg3[%add3A, %run_scoped3A, %dma_start3A_77, %dma_start3A_78] : memref<32x2x40x128xi32, #tpu.memory_space<hbm>> -> memref<1x1x40x128xi32, #tpu.memory_space<hbm>>
      %dma_start3A_80 = tpu.memref_squeeze %dma_start3A_79 : memref<1x1x40x128xi32, #tpu.memory_space<hbm>> -> memref<40x128xi32, #tpu.memory_space<hbm>>
      %dma_start3A_81 = arith.constant 0 : i32
      %dma_start3A_82 = arith.constant 0 : i32
      %dma_start3A_83 = tpu.memref_slice %arg3[%add3A, %run_scoped3A, %dma_start3A_81, %dma_start3A_82] : memref<32x2x40x128xi32, #tpu.memory_space<hbm>> -> memref<1x1x40x128xi32, #tpu.memory_space<hbm>>
      %dma_start3A_84 = tpu.memref_squeeze %dma_start3A_83 : memref<1x1x40x128xi32, #tpu.memory_space<hbm>> -> memref<40x128xi32, #tpu.memory_space<hbm>>
      tpu.enqueue_dma source(%dma_start3A_84 : memref<40x128xi32, #tpu.memory_space<hbm>>) target(%arg7 : memref<40x128xi32, #tpu.memory_space<vmem>>) target_semaphore(%run_scoped3A_76 : memref<!tpu.dma_semaphore, #tpu.memory_space<semaphore_mem>>)
      %dma_wait3A_85 = arith.constant 0 : i32
      %dma_wait3A_86 = arith.constant 0 : i32
      %dma_wait3A_87 = tpu.memref_slice %arg3[%add3A, %run_scoped3A, %dma_wait3A_85, %dma_wait3A_86] : memref<32x2x40x128xi32, #tpu.memory_space<hbm>> -> memref<1x1x40x128xi32, #tpu.memory_space<hbm>>
      %dma_wait3A_88 = tpu.memref_squeeze %dma_wait3A_87 : memref<1x1x40x128xi32, #tpu.memory_space<hbm>> -> memref<40x128xi32, #tpu.memory_space<hbm>>
      %dma_wait3A_89 = arith.constant 0 : i32
      %dma_wait3A_90 = arith.constant 0 : i32
      %dma_wait3A_91 = tpu.memref_slice %arg3[%add3A, %run_scoped3A, %dma_wait3A_89, %dma_wait3A_90] : memref<32x2x40x128xi32, #tpu.memory_space<hbm>> -> memref<1x1x40x128xi32, #tpu.memory_space<hbm>>
      %dma_wait3A_92 = tpu.memref_squeeze %dma_wait3A_91 : memref<1x1x40x128xi32, #tpu.memory_space<hbm>> -> memref<40x128xi32, #tpu.memory_space<hbm>>
      tpu.wait_dma2 semaphore(%run_scoped3A_76 : memref<!tpu.dma_semaphore, #tpu.memory_space<semaphore_mem>>) src(%dma_wait3A_92 : memref<40x128xi32, #tpu.memory_space<hbm>>) dst(%arg7 : memref<40x128xi32, #tpu.memory_space<vmem>>)
      tpu.yield
    }) : () -> ()
    %run_scoped3A_3 = arith.constant 0 : i32
    "tpu.region"() ({
      %run_scoped3A_76 = tpu.sem_alloc : memref<!tpu.dma_semaphore, #tpu.memory_space<semaphore_mem>>
      %dma_start3A_77 = arith.constant 0 : i32
      %dma_start3A_78 = arith.constant 0 : i32
      %dma_start3A_79 = tpu.memref_slice %arg4[%add3A, %run_scoped3A_3, %dma_start3A_77, %dma_start3A_78] : memref<32x2x40x128xi32, #tpu.memory_space<hbm>> -> memref<1x1x40x128xi32, #tpu.memory_space<hbm>>
      %dma_start3A_80 = tpu.memref_squeeze %dma_start3A_79 : memref<1x1x40x128xi32, #tpu.memory_space<hbm>> -> memref<40x128xi32, #tpu.memory_space<hbm>>
      %dma_start3A_81 = arith.constant 0 : i32
      %dma_start3A_82 = arith.constant 0 : i32
      %dma_start3A_83 = tpu.memref_slice %arg4[%add3A, %run_scoped3A_3, %dma_start3A_81, %dma_start3A_82] : memref<32x2x40x128xi32, #tpu.memory_space<hbm>> -> memref<1x1x40x128xi32, #tpu.memory_space<hbm>>
      %dma_start3A_84 = tpu.memref_squeeze %dma_start3A_83 : memref<1x1x40x128xi32, #tpu.memory_space<hbm>> -> memref<40x128xi32, #tpu.memory_space<hbm>>
      tpu.enqueue_dma source(%dma_start3A_84 : memref<40x128xi32, #tpu.memory_space<hbm>>) target(%arg8 : memref<40x128xi32, #tpu.memory_space<vmem>>) target_semaphore(%run_scoped3A_76 : memref<!tpu.dma_semaphore, #tpu.memory_space<semaphore_mem>>)
      %dma_wait3A_85 = arith.constant 0 : i32
      %dma_wait3A_86 = arith.constant 0 : i32
      %dma_wait3A_87 = tpu.memref_slice %arg4[%add3A, %run_scoped3A_3, %dma_wait3A_85, %dma_wait3A_86] : memref<32x2x40x128xi32, #tpu.memory_space<hbm>> -> memref<1x1x40x128xi32, #tpu.memory_space<hbm>>
      %dma_wait3A_88 = tpu.memref_squeeze %dma_wait3A_87 : memref<1x1x40x128xi32, #tpu.memory_space<hbm>> -> memref<40x128xi32, #tpu.memory_space<hbm>>
      %dma_wait3A_89 = arith.constant 0 : i32
      %dma_wait3A_90 = arith.constant 0 : i32
      %dma_wait3A_91 = tpu.memref_slice %arg4[%add3A, %run_scoped3A_3, %dma_wait3A_89, %dma_wait3A_90] : memref<32x2x40x128xi32, #tpu.memory_space<hbm>> -> memref<1x1x40x128xi32, #tpu.memory_space<hbm>>
      %dma_wait3A_92 = tpu.memref_squeeze %dma_wait3A_91 : memref<1x1x40x128xi32, #tpu.memory_space<hbm>> -> memref<40x128xi32, #tpu.memory_space<hbm>>
      tpu.wait_dma2 semaphore(%run_scoped3A_76 : memref<!tpu.dma_semaphore, #tpu.memory_space<semaphore_mem>>) src(%dma_wait3A_92 : memref<40x128xi32, #tpu.memory_space<hbm>>) dst(%arg8 : memref<40x128xi32, #tpu.memory_space<vmem>>)
      tpu.yield
    }) : () -> ()
    %dma_start3A = arith.constant 0 : i32
    %dma_start3A_4 = arith.constant 0 : i32
    %dma_start3A_5 = tpu.memref_slice %arg7[%dma_start3A, %dma_start3A_4] : memref<40x128xi32, #tpu.memory_space<vmem>> -> memref<1x128xi32, #tpu.memory_space<vmem>>
    %dma_start3A_6 = tpu.memref_squeeze %dma_start3A_5 : memref<1x128xi32, #tpu.memory_space<vmem>> -> memref<128xi32, #tpu.memory_space<vmem>>
    %dma_start3A_7 = arith.constant 0 : i32
    %dma_start3A_8 = arith.constant 0 : i32
    %dma_start3A_9 = tpu.memref_slice %arg2[%dma_start3A_7, %dma_start3A_8] : memref<10240x128xf32, #tpu.memory_space<hbm>> -> memref<10240x128xf32, #tpu.memory_space<hbm>>
    tpu.enqueue_indirect_dma source(%dma_start3A_9 : memref<10240x128xf32, #tpu.memory_space<hbm>>) target(%arg9 : memref<128x128xf32, #tpu.memory_space<vmem>>) offsets(%dma_start3A_6 : memref<128xi32, #tpu.memory_space<vmem>>) semaphore(%arg12 : memref<!tpu.dma_semaphore, #tpu.memory_space<semaphore_mem>>)
    %dma_start3A_10 = arith.constant 1 : i32
    %dma_start3A_11 = arith.constant 0 : i32
    %dma_start3A_12 = tpu.memref_slice %arg7[%dma_start3A_10, %dma_start3A_11] : memref<40x128xi32, #tpu.memory_space<vmem>> -> memref<1x128xi32, #tpu.memory_space<vmem>>
    %dma_start3A_13 = tpu.memref_squeeze %dma_start3A_12 : memref<1x128xi32, #tpu.memory_space<vmem>> -> memref<128xi32, #tpu.memory_space<vmem>>
    %dma_start3A_14 = arith.constant 0 : i32
    %dma_start3A_15 = arith.constant 0 : i32
    %dma_start3A_16 = tpu.memref_slice %arg2[%dma_start3A_14, %dma_start3A_15] : memref<10240x128xf32, #tpu.memory_space<hbm>> -> memref<10240x128xf32, #tpu.memory_space<hbm>>
    tpu.enqueue_indirect_dma source(%dma_start3A_16 : memref<10240x128xf32, #tpu.memory_space<hbm>>) target(%arg10 : memref<128x128xf32, #tpu.memory_space<vmem>>) offsets(%dma_start3A_13 : memref<128xi32, #tpu.memory_space<vmem>>) semaphore(%arg13 : memref<!tpu.dma_semaphore, #tpu.memory_space<semaphore_mem>>)
    %scan3A = arith.constant 0 : i32
    %scan3A_17 = arith.constant 0 : i32
    %scan3A_18 = arith.constant 20 : i32
    %scan3A_19 = arith.addi %scan3A_17, %scan3A_18 : i32
    %scan3A_20 = arith.constant 1 : i32
    scf.for %scan3A_76 = %scan3A_17 to %scan3A_19 step %scan3A_20  : i32 {
      %mul3A_77 = arith.constant 2 : i32
      %mul3A_78 = arith.muli %scan3A_76, %mul3A_77 : i32
      %add3A_79 = arith.constant 1 : i32
      %add3A_80 = arith.addi %mul3A_78, %add3A_79 : i32
      %dma_wait3A_81 = arith.constant 0 : i32
      %dma_wait3A_82 = tpu.memref_slice %arg7[%mul3A_78, %dma_wait3A_81] : memref<40x128xi32, #tpu.memory_space<vmem>> -> memref<1x128xi32, #tpu.memory_space<vmem>>
      %dma_wait3A_83 = tpu.memref_squeeze %dma_wait3A_82 : memref<1x128xi32, #tpu.memory_space<vmem>> -> memref<128xi32, #tpu.memory_space<vmem>>
      %dma_wait3A_84 = arith.constant 0 : i32
      %dma_wait3A_85 = arith.constant 0 : i32
      %dma_wait3A_86 = tpu.memref_slice %arg2[%dma_wait3A_84, %dma_wait3A_85] : memref<10240x128xf32, #tpu.memory_space<hbm>> -> memref<10240x128xf32, #tpu.memory_space<hbm>>
      tpu.wait_indirect_dma semaphore(%arg12 : memref<!tpu.dma_semaphore, #tpu.memory_space<semaphore_mem>>) src(%dma_wait3A_86 : memref<10240x128xf32, #tpu.memory_space<hbm>>) dst(%arg9 : memref<128x128xf32, #tpu.memory_space<vmem>>)
      "tpu.region"() ({
        %run_scoped3A_112 = tpu.sem_alloc : memref<!tpu.dma_semaphore, #tpu.memory_space<semaphore_mem>>
        %dma_start3A_113 = arith.constant 0 : i32
        %dma_start3A_114 = tpu.memref_slice %arg8[%mul3A_78, %dma_start3A_113] : memref<40x128xi32, #tpu.memory_space<vmem>> -> memref<1x128xi32, #tpu.memory_space<vmem>>
        %dma_start3A_115 = tpu.memref_squeeze %dma_start3A_114 : memref<1x128xi32, #tpu.memory_space<vmem>> -> memref<128xi32, #tpu.memory_space<vmem>>
        %dma_start3A_116 = arith.constant 0 : i32
        %dma_start3A_117 = arith.constant 0 : i32
        %dma_start3A_118 = tpu.memref_slice %arg11[%dma_start3A_116, %dma_start3A_117] : memref<10240x128xf32, #tpu.memory_space<vmem_shared>> -> memref<10240x128xf32, #tpu.memory_space<vmem_shared>>
        tpu.enqueue_indirect_dma source(%arg9 : memref<128x128xf32, #tpu.memory_space<vmem>>) target(%dma_start3A_118 : memref<10240x128xf32, #tpu.memory_space<vmem_shared>>) offsets(%dma_start3A_115 : memref<128xi32, #tpu.memory_space<vmem>>) semaphore(%run_scoped3A_112 : memref<!tpu.dma_semaphore, #tpu.memory_space<semaphore_mem>>) {add = true}
        %dma_wait3A_119 = arith.constant 0 : i32
        %dma_wait3A_120 = tpu.memref_slice %arg8[%mul3A_78, %dma_wait3A_119] : memref<40x128xi32, #tpu.memory_space<vmem>> -> memref<1x128xi32, #tpu.memory_space<vmem>>
        %dma_wait3A_121 = tpu.memref_squeeze %dma_wait3A_120 : memref<1x128xi32, #tpu.memory_space<vmem>> -> memref<128xi32, #tpu.memory_space<vmem>>
        %dma_wait3A_122 = arith.constant 0 : i32
        %dma_wait3A_123 = arith.constant 0 : i32
        %dma_wait3A_124 = tpu.memref_slice %arg11[%dma_wait3A_122, %dma_wait3A_123] : memref<10240x128xf32, #tpu.memory_space<vmem_shared>> -> memref<10240x128xf32, #tpu.memory_space<vmem_shared>>
        tpu.wait_indirect_dma semaphore(%run_scoped3A_112 : memref<!tpu.dma_semaphore, #tpu.memory_space<semaphore_mem>>) src(%arg9 : memref<128x128xf32, #tpu.memory_space<vmem>>) dst(%dma_wait3A_124 : memref<10240x128xf32, #tpu.memory_space<vmem_shared>>)
        tpu.yield
      }) : () -> ()
      %add3A_87 = arith.constant 2 : i32
      %add3A_88 = arith.addi %mul3A_78, %add3A_87 : i32
      %min3A = arith.constant 39 : i32
      %min3A_89 = arith.minsi %add3A_88, %min3A : i32
      %dma_start3A_90 = arith.constant 0 : i32
      %dma_start3A_91 = tpu.memref_slice %arg7[%min3A_89, %dma_start3A_90] : memref<40x128xi32, #tpu.memory_space<vmem>> -> memref<1x128xi32, #tpu.memory_space<vmem>>
      %dma_start3A_92 = tpu.memref_squeeze %dma_start3A_91 : memref<1x128xi32, #tpu.memory_space<vmem>> -> memref<128xi32, #tpu.memory_space<vmem>>
      %dma_start3A_93 = arith.constant 0 : i32
      %dma_start3A_94 = arith.constant 0 : i32
      %dma_start3A_95 = tpu.memref_slice %arg2[%dma_start3A_93, %dma_start3A_94] : memref<10240x128xf32, #tpu.memory_space<hbm>> -> memref<10240x128xf32, #tpu.memory_space<hbm>>
      tpu.enqueue_indirect_dma source(%dma_start3A_95 : memref<10240x128xf32, #tpu.memory_space<hbm>>) target(%arg9 : memref<128x128xf32, #tpu.memory_space<vmem>>) offsets(%dma_start3A_92 : memref<128xi32, #tpu.memory_space<vmem>>) semaphore(%arg12 : memref<!tpu.dma_semaphore, #tpu.memory_space<semaphore_mem>>)
      %dma_wait3A_96 = arith.constant 0 : i32
      %dma_wait3A_97 = tpu.memref_slice %arg7[%add3A_80, %dma_wait3A_96] : memref<40x128xi32, #tpu.memory_space<vmem>> -> memref<1x128xi32, #tpu.memory_space<vmem>>
      %dma_wait3A_98 = tpu.memref_squeeze %dma_wait3A_97 : memref<1x128xi32, #tpu.memory_space<vmem>> -> memref<128xi32, #tpu.memory_space<vmem>>
      %dma_wait3A_99 = arith.constant 0 : i32
      %dma_wait3A_100 = arith.constant 0 : i32
      %dma_wait3A_101 = tpu.memref_slice %arg2[%dma_wait3A_99, %dma_wait3A_100] : memref<10240x128xf32, #tpu.memory_space<hbm>> -> memref<10240x128xf32, #tpu.memory_space<hbm>>
      tpu.wait_indirect_dma semaphore(%arg13 : memref<!tpu.dma_semaphore, #tpu.memory_space<semaphore_mem>>) src(%dma_wait3A_101 : memref<10240x128xf32, #tpu.memory_space<hbm>>) dst(%arg10 : memref<128x128xf32, #tpu.memory_space<vmem>>)
      "tpu.region"() ({
        %run_scoped3A_112 = tpu.sem_alloc : memref<!tpu.dma_semaphore, #tpu.memory_space<semaphore_mem>>
        %dma_start3A_113 = arith.constant 0 : i32
        %dma_start3A_114 = tpu.memref_slice %arg8[%add3A_80, %dma_start3A_113] : memref<40x128xi32, #tpu.memory_space<vmem>> -> memref<1x128xi32, #tpu.memory_space<vmem>>
        %dma_start3A_115 = tpu.memref_squeeze %dma_start3A_114 : memref<1x128xi32, #tpu.memory_space<vmem>> -> memref<128xi32, #tpu.memory_space<vmem>>
        %dma_start3A_116 = arith.constant 0 : i32
        %dma_start3A_117 = arith.constant 0 : i32
        %dma_start3A_118 = tpu.memref_slice %arg11[%dma_start3A_116, %dma_start3A_117] : memref<10240x128xf32, #tpu.memory_space<vmem_shared>> -> memref<10240x128xf32, #tpu.memory_space<vmem_shared>>
        tpu.enqueue_indirect_dma source(%arg10 : memref<128x128xf32, #tpu.memory_space<vmem>>) target(%dma_start3A_118 : memref<10240x128xf32, #tpu.memory_space<vmem_shared>>) offsets(%dma_start3A_115 : memref<128xi32, #tpu.memory_space<vmem>>) semaphore(%run_scoped3A_112 : memref<!tpu.dma_semaphore, #tpu.memory_space<semaphore_mem>>) {add = true}
        %dma_wait3A_119 = arith.constant 0 : i32
        %dma_wait3A_120 = tpu.memref_slice %arg8[%add3A_80, %dma_wait3A_119] : memref<40x128xi32, #tpu.memory_space<vmem>> -> memref<1x128xi32, #tpu.memory_space<vmem>>
        %dma_wait3A_121 = tpu.memref_squeeze %dma_wait3A_120 : memref<1x128xi32, #tpu.memory_space<vmem>> -> memref<128xi32, #tpu.memory_space<vmem>>
        %dma_wait3A_122 = arith.constant 0 : i32
        %dma_wait3A_123 = arith.constant 0 : i32
        %dma_wait3A_124 = tpu.memref_slice %arg11[%dma_wait3A_122, %dma_wait3A_123] : memref<10240x128xf32, #tpu.memory_space<vmem_shared>> -> memref<10240x128xf32, #tpu.memory_space<vmem_shared>>
        tpu.wait_indirect_dma semaphore(%run_scoped3A_112 : memref<!tpu.dma_semaphore, #tpu.memory_space<semaphore_mem>>) src(%arg10 : memref<128x128xf32, #tpu.memory_space<vmem>>) dst(%dma_wait3A_124 : memref<10240x128xf32, #tpu.memory_space<vmem_shared>>)
        tpu.yield
      }) : () -> ()
      %add3A_102 = arith.constant 2 : i32
      %add3A_103 = arith.addi %add3A_80, %add3A_102 : i32
      %min3A_104 = arith.constant 39 : i32
      %min3A_105 = arith.minsi %add3A_103, %min3A_104 : i32
      %dma_start3A_106 = arith.constant 0 : i32
      %dma_start3A_107 = tpu.memref_slice %arg7[%min3A_105, %dma_start3A_106] : memref<40x128xi32, #tpu.memory_space<vmem>> -> memref<1x128xi32, #tpu.memory_space<vmem>>
      %dma_start3A_108 = tpu.memref_squeeze %dma_start3A_107 : memref<1x128xi32, #tpu.memory_space<vmem>> -> memref<128xi32, #tpu.memory_space<vmem>>
      %dma_start3A_109 = arith.constant 0 : i32
      %dma_start3A_110 = arith.constant 0 : i32
      %dma_start3A_111 = tpu.memref_slice %arg2[%dma_start3A_109, %dma_start3A_110] : memref<10240x128xf32, #tpu.memory_space<hbm>> -> memref<10240x128xf32, #tpu.memory_space<hbm>>
      tpu.enqueue_indirect_dma source(%dma_start3A_111 : memref<10240x128xf32, #tpu.memory_space<hbm>>) target(%arg10 : memref<128x128xf32, #tpu.memory_space<vmem>>) offsets(%dma_start3A_108 : memref<128xi32, #tpu.memory_space<vmem>>) semaphore(%arg13 : memref<!tpu.dma_semaphore, #tpu.memory_space<semaphore_mem>>)
    }
    %scan3A_21 = arith.constant 20 : i32
    %dma_wait3A = arith.constant 39 : i32
    %dma_wait3A_22 = arith.constant 0 : i32
    %dma_wait3A_23 = tpu.memref_slice %arg7[%dma_wait3A, %dma_wait3A_22] : memref<40x128xi32, #tpu.memory_space<vmem>> -> memref<1x128xi32, #tpu.memory_space<vmem>>
    %dma_wait3A_24 = tpu.memref_squeeze %dma_wait3A_23 : memref<1x128xi32, #tpu.memory_space<vmem>> -> memref<128xi32, #tpu.memory_space<vmem>>
    %dma_wait3A_25 = arith.constant 0 : i32
    %dma_wait3A_26 = arith.constant 0 : i32
    %dma_wait3A_27 = tpu.memref_slice %arg2[%dma_wait3A_25, %dma_wait3A_26] : memref<10240x128xf32, #tpu.memory_space<hbm>> -> memref<10240x128xf32, #tpu.memory_space<hbm>>
    tpu.wait_indirect_dma semaphore(%arg12 : memref<!tpu.dma_semaphore, #tpu.memory_space<semaphore_mem>>) src(%dma_wait3A_27 : memref<10240x128xf32, #tpu.memory_space<hbm>>) dst(%arg9 : memref<128x128xf32, #tpu.memory_space<vmem>>)
    %dma_wait3A_28 = arith.constant 39 : i32
    %dma_wait3A_29 = arith.constant 0 : i32
    %dma_wait3A_30 = tpu.memref_slice %arg7[%dma_wait3A_28, %dma_wait3A_29] : memref<40x128xi32, #tpu.memory_space<vmem>> -> memref<1x128xi32, #tpu.memory_space<vmem>>
    %dma_wait3A_31 = tpu.memref_squeeze %dma_wait3A_30 : memref<1x128xi32, #tpu.memory_space<vmem>> -> memref<128xi32, #tpu.memory_space<vmem>>
    %dma_wait3A_32 = arith.constant 0 : i32
    %dma_wait3A_33 = arith.constant 0 : i32
    %dma_wait3A_34 = tpu.memref_slice %arg2[%dma_wait3A_32, %dma_wait3A_33] : memref<10240x128xf32, #tpu.memory_space<hbm>> -> memref<10240x128xf32, #tpu.memory_space<hbm>>
    tpu.wait_indirect_dma semaphore(%arg13 : memref<!tpu.dma_semaphore, #tpu.memory_space<semaphore_mem>>) src(%dma_wait3A_34 : memref<10240x128xf32, #tpu.memory_space<hbm>>) dst(%arg10 : memref<128x128xf32, #tpu.memory_space<vmem>>)
    %run_scoped3A_35 = arith.constant 1 : i32
    "tpu.region"() ({
      %run_scoped3A_76 = tpu.sem_alloc : memref<!tpu.dma_semaphore, #tpu.memory_space<semaphore_mem>>
      %dma_start3A_77 = arith.constant 0 : i32
      %dma_start3A_78 = arith.constant 0 : i32
      %dma_start3A_79 = tpu.memref_slice %arg3[%add3A, %run_scoped3A_35, %dma_start3A_77, %dma_start3A_78] : memref<32x2x40x128xi32, #tpu.memory_space<hbm>> -> memref<1x1x40x128xi32, #tpu.memory_space<hbm>>
      %dma_start3A_80 = tpu.memref_squeeze %dma_start3A_79 : memref<1x1x40x128xi32, #tpu.memory_space<hbm>> -> memref<40x128xi32, #tpu.memory_space<hbm>>
      %dma_start3A_81 = arith.constant 0 : i32
      %dma_start3A_82 = arith.constant 0 : i32
      %dma_start3A_83 = tpu.memref_slice %arg3[%add3A, %run_scoped3A_35, %dma_start3A_81, %dma_start3A_82] : memref<32x2x40x128xi32, #tpu.memory_space<hbm>> -> memref<1x1x40x128xi32, #tpu.memory_space<hbm>>
      %dma_start3A_84 = tpu.memref_squeeze %dma_start3A_83 : memref<1x1x40x128xi32, #tpu.memory_space<hbm>> -> memref<40x128xi32, #tpu.memory_space<hbm>>
      tpu.enqueue_dma source(%dma_start3A_84 : memref<40x128xi32, #tpu.memory_space<hbm>>) target(%arg7 : memref<40x128xi32, #tpu.memory_space<vmem>>) target_semaphore(%run_scoped3A_76 : memref<!tpu.dma_semaphore, #tpu.memory_space<semaphore_mem>>)
      %dma_wait3A_85 = arith.constant 0 : i32
      %dma_wait3A_86 = arith.constant 0 : i32
      %dma_wait3A_87 = tpu.memref_slice %arg3[%add3A, %run_scoped3A_35, %dma_wait3A_85, %dma_wait3A_86] : memref<32x2x40x128xi32, #tpu.memory_space<hbm>> -> memref<1x1x40x128xi32, #tpu.memory_space<hbm>>
      %dma_wait3A_88 = tpu.memref_squeeze %dma_wait3A_87 : memref<1x1x40x128xi32, #tpu.memory_space<hbm>> -> memref<40x128xi32, #tpu.memory_space<hbm>>
      %dma_wait3A_89 = arith.constant 0 : i32
      %dma_wait3A_90 = arith.constant 0 : i32
      %dma_wait3A_91 = tpu.memref_slice %arg3[%add3A, %run_scoped3A_35, %dma_wait3A_89, %dma_wait3A_90] : memref<32x2x40x128xi32, #tpu.memory_space<hbm>> -> memref<1x1x40x128xi32, #tpu.memory_space<hbm>>
      %dma_wait3A_92 = tpu.memref_squeeze %dma_wait3A_91 : memref<1x1x40x128xi32, #tpu.memory_space<hbm>> -> memref<40x128xi32, #tpu.memory_space<hbm>>
      tpu.wait_dma2 semaphore(%run_scoped3A_76 : memref<!tpu.dma_semaphore, #tpu.memory_space<semaphore_mem>>) src(%dma_wait3A_92 : memref<40x128xi32, #tpu.memory_space<hbm>>) dst(%arg7 : memref<40x128xi32, #tpu.memory_space<vmem>>)
      tpu.yield
    }) : () -> ()
    %run_scoped3A_36 = arith.constant 1 : i32
    "tpu.region"() ({
      %run_scoped3A_76 = tpu.sem_alloc : memref<!tpu.dma_semaphore, #tpu.memory_space<semaphore_mem>>
      %dma_start3A_77 = arith.constant 0 : i32
      %dma_start3A_78 = arith.constant 0 : i32
      %dma_start3A_79 = tpu.memref_slice %arg4[%add3A, %run_scoped3A_36, %dma_start3A_77, %dma_start3A_78] : memref<32x2x40x128xi32, #tpu.memory_space<hbm>> -> memref<1x1x40x128xi32, #tpu.memory_space<hbm>>
      %dma_start3A_80 = tpu.memref_squeeze %dma_start3A_79 : memref<1x1x40x128xi32, #tpu.memory_space<hbm>> -> memref<40x128xi32, #tpu.memory_space<hbm>>
      %dma_start3A_81 = arith.constant 0 : i32
      %dma_start3A_82 = arith.constant 0 : i32
      %dma_start3A_83 = tpu.memref_slice %arg4[%add3A, %run_scoped3A_36, %dma_start3A_81, %dma_start3A_82] : memref<32x2x40x128xi32, #tpu.memory_space<hbm>> -> memref<1x1x40x128xi32, #tpu.memory_space<hbm>>
      %dma_start3A_84 = tpu.memref_squeeze %dma_start3A_83 : memref<1x1x40x128xi32, #tpu.memory_space<hbm>> -> memref<40x128xi32, #tpu.memory_space<hbm>>
      tpu.enqueue_dma source(%dma_start3A_84 : memref<40x128xi32, #tpu.memory_space<hbm>>) target(%arg8 : memref<40x128xi32, #tpu.memory_space<vmem>>) target_semaphore(%run_scoped3A_76 : memref<!tpu.dma_semaphore, #tpu.memory_space<semaphore_mem>>)
      %dma_wait3A_85 = arith.constant 0 : i32
      %dma_wait3A_86 = arith.constant 0 : i32
      %dma_wait3A_87 = tpu.memref_slice %arg4[%add3A, %run_scoped3A_36, %dma_wait3A_85, %dma_wait3A_86] : memref<32x2x40x128xi32, #tpu.memory_space<hbm>> -> memref<1x1x40x128xi32, #tpu.memory_space<hbm>>
      %dma_wait3A_88 = tpu.memref_squeeze %dma_wait3A_87 : memref<1x1x40x128xi32, #tpu.memory_space<hbm>> -> memref<40x128xi32, #tpu.memory_space<hbm>>
      %dma_wait3A_89 = arith.constant 0 : i32
      %dma_wait3A_90 = arith.constant 0 : i32
      %dma_wait3A_91 = tpu.memref_slice %arg4[%add3A, %run_scoped3A_36, %dma_wait3A_89, %dma_wait3A_90] : memref<32x2x40x128xi32, #tpu.memory_space<hbm>> -> memref<1x1x40x128xi32, #tpu.memory_space<hbm>>
      %dma_wait3A_92 = tpu.memref_squeeze %dma_wait3A_91 : memref<1x1x40x128xi32, #tpu.memory_space<hbm>> -> memref<40x128xi32, #tpu.memory_space<hbm>>
      tpu.wait_dma2 semaphore(%run_scoped3A_76 : memref<!tpu.dma_semaphore, #tpu.memory_space<semaphore_mem>>) src(%dma_wait3A_92 : memref<40x128xi32, #tpu.memory_space<hbm>>) dst(%arg8 : memref<40x128xi32, #tpu.memory_space<vmem>>)
      tpu.yield
    }) : () -> ()
    %dma_start3A_37 = arith.constant 0 : i32
    %dma_start3A_38 = arith.constant 0 : i32
    %dma_start3A_39 = tpu.memref_slice %arg7[%dma_start3A_37, %dma_start3A_38] : memref<40x128xi32, #tpu.memory_space<vmem>> -> memref<1x128xi32, #tpu.memory_space<vmem>>
    %dma_start3A_40 = tpu.memref_squeeze %dma_start3A_39 : memref<1x128xi32, #tpu.memory_space<vmem>> -> memref<128xi32, #tpu.memory_space<vmem>>
    %dma_start3A_41 = arith.constant 0 : i32
    %dma_start3A_42 = arith.constant 0 : i32
    %dma_start3A_43 = tpu.memref_slice %arg2[%dma_start3A_41, %dma_start3A_42] : memref<10240x128xf32, #tpu.memory_space<hbm>> -> memref<10240x128xf32, #tpu.memory_space<hbm>>
    tpu.enqueue_indirect_dma source(%dma_start3A_43 : memref<10240x128xf32, #tpu.memory_space<hbm>>) target(%arg9 : memref<128x128xf32, #tpu.memory_space<vmem>>) offsets(%dma_start3A_40 : memref<128xi32, #tpu.memory_space<vmem>>) semaphore(%arg12 : memref<!tpu.dma_semaphore, #tpu.memory_space<semaphore_mem>>)
    %dma_start3A_44 = arith.constant 1 : i32
    %dma_start3A_45 = arith.constant 0 : i32
    %dma_start3A_46 = tpu.memref_slice %arg7[%dma_start3A_44, %dma_start3A_45] : memref<40x128xi32, #tpu.memory_space<vmem>> -> memref<1x128xi32, #tpu.memory_space<vmem>>
    %dma_start3A_47 = tpu.memref_squeeze %dma_start3A_46 : memref<1x128xi32, #tpu.memory_space<vmem>> -> memref<128xi32, #tpu.memory_space<vmem>>
    %dma_start3A_48 = arith.constant 0 : i32
    %dma_start3A_49 = arith.constant 0 : i32
    %dma_start3A_50 = tpu.memref_slice %arg2[%dma_start3A_48, %dma_start3A_49] : memref<10240x128xf32, #tpu.memory_space<hbm>> -> memref<10240x128xf32, #tpu.memory_space<hbm>>
    tpu.enqueue_indirect_dma source(%dma_start3A_50 : memref<10240x128xf32, #tpu.memory_space<hbm>>) target(%arg10 : memref<128x128xf32, #tpu.memory_space<vmem>>) offsets(%dma_start3A_47 : memref<128xi32, #tpu.memory_space<vmem>>) semaphore(%arg13 : memref<!tpu.dma_semaphore, #tpu.memory_space<semaphore_mem>>)
    %scan3A_51 = arith.constant 0 : i32
    %scan3A_52 = arith.constant 0 : i32
    %scan3A_53 = arith.constant 20 : i32
    %scan3A_54 = arith.addi %scan3A_52, %scan3A_53 : i32
    %scan3A_55 = arith.constant 1 : i32
    scf.for %scan3A_76 = %scan3A_52 to %scan3A_54 step %scan3A_55  : i32 {
      %mul3A_77 = arith.constant 2 : i32
      %mul3A_78 = arith.muli %scan3A_76, %mul3A_77 : i32
      %add3A_79 = arith.constant 1 : i32
      %add3A_80 = arith.addi %mul3A_78, %add3A_79 : i32
      %dma_wait3A_81 = arith.constant 0 : i32
      %dma_wait3A_82 = tpu.memref_slice %arg7[%mul3A_78, %dma_wait3A_81] : memref<40x128xi32, #tpu.memory_space<vmem>> -> memref<1x128xi32, #tpu.memory_space<vmem>>
      %dma_wait3A_83 = tpu.memref_squeeze %dma_wait3A_82 : memref<1x128xi32, #tpu.memory_space<vmem>> -> memref<128xi32, #tpu.memory_space<vmem>>
      %dma_wait3A_84 = arith.constant 0 : i32
      %dma_wait3A_85 = arith.constant 0 : i32
      %dma_wait3A_86 = tpu.memref_slice %arg2[%dma_wait3A_84, %dma_wait3A_85] : memref<10240x128xf32, #tpu.memory_space<hbm>> -> memref<10240x128xf32, #tpu.memory_space<hbm>>
      tpu.wait_indirect_dma semaphore(%arg12 : memref<!tpu.dma_semaphore, #tpu.memory_space<semaphore_mem>>) src(%dma_wait3A_86 : memref<10240x128xf32, #tpu.memory_space<hbm>>) dst(%arg9 : memref<128x128xf32, #tpu.memory_space<vmem>>)
      "tpu.region"() ({
        %run_scoped3A_112 = tpu.sem_alloc : memref<!tpu.dma_semaphore, #tpu.memory_space<semaphore_mem>>
        %dma_start3A_113 = arith.constant 0 : i32
        %dma_start3A_114 = tpu.memref_slice %arg8[%mul3A_78, %dma_start3A_113] : memref<40x128xi32, #tpu.memory_space<vmem>> -> memref<1x128xi32, #tpu.memory_space<vmem>>
        %dma_start3A_115 = tpu.memref_squeeze %dma_start3A_114 : memref<1x128xi32, #tpu.memory_space<vmem>> -> memref<128xi32, #tpu.memory_space<vmem>>
        %dma_start3A_116 = arith.constant 0 : i32
        %dma_start3A_117 = arith.constant 0 : i32
        %dma_start3A_118 = tpu.memref_slice %arg11[%dma_start3A_116, %dma_start3A_117] : memref<10240x128xf32, #tpu.memory_space<vmem_shared>> -> memref<10240x128xf32, #tpu.memory_space<vmem_shared>>
        tpu.enqueue_indirect_dma source(%arg9 : memref<128x128xf32, #tpu.memory_space<vmem>>) target(%dma_start3A_118 : memref<10240x128xf32, #tpu.memory_space<vmem_shared>>) offsets(%dma_start3A_115 : memref<128xi32, #tpu.memory_space<vmem>>) semaphore(%run_scoped3A_112 : memref<!tpu.dma_semaphore, #tpu.memory_space<semaphore_mem>>) {add = true}
        %dma_wait3A_119 = arith.constant 0 : i32
        %dma_wait3A_120 = tpu.memref_slice %arg8[%mul3A_78, %dma_wait3A_119] : memref<40x128xi32, #tpu.memory_space<vmem>> -> memref<1x128xi32, #tpu.memory_space<vmem>>
        %dma_wait3A_121 = tpu.memref_squeeze %dma_wait3A_120 : memref<1x128xi32, #tpu.memory_space<vmem>> -> memref<128xi32, #tpu.memory_space<vmem>>
        %dma_wait3A_122 = arith.constant 0 : i32
        %dma_wait3A_123 = arith.constant 0 : i32
        %dma_wait3A_124 = tpu.memref_slice %arg11[%dma_wait3A_122, %dma_wait3A_123] : memref<10240x128xf32, #tpu.memory_space<vmem_shared>> -> memref<10240x128xf32, #tpu.memory_space<vmem_shared>>
        tpu.wait_indirect_dma semaphore(%run_scoped3A_112 : memref<!tpu.dma_semaphore, #tpu.memory_space<semaphore_mem>>) src(%arg9 : memref<128x128xf32, #tpu.memory_space<vmem>>) dst(%dma_wait3A_124 : memref<10240x128xf32, #tpu.memory_space<vmem_shared>>)
        tpu.yield
      }) : () -> ()
      %add3A_87 = arith.constant 2 : i32
      %add3A_88 = arith.addi %mul3A_78, %add3A_87 : i32
      %min3A = arith.constant 39 : i32
      %min3A_89 = arith.minsi %add3A_88, %min3A : i32
      %dma_start3A_90 = arith.constant 0 : i32
      %dma_start3A_91 = tpu.memref_slice %arg7[%min3A_89, %dma_start3A_90] : memref<40x128xi32, #tpu.memory_space<vmem>> -> memref<1x128xi32, #tpu.memory_space<vmem>>
      %dma_start3A_92 = tpu.memref_squeeze %dma_start3A_91 : memref<1x128xi32, #tpu.memory_space<vmem>> -> memref<128xi32, #tpu.memory_space<vmem>>
      %dma_start3A_93 = arith.constant 0 : i32
      %dma_start3A_94 = arith.constant 0 : i32
      %dma_start3A_95 = tpu.memref_slice %arg2[%dma_start3A_93, %dma_start3A_94] : memref<10240x128xf32, #tpu.memory_space<hbm>> -> memref<10240x128xf32, #tpu.memory_space<hbm>>
      tpu.enqueue_indirect_dma source(%dma_start3A_95 : memref<10240x128xf32, #tpu.memory_space<hbm>>) target(%arg9 : memref<128x128xf32, #tpu.memory_space<vmem>>) offsets(%dma_start3A_92 : memref<128xi32, #tpu.memory_space<vmem>>) semaphore(%arg12 : memref<!tpu.dma_semaphore, #tpu.memory_space<semaphore_mem>>)
      %dma_wait3A_96 = arith.constant 0 : i32
      %dma_wait3A_97 = tpu.memref_slice %arg7[%add3A_80, %dma_wait3A_96] : memref<40x128xi32, #tpu.memory_space<vmem>> -> memref<1x128xi32, #tpu.memory_space<vmem>>
      %dma_wait3A_98 = tpu.memref_squeeze %dma_wait3A_97 : memref<1x128xi32, #tpu.memory_space<vmem>> -> memref<128xi32, #tpu.memory_space<vmem>>
      %dma_wait3A_99 = arith.constant 0 : i32
      %dma_wait3A_100 = arith.constant 0 : i32
      %dma_wait3A_101 = tpu.memref_slice %arg2[%dma_wait3A_99, %dma_wait3A_100] : memref<10240x128xf32, #tpu.memory_space<hbm>> -> memref<10240x128xf32, #tpu.memory_space<hbm>>
      tpu.wait_indirect_dma semaphore(%arg13 : memref<!tpu.dma_semaphore, #tpu.memory_space<semaphore_mem>>) src(%dma_wait3A_101 : memref<10240x128xf32, #tpu.memory_space<hbm>>) dst(%arg10 : memref<128x128xf32, #tpu.memory_space<vmem>>)
      "tpu.region"() ({
        %run_scoped3A_112 = tpu.sem_alloc : memref<!tpu.dma_semaphore, #tpu.memory_space<semaphore_mem>>
        %dma_start3A_113 = arith.constant 0 : i32
        %dma_start3A_114 = tpu.memref_slice %arg8[%add3A_80, %dma_start3A_113] : memref<40x128xi32, #tpu.memory_space<vmem>> -> memref<1x128xi32, #tpu.memory_space<vmem>>
        %dma_start3A_115 = tpu.memref_squeeze %dma_start3A_114 : memref<1x128xi32, #tpu.memory_space<vmem>> -> memref<128xi32, #tpu.memory_space<vmem>>
        %dma_start3A_116 = arith.constant 0 : i32
        %dma_start3A_117 = arith.constant 0 : i32
        %dma_start3A_118 = tpu.memref_slice %arg11[%dma_start3A_116, %dma_start3A_117] : memref<10240x128xf32, #tpu.memory_space<vmem_shared>> -> memref<10240x128xf32, #tpu.memory_space<vmem_shared>>
        tpu.enqueue_indirect_dma source(%arg10 : memref<128x128xf32, #tpu.memory_space<vmem>>) target(%dma_start3A_118 : memref<10240x128xf32, #tpu.memory_space<vmem_shared>>) offsets(%dma_start3A_115 : memref<128xi32, #tpu.memory_space<vmem>>) semaphore(%run_scoped3A_112 : memref<!tpu.dma_semaphore, #tpu.memory_space<semaphore_mem>>) {add = true}
        %dma_wait3A_119 = arith.constant 0 : i32
        %dma_wait3A_120 = tpu.memref_slice %arg8[%add3A_80, %dma_wait3A_119] : memref<40x128xi32, #tpu.memory_space<vmem>> -> memref<1x128xi32, #tpu.memory_space<vmem>>
        %dma_wait3A_121 = tpu.memref_squeeze %dma_wait3A_120 : memref<1x128xi32, #tpu.memory_space<vmem>> -> memref<128xi32, #tpu.memory_space<vmem>>
        %dma_wait3A_122 = arith.constant 0 : i32
        %dma_wait3A_123 = arith.constant 0 : i32
        %dma_wait3A_124 = tpu.memref_slice %arg11[%dma_wait3A_122, %dma_wait3A_123] : memref<10240x128xf32, #tpu.memory_space<vmem_shared>> -> memref<10240x128xf32, #tpu.memory_space<vmem_shared>>
        tpu.wait_indirect_dma semaphore(%run_scoped3A_112 : memref<!tpu.dma_semaphore, #tpu.memory_space<semaphore_mem>>) src(%arg10 : memref<128x128xf32, #tpu.memory_space<vmem>>) dst(%dma_wait3A_124 : memref<10240x128xf32, #tpu.memory_space<vmem_shared>>)
        tpu.yield
      }) : () -> ()
      %add3A_102 = arith.constant 2 : i32
      %add3A_103 = arith.addi %add3A_80, %add3A_102 : i32
      %min3A_104 = arith.constant 39 : i32
      %min3A_105 = arith.minsi %add3A_103, %min3A_104 : i32
      %dma_start3A_106 = arith.constant 0 : i32
      %dma_start3A_107 = tpu.memref_slice %arg7[%min3A_105, %dma_start3A_106] : memref<40x128xi32, #tpu.memory_space<vmem>> -> memref<1x128xi32, #tpu.memory_space<vmem>>
      %dma_start3A_108 = tpu.memref_squeeze %dma_start3A_107 : memref<1x128xi32, #tpu.memory_space<vmem>> -> memref<128xi32, #tpu.memory_space<vmem>>
      %dma_start3A_109 = arith.constant 0 : i32
      %dma_start3A_110 = arith.constant 0 : i32
      %dma_start3A_111 = tpu.memref_slice %arg2[%dma_start3A_109, %dma_start3A_110] : memref<10240x128xf32, #tpu.memory_space<hbm>> -> memref<10240x128xf32, #tpu.memory_space<hbm>>
      tpu.enqueue_indirect_dma source(%dma_start3A_111 : memref<10240x128xf32, #tpu.memory_space<hbm>>) target(%arg10 : memref<128x128xf32, #tpu.memory_space<vmem>>) offsets(%dma_start3A_108 : memref<128xi32, #tpu.memory_space<vmem>>) semaphore(%arg13 : memref<!tpu.dma_semaphore, #tpu.memory_space<semaphore_mem>>)
    }
    %scan3A_56 = arith.constant 20 : i32
    %dma_wait3A_57 = arith.constant 39 : i32
    %dma_wait3A_58 = arith.constant 0 : i32
    %dma_wait3A_59 = tpu.memref_slice %arg7[%dma_wait3A_57, %dma_wait3A_58] : memref<40x128xi32, #tpu.memory_space<vmem>> -> memref<1x128xi32, #tpu.memory_space<vmem>>
    %dma_wait3A_60 = tpu.memref_squeeze %dma_wait3A_59 : memref<1x128xi32, #tpu.memory_space<vmem>> -> memref<128xi32, #tpu.memory_space<vmem>>
    %dma_wait3A_61 = arith.constant 0 : i32
    %dma_wait3A_62 = arith.constant 0 : i32
    %dma_wait3A_63 = tpu.memref_slice %arg2[%dma_wait3A_61, %dma_wait3A_62] : memref<10240x128xf32, #tpu.memory_space<hbm>> -> memref<10240x128xf32, #tpu.memory_space<hbm>>
    tpu.wait_indirect_dma semaphore(%arg12 : memref<!tpu.dma_semaphore, #tpu.memory_space<semaphore_mem>>) src(%dma_wait3A_63 : memref<10240x128xf32, #tpu.memory_space<hbm>>) dst(%arg9 : memref<128x128xf32, #tpu.memory_space<vmem>>)
    %dma_wait3A_64 = arith.constant 39 : i32
    %dma_wait3A_65 = arith.constant 0 : i32
    %dma_wait3A_66 = tpu.memref_slice %arg7[%dma_wait3A_64, %dma_wait3A_65] : memref<40x128xi32, #tpu.memory_space<vmem>> -> memref<1x128xi32, #tpu.memory_space<vmem>>
    %dma_wait3A_67 = tpu.memref_squeeze %dma_wait3A_66 : memref<1x128xi32, #tpu.memory_space<vmem>> -> memref<128xi32, #tpu.memory_space<vmem>>
    %dma_wait3A_68 = arith.constant 0 : i32
    %dma_wait3A_69 = arith.constant 0 : i32
    %dma_wait3A_70 = tpu.memref_slice %arg2[%dma_wait3A_68, %dma_wait3A_69] : memref<10240x128xf32, #tpu.memory_space<hbm>> -> memref<10240x128xf32, #tpu.memory_space<hbm>>
    tpu.wait_indirect_dma semaphore(%arg13 : memref<!tpu.dma_semaphore, #tpu.memory_space<semaphore_mem>>) src(%dma_wait3A_70 : memref<10240x128xf32, #tpu.memory_space<hbm>>) dst(%arg10 : memref<128x128xf32, #tpu.memory_space<vmem>>)
    %barrier3A_71 = arith.constant 0 : index
    tpu.barrier barrier_id(%barrier3A_71)
    %mul3A_72 = arith.constant 640 : i32
    %mul3A_73 = arith.muli %arg1, %mul3A_72 : i32
    %mul3A_74 = arith.constant 640 : i32
    %mul3A_75 = arith.muli %arg1, %mul3A_74 : i32
    "tpu.region"() ({
      %run_scoped3A_76 = tpu.sem_alloc : memref<!tpu.dma_semaphore, #tpu.memory_space<semaphore_mem>>
      %dma_start3A_77 = arith.constant 0 : i32
      %dma_start3A_78 = tpu.memref_slice %arg6[%arg0, %mul3A_75, %dma_start3A_77] : memref<2x10240x128xf32, #tpu.memory_space<hbm>> -> memref<1x640x128xf32, #tpu.memory_space<hbm>>
      %dma_start3A_79 = tpu.memref_squeeze %dma_start3A_78 : memref<1x640x128xf32, #tpu.memory_space<hbm>> -> memref<640x128xf32, #tpu.memory_space<hbm>>
      %dma_start3A_80 = arith.constant 0 : i32
      %dma_start3A_81 = tpu.memref_slice %arg11[%mul3A_73, %dma_start3A_80] : memref<10240x128xf32, #tpu.memory_space<vmem_shared>> -> memref<640x128xf32, #tpu.memory_space<vmem_shared>>
      tpu.enqueue_dma source(%dma_start3A_81 : memref<640x128xf32, #tpu.memory_space<vmem_shared>>) target(%dma_start3A_79 : memref<640x128xf32, #tpu.memory_space<hbm>>) target_semaphore(%run_scoped3A_76 : memref<!tpu.dma_semaphore, #tpu.memory_space<semaphore_mem>>)
      %dma_wait3A_82 = arith.constant 0 : i32
      %dma_wait3A_83 = tpu.memref_slice %arg6[%arg0, %mul3A_75, %dma_wait3A_82] : memref<2x10240x128xf32, #tpu.memory_space<hbm>> -> memref<1x640x128xf32, #tpu.memory_space<hbm>>
      %dma_wait3A_84 = tpu.memref_squeeze %dma_wait3A_83 : memref<1x640x128xf32, #tpu.memory_space<hbm>> -> memref<640x128xf32, #tpu.memory_space<hbm>>
      %dma_wait3A_85 = arith.constant 0 : i32
      %dma_wait3A_86 = tpu.memref_slice %arg11[%mul3A_73, %dma_wait3A_85] : memref<10240x128xf32, #tpu.memory_space<vmem_shared>> -> memref<640x128xf32, #tpu.memory_space<vmem_shared>>
      tpu.wait_dma2 semaphore(%run_scoped3A_76 : memref<!tpu.dma_semaphore, #tpu.memory_space<semaphore_mem>>) src(%dma_wait3A_86 : memref<640x128xf32, #tpu.memory_space<vmem_shared>>) dst(%dma_wait3A_84 : memref<640x128xf32, #tpu.memory_space<hbm>>)
      tpu.yield
    }) : () -> ()
    return
  }
}

#map = affine_map<(d0, d1) -> (0, 0)>
#map1 = affine_map<(d0, d1) -> (0, 0, 0, 0)>
#map2 = affine_map<(d0, d1) -> (0, 0, 0)>
module attributes {stable_mosaic.version = 14 : i64} {
  func.func @_spmm_sc(%arg0: i32, %arg1: i32, %arg2: memref<10240x128xf32, #tpu.memory_space<hbm>>, %arg3: memref<32x2x40x128xi32, #tpu.memory_space<hbm>>, %arg4: memref<32x2x40x128xi32, #tpu.memory_space<hbm>>, %arg5: memref<640x128xf32, #tpu.memory_space<hbm>>, %arg6: memref<2x10240x128xf32, #tpu.memory_space<hbm>>, %arg7: memref<40x128xi32, #tpu.memory_space<vmem>>, %arg8: memref<40x128xi32, #tpu.memory_space<vmem>>, %arg9: memref<128x128xf32, #tpu.memory_space<vmem>>, %arg10: memref<128x128xf32, #tpu.memory_space<vmem>>, %arg11: memref<10240x128xf32, #tpu.memory_space<vmem_shared>>, %arg12: memref<!tpu.dma_semaphore, #tpu.memory_space<semaphore_mem>>, %arg13: memref<!tpu.dma_semaphore, #tpu.memory_space<semaphore_mem>>) attributes {dimension_semantics = [#tpu.dimension_semantics<core_parallel>, #tpu.dimension_semantics<subcore_parallel>], iteration_bounds = array<i64: 2, 16>, scalar_prefetch = 0 : i64, scratch_operands = 7 : i64, tpu.core_type = #tpu.core_type<sc_vector_subcore>, window_params = [{transform_indices = #map}, {transform_indices = #map1}, {transform_indices = #map1}, {transform_indices = #map}, {transform_indices = #map2}]} {
    %mul3A = arith.constant 16 : i32
    %mul3A_0 = arith.muli %arg0, %mul3A : i32
    %add3A = arith.addi %mul3A_0, %arg1 : i32
    %mul3A_1 = arith.constant 640 : i32
    %mul3A_2 = arith.muli %arg1, %mul3A_1 : i32
    "tpu.region"() ({
      %run_scoped3A_76 = tpu.sem_alloc : memref<!tpu.dma_semaphore, #tpu.memory_space<semaphore_mem>>
      %dma_start3A_77 = arith.constant 0 : i32
      %dma_start3A_78 = tpu.memref_slice %arg11[%mul3A_2, %dma_start3A_77] : memref<10240x128xf32, #tpu.memory_space<vmem_shared>> -> memref<640x128xf32, #tpu.memory_space<vmem_shared>>
      tpu.enqueue_dma source(%arg5 : memref<640x128xf32, #tpu.memory_space<hbm>>) target(%dma_start3A_78 : memref<640x128xf32, #tpu.memory_space<vmem_shared>>) target_semaphore(%run_scoped3A_76 : memref<!tpu.dma_semaphore, #tpu.memory_space<semaphore_mem>>)
      %dma_wait3A_79 = arith.constant 0 : i32
      %dma_wait3A_80 = tpu.memref_slice %arg11[%mul3A_2, %dma_wait3A_79] : memref<10240x128xf32, #tpu.memory_space<vmem_shared>> -> memref<640x128xf32, #tpu.memory_space<vmem_shared>>
      tpu.wait_dma2 semaphore(%run_scoped3A_76 : memref<!tpu.dma_semaphore, #tpu.memory_space<semaphore_mem>>) src(%arg5 : memref<640x128xf32, #tpu.memory_space<hbm>>) dst(%dma_wait3A_80 : memref<640x128xf32, #tpu.memory_space<vmem_shared>>)
      tpu.yield
    }) : () -> ()
    %barrier3A = arith.constant 0 : index
    tpu.barrier barrier_id(%barrier3A)
    %run_scoped3A = arith.constant 0 : i32
    "tpu.region"() ({
      %run_scoped3A_76 = tpu.sem_alloc : memref<!tpu.dma_semaphore, #tpu.memory_space<semaphore_mem>>
      %dma_start3A_77 = arith.constant 0 : i32
      %dma_start3A_78 = arith.constant 0 : i32
      %dma_start3A_79 = tpu.memref_slice %arg3[%add3A, %run_scoped3A, %dma_start3A_77, %dma_start3A_78] : memref<32x2x40x128xi32, #tpu.memory_space<hbm>> -> memref<1x1x40x128xi32, #tpu.memory_space<hbm>>
      %dma_start3A_80 = tpu.memref_squeeze %dma_start3A_79 : memref<1x1x40x128xi32, #tpu.memory_space<hbm>> -> memref<40x128xi32, #tpu.memory_space<hbm>>
      %dma_start3A_81 = arith.constant 0 : i32
      %dma_start3A_82 = arith.constant 0 : i32
      %dma_start3A_83 = tpu.memref_slice %arg3[%add3A, %run_scoped3A, %dma_start3A_81, %dma_start3A_82] : memref<32x2x40x128xi32, #tpu.memory_space<hbm>> -> memref<1x1x40x128xi32, #tpu.memory_space<hbm>>
      %dma_start3A_84 = tpu.memref_squeeze %dma_start3A_83 : memref<1x1x40x128xi32, #tpu.memory_space<hbm>> -> memref<40x128xi32, #tpu.memory_space<hbm>>
      tpu.enqueue_dma source(%dma_start3A_84 : memref<40x128xi32, #tpu.memory_space<hbm>>) target(%arg7 : memref<40x128xi32, #tpu.memory_space<vmem>>) target_semaphore(%run_scoped3A_76 : memref<!tpu.dma_semaphore, #tpu.memory_space<semaphore_mem>>)
      %dma_wait3A_85 = arith.constant 0 : i32
      %dma_wait3A_86 = arith.constant 0 : i32
      %dma_wait3A_87 = tpu.memref_slice %arg3[%add3A, %run_scoped3A, %dma_wait3A_85, %dma_wait3A_86] : memref<32x2x40x128xi32, #tpu.memory_space<hbm>> -> memref<1x1x40x128xi32, #tpu.memory_space<hbm>>
      %dma_wait3A_88 = tpu.memref_squeeze %dma_wait3A_87 : memref<1x1x40x128xi32, #tpu.memory_space<hbm>> -> memref<40x128xi32, #tpu.memory_space<hbm>>
      %dma_wait3A_89 = arith.constant 0 : i32
      %dma_wait3A_90 = arith.constant 0 : i32
      %dma_wait3A_91 = tpu.memref_slice %arg3[%add3A, %run_scoped3A, %dma_wait3A_89, %dma_wait3A_90] : memref<32x2x40x128xi32, #tpu.memory_space<hbm>> -> memref<1x1x40x128xi32, #tpu.memory_space<hbm>>
      %dma_wait3A_92 = tpu.memref_squeeze %dma_wait3A_91 : memref<1x1x40x128xi32, #tpu.memory_space<hbm>> -> memref<40x128xi32, #tpu.memory_space<hbm>>
      tpu.wait_dma2 semaphore(%run_scoped3A_76 : memref<!tpu.dma_semaphore, #tpu.memory_space<semaphore_mem>>) src(%dma_wait3A_92 : memref<40x128xi32, #tpu.memory_space<hbm>>) dst(%arg7 : memref<40x128xi32, #tpu.memory_space<vmem>>)
      tpu.yield
    }) : () -> ()
    %run_scoped3A_3 = arith.constant 0 : i32
    "tpu.region"() ({
      %run_scoped3A_76 = tpu.sem_alloc : memref<!tpu.dma_semaphore, #tpu.memory_space<semaphore_mem>>
      %dma_start3A_77 = arith.constant 0 : i32
      %dma_start3A_78 = arith.constant 0 : i32
      %dma_start3A_79 = tpu.memref_slice %arg4[%add3A, %run_scoped3A_3, %dma_start3A_77, %dma_start3A_78] : memref<32x2x40x128xi32, #tpu.memory_space<hbm>> -> memref<1x1x40x128xi32, #tpu.memory_space<hbm>>
      %dma_start3A_80 = tpu.memref_squeeze %dma_start3A_79 : memref<1x1x40x128xi32, #tpu.memory_space<hbm>> -> memref<40x128xi32, #tpu.memory_space<hbm>>
      %dma_start3A_81 = arith.constant 0 : i32
      %dma_start3A_82 = arith.constant 0 : i32
      %dma_start3A_83 = tpu.memref_slice %arg4[%add3A, %run_scoped3A_3, %dma_start3A_81, %dma_start3A_82] : memref<32x2x40x128xi32, #tpu.memory_space<hbm>> -> memref<1x1x40x128xi32, #tpu.memory_space<hbm>>
      %dma_start3A_84 = tpu.memref_squeeze %dma_start3A_83 : memref<1x1x40x128xi32, #tpu.memory_space<hbm>> -> memref<40x128xi32, #tpu.memory_space<hbm>>
      tpu.enqueue_dma source(%dma_start3A_84 : memref<40x128xi32, #tpu.memory_space<hbm>>) target(%arg8 : memref<40x128xi32, #tpu.memory_space<vmem>>) target_semaphore(%run_scoped3A_76 : memref<!tpu.dma_semaphore, #tpu.memory_space<semaphore_mem>>)
      %dma_wait3A_85 = arith.constant 0 : i32
      %dma_wait3A_86 = arith.constant 0 : i32
      %dma_wait3A_87 = tpu.memref_slice %arg4[%add3A, %run_scoped3A_3, %dma_wait3A_85, %dma_wait3A_86] : memref<32x2x40x128xi32, #tpu.memory_space<hbm>> -> memref<1x1x40x128xi32, #tpu.memory_space<hbm>>
      %dma_wait3A_88 = tpu.memref_squeeze %dma_wait3A_87 : memref<1x1x40x128xi32, #tpu.memory_space<hbm>> -> memref<40x128xi32, #tpu.memory_space<hbm>>
      %dma_wait3A_89 = arith.constant 0 : i32
      %dma_wait3A_90 = arith.constant 0 : i32
      %dma_wait3A_91 = tpu.memref_slice %arg4[%add3A, %run_scoped3A_3, %dma_wait3A_89, %dma_wait3A_90] : memref<32x2x40x128xi32, #tpu.memory_space<hbm>> -> memref<1x1x40x128xi32, #tpu.memory_space<hbm>>
      %dma_wait3A_92 = tpu.memref_squeeze %dma_wait3A_91 : memref<1x1x40x128xi32, #tpu.memory_space<hbm>> -> memref<40x128xi32, #tpu.memory_space<hbm>>
      tpu.wait_dma2 semaphore(%run_scoped3A_76 : memref<!tpu.dma_semaphore, #tpu.memory_space<semaphore_mem>>) src(%dma_wait3A_92 : memref<40x128xi32, #tpu.memory_space<hbm>>) dst(%arg8 : memref<40x128xi32, #tpu.memory_space<vmem>>)
      tpu.yield
    }) : () -> ()
    %dma_start3A = arith.constant 0 : i32
    %dma_start3A_4 = arith.constant 0 : i32
    %dma_start3A_5 = tpu.memref_slice %arg7[%dma_start3A, %dma_start3A_4] : memref<40x128xi32, #tpu.memory_space<vmem>> -> memref<1x128xi32, #tpu.memory_space<vmem>>
    %dma_start3A_6 = tpu.memref_squeeze %dma_start3A_5 : memref<1x128xi32, #tpu.memory_space<vmem>> -> memref<128xi32, #tpu.memory_space<vmem>>
    %dma_start3A_7 = arith.constant 0 : i32
    %dma_start3A_8 = arith.constant 0 : i32
    %dma_start3A_9 = tpu.memref_slice %arg2[%dma_start3A_7, %dma_start3A_8] : memref<10240x128xf32, #tpu.memory_space<hbm>> -> memref<10240x128xf32, #tpu.memory_space<hbm>>
    tpu.enqueue_indirect_dma source(%dma_start3A_9 : memref<10240x128xf32, #tpu.memory_space<hbm>>) target(%arg9 : memref<128x128xf32, #tpu.memory_space<vmem>>) offsets(%dma_start3A_6 : memref<128xi32, #tpu.memory_space<vmem>>) semaphore(%arg12 : memref<!tpu.dma_semaphore, #tpu.memory_space<semaphore_mem>>)
    %dma_start3A_10 = arith.constant 1 : i32
    %dma_start3A_11 = arith.constant 0 : i32
    %dma_start3A_12 = tpu.memref_slice %arg7[%dma_start3A_10, %dma_start3A_11] : memref<40x128xi32, #tpu.memory_space<vmem>> -> memref<1x128xi32, #tpu.memory_space<vmem>>
    %dma_start3A_13 = tpu.memref_squeeze %dma_start3A_12 : memref<1x128xi32, #tpu.memory_space<vmem>> -> memref<128xi32, #tpu.memory_space<vmem>>
    %dma_start3A_14 = arith.constant 0 : i32
    %dma_start3A_15 = arith.constant 0 : i32
    %dma_start3A_16 = tpu.memref_slice %arg2[%dma_start3A_14, %dma_start3A_15] : memref<10240x128xf32, #tpu.memory_space<hbm>> -> memref<10240x128xf32, #tpu.memory_space<hbm>>
    tpu.enqueue_indirect_dma source(%dma_start3A_16 : memref<10240x128xf32, #tpu.memory_space<hbm>>) target(%arg10 : memref<128x128xf32, #tpu.memory_space<vmem>>) offsets(%dma_start3A_13 : memref<128xi32, #tpu.memory_space<vmem>>) semaphore(%arg13 : memref<!tpu.dma_semaphore, #tpu.memory_space<semaphore_mem>>)
    %scan3A = arith.constant 0 : i32
    %scan3A_17 = arith.constant 0 : i32
    %scan3A_18 = arith.constant 20 : i32
    %scan3A_19 = arith.addi %scan3A_17, %scan3A_18 : i32
    %scan3A_20 = arith.constant 1 : i32
    scf.for %scan3A_76 = %scan3A_17 to %scan3A_19 step %scan3A_20  : i32 {
      %mul3A_77 = arith.constant 2 : i32
      %mul3A_78 = arith.muli %scan3A_76, %mul3A_77 : i32
      %add3A_79 = arith.constant 1 : i32
      %add3A_80 = arith.addi %mul3A_78, %add3A_79 : i32
      %dma_wait3A_81 = arith.constant 0 : i32
      %dma_wait3A_82 = tpu.memref_slice %arg7[%mul3A_78, %dma_wait3A_81] : memref<40x128xi32, #tpu.memory_space<vmem>> -> memref<1x128xi32, #tpu.memory_space<vmem>>
      %dma_wait3A_83 = tpu.memref_squeeze %dma_wait3A_82 : memref<1x128xi32, #tpu.memory_space<vmem>> -> memref<128xi32, #tpu.memory_space<vmem>>
      %dma_wait3A_84 = arith.constant 0 : i32
      %dma_wait3A_85 = arith.constant 0 : i32
      %dma_wait3A_86 = tpu.memref_slice %arg2[%dma_wait3A_84, %dma_wait3A_85] : memref<10240x128xf32, #tpu.memory_space<hbm>> -> memref<10240x128xf32, #tpu.memory_space<hbm>>
      tpu.wait_indirect_dma semaphore(%arg12 : memref<!tpu.dma_semaphore, #tpu.memory_space<semaphore_mem>>) src(%dma_wait3A_86 : memref<10240x128xf32, #tpu.memory_space<hbm>>) dst(%arg9 : memref<128x128xf32, #tpu.memory_space<vmem>>)
      "tpu.region"() ({
        %run_scoped3A_112 = tpu.sem_alloc : memref<!tpu.dma_semaphore, #tpu.memory_space<semaphore_mem>>
        %dma_start3A_113 = arith.constant 0 : i32
        %dma_start3A_114 = tpu.memref_slice %arg8[%mul3A_78, %dma_start3A_113] : memref<40x128xi32, #tpu.memory_space<vmem>> -> memref<1x128xi32, #tpu.memory_space<vmem>>
        %dma_start3A_115 = tpu.memref_squeeze %dma_start3A_114 : memref<1x128xi32, #tpu.memory_space<vmem>> -> memref<128xi32, #tpu.memory_space<vmem>>
        %dma_start3A_116 = arith.constant 0 : i32
        %dma_start3A_117 = arith.constant 0 : i32
        %dma_start3A_118 = tpu.memref_slice %arg11[%dma_start3A_116, %dma_start3A_117] : memref<10240x128xf32, #tpu.memory_space<vmem_shared>> -> memref<10240x128xf32, #tpu.memory_space<vmem_shared>>
        tpu.enqueue_indirect_dma source(%arg9 : memref<128x128xf32, #tpu.memory_space<vmem>>) target(%dma_start3A_118 : memref<10240x128xf32, #tpu.memory_space<vmem_shared>>) offsets(%dma_start3A_115 : memref<128xi32, #tpu.memory_space<vmem>>) semaphore(%run_scoped3A_112 : memref<!tpu.dma_semaphore, #tpu.memory_space<semaphore_mem>>) {add = true}
        %dma_wait3A_119 = arith.constant 0 : i32
        %dma_wait3A_120 = tpu.memref_slice %arg8[%mul3A_78, %dma_wait3A_119] : memref<40x128xi32, #tpu.memory_space<vmem>> -> memref<1x128xi32, #tpu.memory_space<vmem>>
        %dma_wait3A_121 = tpu.memref_squeeze %dma_wait3A_120 : memref<1x128xi32, #tpu.memory_space<vmem>> -> memref<128xi32, #tpu.memory_space<vmem>>
        %dma_wait3A_122 = arith.constant 0 : i32
        %dma_wait3A_123 = arith.constant 0 : i32
        %dma_wait3A_124 = tpu.memref_slice %arg11[%dma_wait3A_122, %dma_wait3A_123] : memref<10240x128xf32, #tpu.memory_space<vmem_shared>> -> memref<10240x128xf32, #tpu.memory_space<vmem_shared>>
        tpu.wait_indirect_dma semaphore(%run_scoped3A_112 : memref<!tpu.dma_semaphore, #tpu.memory_space<semaphore_mem>>) src(%arg9 : memref<128x128xf32, #tpu.memory_space<vmem>>) dst(%dma_wait3A_124 : memref<10240x128xf32, #tpu.memory_space<vmem_shared>>)
        tpu.yield
      }) : () -> ()
      %add3A_87 = arith.constant 2 : i32
      %add3A_88 = arith.addi %mul3A_78, %add3A_87 : i32
      %min3A = arith.constant 39 : i32
      %min3A_89 = arith.minsi %add3A_88, %min3A : i32
      %dma_start3A_90 = arith.constant 0 : i32
      %dma_start3A_91 = tpu.memref_slice %arg7[%min3A_89, %dma_start3A_90] : memref<40x128xi32, #tpu.memory_space<vmem>> -> memref<1x128xi32, #tpu.memory_space<vmem>>
      %dma_start3A_92 = tpu.memref_squeeze %dma_start3A_91 : memref<1x128xi32, #tpu.memory_space<vmem>> -> memref<128xi32, #tpu.memory_space<vmem>>
      %dma_start3A_93 = arith.constant 0 : i32
      %dma_start3A_94 = arith.constant 0 : i32
      %dma_start3A_95 = tpu.memref_slice %arg2[%dma_start3A_93, %dma_start3A_94] : memref<10240x128xf32, #tpu.memory_space<hbm>> -> memref<10240x128xf32, #tpu.memory_space<hbm>>
      tpu.enqueue_indirect_dma source(%dma_start3A_95 : memref<10240x128xf32, #tpu.memory_space<hbm>>) target(%arg9 : memref<128x128xf32, #tpu.memory_space<vmem>>) offsets(%dma_start3A_92 : memref<128xi32, #tpu.memory_space<vmem>>) semaphore(%arg12 : memref<!tpu.dma_semaphore, #tpu.memory_space<semaphore_mem>>)
      %dma_wait3A_96 = arith.constant 0 : i32
      %dma_wait3A_97 = tpu.memref_slice %arg7[%add3A_80, %dma_wait3A_96] : memref<40x128xi32, #tpu.memory_space<vmem>> -> memref<1x128xi32, #tpu.memory_space<vmem>>
      %dma_wait3A_98 = tpu.memref_squeeze %dma_wait3A_97 : memref<1x128xi32, #tpu.memory_space<vmem>> -> memref<128xi32, #tpu.memory_space<vmem>>
      %dma_wait3A_99 = arith.constant 0 : i32
      %dma_wait3A_100 = arith.constant 0 : i32
      %dma_wait3A_101 = tpu.memref_slice %arg2[%dma_wait3A_99, %dma_wait3A_100] : memref<10240x128xf32, #tpu.memory_space<hbm>> -> memref<10240x128xf32, #tpu.memory_space<hbm>>
      tpu.wait_indirect_dma semaphore(%arg13 : memref<!tpu.dma_semaphore, #tpu.memory_space<semaphore_mem>>) src(%dma_wait3A_101 : memref<10240x128xf32, #tpu.memory_space<hbm>>) dst(%arg10 : memref<128x128xf32, #tpu.memory_space<vmem>>)
      "tpu.region"() ({
        %run_scoped3A_112 = tpu.sem_alloc : memref<!tpu.dma_semaphore, #tpu.memory_space<semaphore_mem>>
        %dma_start3A_113 = arith.constant 0 : i32
        %dma_start3A_114 = tpu.memref_slice %arg8[%add3A_80, %dma_start3A_113] : memref<40x128xi32, #tpu.memory_space<vmem>> -> memref<1x128xi32, #tpu.memory_space<vmem>>
        %dma_start3A_115 = tpu.memref_squeeze %dma_start3A_114 : memref<1x128xi32, #tpu.memory_space<vmem>> -> memref<128xi32, #tpu.memory_space<vmem>>
        %dma_start3A_116 = arith.constant 0 : i32
        %dma_start3A_117 = arith.constant 0 : i32
        %dma_start3A_118 = tpu.memref_slice %arg11[%dma_start3A_116, %dma_start3A_117] : memref<10240x128xf32, #tpu.memory_space<vmem_shared>> -> memref<10240x128xf32, #tpu.memory_space<vmem_shared>>
        tpu.enqueue_indirect_dma source(%arg10 : memref<128x128xf32, #tpu.memory_space<vmem>>) target(%dma_start3A_118 : memref<10240x128xf32, #tpu.memory_space<vmem_shared>>) offsets(%dma_start3A_115 : memref<128xi32, #tpu.memory_space<vmem>>) semaphore(%run_scoped3A_112 : memref<!tpu.dma_semaphore, #tpu.memory_space<semaphore_mem>>) {add = true}
        %dma_wait3A_119 = arith.constant 0 : i32
        %dma_wait3A_120 = tpu.memref_slice %arg8[%add3A_80, %dma_wait3A_119] : memref<40x128xi32, #tpu.memory_space<vmem>> -> memref<1x128xi32, #tpu.memory_space<vmem>>
        %dma_wait3A_121 = tpu.memref_squeeze %dma_wait3A_120 : memref<1x128xi32, #tpu.memory_space<vmem>> -> memref<128xi32, #tpu.memory_space<vmem>>
        %dma_wait3A_122 = arith.constant 0 : i32
        %dma_wait3A_123 = arith.constant 0 : i32
        %dma_wait3A_124 = tpu.memref_slice %arg11[%dma_wait3A_122, %dma_wait3A_123] : memref<10240x128xf32, #tpu.memory_space<vmem_shared>> -> memref<10240x128xf32, #tpu.memory_space<vmem_shared>>
        tpu.wait_indirect_dma semaphore(%run_scoped3A_112 : memref<!tpu.dma_semaphore, #tpu.memory_space<semaphore_mem>>) src(%arg10 : memref<128x128xf32, #tpu.memory_space<vmem>>) dst(%dma_wait3A_124 : memref<10240x128xf32, #tpu.memory_space<vmem_shared>>)
        tpu.yield
      }) : () -> ()
      %add3A_102 = arith.constant 2 : i32
      %add3A_103 = arith.addi %add3A_80, %add3A_102 : i32
      %min3A_104 = arith.constant 39 : i32
      %min3A_105 = arith.minsi %add3A_103, %min3A_104 : i32
      %dma_start3A_106 = arith.constant 0 : i32
      %dma_start3A_107 = tpu.memref_slice %arg7[%min3A_105, %dma_start3A_106] : memref<40x128xi32, #tpu.memory_space<vmem>> -> memref<1x128xi32, #tpu.memory_space<vmem>>
      %dma_start3A_108 = tpu.memref_squeeze %dma_start3A_107 : memref<1x128xi32, #tpu.memory_space<vmem>> -> memref<128xi32, #tpu.memory_space<vmem>>
      %dma_start3A_109 = arith.constant 0 : i32
      %dma_start3A_110 = arith.constant 0 : i32
      %dma_start3A_111 = tpu.memref_slice %arg2[%dma_start3A_109, %dma_start3A_110] : memref<10240x128xf32, #tpu.memory_space<hbm>> -> memref<10240x128xf32, #tpu.memory_space<hbm>>
      tpu.enqueue_indirect_dma source(%dma_start3A_111 : memref<10240x128xf32, #tpu.memory_space<hbm>>) target(%arg10 : memref<128x128xf32, #tpu.memory_space<vmem>>) offsets(%dma_start3A_108 : memref<128xi32, #tpu.memory_space<vmem>>) semaphore(%arg13 : memref<!tpu.dma_semaphore, #tpu.memory_space<semaphore_mem>>)
    }
    %scan3A_21 = arith.constant 20 : i32
    %dma_wait3A = arith.constant 39 : i32
    %dma_wait3A_22 = arith.constant 0 : i32
    %dma_wait3A_23 = tpu.memref_slice %arg7[%dma_wait3A, %dma_wait3A_22] : memref<40x128xi32, #tpu.memory_space<vmem>> -> memref<1x128xi32, #tpu.memory_space<vmem>>
    %dma_wait3A_24 = tpu.memref_squeeze %dma_wait3A_23 : memref<1x128xi32, #tpu.memory_space<vmem>> -> memref<128xi32, #tpu.memory_space<vmem>>
    %dma_wait3A_25 = arith.constant 0 : i32
    %dma_wait3A_26 = arith.constant 0 : i32
    %dma_wait3A_27 = tpu.memref_slice %arg2[%dma_wait3A_25, %dma_wait3A_26] : memref<10240x128xf32, #tpu.memory_space<hbm>> -> memref<10240x128xf32, #tpu.memory_space<hbm>>
    tpu.wait_indirect_dma semaphore(%arg12 : memref<!tpu.dma_semaphore, #tpu.memory_space<semaphore_mem>>) src(%dma_wait3A_27 : memref<10240x128xf32, #tpu.memory_space<hbm>>) dst(%arg9 : memref<128x128xf32, #tpu.memory_space<vmem>>)
    %dma_wait3A_28 = arith.constant 39 : i32
    %dma_wait3A_29 = arith.constant 0 : i32
    %dma_wait3A_30 = tpu.memref_slice %arg7[%dma_wait3A_28, %dma_wait3A_29] : memref<40x128xi32, #tpu.memory_space<vmem>> -> memref<1x128xi32, #tpu.memory_space<vmem>>
    %dma_wait3A_31 = tpu.memref_squeeze %dma_wait3A_30 : memref<1x128xi32, #tpu.memory_space<vmem>> -> memref<128xi32, #tpu.memory_space<vmem>>
    %dma_wait3A_32 = arith.constant 0 : i32
    %dma_wait3A_33 = arith.constant 0 : i32
    %dma_wait3A_34 = tpu.memref_slice %arg2[%dma_wait3A_32, %dma_wait3A_33] : memref<10240x128xf32, #tpu.memory_space<hbm>> -> memref<10240x128xf32, #tpu.memory_space<hbm>>
    tpu.wait_indirect_dma semaphore(%arg13 : memref<!tpu.dma_semaphore, #tpu.memory_space<semaphore_mem>>) src(%dma_wait3A_34 : memref<10240x128xf32, #tpu.memory_space<hbm>>) dst(%arg10 : memref<128x128xf32, #tpu.memory_space<vmem>>)
    %run_scoped3A_35 = arith.constant 1 : i32
    "tpu.region"() ({
      %run_scoped3A_76 = tpu.sem_alloc : memref<!tpu.dma_semaphore, #tpu.memory_space<semaphore_mem>>
      %dma_start3A_77 = arith.constant 0 : i32
      %dma_start3A_78 = arith.constant 0 : i32
      %dma_start3A_79 = tpu.memref_slice %arg3[%add3A, %run_scoped3A_35, %dma_start3A_77, %dma_start3A_78] : memref<32x2x40x128xi32, #tpu.memory_space<hbm>> -> memref<1x1x40x128xi32, #tpu.memory_space<hbm>>
      %dma_start3A_80 = tpu.memref_squeeze %dma_start3A_79 : memref<1x1x40x128xi32, #tpu.memory_space<hbm>> -> memref<40x128xi32, #tpu.memory_space<hbm>>
      %dma_start3A_81 = arith.constant 0 : i32
      %dma_start3A_82 = arith.constant 0 : i32
      %dma_start3A_83 = tpu.memref_slice %arg3[%add3A, %run_scoped3A_35, %dma_start3A_81, %dma_start3A_82] : memref<32x2x40x128xi32, #tpu.memory_space<hbm>> -> memref<1x1x40x128xi32, #tpu.memory_space<hbm>>
      %dma_start3A_84 = tpu.memref_squeeze %dma_start3A_83 : memref<1x1x40x128xi32, #tpu.memory_space<hbm>> -> memref<40x128xi32, #tpu.memory_space<hbm>>
      tpu.enqueue_dma source(%dma_start3A_84 : memref<40x128xi32, #tpu.memory_space<hbm>>) target(%arg7 : memref<40x128xi32, #tpu.memory_space<vmem>>) target_semaphore(%run_scoped3A_76 : memref<!tpu.dma_semaphore, #tpu.memory_space<semaphore_mem>>)
      %dma_wait3A_85 = arith.constant 0 : i32
      %dma_wait3A_86 = arith.constant 0 : i32
      %dma_wait3A_87 = tpu.memref_slice %arg3[%add3A, %run_scoped3A_35, %dma_wait3A_85, %dma_wait3A_86] : memref<32x2x40x128xi32, #tpu.memory_space<hbm>> -> memref<1x1x40x128xi32, #tpu.memory_space<hbm>>
      %dma_wait3A_88 = tpu.memref_squeeze %dma_wait3A_87 : memref<1x1x40x128xi32, #tpu.memory_space<hbm>> -> memref<40x128xi32, #tpu.memory_space<hbm>>
      %dma_wait3A_89 = arith.constant 0 : i32
      %dma_wait3A_90 = arith.constant 0 : i32
      %dma_wait3A_91 = tpu.memref_slice %arg3[%add3A, %run_scoped3A_35, %dma_wait3A_89, %dma_wait3A_90] : memref<32x2x40x128xi32, #tpu.memory_space<hbm>> -> memref<1x1x40x128xi32, #tpu.memory_space<hbm>>
      %dma_wait3A_92 = tpu.memref_squeeze %dma_wait3A_91 : memref<1x1x40x128xi32, #tpu.memory_space<hbm>> -> memref<40x128xi32, #tpu.memory_space<hbm>>
      tpu.wait_dma2 semaphore(%run_scoped3A_76 : memref<!tpu.dma_semaphore, #tpu.memory_space<semaphore_mem>>) src(%dma_wait3A_92 : memref<40x128xi32, #tpu.memory_space<hbm>>) dst(%arg7 : memref<40x128xi32, #tpu.memory_space<vmem>>)
      tpu.yield
    }) : () -> ()
    %run_scoped3A_36 = arith.constant 1 : i32
    "tpu.region"() ({
      %run_scoped3A_76 = tpu.sem_alloc : memref<!tpu.dma_semaphore, #tpu.memory_space<semaphore_mem>>
      %dma_start3A_77 = arith.constant 0 : i32
      %dma_start3A_78 = arith.constant 0 : i32
      %dma_start3A_79 = tpu.memref_slice %arg4[%add3A, %run_scoped3A_36, %dma_start3A_77, %dma_start3A_78] : memref<32x2x40x128xi32, #tpu.memory_space<hbm>> -> memref<1x1x40x128xi32, #tpu.memory_space<hbm>>
      %dma_start3A_80 = tpu.memref_squeeze %dma_start3A_79 : memref<1x1x40x128xi32, #tpu.memory_space<hbm>> -> memref<40x128xi32, #tpu.memory_space<hbm>>
      %dma_start3A_81 = arith.constant 0 : i32
      %dma_start3A_82 = arith.constant 0 : i32
      %dma_start3A_83 = tpu.memref_slice %arg4[%add3A, %run_scoped3A_36, %dma_start3A_81, %dma_start3A_82] : memref<32x2x40x128xi32, #tpu.memory_space<hbm>> -> memref<1x1x40x128xi32, #tpu.memory_space<hbm>>
      %dma_start3A_84 = tpu.memref_squeeze %dma_start3A_83 : memref<1x1x40x128xi32, #tpu.memory_space<hbm>> -> memref<40x128xi32, #tpu.memory_space<hbm>>
      tpu.enqueue_dma source(%dma_start3A_84 : memref<40x128xi32, #tpu.memory_space<hbm>>) target(%arg8 : memref<40x128xi32, #tpu.memory_space<vmem>>) target_semaphore(%run_scoped3A_76 : memref<!tpu.dma_semaphore, #tpu.memory_space<semaphore_mem>>)
      %dma_wait3A_85 = arith.constant 0 : i32
      %dma_wait3A_86 = arith.constant 0 : i32
      %dma_wait3A_87 = tpu.memref_slice %arg4[%add3A, %run_scoped3A_36, %dma_wait3A_85, %dma_wait3A_86] : memref<32x2x40x128xi32, #tpu.memory_space<hbm>> -> memref<1x1x40x128xi32, #tpu.memory_space<hbm>>
      %dma_wait3A_88 = tpu.memref_squeeze %dma_wait3A_87 : memref<1x1x40x128xi32, #tpu.memory_space<hbm>> -> memref<40x128xi32, #tpu.memory_space<hbm>>
      %dma_wait3A_89 = arith.constant 0 : i32
      %dma_wait3A_90 = arith.constant 0 : i32
      %dma_wait3A_91 = tpu.memref_slice %arg4[%add3A, %run_scoped3A_36, %dma_wait3A_89, %dma_wait3A_90] : memref<32x2x40x128xi32, #tpu.memory_space<hbm>> -> memref<1x1x40x128xi32, #tpu.memory_space<hbm>>
      %dma_wait3A_92 = tpu.memref_squeeze %dma_wait3A_91 : memref<1x1x40x128xi32, #tpu.memory_space<hbm>> -> memref<40x128xi32, #tpu.memory_space<hbm>>
      tpu.wait_dma2 semaphore(%run_scoped3A_76 : memref<!tpu.dma_semaphore, #tpu.memory_space<semaphore_mem>>) src(%dma_wait3A_92 : memref<40x128xi32, #tpu.memory_space<hbm>>) dst(%arg8 : memref<40x128xi32, #tpu.memory_space<vmem>>)
      tpu.yield
    }) : () -> ()
    %dma_start3A_37 = arith.constant 0 : i32
    %dma_start3A_38 = arith.constant 0 : i32
    %dma_start3A_39 = tpu.memref_slice %arg7[%dma_start3A_37, %dma_start3A_38] : memref<40x128xi32, #tpu.memory_space<vmem>> -> memref<1x128xi32, #tpu.memory_space<vmem>>
    %dma_start3A_40 = tpu.memref_squeeze %dma_start3A_39 : memref<1x128xi32, #tpu.memory_space<vmem>> -> memref<128xi32, #tpu.memory_space<vmem>>
    %dma_start3A_41 = arith.constant 0 : i32
    %dma_start3A_42 = arith.constant 0 : i32
    %dma_start3A_43 = tpu.memref_slice %arg2[%dma_start3A_41, %dma_start3A_42] : memref<10240x128xf32, #tpu.memory_space<hbm>> -> memref<10240x128xf32, #tpu.memory_space<hbm>>
    tpu.enqueue_indirect_dma source(%dma_start3A_43 : memref<10240x128xf32, #tpu.memory_space<hbm>>) target(%arg9 : memref<128x128xf32, #tpu.memory_space<vmem>>) offsets(%dma_start3A_40 : memref<128xi32, #tpu.memory_space<vmem>>) semaphore(%arg12 : memref<!tpu.dma_semaphore, #tpu.memory_space<semaphore_mem>>)
    %dma_start3A_44 = arith.constant 1 : i32
    %dma_start3A_45 = arith.constant 0 : i32
    %dma_start3A_46 = tpu.memref_slice %arg7[%dma_start3A_44, %dma_start3A_45] : memref<40x128xi32, #tpu.memory_space<vmem>> -> memref<1x128xi32, #tpu.memory_space<vmem>>
    %dma_start3A_47 = tpu.memref_squeeze %dma_start3A_46 : memref<1x128xi32, #tpu.memory_space<vmem>> -> memref<128xi32, #tpu.memory_space<vmem>>
    %dma_start3A_48 = arith.constant 0 : i32
    %dma_start3A_49 = arith.constant 0 : i32
    %dma_start3A_50 = tpu.memref_slice %arg2[%dma_start3A_48, %dma_start3A_49] : memref<10240x128xf32, #tpu.memory_space<hbm>> -> memref<10240x128xf32, #tpu.memory_space<hbm>>
    tpu.enqueue_indirect_dma source(%dma_start3A_50 : memref<10240x128xf32, #tpu.memory_space<hbm>>) target(%arg10 : memref<128x128xf32, #tpu.memory_space<vmem>>) offsets(%dma_start3A_47 : memref<128xi32, #tpu.memory_space<vmem>>) semaphore(%arg13 : memref<!tpu.dma_semaphore, #tpu.memory_space<semaphore_mem>>)
    %scan3A_51 = arith.constant 0 : i32
    %scan3A_52 = arith.constant 0 : i32
    %scan3A_53 = arith.constant 20 : i32
    %scan3A_54 = arith.addi %scan3A_52, %scan3A_53 : i32
    %scan3A_55 = arith.constant 1 : i32
    scf.for %scan3A_76 = %scan3A_52 to %scan3A_54 step %scan3A_55  : i32 {
      %mul3A_77 = arith.constant 2 : i32
      %mul3A_78 = arith.muli %scan3A_76, %mul3A_77 : i32
      %add3A_79 = arith.constant 1 : i32
      %add3A_80 = arith.addi %mul3A_78, %add3A_79 : i32
      %dma_wait3A_81 = arith.constant 0 : i32
      %dma_wait3A_82 = tpu.memref_slice %arg7[%mul3A_78, %dma_wait3A_81] : memref<40x128xi32, #tpu.memory_space<vmem>> -> memref<1x128xi32, #tpu.memory_space<vmem>>
      %dma_wait3A_83 = tpu.memref_squeeze %dma_wait3A_82 : memref<1x128xi32, #tpu.memory_space<vmem>> -> memref<128xi32, #tpu.memory_space<vmem>>
      %dma_wait3A_84 = arith.constant 0 : i32
      %dma_wait3A_85 = arith.constant 0 : i32
      %dma_wait3A_86 = tpu.memref_slice %arg2[%dma_wait3A_84, %dma_wait3A_85] : memref<10240x128xf32, #tpu.memory_space<hbm>> -> memref<10240x128xf32, #tpu.memory_space<hbm>>
      tpu.wait_indirect_dma semaphore(%arg12 : memref<!tpu.dma_semaphore, #tpu.memory_space<semaphore_mem>>) src(%dma_wait3A_86 : memref<10240x128xf32, #tpu.memory_space<hbm>>) dst(%arg9 : memref<128x128xf32, #tpu.memory_space<vmem>>)
      "tpu.region"() ({
        %run_scoped3A_112 = tpu.sem_alloc : memref<!tpu.dma_semaphore, #tpu.memory_space<semaphore_mem>>
        %dma_start3A_113 = arith.constant 0 : i32
        %dma_start3A_114 = tpu.memref_slice %arg8[%mul3A_78, %dma_start3A_113] : memref<40x128xi32, #tpu.memory_space<vmem>> -> memref<1x128xi32, #tpu.memory_space<vmem>>
        %dma_start3A_115 = tpu.memref_squeeze %dma_start3A_114 : memref<1x128xi32, #tpu.memory_space<vmem>> -> memref<128xi32, #tpu.memory_space<vmem>>
        %dma_start3A_116 = arith.constant 0 : i32
        %dma_start3A_117 = arith.constant 0 : i32
        %dma_start3A_118 = tpu.memref_slice %arg11[%dma_start3A_116, %dma_start3A_117] : memref<10240x128xf32, #tpu.memory_space<vmem_shared>> -> memref<10240x128xf32, #tpu.memory_space<vmem_shared>>
        tpu.enqueue_indirect_dma source(%arg9 : memref<128x128xf32, #tpu.memory_space<vmem>>) target(%dma_start3A_118 : memref<10240x128xf32, #tpu.memory_space<vmem_shared>>) offsets(%dma_start3A_115 : memref<128xi32, #tpu.memory_space<vmem>>) semaphore(%run_scoped3A_112 : memref<!tpu.dma_semaphore, #tpu.memory_space<semaphore_mem>>) {add = true}
        %dma_wait3A_119 = arith.constant 0 : i32
        %dma_wait3A_120 = tpu.memref_slice %arg8[%mul3A_78, %dma_wait3A_119] : memref<40x128xi32, #tpu.memory_space<vmem>> -> memref<1x128xi32, #tpu.memory_space<vmem>>
        %dma_wait3A_121 = tpu.memref_squeeze %dma_wait3A_120 : memref<1x128xi32, #tpu.memory_space<vmem>> -> memref<128xi32, #tpu.memory_space<vmem>>
        %dma_wait3A_122 = arith.constant 0 : i32
        %dma_wait3A_123 = arith.constant 0 : i32
        %dma_wait3A_124 = tpu.memref_slice %arg11[%dma_wait3A_122, %dma_wait3A_123] : memref<10240x128xf32, #tpu.memory_space<vmem_shared>> -> memref<10240x128xf32, #tpu.memory_space<vmem_shared>>
        tpu.wait_indirect_dma semaphore(%run_scoped3A_112 : memref<!tpu.dma_semaphore, #tpu.memory_space<semaphore_mem>>) src(%arg9 : memref<128x128xf32, #tpu.memory_space<vmem>>) dst(%dma_wait3A_124 : memref<10240x128xf32, #tpu.memory_space<vmem_shared>>)
        tpu.yield
      }) : () -> ()
      %add3A_87 = arith.constant 2 : i32
      %add3A_88 = arith.addi %mul3A_78, %add3A_87 : i32
      %min3A = arith.constant 39 : i32
      %min3A_89 = arith.minsi %add3A_88, %min3A : i32
      %dma_start3A_90 = arith.constant 0 : i32
      %dma_start3A_91 = tpu.memref_slice %arg7[%min3A_89, %dma_start3A_90] : memref<40x128xi32, #tpu.memory_space<vmem>> -> memref<1x128xi32, #tpu.memory_space<vmem>>
      %dma_start3A_92 = tpu.memref_squeeze %dma_start3A_91 : memref<1x128xi32, #tpu.memory_space<vmem>> -> memref<128xi32, #tpu.memory_space<vmem>>
      %dma_start3A_93 = arith.constant 0 : i32
      %dma_start3A_94 = arith.constant 0 : i32
      %dma_start3A_95 = tpu.memref_slice %arg2[%dma_start3A_93, %dma_start3A_94] : memref<10240x128xf32, #tpu.memory_space<hbm>> -> memref<10240x128xf32, #tpu.memory_space<hbm>>
      tpu.enqueue_indirect_dma source(%dma_start3A_95 : memref<10240x128xf32, #tpu.memory_space<hbm>>) target(%arg9 : memref<128x128xf32, #tpu.memory_space<vmem>>) offsets(%dma_start3A_92 : memref<128xi32, #tpu.memory_space<vmem>>) semaphore(%arg12 : memref<!tpu.dma_semaphore, #tpu.memory_space<semaphore_mem>>)
      %dma_wait3A_96 = arith.constant 0 : i32
      %dma_wait3A_97 = tpu.memref_slice %arg7[%add3A_80, %dma_wait3A_96] : memref<40x128xi32, #tpu.memory_space<vmem>> -> memref<1x128xi32, #tpu.memory_space<vmem>>
      %dma_wait3A_98 = tpu.memref_squeeze %dma_wait3A_97 : memref<1x128xi32, #tpu.memory_space<vmem>> -> memref<128xi32, #tpu.memory_space<vmem>>
      %dma_wait3A_99 = arith.constant 0 : i32
      %dma_wait3A_100 = arith.constant 0 : i32
      %dma_wait3A_101 = tpu.memref_slice %arg2[%dma_wait3A_99, %dma_wait3A_100] : memref<10240x128xf32, #tpu.memory_space<hbm>> -> memref<10240x128xf32, #tpu.memory_space<hbm>>
      tpu.wait_indirect_dma semaphore(%arg13 : memref<!tpu.dma_semaphore, #tpu.memory_space<semaphore_mem>>) src(%dma_wait3A_101 : memref<10240x128xf32, #tpu.memory_space<hbm>>) dst(%arg10 : memref<128x128xf32, #tpu.memory_space<vmem>>)
      "tpu.region"() ({
        %run_scoped3A_112 = tpu.sem_alloc : memref<!tpu.dma_semaphore, #tpu.memory_space<semaphore_mem>>
        %dma_start3A_113 = arith.constant 0 : i32
        %dma_start3A_114 = tpu.memref_slice %arg8[%add3A_80, %dma_start3A_113] : memref<40x128xi32, #tpu.memory_space<vmem>> -> memref<1x128xi32, #tpu.memory_space<vmem>>
        %dma_start3A_115 = tpu.memref_squeeze %dma_start3A_114 : memref<1x128xi32, #tpu.memory_space<vmem>> -> memref<128xi32, #tpu.memory_space<vmem>>
        %dma_start3A_116 = arith.constant 0 : i32
        %dma_start3A_117 = arith.constant 0 : i32
        %dma_start3A_118 = tpu.memref_slice %arg11[%dma_start3A_116, %dma_start3A_117] : memref<10240x128xf32, #tpu.memory_space<vmem_shared>> -> memref<10240x128xf32, #tpu.memory_space<vmem_shared>>
        tpu.enqueue_indirect_dma source(%arg10 : memref<128x128xf32, #tpu.memory_space<vmem>>) target(%dma_start3A_118 : memref<10240x128xf32, #tpu.memory_space<vmem_shared>>) offsets(%dma_start3A_115 : memref<128xi32, #tpu.memory_space<vmem>>) semaphore(%run_scoped3A_112 : memref<!tpu.dma_semaphore, #tpu.memory_space<semaphore_mem>>) {add = true}
        %dma_wait3A_119 = arith.constant 0 : i32
        %dma_wait3A_120 = tpu.memref_slice %arg8[%add3A_80, %dma_wait3A_119] : memref<40x128xi32, #tpu.memory_space<vmem>> -> memref<1x128xi32, #tpu.memory_space<vmem>>
        %dma_wait3A_121 = tpu.memref_squeeze %dma_wait3A_120 : memref<1x128xi32, #tpu.memory_space<vmem>> -> memref<128xi32, #tpu.memory_space<vmem>>
        %dma_wait3A_122 = arith.constant 0 : i32
        %dma_wait3A_123 = arith.constant 0 : i32
        %dma_wait3A_124 = tpu.memref_slice %arg11[%dma_wait3A_122, %dma_wait3A_123] : memref<10240x128xf32, #tpu.memory_space<vmem_shared>> -> memref<10240x128xf32, #tpu.memory_space<vmem_shared>>
        tpu.wait_indirect_dma semaphore(%run_scoped3A_112 : memref<!tpu.dma_semaphore, #tpu.memory_space<semaphore_mem>>) src(%arg10 : memref<128x128xf32, #tpu.memory_space<vmem>>) dst(%dma_wait3A_124 : memref<10240x128xf32, #tpu.memory_space<vmem_shared>>)
        tpu.yield
      }) : () -> ()
      %add3A_102 = arith.constant 2 : i32
      %add3A_103 = arith.addi %add3A_80, %add3A_102 : i32
      %min3A_104 = arith.constant 39 : i32
      %min3A_105 = arith.minsi %add3A_103, %min3A_104 : i32
      %dma_start3A_106 = arith.constant 0 : i32
      %dma_start3A_107 = tpu.memref_slice %arg7[%min3A_105, %dma_start3A_106] : memref<40x128xi32, #tpu.memory_space<vmem>> -> memref<1x128xi32, #tpu.memory_space<vmem>>
      %dma_start3A_108 = tpu.memref_squeeze %dma_start3A_107 : memref<1x128xi32, #tpu.memory_space<vmem>> -> memref<128xi32, #tpu.memory_space<vmem>>
      %dma_start3A_109 = arith.constant 0 : i32
      %dma_start3A_110 = arith.constant 0 : i32
      %dma_start3A_111 = tpu.memref_slice %arg2[%dma_start3A_109, %dma_start3A_110] : memref<10240x128xf32, #tpu.memory_space<hbm>> -> memref<10240x128xf32, #tpu.memory_space<hbm>>
      tpu.enqueue_indirect_dma source(%dma_start3A_111 : memref<10240x128xf32, #tpu.memory_space<hbm>>) target(%arg10 : memref<128x128xf32, #tpu.memory_space<vmem>>) offsets(%dma_start3A_108 : memref<128xi32, #tpu.memory_space<vmem>>) semaphore(%arg13 : memref<!tpu.dma_semaphore, #tpu.memory_space<semaphore_mem>>)
    }
    %scan3A_56 = arith.constant 20 : i32
    %dma_wait3A_57 = arith.constant 39 : i32
    %dma_wait3A_58 = arith.constant 0 : i32
    %dma_wait3A_59 = tpu.memref_slice %arg7[%dma_wait3A_57, %dma_wait3A_58] : memref<40x128xi32, #tpu.memory_space<vmem>> -> memref<1x128xi32, #tpu.memory_space<vmem>>
    %dma_wait3A_60 = tpu.memref_squeeze %dma_wait3A_59 : memref<1x128xi32, #tpu.memory_space<vmem>> -> memref<128xi32, #tpu.memory_space<vmem>>
    %dma_wait3A_61 = arith.constant 0 : i32
    %dma_wait3A_62 = arith.constant 0 : i32
    %dma_wait3A_63 = tpu.memref_slice %arg2[%dma_wait3A_61, %dma_wait3A_62] : memref<10240x128xf32, #tpu.memory_space<hbm>> -> memref<10240x128xf32, #tpu.memory_space<hbm>>
    tpu.wait_indirect_dma semaphore(%arg12 : memref<!tpu.dma_semaphore, #tpu.memory_space<semaphore_mem>>) src(%dma_wait3A_63 : memref<10240x128xf32, #tpu.memory_space<hbm>>) dst(%arg9 : memref<128x128xf32, #tpu.memory_space<vmem>>)
    %dma_wait3A_64 = arith.constant 39 : i32
    %dma_wait3A_65 = arith.constant 0 : i32
    %dma_wait3A_66 = tpu.memref_slice %arg7[%dma_wait3A_64, %dma_wait3A_65] : memref<40x128xi32, #tpu.memory_space<vmem>> -> memref<1x128xi32, #tpu.memory_space<vmem>>
    %dma_wait3A_67 = tpu.memref_squeeze %dma_wait3A_66 : memref<1x128xi32, #tpu.memory_space<vmem>> -> memref<128xi32, #tpu.memory_space<vmem>>
    %dma_wait3A_68 = arith.constant 0 : i32
    %dma_wait3A_69 = arith.constant 0 : i32
    %dma_wait3A_70 = tpu.memref_slice %arg2[%dma_wait3A_68, %dma_wait3A_69] : memref<10240x128xf32, #tpu.memory_space<hbm>> -> memref<10240x128xf32, #tpu.memory_space<hbm>>
    tpu.wait_indirect_dma semaphore(%arg13 : memref<!tpu.dma_semaphore, #tpu.memory_space<semaphore_mem>>) src(%dma_wait3A_70 : memref<10240x128xf32, #tpu.memory_space<hbm>>) dst(%arg10 : memref<128x128xf32, #tpu.memory_space<vmem>>)
    %barrier3A_71 = arith.constant 0 : index
    tpu.barrier barrier_id(%barrier3A_71)
    %mul3A_72 = arith.constant 640 : i32
    %mul3A_73 = arith.muli %arg1, %mul3A_72 : i32
    %mul3A_74 = arith.constant 640 : i32
    %mul3A_75 = arith.muli %arg1, %mul3A_74 : i32
    "tpu.region"() ({
      %run_scoped3A_76 = tpu.sem_alloc : memref<!tpu.dma_semaphore, #tpu.memory_space<semaphore_mem>>
      %dma_start3A_77 = arith.constant 0 : i32
      %dma_start3A_78 = tpu.memref_slice %arg6[%arg0, %mul3A_75, %dma_start3A_77] : memref<2x10240x128xf32, #tpu.memory_space<hbm>> -> memref<1x640x128xf32, #tpu.memory_space<hbm>>
      %dma_start3A_79 = tpu.memref_squeeze %dma_start3A_78 : memref<1x640x128xf32, #tpu.memory_space<hbm>> -> memref<640x128xf32, #tpu.memory_space<hbm>>
      %dma_start3A_80 = arith.constant 0 : i32
      %dma_start3A_81 = tpu.memref_slice %arg11[%mul3A_73, %dma_start3A_80] : memref<10240x128xf32, #tpu.memory_space<vmem_shared>> -> memref<640x128xf32, #tpu.memory_space<vmem_shared>>
      tpu.enqueue_dma source(%dma_start3A_81 : memref<640x128xf32, #tpu.memory_space<vmem_shared>>) target(%dma_start3A_79 : memref<640x128xf32, #tpu.memory_space<hbm>>) target_semaphore(%run_scoped3A_76 : memref<!tpu.dma_semaphore, #tpu.memory_space<semaphore_mem>>)
      %dma_wait3A_82 = arith.constant 0 : i32
      %dma_wait3A_83 = tpu.memref_slice %arg6[%arg0, %mul3A_75, %dma_wait3A_82] : memref<2x10240x128xf32, #tpu.memory_space<hbm>> -> memref<1x640x128xf32, #tpu.memory_space<hbm>>
      %dma_wait3A_84 = tpu.memref_squeeze %dma_wait3A_83 : memref<1x640x128xf32, #tpu.memory_space<hbm>> -> memref<640x128xf32, #tpu.memory_space<hbm>>
      %dma_wait3A_85 = arith.constant 0 : i32
      %dma_wait3A_86 = tpu.memref_slice %arg11[%mul3A_73, %dma_wait3A_85] : memref<10240x128xf32, #tpu.memory_space<vmem_shared>> -> memref<640x128xf32, #tpu.memory_space<vmem_shared>>
      tpu.wait_dma2 semaphore(%run_scoped3A_76 : memref<!tpu.dma_semaphore, #tpu.memory_space<semaphore_mem>>) src(%dma_wait3A_86 : memref<640x128xf32, #tpu.memory_space<vmem_shared>>) dst(%dma_wait3A_84 : memref<640x128xf32, #tpu.memory_space<hbm>>)
      tpu.yield
    }) : () -> ()
    return
  }
}

#map = affine_map<(d0, d1) -> (0, 0)>
#map1 = affine_map<(d0, d1) -> (0, 0, 0, 0)>
#map2 = affine_map<(d0, d1) -> (0, 0, 0)>
module attributes {stable_mosaic.version = 14 : i64} {
  func.func @_spmm_sc(%arg0: i32, %arg1: i32, %arg2: memref<10240x128xf32, #tpu.memory_space<hbm>>, %arg3: memref<32x2x40x128xi32, #tpu.memory_space<hbm>>, %arg4: memref<32x2x40x128xi32, #tpu.memory_space<hbm>>, %arg5: memref<640x128xf32, #tpu.memory_space<hbm>>, %arg6: memref<2x10240x128xf32, #tpu.memory_space<hbm>>, %arg7: memref<40x128xi32, #tpu.memory_space<vmem>>, %arg8: memref<40x128xi32, #tpu.memory_space<vmem>>, %arg9: memref<128x128xf32, #tpu.memory_space<vmem>>, %arg10: memref<128x128xf32, #tpu.memory_space<vmem>>, %arg11: memref<10240x128xf32, #tpu.memory_space<vmem_shared>>, %arg12: memref<!tpu.dma_semaphore, #tpu.memory_space<semaphore_mem>>, %arg13: memref<!tpu.dma_semaphore, #tpu.memory_space<semaphore_mem>>) attributes {dimension_semantics = [#tpu.dimension_semantics<core_parallel>, #tpu.dimension_semantics<subcore_parallel>], iteration_bounds = array<i64: 2, 16>, scalar_prefetch = 0 : i64, scratch_operands = 7 : i64, tpu.core_type = #tpu.core_type<sc_vector_subcore>, window_params = [{transform_indices = #map}, {transform_indices = #map1}, {transform_indices = #map1}, {transform_indices = #map}, {transform_indices = #map2}]} {
    %mul3A = arith.constant 16 : i32
    %mul3A_0 = arith.muli %arg0, %mul3A : i32
    %add3A = arith.addi %mul3A_0, %arg1 : i32
    %mul3A_1 = arith.constant 640 : i32
    %mul3A_2 = arith.muli %arg1, %mul3A_1 : i32
    "tpu.region"() ({
      %run_scoped3A_76 = tpu.sem_alloc : memref<!tpu.dma_semaphore, #tpu.memory_space<semaphore_mem>>
      %dma_start3A_77 = arith.constant 0 : i32
      %dma_start3A_78 = tpu.memref_slice %arg11[%mul3A_2, %dma_start3A_77] : memref<10240x128xf32, #tpu.memory_space<vmem_shared>> -> memref<640x128xf32, #tpu.memory_space<vmem_shared>>
      tpu.enqueue_dma source(%arg5 : memref<640x128xf32, #tpu.memory_space<hbm>>) target(%dma_start3A_78 : memref<640x128xf32, #tpu.memory_space<vmem_shared>>) target_semaphore(%run_scoped3A_76 : memref<!tpu.dma_semaphore, #tpu.memory_space<semaphore_mem>>)
      %dma_wait3A_79 = arith.constant 0 : i32
      %dma_wait3A_80 = tpu.memref_slice %arg11[%mul3A_2, %dma_wait3A_79] : memref<10240x128xf32, #tpu.memory_space<vmem_shared>> -> memref<640x128xf32, #tpu.memory_space<vmem_shared>>
      tpu.wait_dma2 semaphore(%run_scoped3A_76 : memref<!tpu.dma_semaphore, #tpu.memory_space<semaphore_mem>>) src(%arg5 : memref<640x128xf32, #tpu.memory_space<hbm>>) dst(%dma_wait3A_80 : memref<640x128xf32, #tpu.memory_space<vmem_shared>>)
      tpu.yield
    }) : () -> ()
    %barrier3A = arith.constant 0 : index
    tpu.barrier barrier_id(%barrier3A)
    %run_scoped3A = arith.constant 0 : i32
    "tpu.region"() ({
      %run_scoped3A_76 = tpu.sem_alloc : memref<!tpu.dma_semaphore, #tpu.memory_space<semaphore_mem>>
      %dma_start3A_77 = arith.constant 0 : i32
      %dma_start3A_78 = arith.constant 0 : i32
      %dma_start3A_79 = tpu.memref_slice %arg3[%add3A, %run_scoped3A, %dma_start3A_77, %dma_start3A_78] : memref<32x2x40x128xi32, #tpu.memory_space<hbm>> -> memref<1x1x40x128xi32, #tpu.memory_space<hbm>>
      %dma_start3A_80 = tpu.memref_squeeze %dma_start3A_79 : memref<1x1x40x128xi32, #tpu.memory_space<hbm>> -> memref<40x128xi32, #tpu.memory_space<hbm>>
      %dma_start3A_81 = arith.constant 0 : i32
      %dma_start3A_82 = arith.constant 0 : i32
      %dma_start3A_83 = tpu.memref_slice %arg3[%add3A, %run_scoped3A, %dma_start3A_81, %dma_start3A_82] : memref<32x2x40x128xi32, #tpu.memory_space<hbm>> -> memref<1x1x40x128xi32, #tpu.memory_space<hbm>>
      %dma_start3A_84 = tpu.memref_squeeze %dma_start3A_83 : memref<1x1x40x128xi32, #tpu.memory_space<hbm>> -> memref<40x128xi32, #tpu.memory_space<hbm>>
      tpu.enqueue_dma source(%dma_start3A_84 : memref<40x128xi32, #tpu.memory_space<hbm>>) target(%arg7 : memref<40x128xi32, #tpu.memory_space<vmem>>) target_semaphore(%run_scoped3A_76 : memref<!tpu.dma_semaphore, #tpu.memory_space<semaphore_mem>>)
      %dma_wait3A_85 = arith.constant 0 : i32
      %dma_wait3A_86 = arith.constant 0 : i32
      %dma_wait3A_87 = tpu.memref_slice %arg3[%add3A, %run_scoped3A, %dma_wait3A_85, %dma_wait3A_86] : memref<32x2x40x128xi32, #tpu.memory_space<hbm>> -> memref<1x1x40x128xi32, #tpu.memory_space<hbm>>
      %dma_wait3A_88 = tpu.memref_squeeze %dma_wait3A_87 : memref<1x1x40x128xi32, #tpu.memory_space<hbm>> -> memref<40x128xi32, #tpu.memory_space<hbm>>
      %dma_wait3A_89 = arith.constant 0 : i32
      %dma_wait3A_90 = arith.constant 0 : i32
      %dma_wait3A_91 = tpu.memref_slice %arg3[%add3A, %run_scoped3A, %dma_wait3A_89, %dma_wait3A_90] : memref<32x2x40x128xi32, #tpu.memory_space<hbm>> -> memref<1x1x40x128xi32, #tpu.memory_space<hbm>>
      %dma_wait3A_92 = tpu.memref_squeeze %dma_wait3A_91 : memref<1x1x40x128xi32, #tpu.memory_space<hbm>> -> memref<40x128xi32, #tpu.memory_space<hbm>>
      tpu.wait_dma2 semaphore(%run_scoped3A_76 : memref<!tpu.dma_semaphore, #tpu.memory_space<semaphore_mem>>) src(%dma_wait3A_92 : memref<40x128xi32, #tpu.memory_space<hbm>>) dst(%arg7 : memref<40x128xi32, #tpu.memory_space<vmem>>)
      tpu.yield
    }) : () -> ()
    %run_scoped3A_3 = arith.constant 0 : i32
    "tpu.region"() ({
      %run_scoped3A_76 = tpu.sem_alloc : memref<!tpu.dma_semaphore, #tpu.memory_space<semaphore_mem>>
      %dma_start3A_77 = arith.constant 0 : i32
      %dma_start3A_78 = arith.constant 0 : i32
      %dma_start3A_79 = tpu.memref_slice %arg4[%add3A, %run_scoped3A_3, %dma_start3A_77, %dma_start3A_78] : memref<32x2x40x128xi32, #tpu.memory_space<hbm>> -> memref<1x1x40x128xi32, #tpu.memory_space<hbm>>
      %dma_start3A_80 = tpu.memref_squeeze %dma_start3A_79 : memref<1x1x40x128xi32, #tpu.memory_space<hbm>> -> memref<40x128xi32, #tpu.memory_space<hbm>>
      %dma_start3A_81 = arith.constant 0 : i32
      %dma_start3A_82 = arith.constant 0 : i32
      %dma_start3A_83 = tpu.memref_slice %arg4[%add3A, %run_scoped3A_3, %dma_start3A_81, %dma_start3A_82] : memref<32x2x40x128xi32, #tpu.memory_space<hbm>> -> memref<1x1x40x128xi32, #tpu.memory_space<hbm>>
      %dma_start3A_84 = tpu.memref_squeeze %dma_start3A_83 : memref<1x1x40x128xi32, #tpu.memory_space<hbm>> -> memref<40x128xi32, #tpu.memory_space<hbm>>
      tpu.enqueue_dma source(%dma_start3A_84 : memref<40x128xi32, #tpu.memory_space<hbm>>) target(%arg8 : memref<40x128xi32, #tpu.memory_space<vmem>>) target_semaphore(%run_scoped3A_76 : memref<!tpu.dma_semaphore, #tpu.memory_space<semaphore_mem>>)
      %dma_wait3A_85 = arith.constant 0 : i32
      %dma_wait3A_86 = arith.constant 0 : i32
      %dma_wait3A_87 = tpu.memref_slice %arg4[%add3A, %run_scoped3A_3, %dma_wait3A_85, %dma_wait3A_86] : memref<32x2x40x128xi32, #tpu.memory_space<hbm>> -> memref<1x1x40x128xi32, #tpu.memory_space<hbm>>
      %dma_wait3A_88 = tpu.memref_squeeze %dma_wait3A_87 : memref<1x1x40x128xi32, #tpu.memory_space<hbm>> -> memref<40x128xi32, #tpu.memory_space<hbm>>
      %dma_wait3A_89 = arith.constant 0 : i32
      %dma_wait3A_90 = arith.constant 0 : i32
      %dma_wait3A_91 = tpu.memref_slice %arg4[%add3A, %run_scoped3A_3, %dma_wait3A_89, %dma_wait3A_90] : memref<32x2x40x128xi32, #tpu.memory_space<hbm>> -> memref<1x1x40x128xi32, #tpu.memory_space<hbm>>
      %dma_wait3A_92 = tpu.memref_squeeze %dma_wait3A_91 : memref<1x1x40x128xi32, #tpu.memory_space<hbm>> -> memref<40x128xi32, #tpu.memory_space<hbm>>
      tpu.wait_dma2 semaphore(%run_scoped3A_76 : memref<!tpu.dma_semaphore, #tpu.memory_space<semaphore_mem>>) src(%dma_wait3A_92 : memref<40x128xi32, #tpu.memory_space<hbm>>) dst(%arg8 : memref<40x128xi32, #tpu.memory_space<vmem>>)
      tpu.yield
    }) : () -> ()
    %dma_start3A = arith.constant 0 : i32
    %dma_start3A_4 = arith.constant 0 : i32
    %dma_start3A_5 = tpu.memref_slice %arg7[%dma_start3A, %dma_start3A_4] : memref<40x128xi32, #tpu.memory_space<vmem>> -> memref<1x128xi32, #tpu.memory_space<vmem>>
    %dma_start3A_6 = tpu.memref_squeeze %dma_start3A_5 : memref<1x128xi32, #tpu.memory_space<vmem>> -> memref<128xi32, #tpu.memory_space<vmem>>
    %dma_start3A_7 = arith.constant 0 : i32
    %dma_start3A_8 = arith.constant 0 : i32
    %dma_start3A_9 = tpu.memref_slice %arg2[%dma_start3A_7, %dma_start3A_8] : memref<10240x128xf32, #tpu.memory_space<hbm>> -> memref<10240x128xf32, #tpu.memory_space<hbm>>
    tpu.enqueue_indirect_dma source(%dma_start3A_9 : memref<10240x128xf32, #tpu.memory_space<hbm>>) target(%arg9 : memref<128x128xf32, #tpu.memory_space<vmem>>) offsets(%dma_start3A_6 : memref<128xi32, #tpu.memory_space<vmem>>) semaphore(%arg12 : memref<!tpu.dma_semaphore, #tpu.memory_space<semaphore_mem>>)
    %dma_start3A_10 = arith.constant 1 : i32
    %dma_start3A_11 = arith.constant 0 : i32
    %dma_start3A_12 = tpu.memref_slice %arg7[%dma_start3A_10, %dma_start3A_11] : memref<40x128xi32, #tpu.memory_space<vmem>> -> memref<1x128xi32, #tpu.memory_space<vmem>>
    %dma_start3A_13 = tpu.memref_squeeze %dma_start3A_12 : memref<1x128xi32, #tpu.memory_space<vmem>> -> memref<128xi32, #tpu.memory_space<vmem>>
    %dma_start3A_14 = arith.constant 0 : i32
    %dma_start3A_15 = arith.constant 0 : i32
    %dma_start3A_16 = tpu.memref_slice %arg2[%dma_start3A_14, %dma_start3A_15] : memref<10240x128xf32, #tpu.memory_space<hbm>> -> memref<10240x128xf32, #tpu.memory_space<hbm>>
    tpu.enqueue_indirect_dma source(%dma_start3A_16 : memref<10240x128xf32, #tpu.memory_space<hbm>>) target(%arg10 : memref<128x128xf32, #tpu.memory_space<vmem>>) offsets(%dma_start3A_13 : memref<128xi32, #tpu.memory_space<vmem>>) semaphore(%arg13 : memref<!tpu.dma_semaphore, #tpu.memory_space<semaphore_mem>>)
    %scan3A = arith.constant 0 : i32
    %scan3A_17 = arith.constant 0 : i32
    %scan3A_18 = arith.constant 20 : i32
    %scan3A_19 = arith.addi %scan3A_17, %scan3A_18 : i32
    %scan3A_20 = arith.constant 1 : i32
    scf.for %scan3A_76 = %scan3A_17 to %scan3A_19 step %scan3A_20  : i32 {
      %mul3A_77 = arith.constant 2 : i32
      %mul3A_78 = arith.muli %scan3A_76, %mul3A_77 : i32
      %add3A_79 = arith.constant 1 : i32
      %add3A_80 = arith.addi %mul3A_78, %add3A_79 : i32
      %dma_wait3A_81 = arith.constant 0 : i32
      %dma_wait3A_82 = tpu.memref_slice %arg7[%mul3A_78, %dma_wait3A_81] : memref<40x128xi32, #tpu.memory_space<vmem>> -> memref<1x128xi32, #tpu.memory_space<vmem>>
      %dma_wait3A_83 = tpu.memref_squeeze %dma_wait3A_82 : memref<1x128xi32, #tpu.memory_space<vmem>> -> memref<128xi32, #tpu.memory_space<vmem>>
      %dma_wait3A_84 = arith.constant 0 : i32
      %dma_wait3A_85 = arith.constant 0 : i32
      %dma_wait3A_86 = tpu.memref_slice %arg2[%dma_wait3A_84, %dma_wait3A_85] : memref<10240x128xf32, #tpu.memory_space<hbm>> -> memref<10240x128xf32, #tpu.memory_space<hbm>>
      tpu.wait_indirect_dma semaphore(%arg12 : memref<!tpu.dma_semaphore, #tpu.memory_space<semaphore_mem>>) src(%dma_wait3A_86 : memref<10240x128xf32, #tpu.memory_space<hbm>>) dst(%arg9 : memref<128x128xf32, #tpu.memory_space<vmem>>)
      "tpu.region"() ({
        %run_scoped3A_112 = tpu.sem_alloc : memref<!tpu.dma_semaphore, #tpu.memory_space<semaphore_mem>>
        %dma_start3A_113 = arith.constant 0 : i32
        %dma_start3A_114 = tpu.memref_slice %arg8[%mul3A_78, %dma_start3A_113] : memref<40x128xi32, #tpu.memory_space<vmem>> -> memref<1x128xi32, #tpu.memory_space<vmem>>
        %dma_start3A_115 = tpu.memref_squeeze %dma_start3A_114 : memref<1x128xi32, #tpu.memory_space<vmem>> -> memref<128xi32, #tpu.memory_space<vmem>>
        %dma_start3A_116 = arith.constant 0 : i32
        %dma_start3A_117 = arith.constant 0 : i32
        %dma_start3A_118 = tpu.memref_slice %arg11[%dma_start3A_116, %dma_start3A_117] : memref<10240x128xf32, #tpu.memory_space<vmem_shared>> -> memref<10240x128xf32, #tpu.memory_space<vmem_shared>>
        tpu.enqueue_indirect_dma source(%arg9 : memref<128x128xf32, #tpu.memory_space<vmem>>) target(%dma_start3A_118 : memref<10240x128xf32, #tpu.memory_space<vmem_shared>>) offsets(%dma_start3A_115 : memref<128xi32, #tpu.memory_space<vmem>>) semaphore(%run_scoped3A_112 : memref<!tpu.dma_semaphore, #tpu.memory_space<semaphore_mem>>) {add = true}
        %dma_wait3A_119 = arith.constant 0 : i32
        %dma_wait3A_120 = tpu.memref_slice %arg8[%mul3A_78, %dma_wait3A_119] : memref<40x128xi32, #tpu.memory_space<vmem>> -> memref<1x128xi32, #tpu.memory_space<vmem>>
        %dma_wait3A_121 = tpu.memref_squeeze %dma_wait3A_120 : memref<1x128xi32, #tpu.memory_space<vmem>> -> memref<128xi32, #tpu.memory_space<vmem>>
        %dma_wait3A_122 = arith.constant 0 : i32
        %dma_wait3A_123 = arith.constant 0 : i32
        %dma_wait3A_124 = tpu.memref_slice %arg11[%dma_wait3A_122, %dma_wait3A_123] : memref<10240x128xf32, #tpu.memory_space<vmem_shared>> -> memref<10240x128xf32, #tpu.memory_space<vmem_shared>>
        tpu.wait_indirect_dma semaphore(%run_scoped3A_112 : memref<!tpu.dma_semaphore, #tpu.memory_space<semaphore_mem>>) src(%arg9 : memref<128x128xf32, #tpu.memory_space<vmem>>) dst(%dma_wait3A_124 : memref<10240x128xf32, #tpu.memory_space<vmem_shared>>)
        tpu.yield
      }) : () -> ()
      %add3A_87 = arith.constant 2 : i32
      %add3A_88 = arith.addi %mul3A_78, %add3A_87 : i32
      %min3A = arith.constant 39 : i32
      %min3A_89 = arith.minsi %add3A_88, %min3A : i32
      %dma_start3A_90 = arith.constant 0 : i32
      %dma_start3A_91 = tpu.memref_slice %arg7[%min3A_89, %dma_start3A_90] : memref<40x128xi32, #tpu.memory_space<vmem>> -> memref<1x128xi32, #tpu.memory_space<vmem>>
      %dma_start3A_92 = tpu.memref_squeeze %dma_start3A_91 : memref<1x128xi32, #tpu.memory_space<vmem>> -> memref<128xi32, #tpu.memory_space<vmem>>
      %dma_start3A_93 = arith.constant 0 : i32
      %dma_start3A_94 = arith.constant 0 : i32
      %dma_start3A_95 = tpu.memref_slice %arg2[%dma_start3A_93, %dma_start3A_94] : memref<10240x128xf32, #tpu.memory_space<hbm>> -> memref<10240x128xf32, #tpu.memory_space<hbm>>
      tpu.enqueue_indirect_dma source(%dma_start3A_95 : memref<10240x128xf32, #tpu.memory_space<hbm>>) target(%arg9 : memref<128x128xf32, #tpu.memory_space<vmem>>) offsets(%dma_start3A_92 : memref<128xi32, #tpu.memory_space<vmem>>) semaphore(%arg12 : memref<!tpu.dma_semaphore, #tpu.memory_space<semaphore_mem>>)
      %dma_wait3A_96 = arith.constant 0 : i32
      %dma_wait3A_97 = tpu.memref_slice %arg7[%add3A_80, %dma_wait3A_96] : memref<40x128xi32, #tpu.memory_space<vmem>> -> memref<1x128xi32, #tpu.memory_space<vmem>>
      %dma_wait3A_98 = tpu.memref_squeeze %dma_wait3A_97 : memref<1x128xi32, #tpu.memory_space<vmem>> -> memref<128xi32, #tpu.memory_space<vmem>>
      %dma_wait3A_99 = arith.constant 0 : i32
      %dma_wait3A_100 = arith.constant 0 : i32
      %dma_wait3A_101 = tpu.memref_slice %arg2[%dma_wait3A_99, %dma_wait3A_100] : memref<10240x128xf32, #tpu.memory_space<hbm>> -> memref<10240x128xf32, #tpu.memory_space<hbm>>
      tpu.wait_indirect_dma semaphore(%arg13 : memref<!tpu.dma_semaphore, #tpu.memory_space<semaphore_mem>>) src(%dma_wait3A_101 : memref<10240x128xf32, #tpu.memory_space<hbm>>) dst(%arg10 : memref<128x128xf32, #tpu.memory_space<vmem>>)
      "tpu.region"() ({
        %run_scoped3A_112 = tpu.sem_alloc : memref<!tpu.dma_semaphore, #tpu.memory_space<semaphore_mem>>
        %dma_start3A_113 = arith.constant 0 : i32
        %dma_start3A_114 = tpu.memref_slice %arg8[%add3A_80, %dma_start3A_113] : memref<40x128xi32, #tpu.memory_space<vmem>> -> memref<1x128xi32, #tpu.memory_space<vmem>>
        %dma_start3A_115 = tpu.memref_squeeze %dma_start3A_114 : memref<1x128xi32, #tpu.memory_space<vmem>> -> memref<128xi32, #tpu.memory_space<vmem>>
        %dma_start3A_116 = arith.constant 0 : i32
        %dma_start3A_117 = arith.constant 0 : i32
        %dma_start3A_118 = tpu.memref_slice %arg11[%dma_start3A_116, %dma_start3A_117] : memref<10240x128xf32, #tpu.memory_space<vmem_shared>> -> memref<10240x128xf32, #tpu.memory_space<vmem_shared>>
        tpu.enqueue_indirect_dma source(%arg10 : memref<128x128xf32, #tpu.memory_space<vmem>>) target(%dma_start3A_118 : memref<10240x128xf32, #tpu.memory_space<vmem_shared>>) offsets(%dma_start3A_115 : memref<128xi32, #tpu.memory_space<vmem>>) semaphore(%run_scoped3A_112 : memref<!tpu.dma_semaphore, #tpu.memory_space<semaphore_mem>>) {add = true}
        %dma_wait3A_119 = arith.constant 0 : i32
        %dma_wait3A_120 = tpu.memref_slice %arg8[%add3A_80, %dma_wait3A_119] : memref<40x128xi32, #tpu.memory_space<vmem>> -> memref<1x128xi32, #tpu.memory_space<vmem>>
        %dma_wait3A_121 = tpu.memref_squeeze %dma_wait3A_120 : memref<1x128xi32, #tpu.memory_space<vmem>> -> memref<128xi32, #tpu.memory_space<vmem>>
        %dma_wait3A_122 = arith.constant 0 : i32
        %dma_wait3A_123 = arith.constant 0 : i32
        %dma_wait3A_124 = tpu.memref_slice %arg11[%dma_wait3A_122, %dma_wait3A_123] : memref<10240x128xf32, #tpu.memory_space<vmem_shared>> -> memref<10240x128xf32, #tpu.memory_space<vmem_shared>>
        tpu.wait_indirect_dma semaphore(%run_scoped3A_112 : memref<!tpu.dma_semaphore, #tpu.memory_space<semaphore_mem>>) src(%arg10 : memref<128x128xf32, #tpu.memory_space<vmem>>) dst(%dma_wait3A_124 : memref<10240x128xf32, #tpu.memory_space<vmem_shared>>)
        tpu.yield
      }) : () -> ()
      %add3A_102 = arith.constant 2 : i32
      %add3A_103 = arith.addi %add3A_80, %add3A_102 : i32
      %min3A_104 = arith.constant 39 : i32
      %min3A_105 = arith.minsi %add3A_103, %min3A_104 : i32
      %dma_start3A_106 = arith.constant 0 : i32
      %dma_start3A_107 = tpu.memref_slice %arg7[%min3A_105, %dma_start3A_106] : memref<40x128xi32, #tpu.memory_space<vmem>> -> memref<1x128xi32, #tpu.memory_space<vmem>>
      %dma_start3A_108 = tpu.memref_squeeze %dma_start3A_107 : memref<1x128xi32, #tpu.memory_space<vmem>> -> memref<128xi32, #tpu.memory_space<vmem>>
      %dma_start3A_109 = arith.constant 0 : i32
      %dma_start3A_110 = arith.constant 0 : i32
      %dma_start3A_111 = tpu.memref_slice %arg2[%dma_start3A_109, %dma_start3A_110] : memref<10240x128xf32, #tpu.memory_space<hbm>> -> memref<10240x128xf32, #tpu.memory_space<hbm>>
      tpu.enqueue_indirect_dma source(%dma_start3A_111 : memref<10240x128xf32, #tpu.memory_space<hbm>>) target(%arg10 : memref<128x128xf32, #tpu.memory_space<vmem>>) offsets(%dma_start3A_108 : memref<128xi32, #tpu.memory_space<vmem>>) semaphore(%arg13 : memref<!tpu.dma_semaphore, #tpu.memory_space<semaphore_mem>>)
    }
    %scan3A_21 = arith.constant 20 : i32
    %dma_wait3A = arith.constant 39 : i32
    %dma_wait3A_22 = arith.constant 0 : i32
    %dma_wait3A_23 = tpu.memref_slice %arg7[%dma_wait3A, %dma_wait3A_22] : memref<40x128xi32, #tpu.memory_space<vmem>> -> memref<1x128xi32, #tpu.memory_space<vmem>>
    %dma_wait3A_24 = tpu.memref_squeeze %dma_wait3A_23 : memref<1x128xi32, #tpu.memory_space<vmem>> -> memref<128xi32, #tpu.memory_space<vmem>>
    %dma_wait3A_25 = arith.constant 0 : i32
    %dma_wait3A_26 = arith.constant 0 : i32
    %dma_wait3A_27 = tpu.memref_slice %arg2[%dma_wait3A_25, %dma_wait3A_26] : memref<10240x128xf32, #tpu.memory_space<hbm>> -> memref<10240x128xf32, #tpu.memory_space<hbm>>
    tpu.wait_indirect_dma semaphore(%arg12 : memref<!tpu.dma_semaphore, #tpu.memory_space<semaphore_mem>>) src(%dma_wait3A_27 : memref<10240x128xf32, #tpu.memory_space<hbm>>) dst(%arg9 : memref<128x128xf32, #tpu.memory_space<vmem>>)
    %dma_wait3A_28 = arith.constant 39 : i32
    %dma_wait3A_29 = arith.constant 0 : i32
    %dma_wait3A_30 = tpu.memref_slice %arg7[%dma_wait3A_28, %dma_wait3A_29] : memref<40x128xi32, #tpu.memory_space<vmem>> -> memref<1x128xi32, #tpu.memory_space<vmem>>
    %dma_wait3A_31 = tpu.memref_squeeze %dma_wait3A_30 : memref<1x128xi32, #tpu.memory_space<vmem>> -> memref<128xi32, #tpu.memory_space<vmem>>
    %dma_wait3A_32 = arith.constant 0 : i32
    %dma_wait3A_33 = arith.constant 0 : i32
    %dma_wait3A_34 = tpu.memref_slice %arg2[%dma_wait3A_32, %dma_wait3A_33] : memref<10240x128xf32, #tpu.memory_space<hbm>> -> memref<10240x128xf32, #tpu.memory_space<hbm>>
    tpu.wait_indirect_dma semaphore(%arg13 : memref<!tpu.dma_semaphore, #tpu.memory_space<semaphore_mem>>) src(%dma_wait3A_34 : memref<10240x128xf32, #tpu.memory_space<hbm>>) dst(%arg10 : memref<128x128xf32, #tpu.memory_space<vmem>>)
    %run_scoped3A_35 = arith.constant 1 : i32
    "tpu.region"() ({
      %run_scoped3A_76 = tpu.sem_alloc : memref<!tpu.dma_semaphore, #tpu.memory_space<semaphore_mem>>
      %dma_start3A_77 = arith.constant 0 : i32
      %dma_start3A_78 = arith.constant 0 : i32
      %dma_start3A_79 = tpu.memref_slice %arg3[%add3A, %run_scoped3A_35, %dma_start3A_77, %dma_start3A_78] : memref<32x2x40x128xi32, #tpu.memory_space<hbm>> -> memref<1x1x40x128xi32, #tpu.memory_space<hbm>>
      %dma_start3A_80 = tpu.memref_squeeze %dma_start3A_79 : memref<1x1x40x128xi32, #tpu.memory_space<hbm>> -> memref<40x128xi32, #tpu.memory_space<hbm>>
      %dma_start3A_81 = arith.constant 0 : i32
      %dma_start3A_82 = arith.constant 0 : i32
      %dma_start3A_83 = tpu.memref_slice %arg3[%add3A, %run_scoped3A_35, %dma_start3A_81, %dma_start3A_82] : memref<32x2x40x128xi32, #tpu.memory_space<hbm>> -> memref<1x1x40x128xi32, #tpu.memory_space<hbm>>
      %dma_start3A_84 = tpu.memref_squeeze %dma_start3A_83 : memref<1x1x40x128xi32, #tpu.memory_space<hbm>> -> memref<40x128xi32, #tpu.memory_space<hbm>>
      tpu.enqueue_dma source(%dma_start3A_84 : memref<40x128xi32, #tpu.memory_space<hbm>>) target(%arg7 : memref<40x128xi32, #tpu.memory_space<vmem>>) target_semaphore(%run_scoped3A_76 : memref<!tpu.dma_semaphore, #tpu.memory_space<semaphore_mem>>)
      %dma_wait3A_85 = arith.constant 0 : i32
      %dma_wait3A_86 = arith.constant 0 : i32
      %dma_wait3A_87 = tpu.memref_slice %arg3[%add3A, %run_scoped3A_35, %dma_wait3A_85, %dma_wait3A_86] : memref<32x2x40x128xi32, #tpu.memory_space<hbm>> -> memref<1x1x40x128xi32, #tpu.memory_space<hbm>>
      %dma_wait3A_88 = tpu.memref_squeeze %dma_wait3A_87 : memref<1x1x40x128xi32, #tpu.memory_space<hbm>> -> memref<40x128xi32, #tpu.memory_space<hbm>>
      %dma_wait3A_89 = arith.constant 0 : i32
      %dma_wait3A_90 = arith.constant 0 : i32
      %dma_wait3A_91 = tpu.memref_slice %arg3[%add3A, %run_scoped3A_35, %dma_wait3A_89, %dma_wait3A_90] : memref<32x2x40x128xi32, #tpu.memory_space<hbm>> -> memref<1x1x40x128xi32, #tpu.memory_space<hbm>>
      %dma_wait3A_92 = tpu.memref_squeeze %dma_wait3A_91 : memref<1x1x40x128xi32, #tpu.memory_space<hbm>> -> memref<40x128xi32, #tpu.memory_space<hbm>>
      tpu.wait_dma2 semaphore(%run_scoped3A_76 : memref<!tpu.dma_semaphore, #tpu.memory_space<semaphore_mem>>) src(%dma_wait3A_92 : memref<40x128xi32, #tpu.memory_space<hbm>>) dst(%arg7 : memref<40x128xi32, #tpu.memory_space<vmem>>)
      tpu.yield
    }) : () -> ()
    %run_scoped3A_36 = arith.constant 1 : i32
    "tpu.region"() ({
      %run_scoped3A_76 = tpu.sem_alloc : memref<!tpu.dma_semaphore, #tpu.memory_space<semaphore_mem>>
      %dma_start3A_77 = arith.constant 0 : i32
      %dma_start3A_78 = arith.constant 0 : i32
      %dma_start3A_79 = tpu.memref_slice %arg4[%add3A, %run_scoped3A_36, %dma_start3A_77, %dma_start3A_78] : memref<32x2x40x128xi32, #tpu.memory_space<hbm>> -> memref<1x1x40x128xi32, #tpu.memory_space<hbm>>
      %dma_start3A_80 = tpu.memref_squeeze %dma_start3A_79 : memref<1x1x40x128xi32, #tpu.memory_space<hbm>> -> memref<40x128xi32, #tpu.memory_space<hbm>>
      %dma_start3A_81 = arith.constant 0 : i32
      %dma_start3A_82 = arith.constant 0 : i32
      %dma_start3A_83 = tpu.memref_slice %arg4[%add3A, %run_scoped3A_36, %dma_start3A_81, %dma_start3A_82] : memref<32x2x40x128xi32, #tpu.memory_space<hbm>> -> memref<1x1x40x128xi32, #tpu.memory_space<hbm>>
      %dma_start3A_84 = tpu.memref_squeeze %dma_start3A_83 : memref<1x1x40x128xi32, #tpu.memory_space<hbm>> -> memref<40x128xi32, #tpu.memory_space<hbm>>
      tpu.enqueue_dma source(%dma_start3A_84 : memref<40x128xi32, #tpu.memory_space<hbm>>) target(%arg8 : memref<40x128xi32, #tpu.memory_space<vmem>>) target_semaphore(%run_scoped3A_76 : memref<!tpu.dma_semaphore, #tpu.memory_space<semaphore_mem>>)
      %dma_wait3A_85 = arith.constant 0 : i32
      %dma_wait3A_86 = arith.constant 0 : i32
      %dma_wait3A_87 = tpu.memref_slice %arg4[%add3A, %run_scoped3A_36, %dma_wait3A_85, %dma_wait3A_86] : memref<32x2x40x128xi32, #tpu.memory_space<hbm>> -> memref<1x1x40x128xi32, #tpu.memory_space<hbm>>
      %dma_wait3A_88 = tpu.memref_squeeze %dma_wait3A_87 : memref<1x1x40x128xi32, #tpu.memory_space<hbm>> -> memref<40x128xi32, #tpu.memory_space<hbm>>
      %dma_wait3A_89 = arith.constant 0 : i32
      %dma_wait3A_90 = arith.constant 0 : i32
      %dma_wait3A_91 = tpu.memref_slice %arg4[%add3A, %run_scoped3A_36, %dma_wait3A_89, %dma_wait3A_90] : memref<32x2x40x128xi32, #tpu.memory_space<hbm>> -> memref<1x1x40x128xi32, #tpu.memory_space<hbm>>
      %dma_wait3A_92 = tpu.memref_squeeze %dma_wait3A_91 : memref<1x1x40x128xi32, #tpu.memory_space<hbm>> -> memref<40x128xi32, #tpu.memory_space<hbm>>
      tpu.wait_dma2 semaphore(%run_scoped3A_76 : memref<!tpu.dma_semaphore, #tpu.memory_space<semaphore_mem>>) src(%dma_wait3A_92 : memref<40x128xi32, #tpu.memory_space<hbm>>) dst(%arg8 : memref<40x128xi32, #tpu.memory_space<vmem>>)
      tpu.yield
    }) : () -> ()
    %dma_start3A_37 = arith.constant 0 : i32
    %dma_start3A_38 = arith.constant 0 : i32
    %dma_start3A_39 = tpu.memref_slice %arg7[%dma_start3A_37, %dma_start3A_38] : memref<40x128xi32, #tpu.memory_space<vmem>> -> memref<1x128xi32, #tpu.memory_space<vmem>>
    %dma_start3A_40 = tpu.memref_squeeze %dma_start3A_39 : memref<1x128xi32, #tpu.memory_space<vmem>> -> memref<128xi32, #tpu.memory_space<vmem>>
    %dma_start3A_41 = arith.constant 0 : i32
    %dma_start3A_42 = arith.constant 0 : i32
    %dma_start3A_43 = tpu.memref_slice %arg2[%dma_start3A_41, %dma_start3A_42] : memref<10240x128xf32, #tpu.memory_space<hbm>> -> memref<10240x128xf32, #tpu.memory_space<hbm>>
    tpu.enqueue_indirect_dma source(%dma_start3A_43 : memref<10240x128xf32, #tpu.memory_space<hbm>>) target(%arg9 : memref<128x128xf32, #tpu.memory_space<vmem>>) offsets(%dma_start3A_40 : memref<128xi32, #tpu.memory_space<vmem>>) semaphore(%arg12 : memref<!tpu.dma_semaphore, #tpu.memory_space<semaphore_mem>>)
    %dma_start3A_44 = arith.constant 1 : i32
    %dma_start3A_45 = arith.constant 0 : i32
    %dma_start3A_46 = tpu.memref_slice %arg7[%dma_start3A_44, %dma_start3A_45] : memref<40x128xi32, #tpu.memory_space<vmem>> -> memref<1x128xi32, #tpu.memory_space<vmem>>
    %dma_start3A_47 = tpu.memref_squeeze %dma_start3A_46 : memref<1x128xi32, #tpu.memory_space<vmem>> -> memref<128xi32, #tpu.memory_space<vmem>>
    %dma_start3A_48 = arith.constant 0 : i32
    %dma_start3A_49 = arith.constant 0 : i32
    %dma_start3A_50 = tpu.memref_slice %arg2[%dma_start3A_48, %dma_start3A_49] : memref<10240x128xf32, #tpu.memory_space<hbm>> -> memref<10240x128xf32, #tpu.memory_space<hbm>>
    tpu.enqueue_indirect_dma source(%dma_start3A_50 : memref<10240x128xf32, #tpu.memory_space<hbm>>) target(%arg10 : memref<128x128xf32, #tpu.memory_space<vmem>>) offsets(%dma_start3A_47 : memref<128xi32, #tpu.memory_space<vmem>>) semaphore(%arg13 : memref<!tpu.dma_semaphore, #tpu.memory_space<semaphore_mem>>)
    %scan3A_51 = arith.constant 0 : i32
    %scan3A_52 = arith.constant 0 : i32
    %scan3A_53 = arith.constant 20 : i32
    %scan3A_54 = arith.addi %scan3A_52, %scan3A_53 : i32
    %scan3A_55 = arith.constant 1 : i32
    scf.for %scan3A_76 = %scan3A_52 to %scan3A_54 step %scan3A_55  : i32 {
      %mul3A_77 = arith.constant 2 : i32
      %mul3A_78 = arith.muli %scan3A_76, %mul3A_77 : i32
      %add3A_79 = arith.constant 1 : i32
      %add3A_80 = arith.addi %mul3A_78, %add3A_79 : i32
      %dma_wait3A_81 = arith.constant 0 : i32
      %dma_wait3A_82 = tpu.memref_slice %arg7[%mul3A_78, %dma_wait3A_81] : memref<40x128xi32, #tpu.memory_space<vmem>> -> memref<1x128xi32, #tpu.memory_space<vmem>>
      %dma_wait3A_83 = tpu.memref_squeeze %dma_wait3A_82 : memref<1x128xi32, #tpu.memory_space<vmem>> -> memref<128xi32, #tpu.memory_space<vmem>>
      %dma_wait3A_84 = arith.constant 0 : i32
      %dma_wait3A_85 = arith.constant 0 : i32
      %dma_wait3A_86 = tpu.memref_slice %arg2[%dma_wait3A_84, %dma_wait3A_85] : memref<10240x128xf32, #tpu.memory_space<hbm>> -> memref<10240x128xf32, #tpu.memory_space<hbm>>
      tpu.wait_indirect_dma semaphore(%arg12 : memref<!tpu.dma_semaphore, #tpu.memory_space<semaphore_mem>>) src(%dma_wait3A_86 : memref<10240x128xf32, #tpu.memory_space<hbm>>) dst(%arg9 : memref<128x128xf32, #tpu.memory_space<vmem>>)
      "tpu.region"() ({
        %run_scoped3A_112 = tpu.sem_alloc : memref<!tpu.dma_semaphore, #tpu.memory_space<semaphore_mem>>
        %dma_start3A_113 = arith.constant 0 : i32
        %dma_start3A_114 = tpu.memref_slice %arg8[%mul3A_78, %dma_start3A_113] : memref<40x128xi32, #tpu.memory_space<vmem>> -> memref<1x128xi32, #tpu.memory_space<vmem>>
        %dma_start3A_115 = tpu.memref_squeeze %dma_start3A_114 : memref<1x128xi32, #tpu.memory_space<vmem>> -> memref<128xi32, #tpu.memory_space<vmem>>
        %dma_start3A_116 = arith.constant 0 : i32
        %dma_start3A_117 = arith.constant 0 : i32
        %dma_start3A_118 = tpu.memref_slice %arg11[%dma_start3A_116, %dma_start3A_117] : memref<10240x128xf32, #tpu.memory_space<vmem_shared>> -> memref<10240x128xf32, #tpu.memory_space<vmem_shared>>
        tpu.enqueue_indirect_dma source(%arg9 : memref<128x128xf32, #tpu.memory_space<vmem>>) target(%dma_start3A_118 : memref<10240x128xf32, #tpu.memory_space<vmem_shared>>) offsets(%dma_start3A_115 : memref<128xi32, #tpu.memory_space<vmem>>) semaphore(%run_scoped3A_112 : memref<!tpu.dma_semaphore, #tpu.memory_space<semaphore_mem>>) {add = true}
        %dma_wait3A_119 = arith.constant 0 : i32
        %dma_wait3A_120 = tpu.memref_slice %arg8[%mul3A_78, %dma_wait3A_119] : memref<40x128xi32, #tpu.memory_space<vmem>> -> memref<1x128xi32, #tpu.memory_space<vmem>>
        %dma_wait3A_121 = tpu.memref_squeeze %dma_wait3A_120 : memref<1x128xi32, #tpu.memory_space<vmem>> -> memref<128xi32, #tpu.memory_space<vmem>>
        %dma_wait3A_122 = arith.constant 0 : i32
        %dma_wait3A_123 = arith.constant 0 : i32
        %dma_wait3A_124 = tpu.memref_slice %arg11[%dma_wait3A_122, %dma_wait3A_123] : memref<10240x128xf32, #tpu.memory_space<vmem_shared>> -> memref<10240x128xf32, #tpu.memory_space<vmem_shared>>
        tpu.wait_indirect_dma semaphore(%run_scoped3A_112 : memref<!tpu.dma_semaphore, #tpu.memory_space<semaphore_mem>>) src(%arg9 : memref<128x128xf32, #tpu.memory_space<vmem>>) dst(%dma_wait3A_124 : memref<10240x128xf32, #tpu.memory_space<vmem_shared>>)
        tpu.yield
      }) : () -> ()
      %add3A_87 = arith.constant 2 : i32
      %add3A_88 = arith.addi %mul3A_78, %add3A_87 : i32
      %min3A = arith.constant 39 : i32
      %min3A_89 = arith.minsi %add3A_88, %min3A : i32
      %dma_start3A_90 = arith.constant 0 : i32
      %dma_start3A_91 = tpu.memref_slice %arg7[%min3A_89, %dma_start3A_90] : memref<40x128xi32, #tpu.memory_space<vmem>> -> memref<1x128xi32, #tpu.memory_space<vmem>>
      %dma_start3A_92 = tpu.memref_squeeze %dma_start3A_91 : memref<1x128xi32, #tpu.memory_space<vmem>> -> memref<128xi32, #tpu.memory_space<vmem>>
      %dma_start3A_93 = arith.constant 0 : i32
      %dma_start3A_94 = arith.constant 0 : i32
      %dma_start3A_95 = tpu.memref_slice %arg2[%dma_start3A_93, %dma_start3A_94] : memref<10240x128xf32, #tpu.memory_space<hbm>> -> memref<10240x128xf32, #tpu.memory_space<hbm>>
      tpu.enqueue_indirect_dma source(%dma_start3A_95 : memref<10240x128xf32, #tpu.memory_space<hbm>>) target(%arg9 : memref<128x128xf32, #tpu.memory_space<vmem>>) offsets(%dma_start3A_92 : memref<128xi32, #tpu.memory_space<vmem>>) semaphore(%arg12 : memref<!tpu.dma_semaphore, #tpu.memory_space<semaphore_mem>>)
      %dma_wait3A_96 = arith.constant 0 : i32
      %dma_wait3A_97 = tpu.memref_slice %arg7[%add3A_80, %dma_wait3A_96] : memref<40x128xi32, #tpu.memory_space<vmem>> -> memref<1x128xi32, #tpu.memory_space<vmem>>
      %dma_wait3A_98 = tpu.memref_squeeze %dma_wait3A_97 : memref<1x128xi32, #tpu.memory_space<vmem>> -> memref<128xi32, #tpu.memory_space<vmem>>
      %dma_wait3A_99 = arith.constant 0 : i32
      %dma_wait3A_100 = arith.constant 0 : i32
      %dma_wait3A_101 = tpu.memref_slice %arg2[%dma_wait3A_99, %dma_wait3A_100] : memref<10240x128xf32, #tpu.memory_space<hbm>> -> memref<10240x128xf32, #tpu.memory_space<hbm>>
      tpu.wait_indirect_dma semaphore(%arg13 : memref<!tpu.dma_semaphore, #tpu.memory_space<semaphore_mem>>) src(%dma_wait3A_101 : memref<10240x128xf32, #tpu.memory_space<hbm>>) dst(%arg10 : memref<128x128xf32, #tpu.memory_space<vmem>>)
      "tpu.region"() ({
        %run_scoped3A_112 = tpu.sem_alloc : memref<!tpu.dma_semaphore, #tpu.memory_space<semaphore_mem>>
        %dma_start3A_113 = arith.constant 0 : i32
        %dma_start3A_114 = tpu.memref_slice %arg8[%add3A_80, %dma_start3A_113] : memref<40x128xi32, #tpu.memory_space<vmem>> -> memref<1x128xi32, #tpu.memory_space<vmem>>
        %dma_start3A_115 = tpu.memref_squeeze %dma_start3A_114 : memref<1x128xi32, #tpu.memory_space<vmem>> -> memref<128xi32, #tpu.memory_space<vmem>>
        %dma_start3A_116 = arith.constant 0 : i32
        %dma_start3A_117 = arith.constant 0 : i32
        %dma_start3A_118 = tpu.memref_slice %arg11[%dma_start3A_116, %dma_start3A_117] : memref<10240x128xf32, #tpu.memory_space<vmem_shared>> -> memref<10240x128xf32, #tpu.memory_space<vmem_shared>>
        tpu.enqueue_indirect_dma source(%arg10 : memref<128x128xf32, #tpu.memory_space<vmem>>) target(%dma_start3A_118 : memref<10240x128xf32, #tpu.memory_space<vmem_shared>>) offsets(%dma_start3A_115 : memref<128xi32, #tpu.memory_space<vmem>>) semaphore(%run_scoped3A_112 : memref<!tpu.dma_semaphore, #tpu.memory_space<semaphore_mem>>) {add = true}
        %dma_wait3A_119 = arith.constant 0 : i32
        %dma_wait3A_120 = tpu.memref_slice %arg8[%add3A_80, %dma_wait3A_119] : memref<40x128xi32, #tpu.memory_space<vmem>> -> memref<1x128xi32, #tpu.memory_space<vmem>>
        %dma_wait3A_121 = tpu.memref_squeeze %dma_wait3A_120 : memref<1x128xi32, #tpu.memory_space<vmem>> -> memref<128xi32, #tpu.memory_space<vmem>>
        %dma_wait3A_122 = arith.constant 0 : i32
        %dma_wait3A_123 = arith.constant 0 : i32
        %dma_wait3A_124 = tpu.memref_slice %arg11[%dma_wait3A_122, %dma_wait3A_123] : memref<10240x128xf32, #tpu.memory_space<vmem_shared>> -> memref<10240x128xf32, #tpu.memory_space<vmem_shared>>
        tpu.wait_indirect_dma semaphore(%run_scoped3A_112 : memref<!tpu.dma_semaphore, #tpu.memory_space<semaphore_mem>>) src(%arg10 : memref<128x128xf32, #tpu.memory_space<vmem>>) dst(%dma_wait3A_124 : memref<10240x128xf32, #tpu.memory_space<vmem_shared>>)
        tpu.yield
      }) : () -> ()
      %add3A_102 = arith.constant 2 : i32
      %add3A_103 = arith.addi %add3A_80, %add3A_102 : i32
      %min3A_104 = arith.constant 39 : i32
      %min3A_105 = arith.minsi %add3A_103, %min3A_104 : i32
      %dma_start3A_106 = arith.constant 0 : i32
      %dma_start3A_107 = tpu.memref_slice %arg7[%min3A_105, %dma_start3A_106] : memref<40x128xi32, #tpu.memory_space<vmem>> -> memref<1x128xi32, #tpu.memory_space<vmem>>
      %dma_start3A_108 = tpu.memref_squeeze %dma_start3A_107 : memref<1x128xi32, #tpu.memory_space<vmem>> -> memref<128xi32, #tpu.memory_space<vmem>>
      %dma_start3A_109 = arith.constant 0 : i32
      %dma_start3A_110 = arith.constant 0 : i32
      %dma_start3A_111 = tpu.memref_slice %arg2[%dma_start3A_109, %dma_start3A_110] : memref<10240x128xf32, #tpu.memory_space<hbm>> -> memref<10240x128xf32, #tpu.memory_space<hbm>>
      tpu.enqueue_indirect_dma source(%dma_start3A_111 : memref<10240x128xf32, #tpu.memory_space<hbm>>) target(%arg10 : memref<128x128xf32, #tpu.memory_space<vmem>>) offsets(%dma_start3A_108 : memref<128xi32, #tpu.memory_space<vmem>>) semaphore(%arg13 : memref<!tpu.dma_semaphore, #tpu.memory_space<semaphore_mem>>)
    }
    %scan3A_56 = arith.constant 20 : i32
    %dma_wait3A_57 = arith.constant 39 : i32
    %dma_wait3A_58 = arith.constant 0 : i32
    %dma_wait3A_59 = tpu.memref_slice %arg7[%dma_wait3A_57, %dma_wait3A_58] : memref<40x128xi32, #tpu.memory_space<vmem>> -> memref<1x128xi32, #tpu.memory_space<vmem>>
    %dma_wait3A_60 = tpu.memref_squeeze %dma_wait3A_59 : memref<1x128xi32, #tpu.memory_space<vmem>> -> memref<128xi32, #tpu.memory_space<vmem>>
    %dma_wait3A_61 = arith.constant 0 : i32
    %dma_wait3A_62 = arith.constant 0 : i32
    %dma_wait3A_63 = tpu.memref_slice %arg2[%dma_wait3A_61, %dma_wait3A_62] : memref<10240x128xf32, #tpu.memory_space<hbm>> -> memref<10240x128xf32, #tpu.memory_space<hbm>>
    tpu.wait_indirect_dma semaphore(%arg12 : memref<!tpu.dma_semaphore, #tpu.memory_space<semaphore_mem>>) src(%dma_wait3A_63 : memref<10240x128xf32, #tpu.memory_space<hbm>>) dst(%arg9 : memref<128x128xf32, #tpu.memory_space<vmem>>)
    %dma_wait3A_64 = arith.constant 39 : i32
    %dma_wait3A_65 = arith.constant 0 : i32
    %dma_wait3A_66 = tpu.memref_slice %arg7[%dma_wait3A_64, %dma_wait3A_65] : memref<40x128xi32, #tpu.memory_space<vmem>> -> memref<1x128xi32, #tpu.memory_space<vmem>>
    %dma_wait3A_67 = tpu.memref_squeeze %dma_wait3A_66 : memref<1x128xi32, #tpu.memory_space<vmem>> -> memref<128xi32, #tpu.memory_space<vmem>>
    %dma_wait3A_68 = arith.constant 0 : i32
    %dma_wait3A_69 = arith.constant 0 : i32
    %dma_wait3A_70 = tpu.memref_slice %arg2[%dma_wait3A_68, %dma_wait3A_69] : memref<10240x128xf32, #tpu.memory_space<hbm>> -> memref<10240x128xf32, #tpu.memory_space<hbm>>
    tpu.wait_indirect_dma semaphore(%arg13 : memref<!tpu.dma_semaphore, #tpu.memory_space<semaphore_mem>>) src(%dma_wait3A_70 : memref<10240x128xf32, #tpu.memory_space<hbm>>) dst(%arg10 : memref<128x128xf32, #tpu.memory_space<vmem>>)
    %barrier3A_71 = arith.constant 0 : index
    tpu.barrier barrier_id(%barrier3A_71)
    %mul3A_72 = arith.constant 640 : i32
    %mul3A_73 = arith.muli %arg1, %mul3A_72 : i32
    %mul3A_74 = arith.constant 640 : i32
    %mul3A_75 = arith.muli %arg1, %mul3A_74 : i32
    "tpu.region"() ({
      %run_scoped3A_76 = tpu.sem_alloc : memref<!tpu.dma_semaphore, #tpu.memory_space<semaphore_mem>>
      %dma_start3A_77 = arith.constant 0 : i32
      %dma_start3A_78 = tpu.memref_slice %arg6[%arg0, %mul3A_75, %dma_start3A_77] : memref<2x10240x128xf32, #tpu.memory_space<hbm>> -> memref<1x640x128xf32, #tpu.memory_space<hbm>>
      %dma_start3A_79 = tpu.memref_squeeze %dma_start3A_78 : memref<1x640x128xf32, #tpu.memory_space<hbm>> -> memref<640x128xf32, #tpu.memory_space<hbm>>
      %dma_start3A_80 = arith.constant 0 : i32
      %dma_start3A_81 = tpu.memref_slice %arg11[%mul3A_73, %dma_start3A_80] : memref<10240x128xf32, #tpu.memory_space<vmem_shared>> -> memref<640x128xf32, #tpu.memory_space<vmem_shared>>
      tpu.enqueue_dma source(%dma_start3A_81 : memref<640x128xf32, #tpu.memory_space<vmem_shared>>) target(%dma_start3A_79 : memref<640x128xf32, #tpu.memory_space<hbm>>) target_semaphore(%run_scoped3A_76 : memref<!tpu.dma_semaphore, #tpu.memory_space<semaphore_mem>>)
      %dma_wait3A_82 = arith.constant 0 : i32
      %dma_wait3A_83 = tpu.memref_slice %arg6[%arg0, %mul3A_75, %dma_wait3A_82] : memref<2x10240x128xf32, #tpu.memory_space<hbm>> -> memref<1x640x128xf32, #tpu.memory_space<hbm>>
      %dma_wait3A_84 = tpu.memref_squeeze %dma_wait3A_83 : memref<1x640x128xf32, #tpu.memory_space<hbm>> -> memref<640x128xf32, #tpu.memory_space<hbm>>
      %dma_wait3A_85 = arith.constant 0 : i32
      %dma_wait3A_86 = tpu.memref_slice %arg11[%mul3A_73, %dma_wait3A_85] : memref<10240x128xf32, #tpu.memory_space<vmem_shared>> -> memref<640x128xf32, #tpu.memory_space<vmem_shared>>
      tpu.wait_dma2 semaphore(%run_scoped3A_76 : memref<!tpu.dma_semaphore, #tpu.memory_space<semaphore_mem>>) src(%dma_wait3A_86 : memref<640x128xf32, #tpu.memory_space<vmem_shared>>) dst(%dma_wait3A_84 : memref<640x128xf32, #tpu.memory_space<hbm>>)
      tpu.yield
    }) : () -> ()
    return
  }
}

module attributes {stable_mosaic.version = 14 : i64} {
  func.func @_xw_body(%arg0: i32, %arg1: memref<256x128xf32, #tpu.memory_space<vmem>>, %arg2: memref<128x128xf32, #tpu.memory_space<vmem>>, %arg3: memref<256x128xf32, #tpu.memory_space<vmem>>) attributes {dimension_semantics = [#tpu.dimension_semantics<arbitrary>], iteration_bounds = array<i64: 40>, scalar_prefetch = 0 : i64, scratch_operands = 0 : i64, tpu.core_type = #tpu.core_type<tc>, window_params = [{transform_indices = @transform_0, window_bounds = array<i64: 256, 128>}, {pipeline_mode = #tpu.pipeline_mode<synchronous>, transform_indices = @transform_1, window_bounds = array<i64: 128, 128>}, {transform_indices = @transform_2, window_bounds = array<i64: 256, 128>}]} {
    %get3A = arith.constant 0 : index
    %get3A_0 = arith.constant 0 : index
    %get3A_1 = vector.load %arg1[%get3A, %get3A_0] : memref<256x128xf32, #tpu.memory_space<vmem>>, vector<256x128xf32>
    %get3A_2 = arith.constant 0 : index
    %get3A_3 = arith.constant 0 : index
    %get3A_4 = vector.load %arg2[%get3A_2, %get3A_3] : memref<128x128xf32, #tpu.memory_space<vmem>>, vector<128x128xf32>
    %dot_general3A = arith.constant dense<0.000000e+00> : vector<256x128xf32>
    %dot_general3A_5 = tpu.matmul %get3A_1, %get3A_4, %dot_general3A {dimension_numbers = #tpu.dot_dimension_numbers<[1], [0], [0], [1], [0, 0, 1, 1], [], []>, transpose_lhs_hint = false} : vector<256x128xf32>, vector<128x128xf32>, vector<256x128xf32> -> vector<256x128xf32>
    %swap3A = arith.constant 0 : index
    %swap3A_6 = arith.constant 0 : index
    %swap3A_7 = vector.load %arg3[%swap3A, %swap3A_6] : memref<256x128xf32, #tpu.memory_space<vmem>>, vector<256x128xf32>
    tpu.vector_store %arg3[%swap3A, %swap3A_6], %dot_general3A_5 {strides = array<i32>} : memref<256x128xf32, #tpu.memory_space<vmem>>, vector<256x128xf32>,
    return
  }
  func.func @transform_0(%arg0: i32) -> (i32, i32) {
    %c0_i32 = arith.constant 0 : i32
    %c0_i32_0 = arith.constant 0 : i32
    return %arg0, %c0_i32 : i32, i32
  }
  func.func @transform_1(%arg0: i32) -> (i32, i32) {
    %c0_i32 = arith.constant 0 : i32
    %c0_i32_0 = arith.constant 0 : i32
    %c0_i32_1 = arith.constant 0 : i32
    return %c0_i32, %c0_i32_0 : i32, i32
  }
  func.func @transform_2(%arg0: i32) -> (i32, i32) {
    %c0_i32 = arith.constant 0 : i32
    %c0_i32_0 = arith.constant 0 : i32
    return %arg0, %c0_i32 : i32, i32
  }
}

module attributes {stable_mosaic.version = 14 : i64} {
  func.func @_init_body(%arg0: i32, %arg1: memref<2x256x128xf32, #tpu.memory_space<vmem>>, %arg2: memref<256x128xf32, #tpu.memory_space<vmem>>, %arg3: memref<256x128xf32, #tpu.memory_space<vmem>>, %arg4: memref<256x128xf32, #tpu.memory_space<vmem>>) attributes {dimension_semantics = [#tpu.dimension_semantics<arbitrary>], iteration_bounds = array<i64: 40>, scalar_prefetch = 0 : i64, scratch_operands = 0 : i64, tpu.core_type = #tpu.core_type<tc>, window_params = [{transform_indices = @transform_0, window_bounds = array<i64: 2, 256, 128>}, {transform_indices = @transform_1, window_bounds = array<i64: 256, 128>}, {transform_indices = @transform_2, window_bounds = array<i64: 256, 128>}, {transform_indices = @transform_3, window_bounds = array<i64: 256, 128>}]} {
    %get3A = arith.constant 0 : index
    %get3A_0 = arith.constant 0 : index
    %get3A_1 = arith.constant 0 : index
    %get3A_2 = vector.load %arg1[%get3A, %get3A_0, %get3A_1] : memref<2x256x128xf32, #tpu.memory_space<vmem>>, vector<1x256x128xf32>
    %get3A_3 = vector.shape_cast %get3A_2 : vector<1x256x128xf32> to vector<256x128xf32>
    %get3A_4 = arith.constant 1 : index
    %get3A_5 = arith.constant 0 : index
    %get3A_6 = arith.constant 0 : index
    %get3A_7 = vector.load %arg1[%get3A_4, %get3A_5, %get3A_6] : memref<2x256x128xf32, #tpu.memory_space<vmem>>, vector<1x256x128xf32>
    %get3A_8 = vector.shape_cast %get3A_7 : vector<1x256x128xf32> to vector<256x128xf32>
    %add3A = arith.addf %get3A_3, %get3A_8 : vector<256x128xf32>
    %slice3A = vector.extract_strided_slice %add3A {offsets = [0, 0], sizes = [256, 1], strides = [1, 1]} : vector<256x128xf32> to vector<256x1xf32>
    %add3A_9 = arith.constant 1.000000e+00 : f32
    %add3A_10 = vector.broadcast %add3A_9 : f32 to vector<256x1xf32>
    %add3A_11 = arith.addf %slice3A, %add3A_10 : vector<256x1xf32>
    %sqrt3A = math.sqrt %add3A_11 : vector<256x1xf32>
    %div3A = arith.constant 1.000000e+00 : f32
    %div3A_12 = vector.broadcast %div3A : f32 to vector<256x1xf32>
    %div3A_13 = arith.divf %div3A_12, %sqrt3A : vector<256x1xf32>
    %mul3A = arith.constant 256 : i32
    %mul3A_14 = arith.muli %arg0, %mul3A : i32
    %iota3A = tpu.iota {dimensions = array<i32: 0>} : vector<256x1xi32>
    %add3A_15 = vector.broadcast %mul3A_14 : i32 to vector<256x1xi32>
    %add3A_16 = arith.addi %add3A_15, %iota3A : vector<256x1xi32>
    %lt3A = arith.constant 10000 : i32
    %lt3A_17 = vector.broadcast %lt3A : i32 to vector<256x1xi32>
    %lt3A_18 = arith.cmpi slt, %add3A_16, %lt3A_17 : vector<256x1xi32>
    %jit3A = arith.constant 0.000000e+00 : f32
    %broadcast_in_dim3A = vector.broadcast %jit3A : f32 to vector<256x1xf32>
    %select_n3A = arith.select %lt3A_18, %div3A_13, %broadcast_in_dim3A : vector<256x1xi1>, vector<256x1xf32>
    %broadcast_in_dim3A_19 = vector.shape_cast %select_n3A : vector<256x1xf32> to vector<256x1xf32>
    %broadcast_in_dim3A_20 = vector.broadcast %broadcast_in_dim3A_19 : vector<256x1xf32> to vector<256x128xf32>
    %get3A_21 = arith.constant 0 : index
    %get3A_22 = arith.constant 0 : index
    %get3A_23 = vector.load %arg2[%get3A_21, %get3A_22] : memref<256x128xf32, #tpu.memory_space<vmem>>, vector<256x128xf32>
    %mul3A_24 = arith.mulf %broadcast_in_dim3A_20, %get3A_23 : vector<256x128xf32>
    %swap3A = arith.constant 0 : index
    %swap3A_25 = arith.constant 0 : index
    %swap3A_26 = vector.load %arg3[%swap3A, %swap3A_25] : memref<256x128xf32, #tpu.memory_space<vmem>>, vector<256x128xf32>
    tpu.vector_store %arg3[%swap3A, %swap3A_25], %mul3A_24 {strides = array<i32>} : memref<256x128xf32, #tpu.memory_space<vmem>>, vector<256x128xf32>,
    %swap3A_27 = arith.constant 0 : index
    %swap3A_28 = arith.constant 0 : index
    %swap3A_29 = vector.load %arg4[%swap3A_27, %swap3A_28] : memref<256x128xf32, #tpu.memory_space<vmem>>, vector<256x128xf32>
    tpu.vector_store %arg4[%swap3A_27, %swap3A_28], %broadcast_in_dim3A_20 {strides = array<i32>} : memref<256x128xf32, #tpu.memory_space<vmem>>, vector<256x128xf32>,
    return
  }
  func.func @transform_0(%arg0: i32) -> (i32, i32, i32) {
    %c0_i32 = arith.constant 0 : i32
    %c0_i32_0 = arith.constant 0 : i32
    %c0_i32_1 = arith.constant 0 : i32
    return %c0_i32, %arg0, %c0_i32_0 : i32, i32, i32
  }
  func.func @transform_1(%arg0: i32) -> (i32, i32) {
    %c0_i32 = arith.constant 0 : i32
    %c0_i32_0 = arith.constant 0 : i32
    return %arg0, %c0_i32 : i32, i32
  }
  func.func @transform_2(%arg0: i32) -> (i32, i32) {
    %c0_i32 = arith.constant 0 : i32
    %c0_i32_0 = arith.constant 0 : i32
    return %arg0, %c0_i32 : i32, i32
  }
  func.func @transform_3(%arg0: i32) -> (i32, i32) {
    %c0_i32 = arith.constant 0 : i32
    %c0_i32_0 = arith.constant 0 : i32
    return %arg0, %c0_i32 : i32, i32
  }
}

module attributes {stable_mosaic.version = 14 : i64} {
  func.func @_mid_body(%arg0: i32, %arg1: memref<2x256x128xf32, #tpu.memory_space<vmem>>, %arg2: memref<256x128xf32, #tpu.memory_space<vmem>>, %arg3: memref<256x128xf32, #tpu.memory_space<vmem>>, %arg4: memref<128x128xf32, #tpu.memory_space<vmem>>, %arg5: memref<1x128xf32, #tpu.memory_space<vmem>>, %arg6: memref<256x128xf32, #tpu.memory_space<vmem>>) attributes {dimension_semantics = [#tpu.dimension_semantics<arbitrary>], iteration_bounds = array<i64: 40>, scalar_prefetch = 0 : i64, scratch_operands = 0 : i64, tpu.core_type = #tpu.core_type<tc>, window_params = [{transform_indices = @transform_0, window_bounds = array<i64: 2, 256, 128>}, {transform_indices = @transform_1, window_bounds = array<i64: 256, 128>}, {transform_indices = @transform_2, window_bounds = array<i64: 256, 128>}, {pipeline_mode = #tpu.pipeline_mode<synchronous>, transform_indices = @transform_3, window_bounds = array<i64: 128, 128>}, {pipeline_mode = #tpu.pipeline_mode<synchronous>, transform_indices = @transform_4, window_bounds = array<i64: 1, 128>}, {transform_indices = @transform_5, window_bounds = array<i64: 256, 128>}]} {
    %get3A = arith.constant 0 : index
    %get3A_0 = arith.constant 0 : index
    %get3A_1 = vector.load %arg3[%get3A, %get3A_0] : memref<256x128xf32, #tpu.memory_space<vmem>>, vector<256x128xf32>
    %get3A_2 = arith.constant 0 : index
    %get3A_3 = arith.constant 0 : index
    %get3A_4 = arith.constant 0 : index
    %get3A_5 = vector.load %arg1[%get3A_2, %get3A_3, %get3A_4] : memref<2x256x128xf32, #tpu.memory_space<vmem>>, vector<1x256x128xf32>
    %get3A_6 = vector.shape_cast %get3A_5 : vector<1x256x128xf32> to vector<256x128xf32>
    %get3A_7 = arith.constant 1 : index
    %get3A_8 = arith.constant 0 : index
    %get3A_9 = arith.constant 0 : index
    %get3A_10 = vector.load %arg1[%get3A_7, %get3A_8, %get3A_9] : memref<2x256x128xf32, #tpu.memory_space<vmem>>, vector<1x256x128xf32>
    %get3A_11 = vector.shape_cast %get3A_10 : vector<1x256x128xf32> to vector<256x128xf32>
    %add3A = arith.addf %get3A_6, %get3A_11 : vector<256x128xf32>
    %get3A_12 = arith.constant 0 : index
    %get3A_13 = arith.constant 0 : index
    %get3A_14 = vector.load %arg2[%get3A_12, %get3A_13] : memref<256x128xf32, #tpu.memory_space<vmem>>, vector<256x128xf32>
    %add3A_15 = arith.addf %add3A, %get3A_14 : vector<256x128xf32>
    %mul3A = arith.mulf %get3A_1, %add3A_15 : vector<256x128xf32>
    %get3A_16 = arith.constant 0 : index
    %get3A_17 = arith.constant 0 : index
    %get3A_18 = vector.load %arg5[%get3A_16, %get3A_17] : memref<1x128xf32, #tpu.memory_space<vmem>>, vector<1x128xf32>
    %add3A_19 = vector.broadcast %get3A_18 : vector<1x128xf32> to vector<256x128xf32>
    %add3A_20 = arith.addf %mul3A, %add3A_19 : vector<256x128xf32>
    %max3A = arith.constant 0.000000e+00 : f32
    %max3A_21 = vector.broadcast %max3A : f32 to vector<256x128xf32>
    %max3A_22 = arith.maximumf %add3A_20, %max3A_21 : vector<256x128xf32>
    %get3A_23 = arith.constant 0 : index
    %get3A_24 = arith.constant 0 : index
    %get3A_25 = vector.load %arg4[%get3A_23, %get3A_24] : memref<128x128xf32, #tpu.memory_space<vmem>>, vector<128x128xf32>
    %dot_general3A = arith.constant dense<0.000000e+00> : vector<256x128xf32>
    %dot_general3A_26 = tpu.matmul %max3A_22, %get3A_25, %dot_general3A {dimension_numbers = #tpu.dot_dimension_numbers<[1], [0], [0], [1], [0, 0, 1, 1], [], []>, transpose_lhs_hint = false} : vector<256x128xf32>, vector<128x128xf32>, vector<256x128xf32> -> vector<256x128xf32>
    %mul3A_27 = arith.mulf %get3A_1, %dot_general3A_26 : vector<256x128xf32>
    %swap3A = arith.constant 0 : index
    %swap3A_28 = arith.constant 0 : index
    %swap3A_29 = vector.load %arg6[%swap3A, %swap3A_28] : memref<256x128xf32, #tpu.memory_space<vmem>>, vector<256x128xf32>
    tpu.vector_store %arg6[%swap3A, %swap3A_28], %mul3A_27 {strides = array<i32>} : memref<256x128xf32, #tpu.memory_space<vmem>>, vector<256x128xf32>,
    return
  }
  func.func @transform_0(%arg0: i32) -> (i32, i32, i32) {
    %c0_i32 = arith.constant 0 : i32
    %c0_i32_0 = arith.constant 0 : i32
    %c0_i32_1 = arith.constant 0 : i32
    return %c0_i32, %arg0, %c0_i32_0 : i32, i32, i32
  }
  func.func @transform_1(%arg0: i32) -> (i32, i32) {
    %c0_i32 = arith.constant 0 : i32
    %c0_i32_0 = arith.constant 0 : i32
    return %arg0, %c0_i32 : i32, i32
  }
  func.func @transform_2(%arg0: i32) -> (i32, i32) {
    %c0_i32 = arith.constant 0 : i32
    %c0_i32_0 = arith.constant 0 : i32
    return %arg0, %c0_i32 : i32, i32
  }
  func.func @transform_3(%arg0: i32) -> (i32, i32) {
    %c0_i32 = arith.constant 0 : i32
    %c0_i32_0 = arith.constant 0 : i32
    %c0_i32_1 = arith.constant 0 : i32
    return %c0_i32, %c0_i32_0 : i32, i32
  }
  func.func @transform_4(%arg0: i32) -> (i32, i32) {
    %c0_i32 = arith.constant 0 : i32
    %c0_i32_0 = arith.constant 0 : i32
    %c0_i32_1 = arith.constant 0 : i32
    return %c0_i32, %c0_i32_0 : i32, i32
  }
  func.func @transform_5(%arg0: i32) -> (i32, i32) {
    %c0_i32 = arith.constant 0 : i32
    %c0_i32_0 = arith.constant 0 : i32
    return %arg0, %c0_i32 : i32, i32
  }
}

module attributes {stable_mosaic.version = 14 : i64} {
  func.func @_final_body(%arg0: i32, %arg1: memref<2x256x128xf32, #tpu.memory_space<vmem>>, %arg2: memref<256x128xf32, #tpu.memory_space<vmem>>, %arg3: memref<256x128xf32, #tpu.memory_space<vmem>>, %arg4: memref<1x128xf32, #tpu.memory_space<vmem>>, %arg5: memref<1x1x256xi32, #tpu.memory_space<vmem>>, %arg6: memref<128x128xf32, #tpu.memory_space<vmem>>, %arg7: memref<1x128xf32, #tpu.memory_space<vmem>>, %arg8: memref<128x128xf32, #tpu.memory_space<vmem>>, %arg9: memref<1x128xf32, #tpu.memory_space<vmem>>, %arg10: memref<64x128xf32, #tpu.memory_space<vmem>>, %arg11: memref<64x128xf32, #tpu.memory_space<vmem>>, %arg12: memref<64x128xf32, #tpu.memory_space<vmem>>) attributes {dimension_semantics = [#tpu.dimension_semantics<arbitrary>], iteration_bounds = array<i64: 40>, scalar_prefetch = 0 : i64, scratch_operands = 2 : i64, tpu.core_type = #tpu.core_type<tc>, window_params = [{transform_indices = @transform_0, window_bounds = array<i64: 2, 256, 128>}, {transform_indices = @transform_1, window_bounds = array<i64: 256, 128>}, {transform_indices = @transform_2, window_bounds = array<i64: 256, 128>}, {pipeline_mode = #tpu.pipeline_mode<synchronous>, transform_indices = @transform_3, window_bounds = array<i64: 1, 128>}, {transform_indices = @transform_4, window_bounds = array<i64: 1, 1, 256>}, {pipeline_mode = #tpu.pipeline_mode<synchronous>, transform_indices = @transform_5, window_bounds = array<i64: 128, 128>}, {pipeline_mode = #tpu.pipeline_mode<synchronous>, transform_indices = @transform_6, window_bounds = array<i64: 1, 128>}, {pipeline_mode = #tpu.pipeline_mode<synchronous>, transform_indices = @transform_7, window_bounds = array<i64: 128, 128>}, {pipeline_mode = #tpu.pipeline_mode<synchronous>, transform_indices = @transform_8, window_bounds = array<i64: 1, 128>}, {pipeline_mode = #tpu.pipeline_mode<synchronous>, transform_indices = @transform_9, window_bounds = array<i64: 64, 128>}]} {
    %get3A = arith.constant 0 : index
    %get3A_0 = arith.constant 0 : index
    %get3A_1 = vector.load %arg3[%get3A, %get3A_0] : memref<256x128xf32, #tpu.memory_space<vmem>>, vector<256x128xf32>
    %get3A_2 = arith.constant 0 : index
    %get3A_3 = arith.constant 0 : index
    %get3A_4 = arith.constant 0 : index
    %get3A_5 = vector.load %arg1[%get3A_2, %get3A_3, %get3A_4] : memref<2x256x128xf32, #tpu.memory_space<vmem>>, vector<1x256x128xf32>
    %get3A_6 = vector.shape_cast %get3A_5 : vector<1x256x128xf32> to vector<256x128xf32>
    %get3A_7 = arith.constant 1 : index
    %get3A_8 = arith.constant 0 : index
    %get3A_9 = arith.constant 0 : index
    %get3A_10 = vector.load %arg1[%get3A_7, %get3A_8, %get3A_9] : memref<2x256x128xf32, #tpu.memory_space<vmem>>, vector<1x256x128xf32>
    %get3A_11 = vector.shape_cast %get3A_10 : vector<1x256x128xf32> to vector<256x128xf32>
    %add3A = arith.addf %get3A_6, %get3A_11 : vector<256x128xf32>
    %get3A_12 = arith.constant 0 : index
    %get3A_13 = arith.constant 0 : index
    %get3A_14 = vector.load %arg2[%get3A_12, %get3A_13] : memref<256x128xf32, #tpu.memory_space<vmem>>, vector<256x128xf32>
    %add3A_15 = arith.addf %add3A, %get3A_14 : vector<256x128xf32>
    %mul3A = arith.mulf %get3A_1, %add3A_15 : vector<256x128xf32>
    %get3A_16 = arith.constant 0 : index
    %get3A_17 = arith.constant 0 : index
    %get3A_18 = vector.load %arg4[%get3A_16, %get3A_17] : memref<1x128xf32, #tpu.memory_space<vmem>>, vector<1x128xf32>
    %add3A_19 = vector.broadcast %get3A_18 : vector<1x128xf32> to vector<256x128xf32>
    %add3A_20 = arith.addf %mul3A, %add3A_19 : vector<256x128xf32>
    %max3A = arith.constant 0.000000e+00 : f32
    %max3A_21 = vector.broadcast %max3A : f32 to vector<256x128xf32>
    %max3A_22 = arith.maximumf %add3A_20, %max3A_21 : vector<256x128xf32>
    %get3A_23 = arith.constant 0 : index
    %get3A_24 = arith.constant 0 : index
    %get3A_25 = arith.constant 0 : index
    %get3A_26 = vector.load %arg5[%get3A_23, %get3A_24, %get3A_25] : memref<1x1x256xi32, #tpu.memory_space<vmem>>, vector<1x1x256xi32>
    %get3A_27 = vector.shape_cast %get3A_26 : vector<1x1x256xi32> to vector<1x256xi32>
    %iota3A = tpu.iota {dimensions = array<i32: 0>} : vector<64x256xi32>
    %broadcast_in_dim3A = vector.shape_cast %get3A_27 : vector<1x256xi32> to vector<1x256xi32>
    %broadcast_in_dim3A_28 = vector.broadcast %broadcast_in_dim3A : vector<1x256xi32> to vector<64x256xi32>
    %eq3A = arith.cmpi eq, %iota3A, %broadcast_in_dim3A_28 : vector<64x256xi32>
    %convert_element_type3A = arith.extui %eq3A : vector<64x256xi1> to vector<64x256xi32>
    %convert_element_type3A_29 = arith.sitofp %convert_element_type3A : vector<64x256xi32> to vector<64x256xf32>
    %eq3A_30 = arith.constant 0 : i32
    %eq3A_31 = arith.cmpi eq, %arg0, %eq3A_30 : i32
    %convert_element_type3A_32 = arith.extui %eq3A_31 : i1 to i32
    %cond3A = arith.constant 0 : i32
    %cond3A_33 = arith.cmpi ne, %convert_element_type3A_32, %cond3A : i32
    scf.if %cond3A_33 {
      %broadcast_in_dim3A_57 = arith.constant 0.000000e+00 : f32
      %broadcast_in_dim3A_58 = vector.broadcast %broadcast_in_dim3A_57 : f32 to vector<64x128xf32>
      %swap3A_59 = arith.constant 0 : index
      %swap3A_60 = arith.constant 0 : index
      %swap3A_61 = vector.load %arg11[%swap3A_59, %swap3A_60] : memref<64x128xf32, #tpu.memory_space<vmem>>, vector<64x128xf32>
      tpu.vector_store %arg11[%swap3A_59, %swap3A_60], %broadcast_in_dim3A_58 {strides = array<i32>} : memref<64x128xf32, #tpu.memory_space<vmem>>, vector<64x128xf32>,
      %broadcast_in_dim3A_62 = arith.constant 0.000000e+00 : f32
      %broadcast_in_dim3A_63 = vector.broadcast %broadcast_in_dim3A_62 : f32 to vector<64x128xf32>
      %swap3A_64 = arith.constant 0 : index
      %swap3A_65 = arith.constant 0 : index
      %swap3A_66 = vector.load %arg12[%swap3A_64, %swap3A_65] : memref<64x128xf32, #tpu.memory_space<vmem>>, vector<64x128xf32>
      tpu.vector_store %arg12[%swap3A_64, %swap3A_65], %broadcast_in_dim3A_63 {strides = array<i32>} : memref<64x128xf32, #tpu.memory_space<vmem>>, vector<64x128xf32>,
    } else {
    }
    %get3A_34 = arith.constant 0 : index
    %get3A_35 = arith.constant 0 : index
    %get3A_36 = vector.load %arg11[%get3A_34, %get3A_35] : memref<64x128xf32, #tpu.memory_space<vmem>>, vector<64x128xf32>
    %dot_general3A = arith.constant dense<0.000000e+00> : vector<64x128xf32>
    %dot_general3A_37 = tpu.matmul %convert_element_type3A_29, %max3A_22, %dot_general3A {dimension_numbers = #tpu.dot_dimension_numbers<[1], [0], [0], [1], [0, 0, 1, 1], [], []>, precision = #tpu.contract_precision<fp32>, transpose_lhs_hint = false} : vector<64x256xf32>, vector<256x128xf32>, vector<64x128xf32> -> vector<64x128xf32>
    %add3A_38 = arith.addf %get3A_36, %dot_general3A_37 : vector<64x128xf32>
    %swap3A = arith.constant 0 : index
    %swap3A_39 = arith.constant 0 : index
    %swap3A_40 = vector.load %arg11[%swap3A, %swap3A_39] : memref<64x128xf32, #tpu.memory_space<vmem>>, vector<64x128xf32>
    tpu.vector_store %arg11[%swap3A, %swap3A_39], %add3A_38 {strides = array<i32>} : memref<64x128xf32, #tpu.memory_space<vmem>>, vector<64x128xf32>,
    %get3A_41 = arith.constant 0 : index
    %get3A_42 = arith.constant 0 : index
    %get3A_43 = vector.load %arg12[%get3A_41, %get3A_42] : memref<64x128xf32, #tpu.memory_space<vmem>>, vector<64x128xf32>
    %reduce_sum3A = arith.constant dense<0.000000e+00> : vector<64xf32>
    %reduce_sum3A_44 = vector.multi_reduction <add>, %convert_element_type3A_29, %reduce_sum3A [1] : vector<64x256xf32> to vector<64xf32>
    %broadcast_in_dim3A_45 = vector.shape_cast %reduce_sum3A_44 : vector<64xf32> to vector<64x1xf32>
    %broadcast_in_dim3A_46 = vector.shape_cast %broadcast_in_dim3A_45 : vector<64x1xf32> to vector<64x1xf32>
    %broadcast_in_dim3A_47 = vector.broadcast %broadcast_in_dim3A_46 : vector<64x1xf32> to vector<64x128xf32>
    %add3A_48 = arith.addf %get3A_43, %broadcast_in_dim3A_47 : vector<64x128xf32>
    %swap3A_49 = arith.constant 0 : index
    %swap3A_50 = arith.constant 0 : index
    %swap3A_51 = vector.load %arg12[%swap3A_49, %swap3A_50] : memref<64x128xf32, #tpu.memory_space<vmem>>, vector<64x128xf32>
    tpu.vector_store %arg12[%swap3A_49, %swap3A_50], %add3A_48 {strides = array<i32>} : memref<64x128xf32, #tpu.memory_space<vmem>>, vector<64x128xf32>,
    %eq3A_52 = arith.constant 39 : i32
    %eq3A_53 = arith.cmpi eq, %arg0, %eq3A_52 : i32
    %convert_element_type3A_54 = arith.extui %eq3A_53 : i1 to i32
    %cond3A_55 = arith.constant 0 : i32
    %cond3A_56 = arith.cmpi ne, %convert_element_type3A_54, %cond3A_55 : i32
    scf.if %cond3A_56 {
      %get3A_57 = arith.constant 0 : index
      %get3A_58 = arith.constant 0 : index
      %get3A_59 = vector.load %arg11[%get3A_57, %get3A_58] : memref<64x128xf32, #tpu.memory_space<vmem>>, vector<64x128xf32>
      %get3A_60 = arith.constant 0 : index
      %get3A_61 = arith.constant 0 : index
      %get3A_62 = vector.load %arg12[%get3A_60, %get3A_61] : memref<64x128xf32, #tpu.memory_space<vmem>>, vector<64x128xf32>
      %max3A_63 = arith.constant 1.000000e+00 : f32
      %max3A_64 = vector.broadcast %max3A_63 : f32 to vector<64x128xf32>
      %max3A_65 = arith.maximumf %get3A_62, %max3A_64 : vector<64x128xf32>
      %div3A = arith.divf %get3A_59, %max3A_65 : vector<64x128xf32>
      %get3A_66 = arith.constant 0 : index
      %get3A_67 = arith.constant 0 : index
      %get3A_68 = vector.load %arg6[%get3A_66, %get3A_67] : memref<128x128xf32, #tpu.memory_space<vmem>>, vector<128x128xf32>
      %dot_general3A_69 = arith.constant dense<0.000000e+00> : vector<64x128xf32>
      %dot_general3A_70 = tpu.matmul %div3A, %get3A_68, %dot_general3A_69 {dimension_numbers = #tpu.dot_dimension_numbers<[1], [0], [0], [1], [0, 0, 1, 1], [], []>, transpose_lhs_hint = false} : vector<64x128xf32>, vector<128x128xf32>, vector<64x128xf32> -> vector<64x128xf32>
      %get3A_71 = arith.constant 0 : index
      %get3A_72 = arith.constant 0 : index
      %get3A_73 = vector.load %arg7[%get3A_71, %get3A_72] : memref<1x128xf32, #tpu.memory_space<vmem>>, vector<1x128xf32>
      %add3A_74 = vector.broadcast %get3A_73 : vector<1x128xf32> to vector<64x128xf32>
      %add3A_75 = arith.addf %dot_general3A_70, %add3A_74 : vector<64x128xf32>
      %max3A_76 = arith.constant 0.000000e+00 : f32
      %max3A_77 = vector.broadcast %max3A_76 : f32 to vector<64x128xf32>
      %max3A_78 = arith.maximumf %add3A_75, %max3A_77 : vector<64x128xf32>
      %get3A_79 = arith.constant 0 : index
      %get3A_80 = arith.constant 0 : index
      %get3A_81 = vector.load %arg8[%get3A_79, %get3A_80] : memref<128x128xf32, #tpu.memory_space<vmem>>, vector<128x128xf32>
      %dot_general3A_82 = arith.constant dense<0.000000e+00> : vector<64x128xf32>
      %dot_general3A_83 = tpu.matmul %max3A_78, %get3A_81, %dot_general3A_82 {dimension_numbers = #tpu.dot_dimension_numbers<[1], [0], [0], [1], [0, 0, 1, 1], [], []>, transpose_lhs_hint = false} : vector<64x128xf32>, vector<128x128xf32>, vector<64x128xf32> -> vector<64x128xf32>
      %get3A_84 = arith.constant 0 : index
      %get3A_85 = arith.constant 0 : index
      %get3A_86 = vector.load %arg9[%get3A_84, %get3A_85] : memref<1x128xf32, #tpu.memory_space<vmem>>, vector<1x128xf32>
      %add3A_87 = vector.broadcast %get3A_86 : vector<1x128xf32> to vector<64x128xf32>
      %add3A_88 = arith.addf %dot_general3A_83, %add3A_87 : vector<64x128xf32>
      %swap3A_89 = arith.constant 0 : index
      %swap3A_90 = arith.constant 0 : index
      %swap3A_91 = vector.load %arg10[%swap3A_89, %swap3A_90] : memref<64x128xf32, #tpu.memory_space<vmem>>, vector<64x128xf32>
      tpu.vector_store %arg10[%swap3A_89, %swap3A_90], %add3A_88 {strides = array<i32>} : memref<64x128xf32, #tpu.memory_space<vmem>>, vector<64x128xf32>,
    } else {
    }
    return
  }
  func.func @transform_0(%arg0: i32) -> (i32, i32, i32) {
    %c0_i32 = arith.constant 0 : i32
    %c0_i32_0 = arith.constant 0 : i32
    %c0_i32_1 = arith.constant 0 : i32
    return %c0_i32, %arg0, %c0_i32_0 : i32, i32, i32
  }
  func.func @transform_1(%arg0: i32) -> (i32, i32) {
    %c0_i32 = arith.constant 0 : i32
    %c0_i32_0 = arith.constant 0 : i32
    return %arg0, %c0_i32 : i32, i32
  }
  func.func @transform_2(%arg0: i32) -> (i32, i32) {
    %c0_i32 = arith.constant 0 : i32
    %c0_i32_0 = arith.constant 0 : i32
    return %arg0, %c0_i32 : i32, i32
  }
  func.func @transform_3(%arg0: i32) -> (i32, i32) {
    %c0_i32 = arith.constant 0 : i32
    %c0_i32_0 = arith.constant 0 : i32
    %c0_i32_1 = arith.constant 0 : i32
    return %c0_i32, %c0_i32_0 : i32, i32
  }
  func.func @transform_4(%arg0: i32) -> (i32, i32, i32) {
    %c0_i32 = arith.constant 0 : i32
    %c0_i32_0 = arith.constant 0 : i32
    %c0_i32_1 = arith.constant 0 : i32
    return %arg0, %c0_i32, %c0_i32_0 : i32, i32, i32
  }
  func.func @transform_5(%arg0: i32) -> (i32, i32) {
    %c0_i32 = arith.constant 0 : i32
    %c0_i32_0 = arith.constant 0 : i32
    %c0_i32_1 = arith.constant 0 : i32
    return %c0_i32, %c0_i32_0 : i32, i32
  }
  func.func @transform_6(%arg0: i32) -> (i32, i32) {
    %c0_i32 = arith.constant 0 : i32
    %c0_i32_0 = arith.constant 0 : i32
    %c0_i32_1 = arith.constant 0 : i32
    return %c0_i32, %c0_i32_0 : i32, i32
  }
  func.func @transform_7(%arg0: i32) -> (i32, i32) {
    %c0_i32 = arith.constant 0 : i32
    %c0_i32_0 = arith.constant 0 : i32
    %c0_i32_1 = arith.constant 0 : i32
    return %c0_i32, %c0_i32_0 : i32, i32
  }
  func.func @transform_8(%arg0: i32) -> (i32, i32) {
    %c0_i32 = arith.constant 0 : i32
    %c0_i32_0 = arith.constant 0 : i32
    %c0_i32_1 = arith.constant 0 : i32
    return %c0_i32, %c0_i32_0 : i32, i32
  }
  func.func @transform_9(%arg0: i32) -> (i32, i32) {
    %c0_i32 = arith.constant 0 : i32
    %c0_i32_0 = arith.constant 0 : i32
    %c0_i32_1 = arith.constant 0 : i32
    return %c0_i32, %c0_i32_0 : i32, i32
  }
}

</mosaic_0001>

<sc_bundles>
// kernel: kernel.17.cloned.1.call-start
scs
__scs_entry_jumppad:
0x0: {  	(pc) =	sbr.rel $0x88, $3  }
0x1: {  	(tag) =	ssettag $0x0;
	lr =	simm.s32 $0x1  }
0x2: {  	[smem:$0x3F98] =	sst lr;
	_ =	strace $0xD0000000  }
0x3: {  	_ = 	snop  }
0x4: {  	_ = 	snop  }
0x5: {  	_ = 	snop  }
0x6: {  	_ = 	snop  }
0x7: {  	_ = 	snop  }
__scs_overlays_trampoline_lowered:
0x8: {  	[smem:$0x3FA7] =	sst s0  }
0x9: {  	[smem:$0x3FA8] =	sst s1  }
0xa: {  	[smem:$0x3FA9] =	sst s2  }
0xb: {  	[smem:$0x3FAA] =	sst s3  }
0xc: {  	[smem:$0x3FAB] =	sst s4  }
0xd: {  	[smem:$0x3FAC] =	sst s5  }
0xe: {  	[smem:$0x3FAD] =	sst s6  }
0xf: {  	[smem:$0x3FAE] =	sst s7  }
0x10: {  	[smem:$0x3FAF] =	sst s8  }
0x11: {  	[smem:$0x3FB0] =	sst s9;
	s0 =	simm.s32 @!p0 $0x0  }
0x12: {  	s1 =	sld [smem:$0x3F96];
	s0 =	simm.s32 @p0 $0x1  }
0x13: {  	[smem:$0x3FB1] =	sst s0;
	s0 =	simm.s32 @!p1 $0x0  }
0x14: {  	s2 =	sld [smem:$0x3F95];
	s0 =	simm.s32 @p1 $0x1  }
0x15: {  	[smem:$0x3FB2] =	sst s0;
	s0 =	simm.s32 @!p2 $0x0  }
0x16: {  	s3 =	sld [smem:$0x3FDB];
	s0 =	simm.s32 @p2 $0x1  }
0x17: {  	s4 =	simm.s32 $0x1BF5;
	[smem:$0x3FB4] =	sst s0  }
0x18: {  	s0 =	sld [smem:$0x3F97];
	_ =	swait.ge [sflag:s4], $0x0  }
0x19: {  	s7 =	sld [smem:$0x3F98]  }
0x1a: {  	s8 =	sadd.s32 $0xFFFFE003, lr  }
0x1b: {  	s9 =	sadd.s32 $0xFFFFFEF7, lr;
	s5 =	simm.s32 $0xFFFFFFFF;
	p2 =	slt.u32 s8, $0xFFFFF086  }
0x1c: {  	p1 =	slt.u32 s9, $0xF7A;
	s5 =	simm.s32 @!p2 $0x0  }
0x1d: {  	s5 =	simm.s32 @p1 $0x1;
	p0 =	seq.s32 s7, s2  }
0x1e: {  	s7 =	smul.u32 @!p0 $0xF7A, s2;
	p2 =	seq.s32 @!p0 s5, $0x0  }
0x1f: {  	s9 =	smul.u32 $0xF7A, s1;
	s8 =	simm.s32 @!p0 $0x1BF5;
	p2 =	por !p2, p0  }
0x20: {  	[sflag:s8] =	ssyncset.s32 @!p0 $0xFFFFF086;
	s6 =	sadd.s32 @!p0 s3, s7;
	s7 =	simm.s32 @!p0 $0x108  }
0x21: {  	s3 =	sadd.s32 s3, s9;
	s6 =	sadd.s32 @!p0 $0x88, s6;
	s7 =	simm.s32 @p2 $0x1082  }
0x22: {  	[simem:s7], [sflag:s8] =	dma.local @!p0 [hbm:s6], $0xF7A  }
0x23: {  	s9 =	sor.u32 $0xD0000000, s2;
	s6 =	simm.s32 $0x108;
	_ =	swait.ge @!p0 [sflag:s8], $0x0  }
0x24: {  	s3 =	sadd.s32 $0x88, s3;
	s6 =	simm.s32 @!p1 $0x1082;
	[sflag:s4] =	ssyncset.s32 $0xFFFFF086  }
0x25: {  	[simem:s6], [sflag:s4] =	dma.local [hbm:s3], $0xF7A  }
0x26: {  	[smem:$0x3F98] =	sst s1;
	(tag) =	ssettag s2;
	_ =	strace s9  }
0x27: {  	s1 =	sld [smem:$0x3FA8]  }
0x28: {  	s2 =	sld [smem:$0x3FA9]  }
0x29: {  	s4 =	sld [smem:$0x3FAB]  }
0x2a: {  	p0 =	seq.s32 s5, $0x0;
	s5 =	sld [smem:$0x3FAC]  }
0x2b: {  	s6 =	sld [smem:$0x3FAD]  }
0x2c: {  	s7 =	sld [smem:$0x3FAE]  }
0x2d: {  	s3 =	simm.s32 $0x108;
	s8 =	sld [smem:$0x3FAF]  }
0x2e: {  	s3 =	simm.s32 @!p0 $0x1082;
	s9 =	sld [smem:$0x3FB0]  }
0x2f: {  	lr =	sadd.s32 s0, s3;
	s0 =	sld [smem:$0x3FA7]  }
0x30: {  	s3 =	sld [smem:$0x3FAA]  }
0x31: {  	[smem:$0x3FB3] =	sst s10  }
0x32: {  	s10 =	sld [smem:$0x3FB1];
	_ =	sdelay $0x3  }
0x33: {  	p0 =	seq.s32 s10, $0x1;
	s10 =	sld [smem:$0x3FB3];
	_ =	sdelay $0x3  }
0x34: {  	[smem:$0x3FB3] =	sst s10  }
0x35: {  	s10 =	sld [smem:$0x3FB2];
	_ =	sdelay $0x3  }
0x36: {  	p1 =	seq.s32 s10, $0x1;
	s10 =	sld [smem:$0x3FB3];
	_ =	sdelay $0x3  }
0x37: {  	[smem:$0x3FB3] =	sst s10  }
0x38: {  	s10 =	sld [smem:$0x3FB4]  }
0x39: {  	_ = 	snop;
	(pc) =	sbr.ind lr, $3  }
0x3a: {  	_ = 	snop  }
0x3b: {  	_ = 	snop  }
0x3c: {  	p2 =	seq.s32 s10, $0x1;
	s10 =	sld [smem:$0x3FB3]  }
0x3d: {  	_ =	shalt  }
0x3e: {  	_ =	shalt  }
0x3f: {  	_ =	shalt  }
0x40: {  	_ =	shalt  }
0x41: {  	_ =	shalt  }
0x42: {  	_ =	shalt  }
0x43: {  	_ =	shalt  }
0x44: {  	_ =	shalt  }
0x45: {  	_ =	shalt  }
0x46: {  	_ =	shalt  }
0x47: {  	_ =	shalt  }
0x48: {  	_ =	shalt  }
0x49: {  	_ =	shalt  }
0x4a: {  	_ =	shalt  }
0x4b: {  	_ =	shalt  }
0x4c: {  	_ =	shalt  }
0x4d: {  	_ =	shalt  }
0x4e: {  	_ =	shalt  }
0x4f: {  	_ =	shalt  }
0x50: {  	_ =	shalt  }
0x51: {  	_ =	shalt  }
0x52: {  	_ =	shalt  }
0x53: {  	_ =	shalt  }
0x54: {  	_ =	shalt  }
0x55: {  	_ =	shalt  }
0x56: {  	_ =	shalt  }
0x57: {  	_ =	shalt  }
0x58: {  	_ =	shalt  }
0x59: {  	_ =	shalt  }
0x5a: {  	_ =	shalt  }
0x5b: {  	_ =	shalt  }
0x5c: {  	_ =	shalt  }
0x5d: {  	_ =	shalt  }
0x5e: {  	_ =	shalt  }
0x5f: {  	_ =	shalt  }
0x60: {  	_ =	shalt  }
0x61: {  	_ =	shalt  }
0x62: {  	_ =	shalt  }
0x63: {  	_ =	shalt  }
0x64: {  	_ =	shalt  }
0x65: {  	_ =	shalt  }
0x66: {  	_ =	shalt  }
0x67: {  	_ =	shalt  }
0x68: {  	_ =	shalt  }
0x69: {  	_ =	shalt  }
0x6a: {  	_ =	shalt  }
0x6b: {  	_ =	shalt  }
0x6c: {  	_ =	shalt  }
0x6d: {  	_ =	shalt  }
0x6e: {  	_ =	shalt  }
0x6f: {  	_ =	shalt  }
0x70: {  	_ =	shalt  }
0x71: {  	_ =	shalt  }
0x72: {  	_ =	shalt  }
0x73: {  	_ =	shalt  }
0x74: {  	_ =	shalt  }
0x75: {  	_ =	shalt  }
0x76: {  	_ =	shalt  }
0x77: {  	_ =	shalt  }
0x78: {  	_ =	shalt  }
0x79: {  	_ =	shalt  }
0x7a: {  	_ =	shalt  }
0x7b: {  	_ =	shalt  }
0x7c: {  	_ =	shalt  }
0x7d: {  	_ =	shalt  }
0x7e: {  	_ =	shalt  }
0x7f: {  	_ =	shalt  }
0x80: {  	_ =	shalt  }
0x81: {  	_ =	shalt  }
0x82: {  	_ =	shalt  }
0x83: {  	_ =	shalt  }
0x84: {  	_ =	shalt  }
0x85: {  	_ =	shalt  }
0x86: {  	_ =	shalt  }
0x87: {  	_ =	shalt  }
.Lfunc_end0:
.L_simem_size_0:
called_computation_lowered:
.L_overlay_start_0:
0x88: {  	s2 =	sld [smem:$0x3FD9]  }
0x89: {  	s3 =	sld [smem:$0x3FFE];
	_ =	sdelay $0x1  }
0x8a: {  	s1 =	srdreg.scid  }
0x8b: {  	s0 =	sand.u32 $0x1, s1  }
0x8c: {  	s16 =	sshll.u32 s0, $0xA;
	s2 =	sadd.s32 s3, s2  }
0x8d: {  	s2 =	sadd.s32 s2, s16  }
0x8e: {  	[smem:$0x3FBF] =	sst s2  }
0x8f: {  	_ = 	snop  }
0x90: {  	(tm) =	ssettm $0x1  }
0x91: {  	s17 =	sld [smem:$0x3FFB];
	_ =	sdelay $0x3  }
0x92: {  	_ =	strace s17  }
0x93: {  	s2 =	sld [smem:$0x3FFC];
	_ =	sdelay $0x3  }
0x94: {  	_ =	strace s2  }
0x95: {  	s2 =	sld [smem:$0x3FFD];
	_ =	sdelay $0x3  }
0x96: {  	_ =	strace s2  }
0x97: {  	_ =	strace $0x8FFFFFFF  }
0x98: {  	s18 =	sld [smem:$0x3FDB];
	_ =	sdelay $0x1  }
0x99: {  	s19 =	simm.s32 $_scs_section_size  }
0x9a: {  	s4 =	simm.s32 $_size__tile_overlayer_lowered;
	s5 =	simm.s32 $_tile_overlayer_lowered  }
0x9b: {  	s22 =	simm.s32 $0x1BFF;
	s21 =	sshll.u32 s5, $0x1;
	s2 =	sadd.s32 s19, s18  }
0x9c: {  	s6 =	simm.s32 $0x0;
	s20 =	sshll.u32 s4, $0x1;
	s4 =	sadd.s32 s21, s2  }
0x9d: {  	[timem:s6], [sflag:s22] =	dma.local [hbm:s4], s20  }
0x9e: {  	_ =	swait.ge [sflag:s22], s20  }
0x9f: {  	s3 =	ssub.s32 $0x0, s20;
	[sflag:s22] =	ssyncset.done $0x0  }
0xa0: {  	[sflag:s22] =	ssyncadd.s32 s3;
	_ =	sdelay $0x1  }
0xa1: {  	s23 =	simm.s32 $0x1B8B  }
0xa2: {  	_ =	swait.ge [sflag:s23], $0x1  }
0xa3: {  	[sflag:s23] =	ssyncset.done $0x0  }
0xa4: {  	s25 =	simm.s32 $0x1B8E;
	s24 =	sld [smem:$0x3FFE];
	[sflag:s23] =	ssyncadd.s32 $0xFFFFFFFF  }
0xa5: {  	s26 =	simm.s32 $execute0_lowered;
	[smem:$0x3FD2] =	sst s25  }
0xa6: {  	s4 =	sshll.u32 s26, $0x1;
	_ =	strace $0x80000046;
	[dreg:$0x1] =	wrdreg $0xFFFFFFFF  }
0xa7: {  	s28 =	simm.s32 $_size_execute0_lowered;
	s2 =	sadd.s32 s2, s4;
	[dreg:$0x0] =	wrdreg $0x0  }
0xa8: {  	s4 =	sshll.u32 s28, $0x1;
	[dreg:$0x2] =	wrdreg s2  }
0xa9: {  	[dreg:$0x3] =	wrdreg s4  }
0xaa: {  	[dreg:$0x4] =	wrdreg $0xC0  }
0xab: {  	_ =	task [dreg:s6], $0x5FFFF  }
0xac: {  	[dreg:$0x1] =	wrdreg $0xFFFFFFFF  }
0xad: {  	[dreg:$0x0] =	wrdreg $0x60  }
0xae: {  	[dreg:$0x2] =	wrdreg s24  }
0xaf: {  	[dreg:$0x3] =	wrdreg $0x54000  }
0xb0: {  	[dreg:$0x4] =	wrdreg $0x9  }
0xb1: {  	_ =	task.clear_ibuf [dreg:s6], $0x5FFFF;
	_ =	strace $0x90000046  }
0xb2: {  	s29 =	simm.s32 $0x9;
	_ =	strace $0x80000048  }
0xb3: {  	_ =	swait.ge [sflag:s29], $0x1  }
0xb4: {  	[sflag:s29] =	ssyncadd.s32 $0xFFFFFFFF  }
0xb5: {  	_ =	strace $0x90000048  }
0xb6: {  	_ =	sfence  }
0xb7: {  	s30 =	sld [smem:$0x0];
	_ =	sdelay $0x2  }
0xb8: {  	s31 =	sshll.u32 s1, $0xD;
	s1 =	sshrl.u32 s1, $0x2  }
0xb9: {  	s3 =	sand.u32 $0x4000, s31;
	s1 =	sadd.s32 s1, s30  }
0xba: {  	s0 =	sor.u32 s3, s0;
	s1 =	sshll.u32 s1, $0x11  }
0xbb: {  	s0 =	sor.u32 s1, s0  }
0xbc: {  	s0 =	sadd.s32 $0x8F2B, s0  }
0xbd: {  	[sflag:s0] =	ssyncadd.remote.s32 $0x1  }
0xbe: {  	_ =	sfence.sel $0xFFFF  }
0xbf: {  	[dreg:$0x0] =	wrdreg $0xFFFFFFFF;
	(pc) =	sbr.abs _section_cstart, $3  }
0xc0: {  	[dreg:$0x1] =	wrdreg $0xFFFFFFFF  }
0xc1: {  	_ =	task.clear_ibuf [dreg:s6], $0x2FFFF;
	_ =	strace $0x9FFFFFFF  }
0xc2: {  	(tm) =	ssettm $0x7FFFFFFF  }
0xc3: {  	_ =	shalt  }
tec
execute0_lowered:
.L_overlay_start_1:
0x0: {  	(tag) =	ssettag $0x1  }
0x1: {  	s0 =	srdreg.scid;
	s6 =	rddreg [dreg:$0x0]  }
0x2: {  	s2 =	rddreg [dreg:$0x1];
	s3 =	simm.s32 $0x0;
	s5 =	sand.u32 $0x1, s0  }
0x3: {  	s14 =	simm.s32 $0x80;
	s0 =	stileid.u32;
	s7 =	smul.u32 $0x140000, s5  }
0x4: {  	s15 =	simm.s32 $0x0;
	[smem:$0x7FF] =	sst s3;
	s8 =	smul.u32 $0x14000, s0  }
0x5: {  	s1 =	sshll.u32 s5, $0x4;
	s29 =	ssub.s32 $0x2, s5;
	s10 =	smul.u32 $0x50000, s0  }
0x6: {  	s5 =	sadd.s32 $0xDC00, s6;
	s31 =	sshll.u32 s0, $0x6;
	s1 =	sor.u32 s0, s1  }
0x7: {  	s11 =	sshrl.u32 s29, $0x1;
	s4 =	smul.u32 $0x2800, s1;
	s1 =	rddreg [dreg:$0x2]  }
0x8: {  	_ =	strace $0x80000047;
	s7 =	sadd.s32 s8, s7;
	s11 =	ssub.s32 s29, s11  }
0x9: {  	s30 =	sshrl.u32 s10, $0x2;
	s10 =	simm.s32 $0x1400;
	s7 =	sshrl.u32 s7, $0x3  }
0xa: {  	s13 =	sadd.s32 s30, s2;
	s4 =	sshrl.u32 s4, $0x3;
	s12 =	sadd.s32 s7, s6  }
0xb: {  	s13 =	sshrl.u32 s13, $0x3;
	s9 =	sadd.s32 s4, s6;
	s4 =	sadd.s32 $0x10400, s6  }
0xc: {  	s8 =	sadd.s32 $0x10C00, s12;
	s12 =	sor.u32 $0x1C01, s31;
	s6 =	sadd.s32 $0x3C00, s9  }
0xd: {  	s7 =	sadd.s32 $0x3E80, s9;
	s9 =	smax.u32 s11, $0x1;
	s11 =	simm.s32 $0x1  }
.LBB2_1:
0xe: {  	[tilespmem:s10], [sflag:$0x1] =	stream.linear.gather [hbm4b:s4+s3], $0x4000, $0x38;
	[tilespmem:$0x19400] =	vst v63  }
0xf: {  	_ =	swait.ge [sflag:s11], $0x4000  }
0x10: {  	[sflag:s11] =	ssyncset.done $0x0  }
0x11: {  	[sflag:s11] =	ssyncadd.s32 $0xFFFFC000  }
0x12: {  	[spmem:s13], [sflag:s12] =	dma.local [hbm:s5], $0x2800  }
0x13: {  	_ =	swait.ge [sflag:s11], $0x2800  }
0x14: {  	[sflag:s11] =	ssyncset.done $0x0  }
0x15: {  	[sflag:s11] =	ssyncadd.s32 $0xFFFFD800  }
0x16: {  	[bflag:$0x0] =	sbarrier.arrive $0xFFFF  }
0x17: {  	[tilespmem:s3], [sflag:$0x1] =	stream.linear.gather [hbm4b:s6+s3], $0x1400, $0x38;
	[tilespmem:$0x19400] =	vst v63  }
0x18: {  	_ =	swait.ge [sflag:s11], $0x1400  }
0x19: {  	[sflag:s11] =	ssyncset.done $0x0  }
0x1a: {  	s16 =	simm.s32 $0x0;
	[sflag:s11] =	ssyncadd.s32 $0xFFFFEC00  }
0x1b: {  	[spmem:s2] =	stream.indirect.scatter.add.f32 [tilespmem:s10], [sflag:$0x1], $0x80, s16, s14, $0xb8;
	[tilespmem:$0x19400] =	vst v63  }
0x1c: {  	_ =	swait.ge [sflag:s11], $0x4000  }
0x1d: {  	s16 =	simm.s32 $0x200;
	[sflag:s11] =	ssyncset.done $0x0  }
.LBB2_2:
0x1e: {  	s17 =	sshra.s32 s16, $0x2;
	[sflag:s11] =	ssyncadd.s32 $0xFFFFC000;
	p0 =	sne.s32 s16, $0x4E00  }
0x1f: {  	[spmem:s2] =	stream.indirect.scatter.add.f32 [tilespmem:s10], [sflag:$0x1], $0x80, s17, s14, $0xb8;
	[tilespmem:$0x19400] =	vst v63  }
.Ltmp0:
0x20: {  	_ = 	snop;
	(pc) =	sbr.rel @p0 .LBB2_2-.Ltmp0, $4  }
0x21: {  	_ = 	snop  }
0x22: {  	s16 =	sadd.s32 $0x200, s16  }
0x23: {  	_ =	swait.ge [sflag:s11], $0x4000  }
0x24: {  	[sflag:s11] =	ssyncset.done $0x0  }
0x25: {  	[sflag:s11] =	ssyncadd.s32 $0xFFFFC000;
	s16 =	simm.s32 $0x0  }
0x26: {  	[tilespmem:s16], [sflag:$0x1] =	stream.linear.gather [hbm4b:s7+s16], $0x1400, $0x38;
	[tilespmem:$0x19400] =	vst v63  }
0x27: {  	_ =	swait.ge [sflag:s11], $0x1400  }
0x28: {  	[sflag:s11] =	ssyncset.done $0x0  }
0x29: {  	s31 =	simm.s32 $0x0;
	[sflag:s11] =	ssyncadd.s32 $0xFFFFEC00  }
0x2a: {  	[spmem:s2] =	stream.indirect.scatter.add.f32 [tilespmem:s10], [sflag:$0x1], $0x80, s31, s14, $0xb8;
	[tilespmem:$0x19400] =	vst v63  }
0x2b: {  	_ =	swait.ge [sflag:s11], $0x4000  }
0x2c: {  	s16 =	simm.s32 $0x200;
	[sflag:s11] =	ssyncset.done $0x0  }
.LBB2_4:
0x2d: {  	s17 =	sshra.s32 s16, $0x2;
	[sflag:s11] =	ssyncadd.s32 $0xFFFFC000;
	p0 =	sne.s32 s16, $0x4E00  }
0x2e: {  	[spmem:s2] =	stream.indirect.scatter.add.f32 [tilespmem:s10], [sflag:$0x1], $0x80, s17, s14, $0xb8;
	[tilespmem:$0x19400] =	vst v63  }
.Ltmp1:
0x2f: {  	_ = 	snop;
	(pc) =	sbr.rel @p0 .LBB2_4-.Ltmp1, $4  }
0x30: {  	_ = 	snop  }
0x31: {  	s16 =	sadd.s32 $0x200, s16  }
0x32: {  	_ =	swait.ge [sflag:s11], $0x4000  }
0x33: {  	[sflag:s11] =	ssyncset.done $0x0  }
0x34: {  	s15 =	sadd.s32 $0x1, s15  }
0x35: {  	[sflag:s11] =	ssyncadd.s32 $0xFFFFC000;
	p0 =	sne.s32 s15, s9  }
.Ltmp2:
0x36: {  	[bflag:$0x0] =	sbarrier.arrive $0xFFFF;
	(pc) =	sbr.rel @p0 .LBB2_1-.Ltmp2, $4  }
0x37: {  	[hbm:s8], [sflag:s12] =	dma.local [spmem:s13], $0x2800  }
0x38: {  	_ =	swait.ge [sflag:s11], $0x2800  }
0x39: {  	[sflag:s11] =	ssyncset.done $0x0  }
0x3a: {  	[sflag:s11] =	ssyncadd.s32 $0xFFFFD800  }
0x3b: {  	_ =	sfence.sel $0x180000  }
0x3c: {  	[bflag:$0x0] =	sbarrier.arrive $0xFFFF  }
0x3d: {  	p0 =	sne.s32 s0, $0x0;
	_ =	strace $0x90000047  }
0x3e: {  	s0 =	sadd.s32 @!p0 $0x100000, s1;
	[bflag:$0x2] =	sbarrier.arrive $0xFFFF  }
0x3f: {  	[sflag:s0] =	ssyncadd.tile.s32 @!p0 $0x1;
	_ =	shalt  }
.Lfunc_end2:
_tile_overlayer_lowered:
.L_overlay_start_2:
0x40: {  	(tag) =	ssettag $0x2  }
0x41: {  	s0 =	rddreg [dreg:$0x0];
	s2 =	stileid.u32  }
0x42: {  	s1 =	rddreg [dreg:$0x1];
	p0 =	sne.s32 s2, $0x0  }
0x43: {  	s3 =	rddreg [dreg:$0x2];
	[bflag:$0x3] =	sbarrier.arrive $0xFFFF;
	s2 =	simm.s32 @!p0 $0x1C01  }
0x44: {  	[timem:s3], [sflag:s2] =	dma.local @!p0 [hbm:s0], s1  }
0x45: {  	s0 =	simm.s32 @!p0 $0x1  }
0x46: {  	_ =	swait.ge @!p0 [sflag:s0], s1  }
0x47: {  	s1 =	ssub.s32 @!p0 $0x0, s1;
	[sflag:s0] =	ssyncset.done @!p0 $0x0  }
0x48: {  	[sflag:s0] =	ssyncadd.s32 @!p0 s1  }
0x49: {  	[bflag:$0x3] =	sbarrier.arrive $0xFFFF  }
0x4a: {  	_ =	shalt  }

// kernel: kernel.20.cloned.1.call-start
scs
__scs_entry_jumppad:
0x0: {  	(pc) =	sbr.rel $0x88, $3  }
0x1: {  	(tag) =	ssettag $0x0;
	lr =	simm.s32 $0x1  }
0x2: {  	[smem:$0x3F98] =	sst lr;
	_ =	strace $0xD0000000  }
0x3: {  	_ = 	snop  }
0x4: {  	_ = 	snop  }
0x5: {  	_ = 	snop  }
0x6: {  	_ = 	snop  }
0x7: {  	_ = 	snop  }
__scs_overlays_trampoline_lowered:
0x8: {  	[smem:$0x3FA7] =	sst s0  }
0x9: {  	[smem:$0x3FA8] =	sst s1  }
0xa: {  	[smem:$0x3FA9] =	sst s2  }
0xb: {  	[smem:$0x3FAA] =	sst s3  }
0xc: {  	[smem:$0x3FAB] =	sst s4  }
0xd: {  	[smem:$0x3FAC] =	sst s5  }
0xe: {  	[smem:$0x3FAD] =	sst s6  }
0xf: {  	[smem:$0x3FAE] =	sst s7  }
0x10: {  	[smem:$0x3FAF] =	sst s8  }
0x11: {  	[smem:$0x3FB0] =	sst s9;
	s0 =	simm.s32 @!p0 $0x0  }
0x12: {  	s1 =	sld [smem:$0x3F96];
	s0 =	simm.s32 @p0 $0x1  }
0x13: {  	[smem:$0x3FB1] =	sst s0;
	s0 =	simm.s32 @!p1 $0x0  }
0x14: {  	s2 =	sld [smem:$0x3F95];
	s0 =	simm.s32 @p1 $0x1  }
0x15: {  	[smem:$0x3FB2] =	sst s0;
	s0 =	simm.s32 @!p2 $0x0  }
0x16: {  	s3 =	sld [smem:$0x3FDB];
	s0 =	simm.s32 @p2 $0x1  }
0x17: {  	s4 =	simm.s32 $0x1BF5;
	[smem:$0x3FB4] =	sst s0  }
0x18: {  	s0 =	sld [smem:$0x3F97];
	_ =	swait.ge [sflag:s4], $0x0  }
0x19: {  	s7 =	sld [smem:$0x3F98]  }
0x1a: {  	s8 =	sadd.s32 $0xFFFFE003, lr  }
0x1b: {  	s9 =	sadd.s32 $0xFFFFFEF7, lr;
	s5 =	simm.s32 $0xFFFFFFFF;
	p2 =	slt.u32 s8, $0xFFFFF086  }
0x1c: {  	p1 =	slt.u32 s9, $0xF7A;
	s5 =	simm.s32 @!p2 $0x0  }
0x1d: {  	s5 =	simm.s32 @p1 $0x1;
	p0 =	seq.s32 s7, s2  }
0x1e: {  	s7 =	smul.u32 @!p0 $0xF7A, s2;
	p2 =	seq.s32 @!p0 s5, $0x0  }
0x1f: {  	s9 =	smul.u32 $0xF7A, s1;
	s8 =	simm.s32 @!p0 $0x1BF5;
	p2 =	por !p2, p0  }
0x20: {  	[sflag:s8] =	ssyncset.s32 @!p0 $0xFFFFF086;
	s6 =	sadd.s32 @!p0 s3, s7;
	s7 =	simm.s32 @!p0 $0x108  }
0x21: {  	s3 =	sadd.s32 s3, s9;
	s6 =	sadd.s32 @!p0 $0x88, s6;
	s7 =	simm.s32 @p2 $0x1082  }
0x22: {  	[simem:s7], [sflag:s8] =	dma.local @!p0 [hbm:s6], $0xF7A  }
0x23: {  	s9 =	sor.u32 $0xD0000000, s2;
	s6 =	simm.s32 $0x108;
	_ =	swait.ge @!p0 [sflag:s8], $0x0  }
0x24: {  	s3 =	sadd.s32 $0x88, s3;
	s6 =	simm.s32 @!p1 $0x1082;
	[sflag:s4] =	ssyncset.s32 $0xFFFFF086  }
0x25: {  	[simem:s6], [sflag:s4] =	dma.local [hbm:s3], $0xF7A  }
0x26: {  	[smem:$0x3F98] =	sst s1;
	(tag) =	ssettag s2;
	_ =	strace s9  }
0x27: {  	s1 =	sld [smem:$0x3FA8]  }
0x28: {  	s2 =	sld [smem:$0x3FA9]  }
0x29: {  	s4 =	sld [smem:$0x3FAB]  }
0x2a: {  	p0 =	seq.s32 s5, $0x0;
	s5 =	sld [smem:$0x3FAC]  }
0x2b: {  	s6 =	sld [smem:$0x3FAD]  }
0x2c: {  	s7 =	sld [smem:$0x3FAE]  }
0x2d: {  	s3 =	simm.s32 $0x108;
	s8 =	sld [smem:$0x3FAF]  }
0x2e: {  	s3 =	simm.s32 @!p0 $0x1082;
	s9 =	sld [smem:$0x3FB0]  }
0x2f: {  	lr =	sadd.s32 s0, s3;
	s0 =	sld [smem:$0x3FA7]  }
0x30: {  	s3 =	sld [smem:$0x3FAA]  }
0x31: {  	[smem:$0x3FB3] =	sst s10  }
0x32: {  	s10 =	sld [smem:$0x3FB1];
	_ =	sdelay $0x3  }
0x33: {  	p0 =	seq.s32 s10, $0x1;
	s10 =	sld [smem:$0x3FB3];
	_ =	sdelay $0x3  }
0x34: {  	[smem:$0x3FB3] =	sst s10  }
0x35: {  	s10 =	sld [smem:$0x3FB2];
	_ =	sdelay $0x3  }
0x36: {  	p1 =	seq.s32 s10, $0x1;
	s10 =	sld [smem:$0x3FB3];
	_ =	sdelay $0x3  }
0x37: {  	[smem:$0x3FB3] =	sst s10  }
0x38: {  	s10 =	sld [smem:$0x3FB4]  }
0x39: {  	_ = 	snop;
	(pc) =	sbr.ind lr, $3  }
0x3a: {  	_ = 	snop  }
0x3b: {  	_ = 	snop  }
0x3c: {  	p2 =	seq.s32 s10, $0x1;
	s10 =	sld [smem:$0x3FB3]  }
0x3d: {  	_ =	shalt  }
0x3e: {  	_ =	shalt  }
0x3f: {  	_ =	shalt  }
0x40: {  	_ =	shalt  }
0x41: {  	_ =	shalt  }
0x42: {  	_ =	shalt  }
0x43: {  	_ =	shalt  }
0x44: {  	_ =	shalt  }
0x45: {  	_ =	shalt  }
0x46: {  	_ =	shalt  }
0x47: {  	_ =	shalt  }
0x48: {  	_ =	shalt  }
0x49: {  	_ =	shalt  }
0x4a: {  	_ =	shalt  }
0x4b: {  	_ =	shalt  }
0x4c: {  	_ =	shalt  }
0x4d: {  	_ =	shalt  }
0x4e: {  	_ =	shalt  }
0x4f: {  	_ =	shalt  }
0x50: {  	_ =	shalt  }
0x51: {  	_ =	shalt  }
0x52: {  	_ =	shalt  }
0x53: {  	_ =	shalt  }
0x54: {  	_ =	shalt  }
0x55: {  	_ =	shalt  }
0x56: {  	_ =	shalt  }
0x57: {  	_ =	shalt  }
0x58: {  	_ =	shalt  }
0x59: {  	_ =	shalt  }
0x5a: {  	_ =	shalt  }
0x5b: {  	_ =	shalt  }
0x5c: {  	_ =	shalt  }
0x5d: {  	_ =	shalt  }
0x5e: {  	_ =	shalt  }
0x5f: {  	_ =	shalt  }
0x60: {  	_ =	shalt  }
0x61: {  	_ =	shalt  }
0x62: {  	_ =	shalt  }
0x63: {  	_ =	shalt  }
0x64: {  	_ =	shalt  }
0x65: {  	_ =	shalt  }
0x66: {  	_ =	shalt  }
0x67: {  	_ =	shalt  }
0x68: {  	_ =	shalt  }
0x69: {  	_ =	shalt  }
0x6a: {  	_ =	shalt  }
0x6b: {  	_ =	shalt  }
0x6c: {  	_ =	shalt  }
0x6d: {  	_ =	shalt  }
0x6e: {  	_ =	shalt  }
0x6f: {  	_ =	shalt  }
0x70: {  	_ =	shalt  }
0x71: {  	_ =	shalt  }
0x72: {  	_ =	shalt  }
0x73: {  	_ =	shalt  }
0x74: {  	_ =	shalt  }
0x75: {  	_ =	shalt  }
0x76: {  	_ =	shalt  }
0x77: {  	_ =	shalt  }
0x78: {  	_ =	shalt  }
0x79: {  	_ =	shalt  }
0x7a: {  	_ =	shalt  }
0x7b: {  	_ =	shalt  }
0x7c: {  	_ =	shalt  }
0x7d: {  	_ =	shalt  }
0x7e: {  	_ =	shalt  }
0x7f: {  	_ =	shalt  }
0x80: {  	_ =	shalt  }
0x81: {  	_ =	shalt  }
0x82: {  	_ =	shalt  }
0x83: {  	_ =	shalt  }
0x84: {  	_ =	shalt  }
0x85: {  	_ =	shalt  }
0x86: {  	_ =	shalt  }
0x87: {  	_ =	shalt  }
.Lfunc_end0:
.L_simem_size_0:
called_computation.1_lowered:
.L_overlay_start_0:
0x88: {  	s2 =	sld [smem:$0x3FD9]  }
0x89: {  	s3 =	sld [smem:$0x3FFE];
	_ =	sdelay $0x1  }
0x8a: {  	s1 =	srdreg.scid  }
0x8b: {  	s0 =	sand.u32 $0x1, s1  }
0x8c: {  	s16 =	sshll.u32 s0, $0xA;
	s2 =	sadd.s32 s3, s2  }
0x8d: {  	s2 =	sadd.s32 s2, s16  }
0x8e: {  	[smem:$0x3FBF] =	sst s2  }
0x8f: {  	_ = 	snop  }
0x90: {  	(tm) =	ssettm $0x1  }
0x91: {  	s17 =	sld [smem:$0x3FFB];
	_ =	sdelay $0x3  }
0x92: {  	_ =	strace s17  }
0x93: {  	s2 =	sld [smem:$0x3FFC];
	_ =	sdelay $0x3  }
0x94: {  	_ =	strace s2  }
0x95: {  	s2 =	sld [smem:$0x3FFD];
	_ =	sdelay $0x3  }
0x96: {  	_ =	strace s2  }
0x97: {  	_ =	strace $0x8FFFFFFF  }
0x98: {  	s18 =	sld [smem:$0x3FDB];
	_ =	sdelay $0x1  }
0x99: {  	s19 =	simm.s32 $_scs_section_size  }
0x9a: {  	s4 =	simm.s32 $_size__tile_overlayer_lowered;
	s5 =	simm.s32 $_tile_overlayer_lowered  }
0x9b: {  	s22 =	simm.s32 $0x1BFF;
	s21 =	sshll.u32 s5, $0x1;
	s2 =	sadd.s32 s19, s18  }
0x9c: {  	s6 =	simm.s32 $0x0;
	s20 =	sshll.u32 s4, $0x1;
	s4 =	sadd.s32 s21, s2  }
0x9d: {  	[timem:s6], [sflag:s22] =	dma.local [hbm:s4], s20  }
0x9e: {  	_ =	swait.ge [sflag:s22], s20  }
0x9f: {  	s3 =	ssub.s32 $0x0, s20;
	[sflag:s22] =	ssyncset.done $0x0  }
0xa0: {  	[sflag:s22] =	ssyncadd.s32 s3;
	_ =	sdelay $0x1  }
0xa1: {  	s23 =	simm.s32 $0x1B8B  }
0xa2: {  	_ =	swait.ge [sflag:s23], $0x1  }
0xa3: {  	[sflag:s23] =	ssyncset.done $0x0  }
0xa4: {  	s25 =	simm.s32 $0x1B8E;
	s24 =	sld [smem:$0x3FFE];
	[sflag:s23] =	ssyncadd.s32 $0xFFFFFFFF  }
0xa5: {  	s26 =	simm.s32 $execute0_lowered;
	[smem:$0x3FD2] =	sst s25  }
0xa6: {  	s4 =	sshll.u32 s26, $0x1;
	_ =	strace $0x80000049;
	[dreg:$0x1] =	wrdreg $0xFFFFFFFF  }
0xa7: {  	s28 =	simm.s32 $_size_execute0_lowered;
	s2 =	sadd.s32 s2, s4;
	[dreg:$0x0] =	wrdreg $0x0  }
0xa8: {  	s4 =	sshll.u32 s28, $0x1;
	[dreg:$0x2] =	wrdreg s2  }
0xa9: {  	[dreg:$0x3] =	wrdreg s4  }
0xaa: {  	[dreg:$0x4] =	wrdreg $0xC0  }
0xab: {  	_ =	task [dreg:s6], $0x5FFFF  }
0xac: {  	[dreg:$0x1] =	wrdreg $0xFFFFFFFF  }
0xad: {  	[dreg:$0x0] =	wrdreg $0x60  }
0xae: {  	[dreg:$0x2] =	wrdreg s24  }
0xaf: {  	[dreg:$0x3] =	wrdreg $0xA8000  }
0xb0: {  	[dreg:$0x4] =	wrdreg $0x9  }
0xb1: {  	_ =	task.clear_ibuf [dreg:s6], $0x5FFFF;
	_ =	strace $0x90000049  }
0xb2: {  	s29 =	simm.s32 $0x9;
	_ =	strace $0x8000004B  }
0xb3: {  	_ =	swait.ge [sflag:s29], $0x1  }
0xb4: {  	[sflag:s29] =	ssyncadd.s32 $0xFFFFFFFF  }
0xb5: {  	_ =	strace $0x9000004B  }
0xb6: {  	_ =	sfence  }
0xb7: {  	s30 =	sld [smem:$0x0];
	_ =	sdelay $0x2  }
0xb8: {  	s31 =	sshll.u32 s1, $0xD;
	s1 =	sshrl.u32 s1, $0x2  }
0xb9: {  	s3 =	sand.u32 $0x4000, s31;
	s1 =	sadd.s32 s1, s30  }
0xba: {  	s0 =	sor.u32 s3, s0;
	s1 =	sshll.u32 s1, $0x11  }
0xbb: {  	s0 =	sor.u32 s1, s0  }
0xbc: {  	s0 =	sadd.s32 $0x8F2B, s0  }
0xbd: {  	[sflag:s0] =	ssyncadd.remote.s32 $0x1  }
0xbe: {  	_ =	sfence.sel $0xFFFF  }
0xbf: {  	[dreg:$0x0] =	wrdreg $0xFFFFFFFF;
	(pc) =	sbr.abs _section_cstart, $3  }
0xc0: {  	[dreg:$0x1] =	wrdreg $0xFFFFFFFF  }
0xc1: {  	_ =	task.clear_ibuf [dreg:s6], $0x2FFFF;
	_ =	strace $0x9FFFFFFF  }
0xc2: {  	(tm) =	ssettm $0x7FFFFFFF  }
0xc3: {  	_ =	shalt  }
tec
execute0_lowered:
.L_overlay_start_1:
0x0: {  	(tag) =	ssettag $0x1  }
0x1: {  	s6 =	rddreg [dreg:$0x0]  }
0x2: {  	s1 =	rddreg [dreg:$0x1]  }
0x3: {  	s2 =	srdreg.scid;
	s0 =	rddreg [dreg:$0x2]  }
0x4: {  	s3 =	simm.s32 $0x0;
	s15 =	simm.s32 $0x1400;
	s16 =	simm.s32 $0x80  }
0x5: {  	s17 =	simm.s32 $0x2800;
	s18 =	simm.s32 $0x6800;
	s19 =	simm.s32 $0x1  }
0x6: {  	s20 =	simm.s32 $0x2;
	s21 =	simm.s32 $0x2600;
	s28 =	simm.s32 $0x0  }
0x7: {  	s5 =	sand.u32 $0x1, s2;
	s2 =	stileid.u32;
	[smem:$0x7FF] =	sst s3  }
0x8: {  	s4 =	sadd.s32 $0x10400, s6;
	s9 =	sadd.s32 $0x60C00, s6;
	s7 =	smul.u32 $0x140000, s5  }
0x9: {  	s10 =	sadd.s32 $0x3C00, s6;
	s8 =	smul.u32 $0x14000, s2;
	_ =	strace $0x8000004A  }
0xa: {  	s22 =	sshll.u32 s5, $0x4;
	s11 =	ssub.s32 $0x2, s5;
	s24 =	smul.u32 $0x50000, s2  }
0xb: {  	s5 =	sadd.s32 $0xDC00, s6;
	s26 =	sshll.u32 s2, $0x6;
	s23 =	sor.u32 s2, s22  }
0xc: {  	s12 =	sshrl.u32 s11, $0x1;
	s22 =	simm.s32 $0x1300;
	s7 =	sadd.s32 s8, s7  }
0xd: {  	s13 =	smul.u32 $0x2800, s23;
	s12 =	ssub.s32 s11, s12;
	s25 =	sshrl.u32 s24, $0x2  }
0xe: {  	s23 =	simm.s32 $0x2680;
	s24 =	simm.s32 $0x1380;
	s7 =	sshrl.u32 s7, $0x3  }
0xf: {  	s30 =	sadd.s32 s25, s1;
	s12 =	smax.u32 s12, $0x1;
	s25 =	simm.s32 $0x2700  }
0x10: {  	s14 =	sadd.s32 s7, s6;
	s29 =	sshrl.u32 s13, $0x3;
	s6 =	sor.u32 $0x1C03, s26  }
0x11: {  	s13 =	sshrl.u32 s30, $0x3;
	s26 =	simm.s32 $0x2780;
	s31 =	sadd.s32 $0x280, s29  }
0x12: {  	s7 =	sadd.s32 s9, s29;
	s8 =	sadd.s32 s10, s29;
	s11 =	sadd.s32 $0x6AC00, s14  }
0x13: {  	s14 =	simm.s32 $0x3;
	s9 =	sadd.s32 s9, s31;
	s10 =	sadd.s32 s10, s31  }
.LBB2_1:
0x14: {  	[spmem:s13], [sflag:s6] =	dma.local [hbm:s5], $0x2800  }
0x15: {  	_ =	swait.ge [sflag:s14], $0x2800  }
0x16: {  	[sflag:s14] =	ssyncset.done $0x0  }
0x17: {  	[sflag:s14] =	ssyncadd.s32 $0xFFFFD800  }
0x18: {  	[bflag:$0x0] =	sbarrier.arrive $0xFFFF  }
0x19: {  	[tilespmem:s3], [sflag:$0x3] =	stream.linear.gather [hbm4b:s7+s3], $0x1400, $0x38;
	[tilespmem:$0x1E800] =	vst v63  }
0x1a: {  	_ =	swait.ge [sflag:s14], $0x1400  }
0x1b: {  	[sflag:s14] =	ssyncset.done $0x0  }
0x1c: {  	[sflag:s14] =	ssyncadd.s32 $0xFFFFEC00  }
0x1d: {  	[tilespmem:s15], [sflag:$0x3] =	stream.linear.gather [hbm4b:s8+s3], $0x1400, $0x38;
	[tilespmem:$0x1E800] =	vst v63  }
0x1e: {  	_ =	swait.ge [sflag:s14], $0x1400  }
0x1f: {  	[sflag:s14] =	ssyncset.done $0x0  }
0x20: {  	[sflag:s14] =	ssyncadd.s32 $0xFFFFEC00  }
0x21: {  	[tilespmem:s17], [sflag:$0x1] =	stream.indirect.gather [hbm4b:s4+s16], $0x80, s3, s16, $0xb8;
	[tilespmem:$0x1E800] =	vst v63  }
0x22: {  	_ = 	snop  }
0x23: {  	[tilespmem:s18], [sflag:$0x2] =	stream.indirect.gather [hbm4b:s4+s16], $0x80, s16, s16, $0xb8;
	[tilespmem:$0x1E800] =	vst v63  }
0x24: {  	_ =	swait.ge [sflag:s19], $0x4000  }
0x25: {  	[sflag:s19] =	ssyncset.done $0x0  }
0x26: {  	s29 =	simm.s32 $0x1400;
	[sflag:s19] =	ssyncadd.s32 $0xFFFFC000  }
0x27: {  	[spmem:s1] =	stream.indirect.scatter.add.f32 [tilespmem:s17], [sflag:$0x3], $0x80, s29, s16, $0xb8;
	[tilespmem:$0x1E800] =	vst v63  }
0x28: {  	_ =	swait.ge [sflag:s14], $0x4000  }
0x29: {  	[sflag:s14] =	ssyncset.done $0x0  }
0x2a: {  	s29 =	simm.s32 $0x100;
	[sflag:s14] =	ssyncadd.s32 $0xFFFFC000  }
0x2b: {  	[tilespmem:s17], [sflag:$0x1] =	stream.indirect.gather [hbm4b:s4+s16], $0x80, s29, s16, $0xb8;
	[tilespmem:$0x1E800] =	vst v63  }
0x2c: {  	_ =	swait.ge [sflag:s20], $0x4000  }
0x2d: {  	[sflag:s20] =	ssyncset.done $0x0  }
0x2e: {  	s29 =	simm.s32 $0x1480;
	[sflag:s20] =	ssyncadd.s32 $0xFFFFC000  }
0x2f: {  	[spmem:s1] =	stream.indirect.scatter.add.f32 [tilespmem:s18], [sflag:$0x3], $0x80, s29, s16, $0xb8;
	[tilespmem:$0x1E800] =	vst v63  }
0x30: {  	_ =	swait.ge [sflag:s14], $0x4000  }
0x31: {  	[sflag:s14] =	ssyncset.done $0x0  }
0x32: {  	s30 =	simm.s32 $0x180;
	s29 =	simm.s32 $0x400;
	[sflag:s14] =	ssyncadd.s32 $0xFFFFC000  }
.LBB2_2:
0x33: {  	[tilespmem:s18], [sflag:$0x2] =	stream.indirect.gather [hbm4b:s4+s16], $0x80, s30, s16, $0xb8;
	[tilespmem:$0x1E800] =	vst v63  }
0x34: {  	s30 =	smov.u32 s29  }
0x35: {  	p0 =	sne.s32 s29, $0x4400;
	s29 =	sadd.s32 $0x400, s29;
	_ =	swait.ge [sflag:s19], $0x4000  }
0x36: {  	s30 =	sshra.s32 s30, $0x2;
	[sflag:s19] =	ssyncset.done $0x0  }
0x37: {  	s31 =	sadd.s32 $0x1400, s30;
	[sflag:s19] =	ssyncadd.s32 $0xFFFFC000  }
0x38: {  	[spmem:s1] =	stream.indirect.scatter.add.f32 [tilespmem:s17], [sflag:$0x3], $0x80, s31, s16, $0xb8;
	[tilespmem:$0x1E800] =	vst v63  }
0x39: {  	_ =	swait.ge [sflag:s14], $0x4000  }
0x3a: {  	[sflag:s14] =	ssyncset.done $0x0  }
0x3b: {  	s31 =	sadd.s32 $0x100, s30;
	[sflag:s14] =	ssyncadd.s32 $0xFFFFC000  }
0x3c: {  	[tilespmem:s17], [sflag:$0x1] =	stream.indirect.gather [hbm4b:s4+s16], $0x80, s31, s16, $0xb8;
	[tilespmem:$0x1E800] =	vst v63  }
0x3d: {  	_ =	swait.ge [sflag:s20], $0x4000  }
0x3e: {  	[sflag:s20] =	ssyncset.done $0x0  }
.Ltmp0:
0x3f: {  	s31 =	sadd.s32 $0x1480, s30;
	[sflag:s20] =	ssyncadd.s32 $0xFFFFC000;
	(pc) =	sbr.rel @p0 .LBB2_2-.Ltmp0, $4  }
0x40: {  	[spmem:s1] =	stream.indirect.scatter.add.f32 [tilespmem:s18], [sflag:$0x3], $0x80, s31, s16, $0xb8;
	[tilespmem:$0x1E800] =	vst v63  }
0x41: {  	_ =	swait.ge [sflag:s14], $0x4000  }
0x42: {  	[sflag:s14] =	ssyncset.done $0x0  }
0x43: {  	s30 =	sadd.s32 $0x180, s30;
	[sflag:s14] =	ssyncadd.s32 $0xFFFFC000  }
0x44: {  	[tilespmem:s18], [sflag:$0x2] =	stream.indirect.gather [hbm4b:s4+s16], $0x80, s30, s16, $0xb8;
	[tilespmem:$0x1E800] =	vst v63  }
0x45: {  	_ =	swait.ge [sflag:s19], $0x4000  }
0x46: {  	[sflag:s19] =	ssyncset.done $0x0  }
0x47: {  	[sflag:s19] =	ssyncadd.s32 $0xFFFFC000  }
0x48: {  	[spmem:s1] =	stream.indirect.scatter.add.f32 [tilespmem:s17], [sflag:$0x3], $0x80, s21, s16, $0xb8;
	[tilespmem:$0x1E800] =	vst v63  }
0x49: {  	_ =	swait.ge [sflag:s14], $0x4000  }
0x4a: {  	[sflag:s14] =	ssyncset.done $0x0  }
0x4b: {  	[sflag:s14] =	ssyncadd.s32 $0xFFFFC000  }
0x4c: {  	[tilespmem:s17], [sflag:$0x1] =	stream.indirect.gather [hbm4b:s4+s16], $0x80, s22, s16, $0xb8;
	[tilespmem:$0x1E800] =	vst v63  }
0x4d: {  	_ =	swait.ge [sflag:s20], $0x4000  }
0x4e: {  	[sflag:s20] =	ssyncset.done $0x0  }
0x4f: {  	[sflag:s20] =	ssyncadd.s32 $0xFFFFC000  }
0x50: {  	[spmem:s1] =	stream.indirect.scatter.add.f32 [tilespmem:s18], [sflag:$0x3], $0x80, s23, s16, $0xb8;
	[tilespmem:$0x1E800] =	vst v63  }
0x51: {  	_ =	swait.ge [sflag:s14], $0x4000  }
0x52: {  	[sflag:s14] =	ssyncset.done $0x0  }
0x53: {  	[sflag:s14] =	ssyncadd.s32 $0xFFFFC000  }
0x54: {  	[tilespmem:s18], [sflag:$0x2] =	stream.indirect.gather [hbm4b:s4+s16], $0x80, s24, s16, $0xb8;
	[tilespmem:$0x1E800] =	vst v63  }
0x55: {  	_ =	swait.ge [sflag:s19], $0x4000  }
0x56: {  	[sflag:s19] =	ssyncset.done $0x0  }
0x57: {  	[sflag:s19] =	ssyncadd.s32 $0xFFFFC000  }
0x58: {  	[spmem:s1] =	stream.indirect.scatter.add.f32 [tilespmem:s17], [sflag:$0x3], $0x80, s25, s16, $0xb8;
	[tilespmem:$0x1E800] =	vst v63  }
0x59: {  	_ =	swait.ge [sflag:s14], $0x4000  }
0x5a: {  	[sflag:s14] =	ssyncset.done $0x0  }
0x5b: {  	[sflag:s14] =	ssyncadd.s32 $0xFFFFC000  }
0x5c: {  	[tilespmem:s17], [sflag:$0x1] =	stream.indirect.gather [hbm4b:s4+s16], $0x80, s24, s16, $0xb8;
	[tilespmem:$0x1E800] =	vst v63  }
0x5d: {  	_ =	swait.ge [sflag:s20], $0x4000  }
0x5e: {  	[sflag:s20] =	ssyncset.done $0x0  }
0x5f: {  	[sflag:s20] =	ssyncadd.s32 $0xFFFFC000  }
0x60: {  	[spmem:s1] =	stream.indirect.scatter.add.f32 [tilespmem:s18], [sflag:$0x3], $0x80, s26, s16, $0xb8;
	[tilespmem:$0x1E800] =	vst v63  }
0x61: {  	_ =	swait.ge [sflag:s14], $0x4000  }
0x62: {  	[sflag:s14] =	ssyncset.done $0x0  }
0x63: {  	[sflag:s14] =	ssyncadd.s32 $0xFFFFC000  }
0x64: {  	[tilespmem:s18], [sflag:$0x2] =	stream.indirect.gather [hbm4b:s4+s16], $0x80, s24, s16, $0xb8;
	[tilespmem:$0x1E800] =	vst v63  }
0x65: {  	_ =	swait.ge [sflag:s19], $0x4000  }
0x66: {  	[sflag:s19] =	ssyncset.done $0x0  }
0x67: {  	[sflag:s19] =	ssyncadd.s32 $0xFFFFC000  }
0x68: {  	_ =	swait.ge [sflag:s20], $0x4000  }
0x69: {  	[sflag:s20] =	ssyncset.done $0x0  }
0x6a: {  	s29 =	simm.s32 $0x0;
	[sflag:s20] =	ssyncadd.s32 $0xFFFFC000  }
0x6b: {  	[tilespmem:s29], [sflag:$0x3] =	stream.linear.gather [hbm4b:s9+s29], $0x1400, $0x38;
	[tilespmem:$0x1E800] =	vst v63  }
0x6c: {  	_ =	swait.ge [sflag:s14], $0x1400  }
0x6d: {  	[sflag:s14] =	ssyncset.done $0x0  }
0x6e: {  	[sflag:s14] =	ssyncadd.s32 $0xFFFFEC00  }
0x6f: {  	[tilespmem:s15], [sflag:$0x3] =	stream.linear.gather [hbm4b:s10+s29], $0x1400, $0x38;
	[tilespmem:$0x1E800] =	vst v63  }
0x70: {  	_ =	swait.ge [sflag:s14], $0x1400  }
0x71: {  	[sflag:s14] =	ssyncset.done $0x0  }
0x72: {  	[sflag:s14] =	ssyncadd.s32 $0xFFFFEC00  }
0x73: {  	[tilespmem:s17], [sflag:$0x1] =	stream.indirect.gather [hbm4b:s4+s16], $0x80, s29, s16, $0xb8;
	[tilespmem:$0x1E800] =	vst v63  }
0x74: {  	_ = 	snop  }
0x75: {  	[tilespmem:s18], [sflag:$0x2] =	stream.indirect.gather [hbm4b:s4+s16], $0x80, s16, s16, $0xb8;
	[tilespmem:$0x1E800] =	vst v63  }
0x76: {  	_ =	swait.ge [sflag:s19], $0x4000  }
0x77: {  	[sflag:s19] =	ssyncset.done $0x0  }
0x78: {  	s29 =	simm.s32 $0x1400;
	[sflag:s19] =	ssyncadd.s32 $0xFFFFC000  }
0x79: {  	[spmem:s1] =	stream.indirect.scatter.add.f32 [tilespmem:s17], [sflag:$0x3], $0x80, s29, s16, $0xb8;
	[tilespmem:$0x1E800] =	vst v63  }
0x7a: {  	_ =	swait.ge [sflag:s14], $0x4000  }
0x7b: {  	[sflag:s14] =	ssyncset.done $0x0  }
0x7c: {  	s29 =	simm.s32 $0x100;
	[sflag:s14] =	ssyncadd.s32 $0xFFFFC000  }
0x7d: {  	[tilespmem:s17], [sflag:$0x1] =	stream.indirect.gather [hbm4b:s4+s16], $0x80, s29, s16, $0xb8;
	[tilespmem:$0x1E800] =	vst v63  }
0x7e: {  	_ =	swait.ge [sflag:s20], $0x4000  }
0x7f: {  	[sflag:s20] =	ssyncset.done $0x0  }
0x80: {  	s29 =	simm.s32 $0x1480;
	[sflag:s20] =	ssyncadd.s32 $0xFFFFC000  }
0x81: {  	[spmem:s1] =	stream.indirect.scatter.add.f32 [tilespmem:s18], [sflag:$0x3], $0x80, s29, s16, $0xb8;
	[tilespmem:$0x1E800] =	vst v63  }
0x82: {  	_ =	swait.ge [sflag:s14], $0x4000  }
0x83: {  	[sflag:s14] =	ssyncset.done $0x0  }
0x84: {  	s30 =	simm.s32 $0x180;
	s29 =	simm.s32 $0x400;
	[sflag:s14] =	ssyncadd.s32 $0xFFFFC000  }
.LBB2_4:
0x85: {  	[tilespmem:s18], [sflag:$0x2] =	stream.indirect.gather [hbm4b:s4+s16], $0x80, s30, s16, $0xb8;
	[tilespmem:$0x1E800] =	vst v63  }
0x86: {  	s30 =	smov.u32 s29  }
0x87: {  	p0 =	sne.s32 s29, $0x4400;
	s29 =	sadd.s32 $0x400, s29;
	_ =	swait.ge [sflag:s19], $0x4000  }
0x88: {  	s30 =	sshra.s32 s30, $0x2;
	[sflag:s19] =	ssyncset.done $0x0  }
0x89: {  	s31 =	sadd.s32 $0x1400, s30;
	[sflag:s19] =	ssyncadd.s32 $0xFFFFC000  }
0x8a: {  	[spmem:s1] =	stream.indirect.scatter.add.f32 [tilespmem:s17], [sflag:$0x3], $0x80, s31, s16, $0xb8;
	[tilespmem:$0x1E800] =	vst v63  }
0x8b: {  	_ =	swait.ge [sflag:s14], $0x4000  }
0x8c: {  	[sflag:s14] =	ssyncset.done $0x0  }
0x8d: {  	s31 =	sadd.s32 $0x100, s30;
	[sflag:s14] =	ssyncadd.s32 $0xFFFFC000  }
0x8e: {  	[tilespmem:s17], [sflag:$0x1] =	stream.indirect.gather [hbm4b:s4+s16], $0x80, s31, s16, $0xb8;
	[tilespmem:$0x1E800] =	vst v63  }
0x8f: {  	_ =	swait.ge [sflag:s20], $0x4000  }
0x90: {  	[sflag:s20] =	ssyncset.done $0x0  }
.Ltmp1:
0x91: {  	s31 =	sadd.s32 $0x1480, s30;
	[sflag:s20] =	ssyncadd.s32 $0xFFFFC000;
	(pc) =	sbr.rel @p0 .LBB2_4-.Ltmp1, $4  }
0x92: {  	[spmem:s1] =	stream.indirect.scatter.add.f32 [tilespmem:s18], [sflag:$0x3], $0x80, s31, s16, $0xb8;
	[tilespmem:$0x1E800] =	vst v63  }
0x93: {  	_ =	swait.ge [sflag:s14], $0x4000  }
0x94: {  	[sflag:s14] =	ssyncset.done $0x0  }
0x95: {  	s30 =	sadd.s32 $0x180, s30;
	[sflag:s14] =	ssyncadd.s32 $0xFFFFC000  }
0x96: {  	[tilespmem:s18], [sflag:$0x2] =	stream.indirect.gather [hbm4b:s4+s16], $0x80, s30, s16, $0xb8;
	[tilespmem:$0x1E800] =	vst v63  }
0x97: {  	_ =	swait.ge [sflag:s19], $0x4000  }
0x98: {  	[sflag:s19] =	ssyncset.done $0x0  }
0x99: {  	[sflag:s19] =	ssyncadd.s32 $0xFFFFC000  }
0x9a: {  	[spmem:s1] =	stream.indirect.scatter.add.f32 [tilespmem:s17], [sflag:$0x3], $0x80, s21, s16, $0xb8;
	[tilespmem:$0x1E800] =	vst v63  }
0x9b: {  	_ =	swait.ge [sflag:s14], $0x4000  }
0x9c: {  	[sflag:s14] =	ssyncset.done $0x0  }
0x9d: {  	[sflag:s14] =	ssyncadd.s32 $0xFFFFC000  }
0x9e: {  	[tilespmem:s17], [sflag:$0x1] =	stream.indirect.gather [hbm4b:s4+s16], $0x80, s22, s16, $0xb8;
	[tilespmem:$0x1E800] =	vst v63  }
0x9f: {  	_ =	swait.ge [sflag:s20], $0x4000  }
0xa0: {  	[sflag:s20] =	ssyncset.done $0x0  }
0xa1: {  	[sflag:s20] =	ssyncadd.s32 $0xFFFFC000  }
0xa2: {  	[spmem:s1] =	stream.indirect.scatter.add.f32 [tilespmem:s18], [sflag:$0x3], $0x80, s23, s16, $0xb8;
	[tilespmem:$0x1E800] =	vst v63  }
0xa3: {  	_ =	swait.ge [sflag:s14], $0x4000  }
0xa4: {  	[sflag:s14] =	ssyncset.done $0x0  }
0xa5: {  	[sflag:s14] =	ssyncadd.s32 $0xFFFFC000  }
0xa6: {  	[tilespmem:s18], [sflag:$0x2] =	stream.indirect.gather [hbm4b:s4+s16], $0x80, s24, s16, $0xb8;
	[tilespmem:$0x1E800] =	vst v63  }
0xa7: {  	_ =	swait.ge [sflag:s19], $0x4000  }
0xa8: {  	[sflag:s19] =	ssyncset.done $0x0  }
0xa9: {  	[sflag:s19] =	ssyncadd.s32 $0xFFFFC000  }
0xaa: {  	[spmem:s1] =	stream.indirect.scatter.add.f32 [tilespmem:s17], [sflag:$0x3], $0x80, s25, s16, $0xb8;
	[tilespmem:$0x1E800] =	vst v63  }
0xab: {  	_ =	swait.ge [sflag:s14], $0x4000  }
0xac: {  	[sflag:s14] =	ssyncset.done $0x0  }
0xad: {  	[sflag:s14] =	ssyncadd.s32 $0xFFFFC000  }
0xae: {  	[tilespmem:s17], [sflag:$0x1] =	stream.indirect.gather [hbm4b:s4+s16], $0x80, s24, s16, $0xb8;
	[tilespmem:$0x1E800] =	vst v63  }
0xaf: {  	_ =	swait.ge [sflag:s20], $0x4000  }
0xb0: {  	[sflag:s20] =	ssyncset.done $0x0  }
0xb1: {  	[sflag:s20] =	ssyncadd.s32 $0xFFFFC000  }
0xb2: {  	[spmem:s1] =	stream.indirect.scatter.add.f32 [tilespmem:s18], [sflag:$0x3], $0x80, s26, s16, $0xb8;
	[tilespmem:$0x1E800] =	vst v63  }
0xb3: {  	_ =	swait.ge [sflag:s14], $0x4000  }
0xb4: {  	[sflag:s14] =	ssyncset.done $0x0  }
0xb5: {  	[sflag:s14] =	ssyncadd.s32 $0xFFFFC000  }
0xb6: {  	[tilespmem:s18], [sflag:$0x2] =	stream.indirect.gather [hbm4b:s4+s16], $0x80, s24, s16, $0xb8;
	[tilespmem:$0x1E800] =	vst v63  }
0xb7: {  	_ =	swait.ge [sflag:s19], $0x4000  }
0xb8: {  	[sflag:s19] =	ssyncset.done $0x0  }
0xb9: {  	[sflag:s19] =	ssyncadd.s32 $0xFFFFC000  }
0xba: {  	_ =	swait.ge [sflag:s20], $0x4000  }
0xbb: {  	s28 =	sadd.s32 $0x1, s28;
	[sflag:s20] =	ssyncset.done $0x0  }
0xbc: {  	p0 =	sne.s32 s28, s12;
	[sflag:s20] =	ssyncadd.s32 $0xFFFFC000  }
.Ltmp2:
0xbd: {  	[bflag:$0x0] =	sbarrier.arrive $0xFFFF;
	(pc) =	sbr.rel @p0 .LBB2_1-.Ltmp2, $4  }
0xbe: {  	[hbm:s11], [sflag:s6] =	dma.local [spmem:s13], $0x2800  }
0xbf: {  	_ =	swait.ge [sflag:s14], $0x2800  }
0xc0: {  	[sflag:s14] =	ssyncset.done $0x0  }
0xc1: {  	[sflag:s14] =	ssyncadd.s32 $0xFFFFD800  }
0xc2: {  	_ =	sfence.sel $0x180000  }
0xc3: {  	[bflag:$0x0] =	sbarrier.arrive $0xFFFF  }
0xc4: {  	p0 =	sne.s32 s2, $0x0;
	_ =	strace $0x9000004A  }
0xc5: {  	s0 =	sadd.s32 @!p0 $0x100000, s0;
	[bflag:$0x2] =	sbarrier.arrive $0xFFFF  }
0xc6: {  	[sflag:s0] =	ssyncadd.tile.s32 @!p0 $0x1;
	_ =	shalt  }
.Lfunc_end2:
_tile_overlayer_lowered:
.L_overlay_start_2:
0xc7: {  	(tag) =	ssettag $0x2  }
0xc8: {  	s0 =	rddreg [dreg:$0x0];
	s2 =	stileid.u32  }
0xc9: {  	s1 =	rddreg [dreg:$0x1];
	p0 =	sne.s32 s2, $0x0  }
0xca: {  	s3 =	rddreg [dreg:$0x2];
	[bflag:$0x3] =	sbarrier.arrive $0xFFFF;
	s2 =	simm.s32 @!p0 $0x1C03  }
0xcb: {  	[timem:s3], [sflag:s2] =	dma.local @!p0 [hbm:s0], s1  }
0xcc: {  	s0 =	simm.s32 @!p0 $0x3  }
0xcd: {  	_ =	swait.ge @!p0 [sflag:s0], s1  }
0xce: {  	s1 =	ssub.s32 @!p0 $0x0, s1;
	[sflag:s0] =	ssyncset.done @!p0 $0x0  }
0xcf: {  	[sflag:s0] =	ssyncadd.s32 @!p0 s1  }
0xd0: {  	[bflag:$0x3] =	sbarrier.arrive $0xFFFF  }
0xd1: {  	_ =	shalt  }

// kernel: kernel.23.cloned.1.call-start
scs
__scs_entry_jumppad:
0x0: {  	(pc) =	sbr.rel $0x88, $3  }
0x1: {  	(tag) =	ssettag $0x0;
	lr =	simm.s32 $0x1  }
0x2: {  	[smem:$0x3F98] =	sst lr;
	_ =	strace $0xD0000000  }
0x3: {  	_ = 	snop  }
0x4: {  	_ = 	snop  }
0x5: {  	_ = 	snop  }
0x6: {  	_ = 	snop  }
0x7: {  	_ = 	snop  }
__scs_overlays_trampoline_lowered:
0x8: {  	[smem:$0x3FA7] =	sst s0  }
0x9: {  	[smem:$0x3FA8] =	sst s1  }
0xa: {  	[smem:$0x3FA9] =	sst s2  }
0xb: {  	[smem:$0x3FAA] =	sst s3  }
0xc: {  	[smem:$0x3FAB] =	sst s4  }
0xd: {  	[smem:$0x3FAC] =	sst s5  }
0xe: {  	[smem:$0x3FAD] =	sst s6  }
0xf: {  	[smem:$0x3FAE] =	sst s7  }
0x10: {  	[smem:$0x3FAF] =	sst s8  }
0x11: {  	[smem:$0x3FB0] =	sst s9;
	s0 =	simm.s32 @!p0 $0x0  }
0x12: {  	s1 =	sld [smem:$0x3F96];
	s0 =	simm.s32 @p0 $0x1  }
0x13: {  	[smem:$0x3FB1] =	sst s0;
	s0 =	simm.s32 @!p1 $0x0  }
0x14: {  	s2 =	sld [smem:$0x3F95];
	s0 =	simm.s32 @p1 $0x1  }
0x15: {  	[smem:$0x3FB2] =	sst s0;
	s0 =	simm.s32 @!p2 $0x0  }
0x16: {  	s3 =	sld [smem:$0x3FDB];
	s0 =	simm.s32 @p2 $0x1  }
0x17: {  	s4 =	simm.s32 $0x1BF5;
	[smem:$0x3FB4] =	sst s0  }
0x18: {  	s0 =	sld [smem:$0x3F97];
	_ =	swait.ge [sflag:s4], $0x0  }
0x19: {  	s7 =	sld [smem:$0x3F98]  }
0x1a: {  	s8 =	sadd.s32 $0xFFFFE003, lr  }
0x1b: {  	s9 =	sadd.s32 $0xFFFFFEF7, lr;
	s5 =	simm.s32 $0xFFFFFFFF;
	p2 =	slt.u32 s8, $0xFFFFF086  }
0x1c: {  	p1 =	slt.u32 s9, $0xF7A;
	s5 =	simm.s32 @!p2 $0x0  }
0x1d: {  	s5 =	simm.s32 @p1 $0x1;
	p0 =	seq.s32 s7, s2  }
0x1e: {  	s7 =	smul.u32 @!p0 $0xF7A, s2;
	p2 =	seq.s32 @!p0 s5, $0x0  }
0x1f: {  	s9 =	smul.u32 $0xF7A, s1;
	s8 =	simm.s32 @!p0 $0x1BF5;
	p2 =	por !p2, p0  }
0x20: {  	[sflag:s8] =	ssyncset.s32 @!p0 $0xFFFFF086;
	s6 =	sadd.s32 @!p0 s3, s7;
	s7 =	simm.s32 @!p0 $0x108  }
0x21: {  	s3 =	sadd.s32 s3, s9;
	s6 =	sadd.s32 @!p0 $0x88, s6;
	s7 =	simm.s32 @p2 $0x1082  }
0x22: {  	[simem:s7], [sflag:s8] =	dma.local @!p0 [hbm:s6], $0xF7A  }
0x23: {  	s9 =	sor.u32 $0xD0000000, s2;
	s6 =	simm.s32 $0x108;
	_ =	swait.ge @!p0 [sflag:s8], $0x0  }
0x24: {  	s3 =	sadd.s32 $0x88, s3;
	s6 =	simm.s32 @!p1 $0x1082;
	[sflag:s4] =	ssyncset.s32 $0xFFFFF086  }
0x25: {  	[simem:s6], [sflag:s4] =	dma.local [hbm:s3], $0xF7A  }
0x26: {  	[smem:$0x3F98] =	sst s1;
	(tag) =	ssettag s2;
	_ =	strace s9  }
0x27: {  	s1 =	sld [smem:$0x3FA8]  }
0x28: {  	s2 =	sld [smem:$0x3FA9]  }
0x29: {  	s4 =	sld [smem:$0x3FAB]  }
0x2a: {  	p0 =	seq.s32 s5, $0x0;
	s5 =	sld [smem:$0x3FAC]  }
0x2b: {  	s6 =	sld [smem:$0x3FAD]  }
0x2c: {  	s7 =	sld [smem:$0x3FAE]  }
0x2d: {  	s3 =	simm.s32 $0x108;
	s8 =	sld [smem:$0x3FAF]  }
0x2e: {  	s3 =	simm.s32 @!p0 $0x1082;
	s9 =	sld [smem:$0x3FB0]  }
0x2f: {  	lr =	sadd.s32 s0, s3;
	s0 =	sld [smem:$0x3FA7]  }
0x30: {  	s3 =	sld [smem:$0x3FAA]  }
0x31: {  	[smem:$0x3FB3] =	sst s10  }
0x32: {  	s10 =	sld [smem:$0x3FB1];
	_ =	sdelay $0x3  }
0x33: {  	p0 =	seq.s32 s10, $0x1;
	s10 =	sld [smem:$0x3FB3];
	_ =	sdelay $0x3  }
0x34: {  	[smem:$0x3FB3] =	sst s10  }
0x35: {  	s10 =	sld [smem:$0x3FB2];
	_ =	sdelay $0x3  }
0x36: {  	p1 =	seq.s32 s10, $0x1;
	s10 =	sld [smem:$0x3FB3];
	_ =	sdelay $0x3  }
0x37: {  	[smem:$0x3FB3] =	sst s10  }
0x38: {  	s10 =	sld [smem:$0x3FB4]  }
0x39: {  	_ = 	snop;
	(pc) =	sbr.ind lr, $3  }
0x3a: {  	_ = 	snop  }
0x3b: {  	_ = 	snop  }
0x3c: {  	p2 =	seq.s32 s10, $0x1;
	s10 =	sld [smem:$0x3FB3]  }
0x3d: {  	_ =	shalt  }
0x3e: {  	_ =	shalt  }
0x3f: {  	_ =	shalt  }
0x40: {  	_ =	shalt  }
0x41: {  	_ =	shalt  }
0x42: {  	_ =	shalt  }
0x43: {  	_ =	shalt  }
0x44: {  	_ =	shalt  }
0x45: {  	_ =	shalt  }
0x46: {  	_ =	shalt  }
0x47: {  	_ =	shalt  }
0x48: {  	_ =	shalt  }
0x49: {  	_ =	shalt  }
0x4a: {  	_ =	shalt  }
0x4b: {  	_ =	shalt  }
0x4c: {  	_ =	shalt  }
0x4d: {  	_ =	shalt  }
0x4e: {  	_ =	shalt  }
0x4f: {  	_ =	shalt  }
0x50: {  	_ =	shalt  }
0x51: {  	_ =	shalt  }
0x52: {  	_ =	shalt  }
0x53: {  	_ =	shalt  }
0x54: {  	_ =	shalt  }
0x55: {  	_ =	shalt  }
0x56: {  	_ =	shalt  }
0x57: {  	_ =	shalt  }
0x58: {  	_ =	shalt  }
0x59: {  	_ =	shalt  }
0x5a: {  	_ =	shalt  }
0x5b: {  	_ =	shalt  }
0x5c: {  	_ =	shalt  }
0x5d: {  	_ =	shalt  }
0x5e: {  	_ =	shalt  }
0x5f: {  	_ =	shalt  }
0x60: {  	_ =	shalt  }
0x61: {  	_ =	shalt  }
0x62: {  	_ =	shalt  }
0x63: {  	_ =	shalt  }
0x64: {  	_ =	shalt  }
0x65: {  	_ =	shalt  }
0x66: {  	_ =	shalt  }
0x67: {  	_ =	shalt  }
0x68: {  	_ =	shalt  }
0x69: {  	_ =	shalt  }
0x6a: {  	_ =	shalt  }
0x6b: {  	_ =	shalt  }
0x6c: {  	_ =	shalt  }
0x6d: {  	_ =	shalt  }
0x6e: {  	_ =	shalt  }
0x6f: {  	_ =	shalt  }
0x70: {  	_ =	shalt  }
0x71: {  	_ =	shalt  }
0x72: {  	_ =	shalt  }
0x73: {  	_ =	shalt  }
0x74: {  	_ =	shalt  }
0x75: {  	_ =	shalt  }
0x76: {  	_ =	shalt  }
0x77: {  	_ =	shalt  }
0x78: {  	_ =	shalt  }
0x79: {  	_ =	shalt  }
0x7a: {  	_ =	shalt  }
0x7b: {  	_ =	shalt  }
0x7c: {  	_ =	shalt  }
0x7d: {  	_ =	shalt  }
0x7e: {  	_ =	shalt  }
0x7f: {  	_ =	shalt  }
0x80: {  	_ =	shalt  }
0x81: {  	_ =	shalt  }
0x82: {  	_ =	shalt  }
0x83: {  	_ =	shalt  }
0x84: {  	_ =	shalt  }
0x85: {  	_ =	shalt  }
0x86: {  	_ =	shalt  }
0x87: {  	_ =	shalt  }
.Lfunc_end0:
.L_simem_size_0:
called_computation.2_lowered:
.L_overlay_start_0:
0x88: {  	s2 =	sld [smem:$0x3FD9]  }
0x89: {  	s3 =	sld [smem:$0x3FFE];
	_ =	sdelay $0x1  }
0x8a: {  	s1 =	srdreg.scid  }
0x8b: {  	s0 =	sand.u32 $0x1, s1  }
0x8c: {  	s16 =	sshll.u32 s0, $0xA;
	s2 =	sadd.s32 s3, s2  }
0x8d: {  	s2 =	sadd.s32 s2, s16  }
0x8e: {  	[smem:$0x3FBF] =	sst s2  }
0x8f: {  	_ = 	snop  }
0x90: {  	(tm) =	ssettm $0x1  }
0x91: {  	s17 =	sld [smem:$0x3FFB];
	_ =	sdelay $0x3  }
0x92: {  	_ =	strace s17  }
0x93: {  	s2 =	sld [smem:$0x3FFC];
	_ =	sdelay $0x3  }
0x94: {  	_ =	strace s2  }
0x95: {  	s2 =	sld [smem:$0x3FFD];
	_ =	sdelay $0x3  }
0x96: {  	_ =	strace s2  }
0x97: {  	_ =	strace $0x8FFFFFFF  }
0x98: {  	s18 =	sld [smem:$0x3FDB];
	_ =	sdelay $0x1  }
0x99: {  	s19 =	simm.s32 $_scs_section_size  }
0x9a: {  	s4 =	simm.s32 $_size__tile_overlayer_lowered;
	s5 =	simm.s32 $_tile_overlayer_lowered  }
0x9b: {  	s22 =	simm.s32 $0x1BFF;
	s21 =	sshll.u32 s5, $0x1;
	s2 =	sadd.s32 s19, s18  }
0x9c: {  	s6 =	simm.s32 $0x0;
	s20 =	sshll.u32 s4, $0x1;
	s4 =	sadd.s32 s21, s2  }
0x9d: {  	[timem:s6], [sflag:s22] =	dma.local [hbm:s4], s20  }
0x9e: {  	_ =	swait.ge [sflag:s22], s20  }
0x9f: {  	s3 =	ssub.s32 $0x0, s20;
	[sflag:s22] =	ssyncset.done $0x0  }
0xa0: {  	[sflag:s22] =	ssyncadd.s32 s3;
	_ =	sdelay $0x1  }
0xa1: {  	s23 =	simm.s32 $0x1B8B  }
0xa2: {  	_ =	swait.ge [sflag:s23], $0x1  }
0xa3: {  	[sflag:s23] =	ssyncset.done $0x0  }
0xa4: {  	s25 =	simm.s32 $0x1B8E;
	s24 =	sld [smem:$0x3FFE];
	[sflag:s23] =	ssyncadd.s32 $0xFFFFFFFF  }
0xa5: {  	s26 =	simm.s32 $execute0_lowered;
	[smem:$0x3FD2] =	sst s25  }
0xa6: {  	s4 =	sshll.u32 s26, $0x1;
	_ =	strace $0x8000004C;
	[dreg:$0x1] =	wrdreg $0xFFFFFFFF  }
0xa7: {  	s28 =	simm.s32 $_size_execute0_lowered;
	s2 =	sadd.s32 s2, s4;
	[dreg:$0x0] =	wrdreg $0x0  }
0xa8: {  	s4 =	sshll.u32 s28, $0x1;
	[dreg:$0x2] =	wrdreg s2  }
0xa9: {  	[dreg:$0x3] =	wrdreg s4  }
0xaa: {  	[dreg:$0x4] =	wrdreg $0xC0  }
0xab: {  	_ =	task [dreg:s6], $0x5FFFF  }
0xac: {  	[dreg:$0x1] =	wrdreg $0xFFFFFFFF  }
0xad: {  	[dreg:$0x0] =	wrdreg $0x60  }
0xae: {  	[dreg:$0x2] =	wrdreg s24  }
0xaf: {  	[dreg:$0x3] =	wrdreg $0xA8000  }
0xb0: {  	[dreg:$0x4] =	wrdreg $0x9  }
0xb1: {  	_ =	task.clear_ibuf [dreg:s6], $0x5FFFF;
	_ =	strace $0x9000004C  }
0xb2: {  	s29 =	simm.s32 $0x9;
	_ =	strace $0x8000004E  }
0xb3: {  	_ =	swait.ge [sflag:s29], $0x1  }
0xb4: {  	[sflag:s29] =	ssyncadd.s32 $0xFFFFFFFF  }
0xb5: {  	_ =	strace $0x9000004E  }
0xb6: {  	_ =	sfence  }
0xb7: {  	s30 =	sld [smem:$0x0];
	_ =	sdelay $0x2  }
0xb8: {  	s31 =	sshll.u32 s1, $0xD;
	s1 =	sshrl.u32 s1, $0x2  }
0xb9: {  	s3 =	sand.u32 $0x4000, s31;
	s1 =	sadd.s32 s1, s30  }
0xba: {  	s0 =	sor.u32 s3, s0;
	s1 =	sshll.u32 s1, $0x11  }
0xbb: {  	s0 =	sor.u32 s1, s0  }
0xbc: {  	s0 =	sadd.s32 $0x8F2B, s0  }
0xbd: {  	[sflag:s0] =	ssyncadd.remote.s32 $0x1  }
0xbe: {  	_ =	sfence.sel $0xFFFF  }
0xbf: {  	[dreg:$0x0] =	wrdreg $0xFFFFFFFF;
	(pc) =	sbr.abs _section_cstart, $3  }
0xc0: {  	[dreg:$0x1] =	wrdreg $0xFFFFFFFF  }
0xc1: {  	_ =	task.clear_ibuf [dreg:s6], $0x2FFFF;
	_ =	strace $0x9FFFFFFF  }
0xc2: {  	(tm) =	ssettm $0x7FFFFFFF  }
0xc3: {  	_ =	shalt  }
tec
execute0_lowered:
.L_overlay_start_1:
0x0: {  	(tag) =	ssettag $0x1  }
0x1: {  	s6 =	rddreg [dreg:$0x0]  }
0x2: {  	s1 =	rddreg [dreg:$0x1]  }
0x3: {  	s2 =	srdreg.scid;
	s0 =	rddreg [dreg:$0x2]  }
0x4: {  	s3 =	simm.s32 $0x0;
	s15 =	simm.s32 $0x1400;
	s16 =	simm.s32 $0x80  }
0x5: {  	s17 =	simm.s32 $0x2800;
	s18 =	simm.s32 $0x6800;
	s19 =	simm.s32 $0x1  }
0x6: {  	s20 =	simm.s32 $0x2;
	s21 =	simm.s32 $0x2600;
	s28 =	simm.s32 $0x0  }
0x7: {  	s5 =	sand.u32 $0x1, s2;
	s2 =	stileid.u32;
	[smem:$0x7FF] =	sst s3  }
0x8: {  	s4 =	sadd.s32 $0x10400, s6;
	s9 =	sadd.s32 $0x60C00, s6;
	s7 =	smul.u32 $0x140000, s5  }
0x9: {  	s10 =	sadd.s32 $0x3C00, s6;
	s8 =	smul.u32 $0x14000, s2;
	_ =	strace $0x8000004D  }
0xa: {  	s22 =	sshll.u32 s5, $0x4;
	s11 =	ssub.s32 $0x2, s5;
	s24 =	smul.u32 $0x50000, s2  }
0xb: {  	s5 =	sadd.s32 $0xDC00, s6;
	s26 =	sshll.u32 s2, $0x6;
	s23 =	sor.u32 s2, s22  }
0xc: {  	s12 =	sshrl.u32 s11, $0x1;
	s22 =	simm.s32 $0x1300;
	s7 =	sadd.s32 s8, s7  }
0xd: {  	s13 =	smul.u32 $0x2800, s23;
	s12 =	ssub.s32 s11, s12;
	s25 =	sshrl.u32 s24, $0x2  }
0xe: {  	s23 =	simm.s32 $0x2680;
	s24 =	simm.s32 $0x1380;
	s7 =	sshrl.u32 s7, $0x3  }
0xf: {  	s30 =	sadd.s32 s25, s1;
	s12 =	smax.u32 s12, $0x1;
	s25 =	simm.s32 $0x2700  }
0x10: {  	s14 =	sadd.s32 s7, s6;
	s29 =	sshrl.u32 s13, $0x3;
	s6 =	sor.u32 $0x1C03, s26  }
0x11: {  	s13 =	sshrl.u32 s30, $0x3;
	s26 =	simm.s32 $0x2780;
	s31 =	sadd.s32 $0x280, s29  }
0x12: {  	s7 =	sadd.s32 s9, s29;
	s8 =	sadd.s32 s10, s29;
	s11 =	sadd.s32 $0x6AC00, s14  }
0x13: {  	s14 =	simm.s32 $0x3;
	s9 =	sadd.s32 s9, s31;
	s10 =	sadd.s32 s10, s31  }
.LBB2_1:
0x14: {  	[spmem:s13], [sflag:s6] =	dma.local [hbm:s5], $0x2800  }
0x15: {  	_ =	swait.ge [sflag:s14], $0x2800  }
0x16: {  	[sflag:s14] =	ssyncset.done $0x0  }
0x17: {  	[sflag:s14] =	ssyncadd.s32 $0xFFFFD800  }
0x18: {  	[bflag:$0x0] =	sbarrier.arrive $0xFFFF  }
0x19: {  	[tilespmem:s3], [sflag:$0x3] =	stream.linear.gather [hbm4b:s7+s3], $0x1400, $0x38;
	[tilespmem:$0x1E800] =	vst v63  }
0x1a: {  	_ =	swait.ge [sflag:s14], $0x1400  }
0x1b: {  	[sflag:s14] =	ssyncset.done $0x0  }
0x1c: {  	[sflag:s14] =	ssyncadd.s32 $0xFFFFEC00  }
0x1d: {  	[tilespmem:s15], [sflag:$0x3] =	stream.linear.gather [hbm4b:s8+s3], $0x1400, $0x38;
	[tilespmem:$0x1E800] =	vst v63  }
0x1e: {  	_ =	swait.ge [sflag:s14], $0x1400  }
0x1f: {  	[sflag:s14] =	ssyncset.done $0x0  }
0x20: {  	[sflag:s14] =	ssyncadd.s32 $0xFFFFEC00  }
0x21: {  	[tilespmem:s17], [sflag:$0x1] =	stream.indirect.gather [hbm4b:s4+s16], $0x80, s3, s16, $0xb8;
	[tilespmem:$0x1E800] =	vst v63  }
0x22: {  	_ = 	snop  }
0x23: {  	[tilespmem:s18], [sflag:$0x2] =	stream.indirect.gather [hbm4b:s4+s16], $0x80, s16, s16, $0xb8;
	[tilespmem:$0x1E800] =	vst v63  }
0x24: {  	_ =	swait.ge [sflag:s19], $0x4000  }
0x25: {  	[sflag:s19] =	ssyncset.done $0x0  }
0x26: {  	s29 =	simm.s32 $0x1400;
	[sflag:s19] =	ssyncadd.s32 $0xFFFFC000  }
0x27: {  	[spmem:s1] =	stream.indirect.scatter.add.f32 [tilespmem:s17], [sflag:$0x3], $0x80, s29, s16, $0xb8;
	[tilespmem:$0x1E800] =	vst v63  }
0x28: {  	_ =	swait.ge [sflag:s14], $0x4000  }
0x29: {  	[sflag:s14] =	ssyncset.done $0x0  }
0x2a: {  	s29 =	simm.s32 $0x100;
	[sflag:s14] =	ssyncadd.s32 $0xFFFFC000  }
0x2b: {  	[tilespmem:s17], [sflag:$0x1] =	stream.indirect.gather [hbm4b:s4+s16], $0x80, s29, s16, $0xb8;
	[tilespmem:$0x1E800] =	vst v63  }
0x2c: {  	_ =	swait.ge [sflag:s20], $0x4000  }
0x2d: {  	[sflag:s20] =	ssyncset.done $0x0  }
0x2e: {  	s29 =	simm.s32 $0x1480;
	[sflag:s20] =	ssyncadd.s32 $0xFFFFC000  }
0x2f: {  	[spmem:s1] =	stream.indirect.scatter.add.f32 [tilespmem:s18], [sflag:$0x3], $0x80, s29, s16, $0xb8;
	[tilespmem:$0x1E800] =	vst v63  }
0x30: {  	_ =	swait.ge [sflag:s14], $0x4000  }
0x31: {  	[sflag:s14] =	ssyncset.done $0x0  }
0x32: {  	s30 =	simm.s32 $0x180;
	s29 =	simm.s32 $0x400;
	[sflag:s14] =	ssyncadd.s32 $0xFFFFC000  }
.LBB2_2:
0x33: {  	[tilespmem:s18], [sflag:$0x2] =	stream.indirect.gather [hbm4b:s4+s16], $0x80, s30, s16, $0xb8;
	[tilespmem:$0x1E800] =	vst v63  }
0x34: {  	s30 =	smov.u32 s29  }
0x35: {  	p0 =	sne.s32 s29, $0x4400;
	s29 =	sadd.s32 $0x400, s29;
	_ =	swait.ge [sflag:s19], $0x4000  }
0x36: {  	s30 =	sshra.s32 s30, $0x2;
	[sflag:s19] =	ssyncset.done $0x0  }
0x37: {  	s31 =	sadd.s32 $0x1400, s30;
	[sflag:s19] =	ssyncadd.s32 $0xFFFFC000  }
0x38: {  	[spmem:s1] =	stream.indirect.scatter.add.f32 [tilespmem:s17], [sflag:$0x3], $0x80, s31, s16, $0xb8;
	[tilespmem:$0x1E800] =	vst v63  }
0x39: {  	_ =	swait.ge [sflag:s14], $0x4000  }
0x3a: {  	[sflag:s14] =	ssyncset.done $0x0  }
0x3b: {  	s31 =	sadd.s32 $0x100, s30;
	[sflag:s14] =	ssyncadd.s32 $0xFFFFC000  }
0x3c: {  	[tilespmem:s17], [sflag:$0x1] =	stream.indirect.gather [hbm4b:s4+s16], $0x80, s31, s16, $0xb8;
	[tilespmem:$0x1E800] =	vst v63  }
0x3d: {  	_ =	swait.ge [sflag:s20], $0x4000  }
0x3e: {  	[sflag:s20] =	ssyncset.done $0x0  }
.Ltmp0:
0x3f: {  	s31 =	sadd.s32 $0x1480, s30;
	[sflag:s20] =	ssyncadd.s32 $0xFFFFC000;
	(pc) =	sbr.rel @p0 .LBB2_2-.Ltmp0, $4  }
0x40: {  	[spmem:s1] =	stream.indirect.scatter.add.f32 [tilespmem:s18], [sflag:$0x3], $0x80, s31, s16, $0xb8;
	[tilespmem:$0x1E800] =	vst v63  }
0x41: {  	_ =	swait.ge [sflag:s14], $0x4000  }
0x42: {  	[sflag:s14] =	ssyncset.done $0x0  }
0x43: {  	s30 =	sadd.s32 $0x180, s30;
	[sflag:s14] =	ssyncadd.s32 $0xFFFFC000  }
0x44: {  	[tilespmem:s18], [sflag:$0x2] =	stream.indirect.gather [hbm4b:s4+s16], $0x80, s30, s16, $0xb8;
	[tilespmem:$0x1E800] =	vst v63  }
0x45: {  	_ =	swait.ge [sflag:s19], $0x4000  }
0x46: {  	[sflag:s19] =	ssyncset.done $0x0  }
0x47: {  	[sflag:s19] =	ssyncadd.s32 $0xFFFFC000  }
0x48: {  	[spmem:s1] =	stream.indirect.scatter.add.f32 [tilespmem:s17], [sflag:$0x3], $0x80, s21, s16, $0xb8;
	[tilespmem:$0x1E800] =	vst v63  }
0x49: {  	_ =	swait.ge [sflag:s14], $0x4000  }
0x4a: {  	[sflag:s14] =	ssyncset.done $0x0  }
0x4b: {  	[sflag:s14] =	ssyncadd.s32 $0xFFFFC000  }
0x4c: {  	[tilespmem:s17], [sflag:$0x1] =	stream.indirect.gather [hbm4b:s4+s16], $0x80, s22, s16, $0xb8;
	[tilespmem:$0x1E800] =	vst v63  }
0x4d: {  	_ =	swait.ge [sflag:s20], $0x4000  }
0x4e: {  	[sflag:s20] =	ssyncset.done $0x0  }
0x4f: {  	[sflag:s20] =	ssyncadd.s32 $0xFFFFC000  }
0x50: {  	[spmem:s1] =	stream.indirect.scatter.add.f32 [tilespmem:s18], [sflag:$0x3], $0x80, s23, s16, $0xb8;
	[tilespmem:$0x1E800] =	vst v63  }
0x51: {  	_ =	swait.ge [sflag:s14], $0x4000  }
0x52: {  	[sflag:s14] =	ssyncset.done $0x0  }
0x53: {  	[sflag:s14] =	ssyncadd.s32 $0xFFFFC000  }
0x54: {  	[tilespmem:s18], [sflag:$0x2] =	stream.indirect.gather [hbm4b:s4+s16], $0x80, s24, s16, $0xb8;
	[tilespmem:$0x1E800] =	vst v63  }
0x55: {  	_ =	swait.ge [sflag:s19], $0x4000  }
0x56: {  	[sflag:s19] =	ssyncset.done $0x0  }
0x57: {  	[sflag:s19] =	ssyncadd.s32 $0xFFFFC000  }
0x58: {  	[spmem:s1] =	stream.indirect.scatter.add.f32 [tilespmem:s17], [sflag:$0x3], $0x80, s25, s16, $0xb8;
	[tilespmem:$0x1E800] =	vst v63  }
0x59: {  	_ =	swait.ge [sflag:s14], $0x4000  }
0x5a: {  	[sflag:s14] =	ssyncset.done $0x0  }
0x5b: {  	[sflag:s14] =	ssyncadd.s32 $0xFFFFC000  }
0x5c: {  	[tilespmem:s17], [sflag:$0x1] =	stream.indirect.gather [hbm4b:s4+s16], $0x80, s24, s16, $0xb8;
	[tilespmem:$0x1E800] =	vst v63  }
0x5d: {  	_ =	swait.ge [sflag:s20], $0x4000  }
0x5e: {  	[sflag:s20] =	ssyncset.done $0x0  }
0x5f: {  	[sflag:s20] =	ssyncadd.s32 $0xFFFFC000  }
0x60: {  	[spmem:s1] =	stream.indirect.scatter.add.f32 [tilespmem:s18], [sflag:$0x3], $0x80, s26, s16, $0xb8;
	[tilespmem:$0x1E800] =	vst v63  }
0x61: {  	_ =	swait.ge [sflag:s14], $0x4000  }
0x62: {  	[sflag:s14] =	ssyncset.done $0x0  }
0x63: {  	[sflag:s14] =	ssyncadd.s32 $0xFFFFC000  }
0x64: {  	[tilespmem:s18], [sflag:$0x2] =	stream.indirect.gather [hbm4b:s4+s16], $0x80, s24, s16, $0xb8;
	[tilespmem:$0x1E800] =	vst v63  }
0x65: {  	_ =	swait.ge [sflag:s19], $0x4000  }
0x66: {  	[sflag:s19] =	ssyncset.done $0x0  }
0x67: {  	[sflag:s19] =	ssyncadd.s32 $0xFFFFC000  }
0x68: {  	_ =	swait.ge [sflag:s20], $0x4000  }
0x69: {  	[sflag:s20] =	ssyncset.done $0x0  }
0x6a: {  	s29 =	simm.s32 $0x0;
	[sflag:s20] =	ssyncadd.s32 $0xFFFFC000  }
0x6b: {  	[tilespmem:s29], [sflag:$0x3] =	stream.linear.gather [hbm4b:s9+s29], $0x1400, $0x38;
	[tilespmem:$0x1E800] =	vst v63  }
0x6c: {  	_ =	swait.ge [sflag:s14], $0x1400  }
0x6d: {  	[sflag:s14] =	ssyncset.done $0x0  }
0x6e: {  	[sflag:s14] =	ssyncadd.s32 $0xFFFFEC00  }
0x6f: {  	[tilespmem:s15], [sflag:$0x3] =	stream.linear.gather [hbm4b:s10+s29], $0x1400, $0x38;
	[tilespmem:$0x1E800] =	vst v63  }
0x70: {  	_ =	swait.ge [sflag:s14], $0x1400  }
0x71: {  	[sflag:s14] =	ssyncset.done $0x0  }
0x72: {  	[sflag:s14] =	ssyncadd.s32 $0xFFFFEC00  }
0x73: {  	[tilespmem:s17], [sflag:$0x1] =	stream.indirect.gather [hbm4b:s4+s16], $0x80, s29, s16, $0xb8;
	[tilespmem:$0x1E800] =	vst v63  }
0x74: {  	_ = 	snop  }
0x75: {  	[tilespmem:s18], [sflag:$0x2] =	stream.indirect.gather [hbm4b:s4+s16], $0x80, s16, s16, $0xb8;
	[tilespmem:$0x1E800] =	vst v63  }
0x76: {  	_ =	swait.ge [sflag:s19], $0x4000  }
0x77: {  	[sflag:s19] =	ssyncset.done $0x0  }
0x78: {  	s29 =	simm.s32 $0x1400;
	[sflag:s19] =	ssyncadd.s32 $0xFFFFC000  }
0x79: {  	[spmem:s1] =	stream.indirect.scatter.add.f32 [tilespmem:s17], [sflag:$0x3], $0x80, s29, s16, $0xb8;
	[tilespmem:$0x1E800] =	vst v63  }
0x7a: {  	_ =	swait.ge [sflag:s14], $0x4000  }
0x7b: {  	[sflag:s14] =	ssyncset.done $0x0  }
0x7c: {  	s29 =	simm.s32 $0x100;
	[sflag:s14] =	ssyncadd.s32 $0xFFFFC000  }
0x7d: {  	[tilespmem:s17], [sflag:$0x1] =	stream.indirect.gather [hbm4b:s4+s16], $0x80, s29, s16, $0xb8;
	[tilespmem:$0x1E800] =	vst v63  }
0x7e: {  	_ =	swait.ge [sflag:s20], $0x4000  }
0x7f: {  	[sflag:s20] =	ssyncset.done $0x0  }
0x80: {  	s29 =	simm.s32 $0x1480;
	[sflag:s20] =	ssyncadd.s32 $0xFFFFC000  }
0x81: {  	[spmem:s1] =	stream.indirect.scatter.add.f32 [tilespmem:s18], [sflag:$0x3], $0x80, s29, s16, $0xb8;
	[tilespmem:$0x1E800] =	vst v63  }
0x82: {  	_ =	swait.ge [sflag:s14], $0x4000  }
0x83: {  	[sflag:s14] =	ssyncset.done $0x0  }
0x84: {  	s30 =	simm.s32 $0x180;
	s29 =	simm.s32 $0x400;
	[sflag:s14] =	ssyncadd.s32 $0xFFFFC000  }
.LBB2_4:
0x85: {  	[tilespmem:s18], [sflag:$0x2] =	stream.indirect.gather [hbm4b:s4+s16], $0x80, s30, s16, $0xb8;
	[tilespmem:$0x1E800] =	vst v63  }
0x86: {  	s30 =	smov.u32 s29  }
0x87: {  	p0 =	sne.s32 s29, $0x4400;
	s29 =	sadd.s32 $0x400, s29;
	_ =	swait.ge [sflag:s19], $0x4000  }
0x88: {  	s30 =	sshra.s32 s30, $0x2;
	[sflag:s19] =	ssyncset.done $0x0  }
0x89: {  	s31 =	sadd.s32 $0x1400, s30;
	[sflag:s19] =	ssyncadd.s32 $0xFFFFC000  }
0x8a: {  	[spmem:s1] =	stream.indirect.scatter.add.f32 [tilespmem:s17], [sflag:$0x3], $0x80, s31, s16, $0xb8;
	[tilespmem:$0x1E800] =	vst v63  }
0x8b: {  	_ =	swait.ge [sflag:s14], $0x4000  }
0x8c: {  	[sflag:s14] =	ssyncset.done $0x0  }
0x8d: {  	s31 =	sadd.s32 $0x100, s30;
	[sflag:s14] =	ssyncadd.s32 $0xFFFFC000  }
0x8e: {  	[tilespmem:s17], [sflag:$0x1] =	stream.indirect.gather [hbm4b:s4+s16], $0x80, s31, s16, $0xb8;
	[tilespmem:$0x1E800] =	vst v63  }
0x8f: {  	_ =	swait.ge [sflag:s20], $0x4000  }
0x90: {  	[sflag:s20] =	ssyncset.done $0x0  }
.Ltmp1:
0x91: {  	s31 =	sadd.s32 $0x1480, s30;
	[sflag:s20] =	ssyncadd.s32 $0xFFFFC000;
	(pc) =	sbr.rel @p0 .LBB2_4-.Ltmp1, $4  }
0x92: {  	[spmem:s1] =	stream.indirect.scatter.add.f32 [tilespmem:s18], [sflag:$0x3], $0x80, s31, s16, $0xb8;
	[tilespmem:$0x1E800] =	vst v63  }
0x93: {  	_ =	swait.ge [sflag:s14], $0x4000  }
0x94: {  	[sflag:s14] =	ssyncset.done $0x0  }
0x95: {  	s30 =	sadd.s32 $0x180, s30;
	[sflag:s14] =	ssyncadd.s32 $0xFFFFC000  }
0x96: {  	[tilespmem:s18], [sflag:$0x2] =	stream.indirect.gather [hbm4b:s4+s16], $0x80, s30, s16, $0xb8;
	[tilespmem:$0x1E800] =	vst v63  }
0x97: {  	_ =	swait.ge [sflag:s19], $0x4000  }
0x98: {  	[sflag:s19] =	ssyncset.done $0x0  }
0x99: {  	[sflag:s19] =	ssyncadd.s32 $0xFFFFC000  }
0x9a: {  	[spmem:s1] =	stream.indirect.scatter.add.f32 [tilespmem:s17], [sflag:$0x3], $0x80, s21, s16, $0xb8;
	[tilespmem:$0x1E800] =	vst v63  }
0x9b: {  	_ =	swait.ge [sflag:s14], $0x4000  }
0x9c: {  	[sflag:s14] =	ssyncset.done $0x0  }
0x9d: {  	[sflag:s14] =	ssyncadd.s32 $0xFFFFC000  }
0x9e: {  	[tilespmem:s17], [sflag:$0x1] =	stream.indirect.gather [hbm4b:s4+s16], $0x80, s22, s16, $0xb8;
	[tilespmem:$0x1E800] =	vst v63  }
0x9f: {  	_ =	swait.ge [sflag:s20], $0x4000  }
0xa0: {  	[sflag:s20] =	ssyncset.done $0x0  }
0xa1: {  	[sflag:s20] =	ssyncadd.s32 $0xFFFFC000  }
0xa2: {  	[spmem:s1] =	stream.indirect.scatter.add.f32 [tilespmem:s18], [sflag:$0x3], $0x80, s23, s16, $0xb8;
	[tilespmem:$0x1E800] =	vst v63  }
0xa3: {  	_ =	swait.ge [sflag:s14], $0x4000  }
0xa4: {  	[sflag:s14] =	ssyncset.done $0x0  }
0xa5: {  	[sflag:s14] =	ssyncadd.s32 $0xFFFFC000  }
0xa6: {  	[tilespmem:s18], [sflag:$0x2] =	stream.indirect.gather [hbm4b:s4+s16], $0x80, s24, s16, $0xb8;
	[tilespmem:$0x1E800] =	vst v63  }
0xa7: {  	_ =	swait.ge [sflag:s19], $0x4000  }
0xa8: {  	[sflag:s19] =	ssyncset.done $0x0  }
0xa9: {  	[sflag:s19] =	ssyncadd.s32 $0xFFFFC000  }
0xaa: {  	[spmem:s1] =	stream.indirect.scatter.add.f32 [tilespmem:s17], [sflag:$0x3], $0x80, s25, s16, $0xb8;
	[tilespmem:$0x1E800] =	vst v63  }
0xab: {  	_ =	swait.ge [sflag:s14], $0x4000  }
0xac: {  	[sflag:s14] =	ssyncset.done $0x0  }
0xad: {  	[sflag:s14] =	ssyncadd.s32 $0xFFFFC000  }
0xae: {  	[tilespmem:s17], [sflag:$0x1] =	stream.indirect.gather [hbm4b:s4+s16], $0x80, s24, s16, $0xb8;
	[tilespmem:$0x1E800] =	vst v63  }
0xaf: {  	_ =	swait.ge [sflag:s20], $0x4000  }
0xb0: {  	[sflag:s20] =	ssyncset.done $0x0  }
0xb1: {  	[sflag:s20] =	ssyncadd.s32 $0xFFFFC000  }
0xb2: {  	[spmem:s1] =	stream.indirect.scatter.add.f32 [tilespmem:s18], [sflag:$0x3], $0x80, s26, s16, $0xb8;
	[tilespmem:$0x1E800] =	vst v63  }
0xb3: {  	_ =	swait.ge [sflag:s14], $0x4000  }
0xb4: {  	[sflag:s14] =	ssyncset.done $0x0  }
0xb5: {  	[sflag:s14] =	ssyncadd.s32 $0xFFFFC000  }
0xb6: {  	[tilespmem:s18], [sflag:$0x2] =	stream.indirect.gather [hbm4b:s4+s16], $0x80, s24, s16, $0xb8;
	[tilespmem:$0x1E800] =	vst v63  }
0xb7: {  	_ =	swait.ge [sflag:s19], $0x4000  }
0xb8: {  	[sflag:s19] =	ssyncset.done $0x0  }
0xb9: {  	[sflag:s19] =	ssyncadd.s32 $0xFFFFC000  }
0xba: {  	_ =	swait.ge [sflag:s20], $0x4000  }
0xbb: {  	s28 =	sadd.s32 $0x1, s28;
	[sflag:s20] =	ssyncset.done $0x0  }
0xbc: {  	p0 =	sne.s32 s28, s12;
	[sflag:s20] =	ssyncadd.s32 $0xFFFFC000  }
.Ltmp2:
0xbd: {  	[bflag:$0x0] =	sbarrier.arrive $0xFFFF;
	(pc) =	sbr.rel @p0 .LBB2_1-.Ltmp2, $4  }
0xbe: {  	[hbm:s11], [sflag:s6] =	dma.local [spmem:s13], $0x2800  }
0xbf: {  	_ =	swait.ge [sflag:s14], $0x2800  }
0xc0: {  	[sflag:s14] =	ssyncset.done $0x0  }
0xc1: {  	[sflag:s14] =	ssyncadd.s32 $0xFFFFD800  }
0xc2: {  	_ =	sfence.sel $0x180000  }
0xc3: {  	[bflag:$0x0] =	sbarrier.arrive $0xFFFF  }
0xc4: {  	p0 =	sne.s32 s2, $0x0;
	_ =	strace $0x9000004D  }
0xc5: {  	s0 =	sadd.s32 @!p0 $0x100000, s0;
	[bflag:$0x2] =	sbarrier.arrive $0xFFFF  }
0xc6: {  	[sflag:s0] =	ssyncadd.tile.s32 @!p0 $0x1;
	_ =	shalt  }
.Lfunc_end2:
_tile_overlayer_lowered:
.L_overlay_start_2:
0xc7: {  	(tag) =	ssettag $0x2  }
0xc8: {  	s0 =	rddreg [dreg:$0x0];
	s2 =	stileid.u32  }
0xc9: {  	s1 =	rddreg [dreg:$0x1];
	p0 =	sne.s32 s2, $0x0  }
0xca: {  	s3 =	rddreg [dreg:$0x2];
	[bflag:$0x3] =	sbarrier.arrive $0xFFFF;
	s2 =	simm.s32 @!p0 $0x1C03  }
0xcb: {  	[timem:s3], [sflag:s2] =	dma.local @!p0 [hbm:s0], s1  }
0xcc: {  	s0 =	simm.s32 @!p0 $0x3  }
0xcd: {  	_ =	swait.ge @!p0 [sflag:s0], s1  }
0xce: {  	s1 =	ssub.s32 @!p0 $0x0, s1;
	[sflag:s0] =	ssyncset.done @!p0 $0x0  }
0xcf: {  	[sflag:s0] =	ssyncadd.s32 @!p0 s1  }
0xd0: {  	[bflag:$0x3] =	sbarrier.arrive $0xFFFF  }
0xd1: {  	_ =	shalt  }

// kernel: kernel.26.cloned.1.call-start
scs
__scs_entry_jumppad:
0x0: {  	(pc) =	sbr.rel $0x88, $3  }
0x1: {  	(tag) =	ssettag $0x0;
	lr =	simm.s32 $0x1  }
0x2: {  	[smem:$0x3F98] =	sst lr;
	_ =	strace $0xD0000000  }
0x3: {  	_ = 	snop  }
0x4: {  	_ = 	snop  }
0x5: {  	_ = 	snop  }
0x6: {  	_ = 	snop  }
0x7: {  	_ = 	snop  }
__scs_overlays_trampoline_lowered:
0x8: {  	[smem:$0x3FA7] =	sst s0  }
0x9: {  	[smem:$0x3FA8] =	sst s1  }
0xa: {  	[smem:$0x3FA9] =	sst s2  }
0xb: {  	[smem:$0x3FAA] =	sst s3  }
0xc: {  	[smem:$0x3FAB] =	sst s4  }
0xd: {  	[smem:$0x3FAC] =	sst s5  }
0xe: {  	[smem:$0x3FAD] =	sst s6  }
0xf: {  	[smem:$0x3FAE] =	sst s7  }
0x10: {  	[smem:$0x3FAF] =	sst s8  }
0x11: {  	[smem:$0x3FB0] =	sst s9;
	s0 =	simm.s32 @!p0 $0x0  }
0x12: {  	s1 =	sld [smem:$0x3F96];
	s0 =	simm.s32 @p0 $0x1  }
0x13: {  	[smem:$0x3FB1] =	sst s0;
	s0 =	simm.s32 @!p1 $0x0  }
0x14: {  	s2 =	sld [smem:$0x3F95];
	s0 =	simm.s32 @p1 $0x1  }
0x15: {  	[smem:$0x3FB2] =	sst s0;
	s0 =	simm.s32 @!p2 $0x0  }
0x16: {  	s3 =	sld [smem:$0x3FDB];
	s0 =	simm.s32 @p2 $0x1  }
0x17: {  	s4 =	simm.s32 $0x1BF5;
	[smem:$0x3FB4] =	sst s0  }
0x18: {  	s0 =	sld [smem:$0x3F97];
	_ =	swait.ge [sflag:s4], $0x0  }
0x19: {  	s7 =	sld [smem:$0x3F98]  }
0x1a: {  	s8 =	sadd.s32 $0xFFFFE003, lr  }
0x1b: {  	s9 =	sadd.s32 $0xFFFFFEF7, lr;
	s5 =	simm.s32 $0xFFFFFFFF;
	p2 =	slt.u32 s8, $0xFFFFF086  }
0x1c: {  	p1 =	slt.u32 s9, $0xF7A;
	s5 =	simm.s32 @!p2 $0x0  }
0x1d: {  	s5 =	simm.s32 @p1 $0x1;
	p0 =	seq.s32 s7, s2  }
0x1e: {  	s7 =	smul.u32 @!p0 $0xF7A, s2;
	p2 =	seq.s32 @!p0 s5, $0x0  }
0x1f: {  	s9 =	smul.u32 $0xF7A, s1;
	s8 =	simm.s32 @!p0 $0x1BF5;
	p2 =	por !p2, p0  }
0x20: {  	[sflag:s8] =	ssyncset.s32 @!p0 $0xFFFFF086;
	s6 =	sadd.s32 @!p0 s3, s7;
	s7 =	simm.s32 @!p0 $0x108  }
0x21: {  	s3 =	sadd.s32 s3, s9;
	s6 =	sadd.s32 @!p0 $0x88, s6;
	s7 =	simm.s32 @p2 $0x1082  }
0x22: {  	[simem:s7], [sflag:s8] =	dma.local @!p0 [hbm:s6], $0xF7A  }
0x23: {  	s9 =	sor.u32 $0xD0000000, s2;
	s6 =	simm.s32 $0x108;
	_ =	swait.ge @!p0 [sflag:s8], $0x0  }
0x24: {  	s3 =	sadd.s32 $0x88, s3;
	s6 =	simm.s32 @!p1 $0x1082;
	[sflag:s4] =	ssyncset.s32 $0xFFFFF086  }
0x25: {  	[simem:s6], [sflag:s4] =	dma.local [hbm:s3], $0xF7A  }
0x26: {  	[smem:$0x3F98] =	sst s1;
	(tag) =	ssettag s2;
	_ =	strace s9  }
0x27: {  	s1 =	sld [smem:$0x3FA8]  }
0x28: {  	s2 =	sld [smem:$0x3FA9]  }
0x29: {  	s4 =	sld [smem:$0x3FAB]  }
0x2a: {  	p0 =	seq.s32 s5, $0x0;
	s5 =	sld [smem:$0x3FAC]  }
0x2b: {  	s6 =	sld [smem:$0x3FAD]  }
0x2c: {  	s7 =	sld [smem:$0x3FAE]  }
0x2d: {  	s3 =	simm.s32 $0x108;
	s8 =	sld [smem:$0x3FAF]  }
0x2e: {  	s3 =	simm.s32 @!p0 $0x1082;
	s9 =	sld [smem:$0x3FB0]  }
0x2f: {  	lr =	sadd.s32 s0, s3;
	s0 =	sld [smem:$0x3FA7]  }
0x30: {  	s3 =	sld [smem:$0x3FAA]  }
0x31: {  	[smem:$0x3FB3] =	sst s10  }
0x32: {  	s10 =	sld [smem:$0x3FB1];
	_ =	sdelay $0x3  }
0x33: {  	p0 =	seq.s32 s10, $0x1;
	s10 =	sld [smem:$0x3FB3];
	_ =	sdelay $0x3  }
0x34: {  	[smem:$0x3FB3] =	sst s10  }
0x35: {  	s10 =	sld [smem:$0x3FB2];
	_ =	sdelay $0x3  }
0x36: {  	p1 =	seq.s32 s10, $0x1;
	s10 =	sld [smem:$0x3FB3];
	_ =	sdelay $0x3  }
0x37: {  	[smem:$0x3FB3] =	sst s10  }
0x38: {  	s10 =	sld [smem:$0x3FB4]  }
0x39: {  	_ = 	snop;
	(pc) =	sbr.ind lr, $3  }
0x3a: {  	_ = 	snop  }
0x3b: {  	_ = 	snop  }
0x3c: {  	p2 =	seq.s32 s10, $0x1;
	s10 =	sld [smem:$0x3FB3]  }
0x3d: {  	_ =	shalt  }
0x3e: {  	_ =	shalt  }
0x3f: {  	_ =	shalt  }
0x40: {  	_ =	shalt  }
0x41: {  	_ =	shalt  }
0x42: {  	_ =	shalt  }
0x43: {  	_ =	shalt  }
0x44: {  	_ =	shalt  }
0x45: {  	_ =	shalt  }
0x46: {  	_ =	shalt  }
0x47: {  	_ =	shalt  }
0x48: {  	_ =	shalt  }
0x49: {  	_ =	shalt  }
0x4a: {  	_ =	shalt  }
0x4b: {  	_ =	shalt  }
0x4c: {  	_ =	shalt  }
0x4d: {  	_ =	shalt  }
0x4e: {  	_ =	shalt  }
0x4f: {  	_ =	shalt  }
0x50: {  	_ =	shalt  }
0x51: {  	_ =	shalt  }
0x52: {  	_ =	shalt  }
0x53: {  	_ =	shalt  }
0x54: {  	_ =	shalt  }
0x55: {  	_ =	shalt  }
0x56: {  	_ =	shalt  }
0x57: {  	_ =	shalt  }
0x58: {  	_ =	shalt  }
0x59: {  	_ =	shalt  }
0x5a: {  	_ =	shalt  }
0x5b: {  	_ =	shalt  }
0x5c: {  	_ =	shalt  }
0x5d: {  	_ =	shalt  }
0x5e: {  	_ =	shalt  }
0x5f: {  	_ =	shalt  }
0x60: {  	_ =	shalt  }
0x61: {  	_ =	shalt  }
0x62: {  	_ =	shalt  }
0x63: {  	_ =	shalt  }
0x64: {  	_ =	shalt  }
0x65: {  	_ =	shalt  }
0x66: {  	_ =	shalt  }
0x67: {  	_ =	shalt  }
0x68: {  	_ =	shalt  }
0x69: {  	_ =	shalt  }
0x6a: {  	_ =	shalt  }
0x6b: {  	_ =	shalt  }
0x6c: {  	_ =	shalt  }
0x6d: {  	_ =	shalt  }
0x6e: {  	_ =	shalt  }
0x6f: {  	_ =	shalt  }
0x70: {  	_ =	shalt  }
0x71: {  	_ =	shalt  }
0x72: {  	_ =	shalt  }
0x73: {  	_ =	shalt  }
0x74: {  	_ =	shalt  }
0x75: {  	_ =	shalt  }
0x76: {  	_ =	shalt  }
0x77: {  	_ =	shalt  }
0x78: {  	_ =	shalt  }
0x79: {  	_ =	shalt  }
0x7a: {  	_ =	shalt  }
0x7b: {  	_ =	shalt  }
0x7c: {  	_ =	shalt  }
0x7d: {  	_ =	shalt  }
0x7e: {  	_ =	shalt  }
0x7f: {  	_ =	shalt  }
0x80: {  	_ =	shalt  }
0x81: {  	_ =	shalt  }
0x82: {  	_ =	shalt  }
0x83: {  	_ =	shalt  }
0x84: {  	_ =	shalt  }
0x85: {  	_ =	shalt  }
0x86: {  	_ =	shalt  }
0x87: {  	_ =	shalt  }
.Lfunc_end0:
.L_simem_size_0:
called_computation.3_lowered:
.L_overlay_start_0:
0x88: {  	s2 =	sld [smem:$0x3FD9]  }
0x89: {  	s3 =	sld [smem:$0x3FFE];
	_ =	sdelay $0x1  }
0x8a: {  	s1 =	srdreg.scid  }
0x8b: {  	s0 =	sand.u32 $0x1, s1  }
0x8c: {  	s16 =	sshll.u32 s0, $0xA;
	s2 =	sadd.s32 s3, s2  }
0x8d: {  	s2 =	sadd.s32 s2, s16  }
0x8e: {  	[smem:$0x3FBF] =	sst s2  }
0x8f: {  	_ = 	snop  }
0x90: {  	(tm) =	ssettm $0x1  }
0x91: {  	s17 =	sld [smem:$0x3FFB];
	_ =	sdelay $0x3  }
0x92: {  	_ =	strace s17  }
0x93: {  	s2 =	sld [smem:$0x3FFC];
	_ =	sdelay $0x3  }
0x94: {  	_ =	strace s2  }
0x95: {  	s2 =	sld [smem:$0x3FFD];
	_ =	sdelay $0x3  }
0x96: {  	_ =	strace s2  }
0x97: {  	_ =	strace $0x8FFFFFFF  }
0x98: {  	s18 =	sld [smem:$0x3FDB];
	_ =	sdelay $0x1  }
0x99: {  	s19 =	simm.s32 $_scs_section_size  }
0x9a: {  	s4 =	simm.s32 $_size__tile_overlayer_lowered;
	s5 =	simm.s32 $_tile_overlayer_lowered  }
0x9b: {  	s22 =	simm.s32 $0x1BFF;
	s21 =	sshll.u32 s5, $0x1;
	s2 =	sadd.s32 s19, s18  }
0x9c: {  	s6 =	simm.s32 $0x0;
	s20 =	sshll.u32 s4, $0x1;
	s4 =	sadd.s32 s21, s2  }
0x9d: {  	[timem:s6], [sflag:s22] =	dma.local [hbm:s4], s20  }
0x9e: {  	_ =	swait.ge [sflag:s22], s20  }
0x9f: {  	s3 =	ssub.s32 $0x0, s20;
	[sflag:s22] =	ssyncset.done $0x0  }
0xa0: {  	[sflag:s22] =	ssyncadd.s32 s3;
	_ =	sdelay $0x1  }
0xa1: {  	s23 =	simm.s32 $0x1B8B  }
0xa2: {  	_ =	swait.ge [sflag:s23], $0x1  }
0xa3: {  	[sflag:s23] =	ssyncset.done $0x0  }
0xa4: {  	s25 =	simm.s32 $0x1B8E;
	s24 =	sld [smem:$0x3FFE];
	[sflag:s23] =	ssyncadd.s32 $0xFFFFFFFF  }
0xa5: {  	s26 =	simm.s32 $execute0_lowered;
	[smem:$0x3FD2] =	sst s25  }
0xa6: {  	s4 =	sshll.u32 s26, $0x1;
	_ =	strace $0x8000004F;
	[dreg:$0x1] =	wrdreg $0xFFFFFFFF  }
0xa7: {  	s28 =	simm.s32 $_size_execute0_lowered;
	s2 =	sadd.s32 s2, s4;
	[dreg:$0x0] =	wrdreg $0x0  }
0xa8: {  	s4 =	sshll.u32 s28, $0x1;
	[dreg:$0x2] =	wrdreg s2  }
0xa9: {  	[dreg:$0x3] =	wrdreg s4  }
0xaa: {  	[dreg:$0x4] =	wrdreg $0xC0  }
0xab: {  	_ =	task [dreg:s6], $0x5FFFF  }
0xac: {  	[dreg:$0x1] =	wrdreg $0xFFFFFFFF  }
0xad: {  	[dreg:$0x0] =	wrdreg $0x60  }
0xae: {  	[dreg:$0x2] =	wrdreg s24  }
0xaf: {  	[dreg:$0x3] =	wrdreg $0xA8000  }
0xb0: {  	[dreg:$0x4] =	wrdreg $0x9  }
0xb1: {  	_ =	task.clear_ibuf [dreg:s6], $0x5FFFF;
	_ =	strace $0x9000004F  }
0xb2: {  	s29 =	simm.s32 $0x9;
	_ =	strace $0x80000051  }
0xb3: {  	_ =	swait.ge [sflag:s29], $0x1  }
0xb4: {  	[sflag:s29] =	ssyncadd.s32 $0xFFFFFFFF  }
0xb5: {  	_ =	strace $0x90000051  }
0xb6: {  	_ =	sfence  }
0xb7: {  	s30 =	sld [smem:$0x0];
	_ =	sdelay $0x2  }
0xb8: {  	s31 =	sshll.u32 s1, $0xD;
	s1 =	sshrl.u32 s1, $0x2  }
0xb9: {  	s3 =	sand.u32 $0x4000, s31;
	s1 =	sadd.s32 s1, s30  }
0xba: {  	s0 =	sor.u32 s3, s0;
	s1 =	sshll.u32 s1, $0x11  }
0xbb: {  	s0 =	sor.u32 s1, s0  }
0xbc: {  	s0 =	sadd.s32 $0x8F2B, s0  }
0xbd: {  	[sflag:s0] =	ssyncadd.remote.s32 $0x1  }
0xbe: {  	_ =	sfence.sel $0xFFFF  }
0xbf: {  	[dreg:$0x0] =	wrdreg $0xFFFFFFFF;
	(pc) =	sbr.abs _section_cstart, $3  }
0xc0: {  	[dreg:$0x1] =	wrdreg $0xFFFFFFFF  }
0xc1: {  	_ =	task.clear_ibuf [dreg:s6], $0x2FFFF;
	_ =	strace $0x9FFFFFFF  }
0xc2: {  	(tm) =	ssettm $0x7FFFFFFF  }
0xc3: {  	_ =	shalt  }
tec
execute0_lowered:
.L_overlay_start_1:
0x0: {  	(tag) =	ssettag $0x1  }
0x1: {  	s6 =	rddreg [dreg:$0x0]  }
0x2: {  	s1 =	rddreg [dreg:$0x1]  }
0x3: {  	s2 =	srdreg.scid;
	s0 =	rddreg [dreg:$0x2]  }
0x4: {  	s3 =	simm.s32 $0x0;
	s15 =	simm.s32 $0x1400;
	s16 =	simm.s32 $0x80  }
0x5: {  	s17 =	simm.s32 $0x2800;
	s18 =	simm.s32 $0x6800;
	s19 =	simm.s32 $0x1  }
0x6: {  	s20 =	simm.s32 $0x2;
	s21 =	simm.s32 $0x2600;
	s28 =	simm.s32 $0x0  }
0x7: {  	s5 =	sand.u32 $0x1, s2;
	s2 =	stileid.u32;
	[smem:$0x7FF] =	sst s3  }
0x8: {  	s4 =	sadd.s32 $0x10400, s6;
	s9 =	sadd.s32 $0x60C00, s6;
	s7 =	smul.u32 $0x140000, s5  }
0x9: {  	s10 =	sadd.s32 $0x3C00, s6;
	s8 =	smul.u32 $0x14000, s2;
	_ =	strace $0x80000050  }
0xa: {  	s22 =	sshll.u32 s5, $0x4;
	s11 =	ssub.s32 $0x2, s5;
	s24 =	smul.u32 $0x50000, s2  }
0xb: {  	s5 =	sadd.s32 $0xDC00, s6;
	s26 =	sshll.u32 s2, $0x6;
	s23 =	sor.u32 s2, s22  }
0xc: {  	s12 =	sshrl.u32 s11, $0x1;
	s22 =	simm.s32 $0x1300;
	s7 =	sadd.s32 s8, s7  }
0xd: {  	s13 =	smul.u32 $0x2800, s23;
	s12 =	ssub.s32 s11, s12;
	s25 =	sshrl.u32 s24, $0x2  }
0xe: {  	s23 =	simm.s32 $0x2680;
	s24 =	simm.s32 $0x1380;
	s7 =	sshrl.u32 s7, $0x3  }
0xf: {  	s30 =	sadd.s32 s25, s1;
	s12 =	smax.u32 s12, $0x1;
	s25 =	simm.s32 $0x2700  }
0x10: {  	s14 =	sadd.s32 s7, s6;
	s29 =	sshrl.u32 s13, $0x3;
	s6 =	sor.u32 $0x1C03, s26  }
0x11: {  	s13 =	sshrl.u32 s30, $0x3;
	s26 =	simm.s32 $0x2780;
	s31 =	sadd.s32 $0x280, s29  }
0x12: {  	s7 =	sadd.s32 s9, s29;
	s8 =	sadd.s32 s10, s29;
	s11 =	sadd.s32 $0x6AC00, s14  }
0x13: {  	s14 =	simm.s32 $0x3;
	s9 =	sadd.s32 s9, s31;
	s10 =	sadd.s32 s10, s31  }
.LBB2_1:
0x14: {  	[spmem:s13], [sflag:s6] =	dma.local [hbm:s5], $0x2800  }
0x15: {  	_ =	swait.ge [sflag:s14], $0x2800  }
0x16: {  	[sflag:s14] =	ssyncset.done $0x0  }
0x17: {  	[sflag:s14] =	ssyncadd.s32 $0xFFFFD800  }
0x18: {  	[bflag:$0x0] =	sbarrier.arrive $0xFFFF  }
0x19: {  	[tilespmem:s3], [sflag:$0x3] =	stream.linear.gather [hbm4b:s7+s3], $0x1400, $0x38;
	[tilespmem:$0x1E800] =	vst v63  }
0x1a: {  	_ =	swait.ge [sflag:s14], $0x1400  }
0x1b: {  	[sflag:s14] =	ssyncset.done $0x0  }
0x1c: {  	[sflag:s14] =	ssyncadd.s32 $0xFFFFEC00  }
0x1d: {  	[tilespmem:s15], [sflag:$0x3] =	stream.linear.gather [hbm4b:s8+s3], $0x1400, $0x38;
	[tilespmem:$0x1E800] =	vst v63  }
0x1e: {  	_ =	swait.ge [sflag:s14], $0x1400  }
0x1f: {  	[sflag:s14] =	ssyncset.done $0x0  }
0x20: {  	[sflag:s14] =	ssyncadd.s32 $0xFFFFEC00  }
0x21: {  	[tilespmem:s17], [sflag:$0x1] =	stream.indirect.gather [hbm4b:s4+s16], $0x80, s3, s16, $0xb8;
	[tilespmem:$0x1E800] =	vst v63  }
0x22: {  	_ = 	snop  }
0x23: {  	[tilespmem:s18], [sflag:$0x2] =	stream.indirect.gather [hbm4b:s4+s16], $0x80, s16, s16, $0xb8;
	[tilespmem:$0x1E800] =	vst v63  }
0x24: {  	_ =	swait.ge [sflag:s19], $0x4000  }
0x25: {  	[sflag:s19] =	ssyncset.done $0x0  }
0x26: {  	s29 =	simm.s32 $0x1400;
	[sflag:s19] =	ssyncadd.s32 $0xFFFFC000  }
0x27: {  	[spmem:s1] =	stream.indirect.scatter.add.f32 [tilespmem:s17], [sflag:$0x3], $0x80, s29, s16, $0xb8;
	[tilespmem:$0x1E800] =	vst v63  }
0x28: {  	_ =	swait.ge [sflag:s14], $0x4000  }
0x29: {  	[sflag:s14] =	ssyncset.done $0x0  }
0x2a: {  	s29 =	simm.s32 $0x100;
	[sflag:s14] =	ssyncadd.s32 $0xFFFFC000  }
0x2b: {  	[tilespmem:s17], [sflag:$0x1] =	stream.indirect.gather [hbm4b:s4+s16], $0x80, s29, s16, $0xb8;
	[tilespmem:$0x1E800] =	vst v63  }
0x2c: {  	_ =	swait.ge [sflag:s20], $0x4000  }
0x2d: {  	[sflag:s20] =	ssyncset.done $0x0  }
0x2e: {  	s29 =	simm.s32 $0x1480;
	[sflag:s20] =	ssyncadd.s32 $0xFFFFC000  }
0x2f: {  	[spmem:s1] =	stream.indirect.scatter.add.f32 [tilespmem:s18], [sflag:$0x3], $0x80, s29, s16, $0xb8;
	[tilespmem:$0x1E800] =	vst v63  }
0x30: {  	_ =	swait.ge [sflag:s14], $0x4000  }
0x31: {  	[sflag:s14] =	ssyncset.done $0x0  }
0x32: {  	s30 =	simm.s32 $0x180;
	s29 =	simm.s32 $0x400;
	[sflag:s14] =	ssyncadd.s32 $0xFFFFC000  }
.LBB2_2:
0x33: {  	[tilespmem:s18], [sflag:$0x2] =	stream.indirect.gather [hbm4b:s4+s16], $0x80, s30, s16, $0xb8;
	[tilespmem:$0x1E800] =	vst v63  }
0x34: {  	s30 =	smov.u32 s29  }
0x35: {  	p0 =	sne.s32 s29, $0x4400;
	s29 =	sadd.s32 $0x400, s29;
	_ =	swait.ge [sflag:s19], $0x4000  }
0x36: {  	s30 =	sshra.s32 s30, $0x2;
	[sflag:s19] =	ssyncset.done $0x0  }
0x37: {  	s31 =	sadd.s32 $0x1400, s30;
	[sflag:s19] =	ssyncadd.s32 $0xFFFFC000  }
0x38: {  	[spmem:s1] =	stream.indirect.scatter.add.f32 [tilespmem:s17], [sflag:$0x3], $0x80, s31, s16, $0xb8;
	[tilespmem:$0x1E800] =	vst v63  }
0x39: {  	_ =	swait.ge [sflag:s14], $0x4000  }
0x3a: {  	[sflag:s14] =	ssyncset.done $0x0  }
0x3b: {  	s31 =	sadd.s32 $0x100, s30;
	[sflag:s14] =	ssyncadd.s32 $0xFFFFC000  }
0x3c: {  	[tilespmem:s17], [sflag:$0x1] =	stream.indirect.gather [hbm4b:s4+s16], $0x80, s31, s16, $0xb8;
	[tilespmem:$0x1E800] =	vst v63  }
0x3d: {  	_ =	swait.ge [sflag:s20], $0x4000  }
0x3e: {  	[sflag:s20] =	ssyncset.done $0x0  }
.Ltmp0:
0x3f: {  	s31 =	sadd.s32 $0x1480, s30;
	[sflag:s20] =	ssyncadd.s32 $0xFFFFC000;
	(pc) =	sbr.rel @p0 .LBB2_2-.Ltmp0, $4  }
0x40: {  	[spmem:s1] =	stream.indirect.scatter.add.f32 [tilespmem:s18], [sflag:$0x3], $0x80, s31, s16, $0xb8;
	[tilespmem:$0x1E800] =	vst v63  }
0x41: {  	_ =	swait.ge [sflag:s14], $0x4000  }
0x42: {  	[sflag:s14] =	ssyncset.done $0x0  }
0x43: {  	s30 =	sadd.s32 $0x180, s30;
	[sflag:s14] =	ssyncadd.s32 $0xFFFFC000  }
0x44: {  	[tilespmem:s18], [sflag:$0x2] =	stream.indirect.gather [hbm4b:s4+s16], $0x80, s30, s16, $0xb8;
	[tilespmem:$0x1E800] =	vst v63  }
0x45: {  	_ =	swait.ge [sflag:s19], $0x4000  }
0x46: {  	[sflag:s19] =	ssyncset.done $0x0  }
0x47: {  	[sflag:s19] =	ssyncadd.s32 $0xFFFFC000  }
0x48: {  	[spmem:s1] =	stream.indirect.scatter.add.f32 [tilespmem:s17], [sflag:$0x3], $0x80, s21, s16, $0xb8;
	[tilespmem:$0x1E800] =	vst v63  }
0x49: {  	_ =	swait.ge [sflag:s14], $0x4000  }
0x4a: {  	[sflag:s14] =	ssyncset.done $0x0  }
0x4b: {  	[sflag:s14] =	ssyncadd.s32 $0xFFFFC000  }
0x4c: {  	[tilespmem:s17], [sflag:$0x1] =	stream.indirect.gather [hbm4b:s4+s16], $0x80, s22, s16, $0xb8;
	[tilespmem:$0x1E800] =	vst v63  }
0x4d: {  	_ =	swait.ge [sflag:s20], $0x4000  }
0x4e: {  	[sflag:s20] =	ssyncset.done $0x0  }
0x4f: {  	[sflag:s20] =	ssyncadd.s32 $0xFFFFC000  }
0x50: {  	[spmem:s1] =	stream.indirect.scatter.add.f32 [tilespmem:s18], [sflag:$0x3], $0x80, s23, s16, $0xb8;
	[tilespmem:$0x1E800] =	vst v63  }
0x51: {  	_ =	swait.ge [sflag:s14], $0x4000  }
0x52: {  	[sflag:s14] =	ssyncset.done $0x0  }
0x53: {  	[sflag:s14] =	ssyncadd.s32 $0xFFFFC000  }
0x54: {  	[tilespmem:s18], [sflag:$0x2] =	stream.indirect.gather [hbm4b:s4+s16], $0x80, s24, s16, $0xb8;
	[tilespmem:$0x1E800] =	vst v63  }
0x55: {  	_ =	swait.ge [sflag:s19], $0x4000  }
0x56: {  	[sflag:s19] =	ssyncset.done $0x0  }
0x57: {  	[sflag:s19] =	ssyncadd.s32 $0xFFFFC000  }
0x58: {  	[spmem:s1] =	stream.indirect.scatter.add.f32 [tilespmem:s17], [sflag:$0x3], $0x80, s25, s16, $0xb8;
	[tilespmem:$0x1E800] =	vst v63  }
0x59: {  	_ =	swait.ge [sflag:s14], $0x4000  }
0x5a: {  	[sflag:s14] =	ssyncset.done $0x0  }
0x5b: {  	[sflag:s14] =	ssyncadd.s32 $0xFFFFC000  }
0x5c: {  	[tilespmem:s17], [sflag:$0x1] =	stream.indirect.gather [hbm4b:s4+s16], $0x80, s24, s16, $0xb8;
	[tilespmem:$0x1E800] =	vst v63  }
0x5d: {  	_ =	swait.ge [sflag:s20], $0x4000  }
0x5e: {  	[sflag:s20] =	ssyncset.done $0x0  }
0x5f: {  	[sflag:s20] =	ssyncadd.s32 $0xFFFFC000  }
0x60: {  	[spmem:s1] =	stream.indirect.scatter.add.f32 [tilespmem:s18], [sflag:$0x3], $0x80, s26, s16, $0xb8;
	[tilespmem:$0x1E800] =	vst v63  }
0x61: {  	_ =	swait.ge [sflag:s14], $0x4000  }
0x62: {  	[sflag:s14] =	ssyncset.done $0x0  }
0x63: {  	[sflag:s14] =	ssyncadd.s32 $0xFFFFC000  }
0x64: {  	[tilespmem:s18], [sflag:$0x2] =	stream.indirect.gather [hbm4b:s4+s16], $0x80, s24, s16, $0xb8;
	[tilespmem:$0x1E800] =	vst v63  }
0x65: {  	_ =	swait.ge [sflag:s19], $0x4000  }
0x66: {  	[sflag:s19] =	ssyncset.done $0x0  }
0x67: {  	[sflag:s19] =	ssyncadd.s32 $0xFFFFC000  }
0x68: {  	_ =	swait.ge [sflag:s20], $0x4000  }
0x69: {  	[sflag:s20] =	ssyncset.done $0x0  }
0x6a: {  	s29 =	simm.s32 $0x0;
	[sflag:s20] =	ssyncadd.s32 $0xFFFFC000  }
0x6b: {  	[tilespmem:s29], [sflag:$0x3] =	stream.linear.gather [hbm4b:s9+s29], $0x1400, $0x38;
	[tilespmem:$0x1E800] =	vst v63  }
0x6c: {  	_ =	swait.ge [sflag:s14], $0x1400  }
0x6d: {  	[sflag:s14] =	ssyncset.done $0x0  }
0x6e: {  	[sflag:s14] =	ssyncadd.s32 $0xFFFFEC00  }
0x6f: {  	[tilespmem:s15], [sflag:$0x3] =	stream.linear.gather [hbm4b:s10+s29], $0x1400, $0x38;
	[tilespmem:$0x1E800] =	vst v63  }
0x70: {  	_ =	swait.ge [sflag:s14], $0x1400  }
0x71: {  	[sflag:s14] =	ssyncset.done $0x0  }
0x72: {  	[sflag:s14] =	ssyncadd.s32 $0xFFFFEC00  }
0x73: {  	[tilespmem:s17], [sflag:$0x1] =	stream.indirect.gather [hbm4b:s4+s16], $0x80, s29, s16, $0xb8;
	[tilespmem:$0x1E800] =	vst v63  }
0x74: {  	_ = 	snop  }
0x75: {  	[tilespmem:s18], [sflag:$0x2] =	stream.indirect.gather [hbm4b:s4+s16], $0x80, s16, s16, $0xb8;
	[tilespmem:$0x1E800] =	vst v63  }
0x76: {  	_ =	swait.ge [sflag:s19], $0x4000  }
0x77: {  	[sflag:s19] =	ssyncset.done $0x0  }
0x78: {  	s29 =	simm.s32 $0x1400;
	[sflag:s19] =	ssyncadd.s32 $0xFFFFC000  }
0x79: {  	[spmem:s1] =	stream.indirect.scatter.add.f32 [tilespmem:s17], [sflag:$0x3], $0x80, s29, s16, $0xb8;
	[tilespmem:$0x1E800] =	vst v63  }
0x7a: {  	_ =	swait.ge [sflag:s14], $0x4000  }
0x7b: {  	[sflag:s14] =	ssyncset.done $0x0  }
0x7c: {  	s29 =	simm.s32 $0x100;
	[sflag:s14] =	ssyncadd.s32 $0xFFFFC000  }
0x7d: {  	[tilespmem:s17], [sflag:$0x1] =	stream.indirect.gather [hbm4b:s4+s16], $0x80, s29, s16, $0xb8;
	[tilespmem:$0x1E800] =	vst v63  }
0x7e: {  	_ =	swait.ge [sflag:s20], $0x4000  }
0x7f: {  	[sflag:s20] =	ssyncset.done $0x0  }
0x80: {  	s29 =	simm.s32 $0x1480;
	[sflag:s20] =	ssyncadd.s32 $0xFFFFC000  }
0x81: {  	[spmem:s1] =	stream.indirect.scatter.add.f32 [tilespmem:s18], [sflag:$0x3], $0x80, s29, s16, $0xb8;
	[tilespmem:$0x1E800] =	vst v63  }
0x82: {  	_ =	swait.ge [sflag:s14], $0x4000  }
0x83: {  	[sflag:s14] =	ssyncset.done $0x0  }
0x84: {  	s30 =	simm.s32 $0x180;
	s29 =	simm.s32 $0x400;
	[sflag:s14] =	ssyncadd.s32 $0xFFFFC000  }
.LBB2_4:
0x85: {  	[tilespmem:s18], [sflag:$0x2] =	stream.indirect.gather [hbm4b:s4+s16], $0x80, s30, s16, $0xb8;
	[tilespmem:$0x1E800] =	vst v63  }
0x86: {  	s30 =	smov.u32 s29  }
0x87: {  	p0 =	sne.s32 s29, $0x4400;
	s29 =	sadd.s32 $0x400, s29;
	_ =	swait.ge [sflag:s19], $0x4000  }
0x88: {  	s30 =	sshra.s32 s30, $0x2;
	[sflag:s19] =	ssyncset.done $0x0  }
0x89: {  	s31 =	sadd.s32 $0x1400, s30;
	[sflag:s19] =	ssyncadd.s32 $0xFFFFC000  }
0x8a: {  	[spmem:s1] =	stream.indirect.scatter.add.f32 [tilespmem:s17], [sflag:$0x3], $0x80, s31, s16, $0xb8;
	[tilespmem:$0x1E800] =	vst v63  }
0x8b: {  	_ =	swait.ge [sflag:s14], $0x4000  }
0x8c: {  	[sflag:s14] =	ssyncset.done $0x0  }
0x8d: {  	s31 =	sadd.s32 $0x100, s30;
	[sflag:s14] =	ssyncadd.s32 $0xFFFFC000  }
0x8e: {  	[tilespmem:s17], [sflag:$0x1] =	stream.indirect.gather [hbm4b:s4+s16], $0x80, s31, s16, $0xb8;
	[tilespmem:$0x1E800] =	vst v63  }
0x8f: {  	_ =	swait.ge [sflag:s20], $0x4000  }
0x90: {  	[sflag:s20] =	ssyncset.done $0x0  }
.Ltmp1:
0x91: {  	s31 =	sadd.s32 $0x1480, s30;
	[sflag:s20] =	ssyncadd.s32 $0xFFFFC000;
	(pc) =	sbr.rel @p0 .LBB2_4-.Ltmp1, $4  }
0x92: {  	[spmem:s1] =	stream.indirect.scatter.add.f32 [tilespmem:s18], [sflag:$0x3], $0x80, s31, s16, $0xb8;
	[tilespmem:$0x1E800] =	vst v63  }
0x93: {  	_ =	swait.ge [sflag:s14], $0x4000  }
0x94: {  	[sflag:s14] =	ssyncset.done $0x0  }
0x95: {  	s30 =	sadd.s32 $0x180, s30;
	[sflag:s14] =	ssyncadd.s32 $0xFFFFC000  }
0x96: {  	[tilespmem:s18], [sflag:$0x2] =	stream.indirect.gather [hbm4b:s4+s16], $0x80, s30, s16, $0xb8;
	[tilespmem:$0x1E800] =	vst v63  }
0x97: {  	_ =	swait.ge [sflag:s19], $0x4000  }
0x98: {  	[sflag:s19] =	ssyncset.done $0x0  }
0x99: {  	[sflag:s19] =	ssyncadd.s32 $0xFFFFC000  }
0x9a: {  	[spmem:s1] =	stream.indirect.scatter.add.f32 [tilespmem:s17], [sflag:$0x3], $0x80, s21, s16, $0xb8;
	[tilespmem:$0x1E800] =	vst v63  }
0x9b: {  	_ =	swait.ge [sflag:s14], $0x4000  }
0x9c: {  	[sflag:s14] =	ssyncset.done $0x0  }
0x9d: {  	[sflag:s14] =	ssyncadd.s32 $0xFFFFC000  }
0x9e: {  	[tilespmem:s17], [sflag:$0x1] =	stream.indirect.gather [hbm4b:s4+s16], $0x80, s22, s16, $0xb8;
	[tilespmem:$0x1E800] =	vst v63  }
0x9f: {  	_ =	swait.ge [sflag:s20], $0x4000  }
0xa0: {  	[sflag:s20] =	ssyncset.done $0x0  }
0xa1: {  	[sflag:s20] =	ssyncadd.s32 $0xFFFFC000  }
0xa2: {  	[spmem:s1] =	stream.indirect.scatter.add.f32 [tilespmem:s18], [sflag:$0x3], $0x80, s23, s16, $0xb8;
	[tilespmem:$0x1E800] =	vst v63  }
0xa3: {  	_ =	swait.ge [sflag:s14], $0x4000  }
0xa4: {  	[sflag:s14] =	ssyncset.done $0x0  }
0xa5: {  	[sflag:s14] =	ssyncadd.s32 $0xFFFFC000  }
0xa6: {  	[tilespmem:s18], [sflag:$0x2] =	stream.indirect.gather [hbm4b:s4+s16], $0x80, s24, s16, $0xb8;
	[tilespmem:$0x1E800] =	vst v63  }
0xa7: {  	_ =	swait.ge [sflag:s19], $0x4000  }
0xa8: {  	[sflag:s19] =	ssyncset.done $0x0  }
0xa9: {  	[sflag:s19] =	ssyncadd.s32 $0xFFFFC000  }
0xaa: {  	[spmem:s1] =	stream.indirect.scatter.add.f32 [tilespmem:s17], [sflag:$0x3], $0x80, s25, s16, $0xb8;
	[tilespmem:$0x1E800] =	vst v63  }
0xab: {  	_ =	swait.ge [sflag:s14], $0x4000  }
0xac: {  	[sflag:s14] =	ssyncset.done $0x0  }
0xad: {  	[sflag:s14] =	ssyncadd.s32 $0xFFFFC000  }
0xae: {  	[tilespmem:s17], [sflag:$0x1] =	stream.indirect.gather [hbm4b:s4+s16], $0x80, s24, s16, $0xb8;
	[tilespmem:$0x1E800] =	vst v63  }
0xaf: {  	_ =	swait.ge [sflag:s20], $0x4000  }
0xb0: {  	[sflag:s20] =	ssyncset.done $0x0  }
0xb1: {  	[sflag:s20] =	ssyncadd.s32 $0xFFFFC000  }
0xb2: {  	[spmem:s1] =	stream.indirect.scatter.add.f32 [tilespmem:s18], [sflag:$0x3], $0x80, s26, s16, $0xb8;
	[tilespmem:$0x1E800] =	vst v63  }
0xb3: {  	_ =	swait.ge [sflag:s14], $0x4000  }
0xb4: {  	[sflag:s14] =	ssyncset.done $0x0  }
0xb5: {  	[sflag:s14] =	ssyncadd.s32 $0xFFFFC000  }
0xb6: {  	[tilespmem:s18], [sflag:$0x2] =	stream.indirect.gather [hbm4b:s4+s16], $0x80, s24, s16, $0xb8;
	[tilespmem:$0x1E800] =	vst v63  }
0xb7: {  	_ =	swait.ge [sflag:s19], $0x4000  }
0xb8: {  	[sflag:s19] =	ssyncset.done $0x0  }
0xb9: {  	[sflag:s19] =	ssyncadd.s32 $0xFFFFC000  }
0xba: {  	_ =	swait.ge [sflag:s20], $0x4000  }
0xbb: {  	s28 =	sadd.s32 $0x1, s28;
	[sflag:s20] =	ssyncset.done $0x0  }
0xbc: {  	p0 =	sne.s32 s28, s12;
	[sflag:s20] =	ssyncadd.s32 $0xFFFFC000  }
.Ltmp2:
0xbd: {  	[bflag:$0x0] =	sbarrier.arrive $0xFFFF;
	(pc) =	sbr.rel @p0 .LBB2_1-.Ltmp2, $4  }
0xbe: {  	[hbm:s11], [sflag:s6] =	dma.local [spmem:s13], $0x2800  }
0xbf: {  	_ =	swait.ge [sflag:s14], $0x2800  }
0xc0: {  	[sflag:s14] =	ssyncset.done $0x0  }
0xc1: {  	[sflag:s14] =	ssyncadd.s32 $0xFFFFD800  }
0xc2: {  	_ =	sfence.sel $0x180000  }
0xc3: {  	[bflag:$0x0] =	sbarrier.arrive $0xFFFF  }
0xc4: {  	p0 =	sne.s32 s2, $0x0;
	_ =	strace $0x90000050  }
0xc5: {  	s0 =	sadd.s32 @!p0 $0x100000, s0;
	[bflag:$0x2] =	sbarrier.arrive $0xFFFF  }
0xc6: {  	[sflag:s0] =	ssyncadd.tile.s32 @!p0 $0x1;
	_ =	shalt  }
.Lfunc_end2:
_tile_overlayer_lowered:
.L_overlay_start_2:
0xc7: {  	(tag) =	ssettag $0x2  }
0xc8: {  	s0 =	rddreg [dreg:$0x0];
	s2 =	stileid.u32  }
0xc9: {  	s1 =	rddreg [dreg:$0x1];
	p0 =	sne.s32 s2, $0x0  }
0xca: {  	s3 =	rddreg [dreg:$0x2];
	[bflag:$0x3] =	sbarrier.arrive $0xFFFF;
	s2 =	simm.s32 @!p0 $0x1C03  }
0xcb: {  	[timem:s3], [sflag:s2] =	dma.local @!p0 [hbm:s0], s1  }
0xcc: {  	s0 =	simm.s32 @!p0 $0x3  }
0xcd: {  	_ =	swait.ge @!p0 [sflag:s0], s1  }
0xce: {  	s1 =	ssub.s32 @!p0 $0x0, s1;
	[sflag:s0] =	ssyncset.done @!p0 $0x0  }
0xcf: {  	[sflag:s0] =	ssyncadd.s32 @!p0 s1  }
0xd0: {  	[bflag:$0x3] =	sbarrier.arrive $0xFFFF  }
0xd1: {  	_ =	shalt  }

// kernel: kernel.29.cloned.1.call-start
scs
__scs_entry_jumppad:
0x0: {  	(pc) =	sbr.rel $0x88, $3  }
0x1: {  	(tag) =	ssettag $0x0;
	lr =	simm.s32 $0x1  }
0x2: {  	[smem:$0x3F98] =	sst lr;
	_ =	strace $0xD0000000  }
0x3: {  	_ = 	snop  }
0x4: {  	_ = 	snop  }
0x5: {  	_ = 	snop  }
0x6: {  	_ = 	snop  }
0x7: {  	_ = 	snop  }
__scs_overlays_trampoline_lowered:
0x8: {  	[smem:$0x3FA7] =	sst s0  }
0x9: {  	[smem:$0x3FA8] =	sst s1  }
0xa: {  	[smem:$0x3FA9] =	sst s2  }
0xb: {  	[smem:$0x3FAA] =	sst s3  }
0xc: {  	[smem:$0x3FAB] =	sst s4  }
0xd: {  	[smem:$0x3FAC] =	sst s5  }
0xe: {  	[smem:$0x3FAD] =	sst s6  }
0xf: {  	[smem:$0x3FAE] =	sst s7  }
0x10: {  	[smem:$0x3FAF] =	sst s8  }
0x11: {  	[smem:$0x3FB0] =	sst s9;
	s0 =	simm.s32 @!p0 $0x0  }
0x12: {  	s1 =	sld [smem:$0x3F96];
	s0 =	simm.s32 @p0 $0x1  }
0x13: {  	[smem:$0x3FB1] =	sst s0;
	s0 =	simm.s32 @!p1 $0x0  }
0x14: {  	s2 =	sld [smem:$0x3F95];
	s0 =	simm.s32 @p1 $0x1  }
0x15: {  	[smem:$0x3FB2] =	sst s0;
	s0 =	simm.s32 @!p2 $0x0  }
0x16: {  	s3 =	sld [smem:$0x3FDB];
	s0 =	simm.s32 @p2 $0x1  }
0x17: {  	s4 =	simm.s32 $0x1BF5;
	[smem:$0x3FB4] =	sst s0  }
0x18: {  	s0 =	sld [smem:$0x3F97];
	_ =	swait.ge [sflag:s4], $0x0  }
0x19: {  	s7 =	sld [smem:$0x3F98]  }
0x1a: {  	s8 =	sadd.s32 $0xFFFFE003, lr  }
0x1b: {  	s9 =	sadd.s32 $0xFFFFFEF7, lr;
	s5 =	simm.s32 $0xFFFFFFFF;
	p2 =	slt.u32 s8, $0xFFFFF086  }
0x1c: {  	p1 =	slt.u32 s9, $0xF7A;
	s5 =	simm.s32 @!p2 $0x0  }
0x1d: {  	s5 =	simm.s32 @p1 $0x1;
	p0 =	seq.s32 s7, s2  }
0x1e: {  	s7 =	smul.u32 @!p0 $0xF7A, s2;
	p2 =	seq.s32 @!p0 s5, $0x0  }
0x1f: {  	s9 =	smul.u32 $0xF7A, s1;
	s8 =	simm.s32 @!p0 $0x1BF5;
	p2 =	por !p2, p0  }
0x20: {  	[sflag:s8] =	ssyncset.s32 @!p0 $0xFFFFF086;
	s6 =	sadd.s32 @!p0 s3, s7;
	s7 =	simm.s32 @!p0 $0x108  }
0x21: {  	s3 =	sadd.s32 s3, s9;
	s6 =	sadd.s32 @!p0 $0x88, s6;
	s7 =	simm.s32 @p2 $0x1082  }
0x22: {  	[simem:s7], [sflag:s8] =	dma.local @!p0 [hbm:s6], $0xF7A  }
0x23: {  	s9 =	sor.u32 $0xD0000000, s2;
	s6 =	simm.s32 $0x108;
	_ =	swait.ge @!p0 [sflag:s8], $0x0  }
0x24: {  	s3 =	sadd.s32 $0x88, s3;
	s6 =	simm.s32 @!p1 $0x1082;
	[sflag:s4] =	ssyncset.s32 $0xFFFFF086  }
0x25: {  	[simem:s6], [sflag:s4] =	dma.local [hbm:s3], $0xF7A  }
0x26: {  	[smem:$0x3F98] =	sst s1;
	(tag) =	ssettag s2;
	_ =	strace s9  }
0x27: {  	s1 =	sld [smem:$0x3FA8]  }
0x28: {  	s2 =	sld [smem:$0x3FA9]  }
0x29: {  	s4 =	sld [smem:$0x3FAB]  }
0x2a: {  	p0 =	seq.s32 s5, $0x0;
	s5 =	sld [smem:$0x3FAC]  }
0x2b: {  	s6 =	sld [smem:$0x3FAD]  }
0x2c: {  	s7 =	sld [smem:$0x3FAE]  }
0x2d: {  	s3 =	simm.s32 $0x108;
	s8 =	sld [smem:$0x3FAF]  }
0x2e: {  	s3 =	simm.s32 @!p0 $0x1082;
	s9 =	sld [smem:$0x3FB0]  }
0x2f: {  	lr =	sadd.s32 s0, s3;
	s0 =	sld [smem:$0x3FA7]  }
0x30: {  	s3 =	sld [smem:$0x3FAA]  }
0x31: {  	[smem:$0x3FB3] =	sst s10  }
0x32: {  	s10 =	sld [smem:$0x3FB1];
	_ =	sdelay $0x3  }
0x33: {  	p0 =	seq.s32 s10, $0x1;
	s10 =	sld [smem:$0x3FB3];
	_ =	sdelay $0x3  }
0x34: {  	[smem:$0x3FB3] =	sst s10  }
0x35: {  	s10 =	sld [smem:$0x3FB2];
	_ =	sdelay $0x3  }
0x36: {  	p1 =	seq.s32 s10, $0x1;
	s10 =	sld [smem:$0x3FB3];
	_ =	sdelay $0x3  }
0x37: {  	[smem:$0x3FB3] =	sst s10  }
0x38: {  	s10 =	sld [smem:$0x3FB4]  }
0x39: {  	_ = 	snop;
	(pc) =	sbr.ind lr, $3  }
0x3a: {  	_ = 	snop  }
0x3b: {  	_ = 	snop  }
0x3c: {  	p2 =	seq.s32 s10, $0x1;
	s10 =	sld [smem:$0x3FB3]  }
0x3d: {  	_ =	shalt  }
0x3e: {  	_ =	shalt  }
0x3f: {  	_ =	shalt  }
0x40: {  	_ =	shalt  }
0x41: {  	_ =	shalt  }
0x42: {  	_ =	shalt  }
0x43: {  	_ =	shalt  }
0x44: {  	_ =	shalt  }
0x45: {  	_ =	shalt  }
0x46: {  	_ =	shalt  }
0x47: {  	_ =	shalt  }
0x48: {  	_ =	shalt  }
0x49: {  	_ =	shalt  }
0x4a: {  	_ =	shalt  }
0x4b: {  	_ =	shalt  }
0x4c: {  	_ =	shalt  }
0x4d: {  	_ =	shalt  }
0x4e: {  	_ =	shalt  }
0x4f: {  	_ =	shalt  }
0x50: {  	_ =	shalt  }
0x51: {  	_ =	shalt  }
0x52: {  	_ =	shalt  }
0x53: {  	_ =	shalt  }
0x54: {  	_ =	shalt  }
0x55: {  	_ =	shalt  }
0x56: {  	_ =	shalt  }
0x57: {  	_ =	shalt  }
0x58: {  	_ =	shalt  }
0x59: {  	_ =	shalt  }
0x5a: {  	_ =	shalt  }
0x5b: {  	_ =	shalt  }
0x5c: {  	_ =	shalt  }
0x5d: {  	_ =	shalt  }
0x5e: {  	_ =	shalt  }
0x5f: {  	_ =	shalt  }
0x60: {  	_ =	shalt  }
0x61: {  	_ =	shalt  }
0x62: {  	_ =	shalt  }
0x63: {  	_ =	shalt  }
0x64: {  	_ =	shalt  }
0x65: {  	_ =	shalt  }
0x66: {  	_ =	shalt  }
0x67: {  	_ =	shalt  }
0x68: {  	_ =	shalt  }
0x69: {  	_ =	shalt  }
0x6a: {  	_ =	shalt  }
0x6b: {  	_ =	shalt  }
0x6c: {  	_ =	shalt  }
0x6d: {  	_ =	shalt  }
0x6e: {  	_ =	shalt  }
0x6f: {  	_ =	shalt  }
0x70: {  	_ =	shalt  }
0x71: {  	_ =	shalt  }
0x72: {  	_ =	shalt  }
0x73: {  	_ =	shalt  }
0x74: {  	_ =	shalt  }
0x75: {  	_ =	shalt  }
0x76: {  	_ =	shalt  }
0x77: {  	_ =	shalt  }
0x78: {  	_ =	shalt  }
0x79: {  	_ =	shalt  }
0x7a: {  	_ =	shalt  }
0x7b: {  	_ =	shalt  }
0x7c: {  	_ =	shalt  }
0x7d: {  	_ =	shalt  }
0x7e: {  	_ =	shalt  }
0x7f: {  	_ =	shalt  }
0x80: {  	_ =	shalt  }
0x81: {  	_ =	shalt  }
0x82: {  	_ =	shalt  }
0x83: {  	_ =	shalt  }
0x84: {  	_ =	shalt  }
0x85: {  	_ =	shalt  }
0x86: {  	_ =	shalt  }
0x87: {  	_ =	shalt  }
.Lfunc_end0:
.L_simem_size_0:
called_computation.4_lowered:
.L_overlay_start_0:
0x88: {  	s2 =	sld [smem:$0x3FD9]  }
0x89: {  	s3 =	sld [smem:$0x3FFE];
	_ =	sdelay $0x1  }
0x8a: {  	s1 =	srdreg.scid  }
0x8b: {  	s0 =	sand.u32 $0x1, s1  }
0x8c: {  	s16 =	sshll.u32 s0, $0xA;
	s2 =	sadd.s32 s3, s2  }
0x8d: {  	s2 =	sadd.s32 s2, s16  }
0x8e: {  	[smem:$0x3FBF] =	sst s2  }
0x8f: {  	_ = 	snop  }
0x90: {  	(tm) =	ssettm $0x1  }
0x91: {  	s17 =	sld [smem:$0x3FFB];
	_ =	sdelay $0x3  }
0x92: {  	_ =	strace s17  }
0x93: {  	s2 =	sld [smem:$0x3FFC];
	_ =	sdelay $0x3  }
0x94: {  	_ =	strace s2  }
0x95: {  	s2 =	sld [smem:$0x3FFD];
	_ =	sdelay $0x3  }
0x96: {  	_ =	strace s2  }
0x97: {  	_ =	strace $0x8FFFFFFF  }
0x98: {  	s18 =	sld [smem:$0x3FDB];
	_ =	sdelay $0x1  }
0x99: {  	s19 =	simm.s32 $_scs_section_size  }
0x9a: {  	s4 =	simm.s32 $_size__tile_overlayer_lowered;
	s5 =	simm.s32 $_tile_overlayer_lowered  }
0x9b: {  	s22 =	simm.s32 $0x1BFF;
	s21 =	sshll.u32 s5, $0x1;
	s2 =	sadd.s32 s19, s18  }
0x9c: {  	s6 =	simm.s32 $0x0;
	s20 =	sshll.u32 s4, $0x1;
	s4 =	sadd.s32 s21, s2  }
0x9d: {  	[timem:s6], [sflag:s22] =	dma.local [hbm:s4], s20  }
0x9e: {  	_ =	swait.ge [sflag:s22], s20  }
0x9f: {  	s3 =	ssub.s32 $0x0, s20;
	[sflag:s22] =	ssyncset.done $0x0  }
0xa0: {  	[sflag:s22] =	ssyncadd.s32 s3;
	_ =	sdelay $0x1  }
0xa1: {  	s23 =	simm.s32 $0x1B8B  }
0xa2: {  	_ =	swait.ge [sflag:s23], $0x1  }
0xa3: {  	[sflag:s23] =	ssyncset.done $0x0  }
0xa4: {  	s25 =	simm.s32 $0x1B8E;
	s24 =	sld [smem:$0x3FFE];
	[sflag:s23] =	ssyncadd.s32 $0xFFFFFFFF  }
0xa5: {  	s26 =	simm.s32 $execute0_lowered;
	[smem:$0x3FD2] =	sst s25  }
0xa6: {  	s4 =	sshll.u32 s26, $0x1;
	_ =	strace $0x80000052;
	[dreg:$0x1] =	wrdreg $0xFFFFFFFF  }
0xa7: {  	s28 =	simm.s32 $_size_execute0_lowered;
	s2 =	sadd.s32 s2, s4;
	[dreg:$0x0] =	wrdreg $0x0  }
0xa8: {  	s4 =	sshll.u32 s28, $0x1;
	[dreg:$0x2] =	wrdreg s2  }
0xa9: {  	[dreg:$0x3] =	wrdreg s4  }
0xaa: {  	[dreg:$0x4] =	wrdreg $0xC0  }
0xab: {  	_ =	task [dreg:s6], $0x5FFFF  }
0xac: {  	[dreg:$0x1] =	wrdreg $0xFFFFFFFF  }
0xad: {  	[dreg:$0x0] =	wrdreg $0x60  }
0xae: {  	[dreg:$0x2] =	wrdreg s24  }
0xaf: {  	[dreg:$0x3] =	wrdreg $0xA8000  }
0xb0: {  	[dreg:$0x4] =	wrdreg $0x9  }
0xb1: {  	_ =	task.clear_ibuf [dreg:s6], $0x5FFFF;
	_ =	strace $0x90000052  }
0xb2: {  	s29 =	simm.s32 $0x9;
	_ =	strace $0x80000054  }
0xb3: {  	_ =	swait.ge [sflag:s29], $0x1  }
0xb4: {  	[sflag:s29] =	ssyncadd.s32 $0xFFFFFFFF  }
0xb5: {  	_ =	strace $0x90000054  }
0xb6: {  	_ =	sfence  }
0xb7: {  	s30 =	sld [smem:$0x0];
	_ =	sdelay $0x2  }
0xb8: {  	s31 =	sshll.u32 s1, $0xD;
	s1 =	sshrl.u32 s1, $0x2  }
0xb9: {  	s3 =	sand.u32 $0x4000, s31;
	s1 =	sadd.s32 s1, s30  }
0xba: {  	s0 =	sor.u32 s3, s0;
	s1 =	sshll.u32 s1, $0x11  }
0xbb: {  	s0 =	sor.u32 s1, s0  }
0xbc: {  	s0 =	sadd.s32 $0x8F2B, s0  }
0xbd: {  	[sflag:s0] =	ssyncadd.remote.s32 $0x1  }
0xbe: {  	_ =	sfence.sel $0xFFFF  }
0xbf: {  	[dreg:$0x0] =	wrdreg $0xFFFFFFFF;
	(pc) =	sbr.abs _section_cstart, $3  }
0xc0: {  	[dreg:$0x1] =	wrdreg $0xFFFFFFFF  }
0xc1: {  	_ =	task.clear_ibuf [dreg:s6], $0x2FFFF;
	_ =	strace $0x9FFFFFFF  }
0xc2: {  	(tm) =	ssettm $0x7FFFFFFF  }
0xc3: {  	_ =	shalt  }
tec
execute0_lowered:
.L_overlay_start_1:
0x0: {  	(tag) =	ssettag $0x1  }
0x1: {  	s6 =	rddreg [dreg:$0x0]  }
0x2: {  	s1 =	rddreg [dreg:$0x1]  }
0x3: {  	s2 =	srdreg.scid;
	s0 =	rddreg [dreg:$0x2]  }
0x4: {  	s3 =	simm.s32 $0x0;
	s15 =	simm.s32 $0x1400;
	s16 =	simm.s32 $0x80  }
0x5: {  	s17 =	simm.s32 $0x2800;
	s18 =	simm.s32 $0x6800;
	s19 =	simm.s32 $0x1  }
0x6: {  	s20 =	simm.s32 $0x2;
	s21 =	simm.s32 $0x2600;
	s28 =	simm.s32 $0x0  }
0x7: {  	s5 =	sand.u32 $0x1, s2;
	s2 =	stileid.u32;
	[smem:$0x7FF] =	sst s3  }
0x8: {  	s4 =	sadd.s32 $0x10400, s6;
	s9 =	sadd.s32 $0x60C00, s6;
	s7 =	smul.u32 $0x140000, s5  }
0x9: {  	s10 =	sadd.s32 $0x3C00, s6;
	s8 =	smul.u32 $0x14000, s2;
	_ =	strace $0x80000053  }
0xa: {  	s22 =	sshll.u32 s5, $0x4;
	s11 =	ssub.s32 $0x2, s5;
	s24 =	smul.u32 $0x50000, s2  }
0xb: {  	s5 =	sadd.s32 $0xDC00, s6;
	s26 =	sshll.u32 s2, $0x6;
	s23 =	sor.u32 s2, s22  }
0xc: {  	s12 =	sshrl.u32 s11, $0x1;
	s22 =	simm.s32 $0x1300;
	s7 =	sadd.s32 s8, s7  }
0xd: {  	s13 =	smul.u32 $0x2800, s23;
	s12 =	ssub.s32 s11, s12;
	s25 =	sshrl.u32 s24, $0x2  }
0xe: {  	s23 =	simm.s32 $0x2680;
	s24 =	simm.s32 $0x1380;
	s7 =	sshrl.u32 s7, $0x3  }
0xf: {  	s30 =	sadd.s32 s25, s1;
	s12 =	smax.u32 s12, $0x1;
	s25 =	simm.s32 $0x2700  }
0x10: {  	s14 =	sadd.s32 s7, s6;
	s29 =	sshrl.u32 s13, $0x3;
	s6 =	sor.u32 $0x1C03, s26  }
0x11: {  	s13 =	sshrl.u32 s30, $0x3;
	s26 =	simm.s32 $0x2780;
	s31 =	sadd.s32 $0x280, s29  }
0x12: {  	s7 =	sadd.s32 s9, s29;
	s8 =	sadd.s32 s10, s29;
	s11 =	sadd.s32 $0x6AC00, s14  }
0x13: {  	s14 =	simm.s32 $0x3;
	s9 =	sadd.s32 s9, s31;
	s10 =	sadd.s32 s10, s31  }
.LBB2_1:
0x14: {  	[spmem:s13], [sflag:s6] =	dma.local [hbm:s5], $0x2800  }
0x15: {  	_ =	swait.ge [sflag:s14], $0x2800  }
0x16: {  	[sflag:s14] =	ssyncset.done $0x0  }
0x17: {  	[sflag:s14] =	ssyncadd.s32 $0xFFFFD800  }
0x18: {  	[bflag:$0x0] =	sbarrier.arrive $0xFFFF  }
0x19: {  	[tilespmem:s3], [sflag:$0x3] =	stream.linear.gather [hbm4b:s7+s3], $0x1400, $0x38;
	[tilespmem:$0x1E800] =	vst v63  }
0x1a: {  	_ =	swait.ge [sflag:s14], $0x1400  }
0x1b: {  	[sflag:s14] =	ssyncset.done $0x0  }
0x1c: {  	[sflag:s14] =	ssyncadd.s32 $0xFFFFEC00  }
0x1d: {  	[tilespmem:s15], [sflag:$0x3] =	stream.linear.gather [hbm4b:s8+s3], $0x1400, $0x38;
	[tilespmem:$0x1E800] =	vst v63  }
0x1e: {  	_ =	swait.ge [sflag:s14], $0x1400  }
0x1f: {  	[sflag:s14] =	ssyncset.done $0x0  }
0x20: {  	[sflag:s14] =	ssyncadd.s32 $0xFFFFEC00  }
0x21: {  	[tilespmem:s17], [sflag:$0x1] =	stream.indirect.gather [hbm4b:s4+s16], $0x80, s3, s16, $0xb8;
	[tilespmem:$0x1E800] =	vst v63  }
0x22: {  	_ = 	snop  }
0x23: {  	[tilespmem:s18], [sflag:$0x2] =	stream.indirect.gather [hbm4b:s4+s16], $0x80, s16, s16, $0xb8;
	[tilespmem:$0x1E800] =	vst v63  }
0x24: {  	_ =	swait.ge [sflag:s19], $0x4000  }
0x25: {  	[sflag:s19] =	ssyncset.done $0x0  }
0x26: {  	s29 =	simm.s32 $0x1400;
	[sflag:s19] =	ssyncadd.s32 $0xFFFFC000  }
0x27: {  	[spmem:s1] =	stream.indirect.scatter.add.f32 [tilespmem:s17], [sflag:$0x3], $0x80, s29, s16, $0xb8;
	[tilespmem:$0x1E800] =	vst v63  }
0x28: {  	_ =	swait.ge [sflag:s14], $0x4000  }
0x29: {  	[sflag:s14] =	ssyncset.done $0x0  }
0x2a: {  	s29 =	simm.s32 $0x100;
	[sflag:s14] =	ssyncadd.s32 $0xFFFFC000  }
0x2b: {  	[tilespmem:s17], [sflag:$0x1] =	stream.indirect.gather [hbm4b:s4+s16], $0x80, s29, s16, $0xb8;
	[tilespmem:$0x1E800] =	vst v63  }
0x2c: {  	_ =	swait.ge [sflag:s20], $0x4000  }
0x2d: {  	[sflag:s20] =	ssyncset.done $0x0  }
0x2e: {  	s29 =	simm.s32 $0x1480;
	[sflag:s20] =	ssyncadd.s32 $0xFFFFC000  }
0x2f: {  	[spmem:s1] =	stream.indirect.scatter.add.f32 [tilespmem:s18], [sflag:$0x3], $0x80, s29, s16, $0xb8;
	[tilespmem:$0x1E800] =	vst v63  }
0x30: {  	_ =	swait.ge [sflag:s14], $0x4000  }
0x31: {  	[sflag:s14] =	ssyncset.done $0x0  }
0x32: {  	s30 =	simm.s32 $0x180;
	s29 =	simm.s32 $0x400;
	[sflag:s14] =	ssyncadd.s32 $0xFFFFC000  }
.LBB2_2:
0x33: {  	[tilespmem:s18], [sflag:$0x2] =	stream.indirect.gather [hbm4b:s4+s16], $0x80, s30, s16, $0xb8;
	[tilespmem:$0x1E800] =	vst v63  }
0x34: {  	s30 =	smov.u32 s29  }
0x35: {  	p0 =	sne.s32 s29, $0x4400;
	s29 =	sadd.s32 $0x400, s29;
	_ =	swait.ge [sflag:s19], $0x4000  }
0x36: {  	s30 =	sshra.s32 s30, $0x2;
	[sflag:s19] =	ssyncset.done $0x0  }
0x37: {  	s31 =	sadd.s32 $0x1400, s30;
	[sflag:s19] =	ssyncadd.s32 $0xFFFFC000  }
0x38: {  	[spmem:s1] =	stream.indirect.scatter.add.f32 [tilespmem:s17], [sflag:$0x3], $0x80, s31, s16, $0xb8;
	[tilespmem:$0x1E800] =	vst v63  }
0x39: {  	_ =	swait.ge [sflag:s14], $0x4000  }
0x3a: {  	[sflag:s14] =	ssyncset.done $0x0  }
0x3b: {  	s31 =	sadd.s32 $0x100, s30;
	[sflag:s14] =	ssyncadd.s32 $0xFFFFC000  }
0x3c: {  	[tilespmem:s17], [sflag:$0x1] =	stream.indirect.gather [hbm4b:s4+s16], $0x80, s31, s16, $0xb8;
	[tilespmem:$0x1E800] =	vst v63  }
0x3d: {  	_ =	swait.ge [sflag:s20], $0x4000  }
0x3e: {  	[sflag:s20] =	ssyncset.done $0x0  }
.Ltmp0:
0x3f: {  	s31 =	sadd.s32 $0x1480, s30;
	[sflag:s20] =	ssyncadd.s32 $0xFFFFC000;
	(pc) =	sbr.rel @p0 .LBB2_2-.Ltmp0, $4  }
0x40: {  	[spmem:s1] =	stream.indirect.scatter.add.f32 [tilespmem:s18], [sflag:$0x3], $0x80, s31, s16, $0xb8;
	[tilespmem:$0x1E800] =	vst v63  }
0x41: {  	_ =	swait.ge [sflag:s14], $0x4000  }
0x42: {  	[sflag:s14] =	ssyncset.done $0x0  }
0x43: {  	s30 =	sadd.s32 $0x180, s30;
	[sflag:s14] =	ssyncadd.s32 $0xFFFFC000  }
0x44: {  	[tilespmem:s18], [sflag:$0x2] =	stream.indirect.gather [hbm4b:s4+s16], $0x80, s30, s16, $0xb8;
	[tilespmem:$0x1E800] =	vst v63  }
0x45: {  	_ =	swait.ge [sflag:s19], $0x4000  }
0x46: {  	[sflag:s19] =	ssyncset.done $0x0  }
0x47: {  	[sflag:s19] =	ssyncadd.s32 $0xFFFFC000  }
0x48: {  	[spmem:s1] =	stream.indirect.scatter.add.f32 [tilespmem:s17], [sflag:$0x3], $0x80, s21, s16, $0xb8;
	[tilespmem:$0x1E800] =	vst v63  }
0x49: {  	_ =	swait.ge [sflag:s14], $0x4000  }
0x4a: {  	[sflag:s14] =	ssyncset.done $0x0  }
0x4b: {  	[sflag:s14] =	ssyncadd.s32 $0xFFFFC000  }
0x4c: {  	[tilespmem:s17], [sflag:$0x1] =	stream.indirect.gather [hbm4b:s4+s16], $0x80, s22, s16, $0xb8;
	[tilespmem:$0x1E800] =	vst v63  }
0x4d: {  	_ =	swait.ge [sflag:s20], $0x4000  }
0x4e: {  	[sflag:s20] =	ssyncset.done $0x0  }
0x4f: {  	[sflag:s20] =	ssyncadd.s32 $0xFFFFC000  }
0x50: {  	[spmem:s1] =	stream.indirect.scatter.add.f32 [tilespmem:s18], [sflag:$0x3], $0x80, s23, s16, $0xb8;
	[tilespmem:$0x1E800] =	vst v63  }
0x51: {  	_ =	swait.ge [sflag:s14], $0x4000  }
0x52: {  	[sflag:s14] =	ssyncset.done $0x0  }
0x53: {  	[sflag:s14] =	ssyncadd.s32 $0xFFFFC000  }
0x54: {  	[tilespmem:s18], [sflag:$0x2] =	stream.indirect.gather [hbm4b:s4+s16], $0x80, s24, s16, $0xb8;
	[tilespmem:$0x1E800] =	vst v63  }
0x55: {  	_ =	swait.ge [sflag:s19], $0x4000  }
0x56: {  	[sflag:s19] =	ssyncset.done $0x0  }
0x57: {  	[sflag:s19] =	ssyncadd.s32 $0xFFFFC000  }
0x58: {  	[spmem:s1] =	stream.indirect.scatter.add.f32 [tilespmem:s17], [sflag:$0x3], $0x80, s25, s16, $0xb8;
	[tilespmem:$0x1E800] =	vst v63  }
0x59: {  	_ =	swait.ge [sflag:s14], $0x4000  }
0x5a: {  	[sflag:s14] =	ssyncset.done $0x0  }
0x5b: {  	[sflag:s14] =	ssyncadd.s32 $0xFFFFC000  }
0x5c: {  	[tilespmem:s17], [sflag:$0x1] =	stream.indirect.gather [hbm4b:s4+s16], $0x80, s24, s16, $0xb8;
	[tilespmem:$0x1E800] =	vst v63  }
0x5d: {  	_ =	swait.ge [sflag:s20], $0x4000  }
0x5e: {  	[sflag:s20] =	ssyncset.done $0x0  }
0x5f: {  	[sflag:s20] =	ssyncadd.s32 $0xFFFFC000  }
0x60: {  	[spmem:s1] =	stream.indirect.scatter.add.f32 [tilespmem:s18], [sflag:$0x3], $0x80, s26, s16, $0xb8;
	[tilespmem:$0x1E800] =	vst v63  }
0x61: {  	_ =	swait.ge [sflag:s14], $0x4000  }
0x62: {  	[sflag:s14] =	ssyncset.done $0x0  }
0x63: {  	[sflag:s14] =	ssyncadd.s32 $0xFFFFC000  }
0x64: {  	[tilespmem:s18], [sflag:$0x2] =	stream.indirect.gather [hbm4b:s4+s16], $0x80, s24, s16, $0xb8;
	[tilespmem:$0x1E800] =	vst v63  }
0x65: {  	_ =	swait.ge [sflag:s19], $0x4000  }
0x66: {  	[sflag:s19] =	ssyncset.done $0x0  }
0x67: {  	[sflag:s19] =	ssyncadd.s32 $0xFFFFC000  }
0x68: {  	_ =	swait.ge [sflag:s20], $0x4000  }
0x69: {  	[sflag:s20] =	ssyncset.done $0x0  }
0x6a: {  	s29 =	simm.s32 $0x0;
	[sflag:s20] =	ssyncadd.s32 $0xFFFFC000  }
0x6b: {  	[tilespmem:s29], [sflag:$0x3] =	stream.linear.gather [hbm4b:s9+s29], $0x1400, $0x38;
	[tilespmem:$0x1E800] =	vst v63  }
0x6c: {  	_ =	swait.ge [sflag:s14], $0x1400  }
0x6d: {  	[sflag:s14] =	ssyncset.done $0x0  }
0x6e: {  	[sflag:s14] =	ssyncadd.s32 $0xFFFFEC00  }
0x6f: {  	[tilespmem:s15], [sflag:$0x3] =	stream.linear.gather [hbm4b:s10+s29], $0x1400, $0x38;
	[tilespmem:$0x1E800] =	vst v63  }
0x70: {  	_ =	swait.ge [sflag:s14], $0x1400  }
0x71: {  	[sflag:s14] =	ssyncset.done $0x0  }
0x72: {  	[sflag:s14] =	ssyncadd.s32 $0xFFFFEC00  }
0x73: {  	[tilespmem:s17], [sflag:$0x1] =	stream.indirect.gather [hbm4b:s4+s16], $0x80, s29, s16, $0xb8;
	[tilespmem:$0x1E800] =	vst v63  }
0x74: {  	_ = 	snop  }
0x75: {  	[tilespmem:s18], [sflag:$0x2] =	stream.indirect.gather [hbm4b:s4+s16], $0x80, s16, s16, $0xb8;
	[tilespmem:$0x1E800] =	vst v63  }
0x76: {  	_ =	swait.ge [sflag:s19], $0x4000  }
0x77: {  	[sflag:s19] =	ssyncset.done $0x0  }
0x78: {  	s29 =	simm.s32 $0x1400;
	[sflag:s19] =	ssyncadd.s32 $0xFFFFC000  }
0x79: {  	[spmem:s1] =	stream.indirect.scatter.add.f32 [tilespmem:s17], [sflag:$0x3], $0x80, s29, s16, $0xb8;
	[tilespmem:$0x1E800] =	vst v63  }
0x7a: {  	_ =	swait.ge [sflag:s14], $0x4000  }
0x7b: {  	[sflag:s14] =	ssyncset.done $0x0  }
0x7c: {  	s29 =	simm.s32 $0x100;
	[sflag:s14] =	ssyncadd.s32 $0xFFFFC000  }
0x7d: {  	[tilespmem:s17], [sflag:$0x1] =	stream.indirect.gather [hbm4b:s4+s16], $0x80, s29, s16, $0xb8;
	[tilespmem:$0x1E800] =	vst v63  }
0x7e: {  	_ =	swait.ge [sflag:s20], $0x4000  }
0x7f: {  	[sflag:s20] =	ssyncset.done $0x0  }
0x80: {  	s29 =	simm.s32 $0x1480;
	[sflag:s20] =	ssyncadd.s32 $0xFFFFC000  }
0x81: {  	[spmem:s1] =	stream.indirect.scatter.add.f32 [tilespmem:s18], [sflag:$0x3], $0x80, s29, s16, $0xb8;
	[tilespmem:$0x1E800] =	vst v63  }
0x82: {  	_ =	swait.ge [sflag:s14], $0x4000  }
0x83: {  	[sflag:s14] =	ssyncset.done $0x0  }
0x84: {  	s30 =	simm.s32 $0x180;
	s29 =	simm.s32 $0x400;
	[sflag:s14] =	ssyncadd.s32 $0xFFFFC000  }
.LBB2_4:
0x85: {  	[tilespmem:s18], [sflag:$0x2] =	stream.indirect.gather [hbm4b:s4+s16], $0x80, s30, s16, $0xb8;
	[tilespmem:$0x1E800] =	vst v63  }
0x86: {  	s30 =	smov.u32 s29  }
0x87: {  	p0 =	sne.s32 s29, $0x4400;
	s29 =	sadd.s32 $0x400, s29;
	_ =	swait.ge [sflag:s19], $0x4000  }
0x88: {  	s30 =	sshra.s32 s30, $0x2;
	[sflag:s19] =	ssyncset.done $0x0  }
0x89: {  	s31 =	sadd.s32 $0x1400, s30;
	[sflag:s19] =	ssyncadd.s32 $0xFFFFC000  }
0x8a: {  	[spmem:s1] =	stream.indirect.scatter.add.f32 [tilespmem:s17], [sflag:$0x3], $0x80, s31, s16, $0xb8;
	[tilespmem:$0x1E800] =	vst v63  }
0x8b: {  	_ =	swait.ge [sflag:s14], $0x4000  }
0x8c: {  	[sflag:s14] =	ssyncset.done $0x0  }
0x8d: {  	s31 =	sadd.s32 $0x100, s30;
	[sflag:s14] =	ssyncadd.s32 $0xFFFFC000  }
0x8e: {  	[tilespmem:s17], [sflag:$0x1] =	stream.indirect.gather [hbm4b:s4+s16], $0x80, s31, s16, $0xb8;
	[tilespmem:$0x1E800] =	vst v63  }
0x8f: {  	_ =	swait.ge [sflag:s20], $0x4000  }
0x90: {  	[sflag:s20] =	ssyncset.done $0x0  }
.Ltmp1:
0x91: {  	s31 =	sadd.s32 $0x1480, s30;
	[sflag:s20] =	ssyncadd.s32 $0xFFFFC000;
	(pc) =	sbr.rel @p0 .LBB2_4-.Ltmp1, $4  }
0x92: {  	[spmem:s1] =	stream.indirect.scatter.add.f32 [tilespmem:s18], [sflag:$0x3], $0x80, s31, s16, $0xb8;
	[tilespmem:$0x1E800] =	vst v63  }
0x93: {  	_ =	swait.ge [sflag:s14], $0x4000  }
0x94: {  	[sflag:s14] =	ssyncset.done $0x0  }
0x95: {  	s30 =	sadd.s32 $0x180, s30;
	[sflag:s14] =	ssyncadd.s32 $0xFFFFC000  }
0x96: {  	[tilespmem:s18], [sflag:$0x2] =	stream.indirect.gather [hbm4b:s4+s16], $0x80, s30, s16, $0xb8;
	[tilespmem:$0x1E800] =	vst v63  }
0x97: {  	_ =	swait.ge [sflag:s19], $0x4000  }
0x98: {  	[sflag:s19] =	ssyncset.done $0x0  }
0x99: {  	[sflag:s19] =	ssyncadd.s32 $0xFFFFC000  }
0x9a: {  	[spmem:s1] =	stream.indirect.scatter.add.f32 [tilespmem:s17], [sflag:$0x3], $0x80, s21, s16, $0xb8;
	[tilespmem:$0x1E800] =	vst v63  }
0x9b: {  	_ =	swait.ge [sflag:s14], $0x4000  }
0x9c: {  	[sflag:s14] =	ssyncset.done $0x0  }
0x9d: {  	[sflag:s14] =	ssyncadd.s32 $0xFFFFC000  }
0x9e: {  	[tilespmem:s17], [sflag:$0x1] =	stream.indirect.gather [hbm4b:s4+s16], $0x80, s22, s16, $0xb8;
	[tilespmem:$0x1E800] =	vst v63  }
0x9f: {  	_ =	swait.ge [sflag:s20], $0x4000  }
0xa0: {  	[sflag:s20] =	ssyncset.done $0x0  }
0xa1: {  	[sflag:s20] =	ssyncadd.s32 $0xFFFFC000  }
0xa2: {  	[spmem:s1] =	stream.indirect.scatter.add.f32 [tilespmem:s18], [sflag:$0x3], $0x80, s23, s16, $0xb8;
	[tilespmem:$0x1E800] =	vst v63  }
0xa3: {  	_ =	swait.ge [sflag:s14], $0x4000  }
0xa4: {  	[sflag:s14] =	ssyncset.done $0x0  }
0xa5: {  	[sflag:s14] =	ssyncadd.s32 $0xFFFFC000  }
0xa6: {  	[tilespmem:s18], [sflag:$0x2] =	stream.indirect.gather [hbm4b:s4+s16], $0x80, s24, s16, $0xb8;
	[tilespmem:$0x1E800] =	vst v63  }
0xa7: {  	_ =	swait.ge [sflag:s19], $0x4000  }
0xa8: {  	[sflag:s19] =	ssyncset.done $0x0  }
0xa9: {  	[sflag:s19] =	ssyncadd.s32 $0xFFFFC000  }
0xaa: {  	[spmem:s1] =	stream.indirect.scatter.add.f32 [tilespmem:s17], [sflag:$0x3], $0x80, s25, s16, $0xb8;
	[tilespmem:$0x1E800] =	vst v63  }
0xab: {  	_ =	swait.ge [sflag:s14], $0x4000  }
0xac: {  	[sflag:s14] =	ssyncset.done $0x0  }
0xad: {  	[sflag:s14] =	ssyncadd.s32 $0xFFFFC000  }
0xae: {  	[tilespmem:s17], [sflag:$0x1] =	stream.indirect.gather [hbm4b:s4+s16], $0x80, s24, s16, $0xb8;
	[tilespmem:$0x1E800] =	vst v63  }
0xaf: {  	_ =	swait.ge [sflag:s20], $0x4000  }
0xb0: {  	[sflag:s20] =	ssyncset.done $0x0  }
0xb1: {  	[sflag:s20] =	ssyncadd.s32 $0xFFFFC000  }
0xb2: {  	[spmem:s1] =	stream.indirect.scatter.add.f32 [tilespmem:s18], [sflag:$0x3], $0x80, s26, s16, $0xb8;
	[tilespmem:$0x1E800] =	vst v63  }
0xb3: {  	_ =	swait.ge [sflag:s14], $0x4000  }
0xb4: {  	[sflag:s14] =	ssyncset.done $0x0  }
0xb5: {  	[sflag:s14] =	ssyncadd.s32 $0xFFFFC000  }
0xb6: {  	[tilespmem:s18], [sflag:$0x2] =	stream.indirect.gather [hbm4b:s4+s16], $0x80, s24, s16, $0xb8;
	[tilespmem:$0x1E800] =	vst v63  }
0xb7: {  	_ =	swait.ge [sflag:s19], $0x4000  }
0xb8: {  	[sflag:s19] =	ssyncset.done $0x0  }
0xb9: {  	[sflag:s19] =	ssyncadd.s32 $0xFFFFC000  }
0xba: {  	_ =	swait.ge [sflag:s20], $0x4000  }
0xbb: {  	s28 =	sadd.s32 $0x1, s28;
	[sflag:s20] =	ssyncset.done $0x0  }
0xbc: {  	p0 =	sne.s32 s28, s12;
	[sflag:s20] =	ssyncadd.s32 $0xFFFFC000  }
.Ltmp2:
0xbd: {  	[bflag:$0x0] =	sbarrier.arrive $0xFFFF;
	(pc) =	sbr.rel @p0 .LBB2_1-.Ltmp2, $4  }
0xbe: {  	[hbm:s11], [sflag:s6] =	dma.local [spmem:s13], $0x2800  }
0xbf: {  	_ =	swait.ge [sflag:s14], $0x2800  }
0xc0: {  	[sflag:s14] =	ssyncset.done $0x0  }
0xc1: {  	[sflag:s14] =	ssyncadd.s32 $0xFFFFD800  }
0xc2: {  	_ =	sfence.sel $0x180000  }
0xc3: {  	[bflag:$0x0] =	sbarrier.arrive $0xFFFF  }
0xc4: {  	p0 =	sne.s32 s2, $0x0;
	_ =	strace $0x90000053  }
0xc5: {  	s0 =	sadd.s32 @!p0 $0x100000, s0;
	[bflag:$0x2] =	sbarrier.arrive $0xFFFF  }
0xc6: {  	[sflag:s0] =	ssyncadd.tile.s32 @!p0 $0x1;
	_ =	shalt  }
.Lfunc_end2:
_tile_overlayer_lowered:
.L_overlay_start_2:
0xc7: {  	(tag) =	ssettag $0x2  }
0xc8: {  	s0 =	rddreg [dreg:$0x0];
	s2 =	stileid.u32  }
0xc9: {  	s1 =	rddreg [dreg:$0x1];
	p0 =	sne.s32 s2, $0x0  }
0xca: {  	s3 =	rddreg [dreg:$0x2];
	[bflag:$0x3] =	sbarrier.arrive $0xFFFF;
	s2 =	simm.s32 @!p0 $0x1C03  }
0xcb: {  	[timem:s3], [sflag:s2] =	dma.local @!p0 [hbm:s0], s1  }
0xcc: {  	s0 =	simm.s32 @!p0 $0x3  }
0xcd: {  	_ =	swait.ge @!p0 [sflag:s0], s1  }
0xce: {  	s1 =	ssub.s32 @!p0 $0x0, s1;
	[sflag:s0] =	ssyncset.done @!p0 $0x0  }
0xcf: {  	[sflag:s0] =	ssyncadd.s32 @!p0 s1  }
0xd0: {  	[bflag:$0x3] =	sbarrier.arrive $0xFFFF  }
0xd1: {  	_ =	shalt  }

// kernel: kernel.32.cloned.1.call-start
scs
__scs_entry_jumppad:
0x0: {  	(pc) =	sbr.rel $0x88, $3  }
0x1: {  	(tag) =	ssettag $0x0;
	lr =	simm.s32 $0x1  }
0x2: {  	[smem:$0x3F98] =	sst lr;
	_ =	strace $0xD0000000  }
0x3: {  	_ = 	snop  }
0x4: {  	_ = 	snop  }
0x5: {  	_ = 	snop  }
0x6: {  	_ = 	snop  }
0x7: {  	_ = 	snop  }
__scs_overlays_trampoline_lowered:
0x8: {  	[smem:$0x3FA7] =	sst s0  }
0x9: {  	[smem:$0x3FA8] =	sst s1  }
0xa: {  	[smem:$0x3FA9] =	sst s2  }
0xb: {  	[smem:$0x3FAA] =	sst s3  }
0xc: {  	[smem:$0x3FAB] =	sst s4  }
0xd: {  	[smem:$0x3FAC] =	sst s5  }
0xe: {  	[smem:$0x3FAD] =	sst s6  }
0xf: {  	[smem:$0x3FAE] =	sst s7  }
0x10: {  	[smem:$0x3FAF] =	sst s8  }
0x11: {  	[smem:$0x3FB0] =	sst s9;
	s0 =	simm.s32 @!p0 $0x0  }
0x12: {  	s1 =	sld [smem:$0x3F96];
	s0 =	simm.s32 @p0 $0x1  }
0x13: {  	[smem:$0x3FB1] =	sst s0;
	s0 =	simm.s32 @!p1 $0x0  }
0x14: {  	s2 =	sld [smem:$0x3F95];
	s0 =	simm.s32 @p1 $0x1  }
0x15: {  	[smem:$0x3FB2] =	sst s0;
	s0 =	simm.s32 @!p2 $0x0  }
0x16: {  	s3 =	sld [smem:$0x3FDB];
	s0 =	simm.s32 @p2 $0x1  }
0x17: {  	s4 =	simm.s32 $0x1BF5;
	[smem:$0x3FB4] =	sst s0  }
0x18: {  	s0 =	sld [smem:$0x3F97];
	_ =	swait.ge [sflag:s4], $0x0  }
0x19: {  	s7 =	sld [smem:$0x3F98]  }
0x1a: {  	s8 =	sadd.s32 $0xFFFFE003, lr  }
0x1b: {  	s9 =	sadd.s32 $0xFFFFFEF7, lr;
	s5 =	simm.s32 $0xFFFFFFFF;
	p2 =	slt.u32 s8, $0xFFFFF086  }
0x1c: {  	p1 =	slt.u32 s9, $0xF7A;
	s5 =	simm.s32 @!p2 $0x0  }
0x1d: {  	s5 =	simm.s32 @p1 $0x1;
	p0 =	seq.s32 s7, s2  }
0x1e: {  	s7 =	smul.u32 @!p0 $0xF7A, s2;
	p2 =	seq.s32 @!p0 s5, $0x0  }
0x1f: {  	s9 =	smul.u32 $0xF7A, s1;
	s8 =	simm.s32 @!p0 $0x1BF5;
	p2 =	por !p2, p0  }
0x20: {  	[sflag:s8] =	ssyncset.s32 @!p0 $0xFFFFF086;
	s6 =	sadd.s32 @!p0 s3, s7;
	s7 =	simm.s32 @!p0 $0x108  }
0x21: {  	s3 =	sadd.s32 s3, s9;
	s6 =	sadd.s32 @!p0 $0x88, s6;
	s7 =	simm.s32 @p2 $0x1082  }
0x22: {  	[simem:s7], [sflag:s8] =	dma.local @!p0 [hbm:s6], $0xF7A  }
0x23: {  	s9 =	sor.u32 $0xD0000000, s2;
	s6 =	simm.s32 $0x108;
	_ =	swait.ge @!p0 [sflag:s8], $0x0  }
0x24: {  	s3 =	sadd.s32 $0x88, s3;
	s6 =	simm.s32 @!p1 $0x1082;
	[sflag:s4] =	ssyncset.s32 $0xFFFFF086  }
0x25: {  	[simem:s6], [sflag:s4] =	dma.local [hbm:s3], $0xF7A  }
0x26: {  	[smem:$0x3F98] =	sst s1;
	(tag) =	ssettag s2;
	_ =	strace s9  }
0x27: {  	s1 =	sld [smem:$0x3FA8]  }
0x28: {  	s2 =	sld [smem:$0x3FA9]  }
0x29: {  	s4 =	sld [smem:$0x3FAB]  }
0x2a: {  	p0 =	seq.s32 s5, $0x0;
	s5 =	sld [smem:$0x3FAC]  }
0x2b: {  	s6 =	sld [smem:$0x3FAD]  }
0x2c: {  	s7 =	sld [smem:$0x3FAE]  }
0x2d: {  	s3 =	simm.s32 $0x108;
	s8 =	sld [smem:$0x3FAF]  }
0x2e: {  	s3 =	simm.s32 @!p0 $0x1082;
	s9 =	sld [smem:$0x3FB0]  }
0x2f: {  	lr =	sadd.s32 s0, s3;
	s0 =	sld [smem:$0x3FA7]  }
0x30: {  	s3 =	sld [smem:$0x3FAA]  }
0x31: {  	[smem:$0x3FB3] =	sst s10  }
0x32: {  	s10 =	sld [smem:$0x3FB1];
	_ =	sdelay $0x3  }
0x33: {  	p0 =	seq.s32 s10, $0x1;
	s10 =	sld [smem:$0x3FB3];
	_ =	sdelay $0x3  }
0x34: {  	[smem:$0x3FB3] =	sst s10  }
0x35: {  	s10 =	sld [smem:$0x3FB2];
	_ =	sdelay $0x3  }
0x36: {  	p1 =	seq.s32 s10, $0x1;
	s10 =	sld [smem:$0x3FB3];
	_ =	sdelay $0x3  }
0x37: {  	[smem:$0x3FB3] =	sst s10  }
0x38: {  	s10 =	sld [smem:$0x3FB4]  }
0x39: {  	_ = 	snop;
	(pc) =	sbr.ind lr, $3  }
0x3a: {  	_ = 	snop  }
0x3b: {  	_ = 	snop  }
0x3c: {  	p2 =	seq.s32 s10, $0x1;
	s10 =	sld [smem:$0x3FB3]  }
0x3d: {  	_ =	shalt  }
0x3e: {  	_ =	shalt  }
0x3f: {  	_ =	shalt  }
0x40: {  	_ =	shalt  }
0x41: {  	_ =	shalt  }
0x42: {  	_ =	shalt  }
0x43: {  	_ =	shalt  }
0x44: {  	_ =	shalt  }
0x45: {  	_ =	shalt  }
0x46: {  	_ =	shalt  }
0x47: {  	_ =	shalt  }
0x48: {  	_ =	shalt  }
0x49: {  	_ =	shalt  }
0x4a: {  	_ =	shalt  }
0x4b: {  	_ =	shalt  }
0x4c: {  	_ =	shalt  }
0x4d: {  	_ =	shalt  }
0x4e: {  	_ =	shalt  }
0x4f: {  	_ =	shalt  }
0x50: {  	_ =	shalt  }
0x51: {  	_ =	shalt  }
0x52: {  	_ =	shalt  }
0x53: {  	_ =	shalt  }
0x54: {  	_ =	shalt  }
0x55: {  	_ =	shalt  }
0x56: {  	_ =	shalt  }
0x57: {  	_ =	shalt  }
0x58: {  	_ =	shalt  }
0x59: {  	_ =	shalt  }
0x5a: {  	_ =	shalt  }
0x5b: {  	_ =	shalt  }
0x5c: {  	_ =	shalt  }
0x5d: {  	_ =	shalt  }
0x5e: {  	_ =	shalt  }
0x5f: {  	_ =	shalt  }
0x60: {  	_ =	shalt  }
0x61: {  	_ =	shalt  }
0x62: {  	_ =	shalt  }
0x63: {  	_ =	shalt  }
0x64: {  	_ =	shalt  }
0x65: {  	_ =	shalt  }
0x66: {  	_ =	shalt  }
0x67: {  	_ =	shalt  }
0x68: {  	_ =	shalt  }
0x69: {  	_ =	shalt  }
0x6a: {  	_ =	shalt  }
0x6b: {  	_ =	shalt  }
0x6c: {  	_ =	shalt  }
0x6d: {  	_ =	shalt  }
0x6e: {  	_ =	shalt  }
0x6f: {  	_ =	shalt  }
0x70: {  	_ =	shalt  }
0x71: {  	_ =	shalt  }
0x72: {  	_ =	shalt  }
0x73: {  	_ =	shalt  }
0x74: {  	_ =	shalt  }
0x75: {  	_ =	shalt  }
0x76: {  	_ =	shalt  }
0x77: {  	_ =	shalt  }
0x78: {  	_ =	shalt  }
0x79: {  	_ =	shalt  }
0x7a: {  	_ =	shalt  }
0x7b: {  	_ =	shalt  }
0x7c: {  	_ =	shalt  }
0x7d: {  	_ =	shalt  }
0x7e: {  	_ =	shalt  }
0x7f: {  	_ =	shalt  }
0x80: {  	_ =	shalt  }
0x81: {  	_ =	shalt  }
0x82: {  	_ =	shalt  }
0x83: {  	_ =	shalt  }
0x84: {  	_ =	shalt  }
0x85: {  	_ =	shalt  }
0x86: {  	_ =	shalt  }
0x87: {  	_ =	shalt  }
.Lfunc_end0:
.L_simem_size_0:
called_computation.5_lowered:
.L_overlay_start_0:
0x88: {  	s2 =	sld [smem:$0x3FD9]  }
0x89: {  	s3 =	sld [smem:$0x3FFE];
	_ =	sdelay $0x1  }
0x8a: {  	s1 =	srdreg.scid  }
0x8b: {  	s0 =	sand.u32 $0x1, s1  }
0x8c: {  	s16 =	sshll.u32 s0, $0xA;
	s2 =	sadd.s32 s3, s2  }
0x8d: {  	s2 =	sadd.s32 s2, s16  }
0x8e: {  	[smem:$0x3FBF] =	sst s2  }
0x8f: {  	_ = 	snop  }
0x90: {  	(tm) =	ssettm $0x1  }
0x91: {  	s17 =	sld [smem:$0x3FFB];
	_ =	sdelay $0x3  }
0x92: {  	_ =	strace s17  }
0x93: {  	s2 =	sld [smem:$0x3FFC];
	_ =	sdelay $0x3  }
0x94: {  	_ =	strace s2  }
0x95: {  	s2 =	sld [smem:$0x3FFD];
	_ =	sdelay $0x3  }
0x96: {  	_ =	strace s2  }
0x97: {  	_ =	strace $0x8FFFFFFF  }
0x98: {  	s18 =	sld [smem:$0x3FDB];
	_ =	sdelay $0x1  }
0x99: {  	s19 =	simm.s32 $_scs_section_size  }
0x9a: {  	s4 =	simm.s32 $_size__tile_overlayer_lowered;
	s5 =	simm.s32 $_tile_overlayer_lowered  }
0x9b: {  	s22 =	simm.s32 $0x1BFF;
	s21 =	sshll.u32 s5, $0x1;
	s2 =	sadd.s32 s19, s18  }
0x9c: {  	s6 =	simm.s32 $0x0;
	s20 =	sshll.u32 s4, $0x1;
	s4 =	sadd.s32 s21, s2  }
0x9d: {  	[timem:s6], [sflag:s22] =	dma.local [hbm:s4], s20  }
0x9e: {  	_ =	swait.ge [sflag:s22], s20  }
0x9f: {  	s3 =	ssub.s32 $0x0, s20;
	[sflag:s22] =	ssyncset.done $0x0  }
0xa0: {  	[sflag:s22] =	ssyncadd.s32 s3;
	_ =	sdelay $0x1  }
0xa1: {  	s23 =	simm.s32 $0x1B8B  }
0xa2: {  	_ =	swait.ge [sflag:s23], $0x1  }
0xa3: {  	[sflag:s23] =	ssyncset.done $0x0  }
0xa4: {  	s25 =	simm.s32 $0x1B8E;
	s24 =	sld [smem:$0x3FFE];
	[sflag:s23] =	ssyncadd.s32 $0xFFFFFFFF  }
0xa5: {  	s26 =	simm.s32 $execute0_lowered;
	[smem:$0x3FD2] =	sst s25  }
0xa6: {  	s4 =	sshll.u32 s26, $0x1;
	_ =	strace $0x80000055;
	[dreg:$0x1] =	wrdreg $0xFFFFFFFF  }
0xa7: {  	s28 =	simm.s32 $_size_execute0_lowered;
	s2 =	sadd.s32 s2, s4;
	[dreg:$0x0] =	wrdreg $0x0  }
0xa8: {  	s4 =	sshll.u32 s28, $0x1;
	[dreg:$0x2] =	wrdreg s2  }
0xa9: {  	[dreg:$0x3] =	wrdreg s4  }
0xaa: {  	[dreg:$0x4] =	wrdreg $0xC0  }
0xab: {  	_ =	task [dreg:s6], $0x5FFFF  }
0xac: {  	[dreg:$0x1] =	wrdreg $0xFFFFFFFF  }
0xad: {  	[dreg:$0x0] =	wrdreg $0x60  }
0xae: {  	[dreg:$0x2] =	wrdreg s24  }
0xaf: {  	[dreg:$0x3] =	wrdreg $0xA8000  }
0xb0: {  	[dreg:$0x4] =	wrdreg $0x9  }
0xb1: {  	_ =	task.clear_ibuf [dreg:s6], $0x5FFFF;
	_ =	strace $0x90000055  }
0xb2: {  	s29 =	simm.s32 $0x9;
	_ =	strace $0x80000057  }
0xb3: {  	_ =	swait.ge [sflag:s29], $0x1  }
0xb4: {  	[sflag:s29] =	ssyncadd.s32 $0xFFFFFFFF  }
0xb5: {  	_ =	strace $0x90000057  }
0xb6: {  	_ =	sfence  }
0xb7: {  	s30 =	sld [smem:$0x0];
	_ =	sdelay $0x2  }
0xb8: {  	s31 =	sshll.u32 s1, $0xD;
	s1 =	sshrl.u32 s1, $0x2  }
0xb9: {  	s3 =	sand.u32 $0x4000, s31;
	s1 =	sadd.s32 s1, s30  }
0xba: {  	s0 =	sor.u32 s3, s0;
	s1 =	sshll.u32 s1, $0x11  }
0xbb: {  	s0 =	sor.u32 s1, s0  }
0xbc: {  	s0 =	sadd.s32 $0x8F2B, s0  }
0xbd: {  	[sflag:s0] =	ssyncadd.remote.s32 $0x1  }
0xbe: {  	_ =	sfence.sel $0xFFFF  }
0xbf: {  	[dreg:$0x0] =	wrdreg $0xFFFFFFFF;
	(pc) =	sbr.abs _section_cstart, $3  }
0xc0: {  	[dreg:$0x1] =	wrdreg $0xFFFFFFFF  }
0xc1: {  	_ =	task.clear_ibuf [dreg:s6], $0x2FFFF;
	_ =	strace $0x9FFFFFFF  }
0xc2: {  	(tm) =	ssettm $0x7FFFFFFF  }
0xc3: {  	_ =	shalt  }
tec
execute0_lowered:
.L_overlay_start_1:
0x0: {  	(tag) =	ssettag $0x1  }
0x1: {  	s6 =	rddreg [dreg:$0x0]  }
0x2: {  	s1 =	rddreg [dreg:$0x1]  }
0x3: {  	s2 =	srdreg.scid;
	s0 =	rddreg [dreg:$0x2]  }
0x4: {  	s3 =	simm.s32 $0x0;
	s15 =	simm.s32 $0x1400;
	s16 =	simm.s32 $0x80  }
0x5: {  	s17 =	simm.s32 $0x2800;
	s18 =	simm.s32 $0x6800;
	s19 =	simm.s32 $0x1  }
0x6: {  	s20 =	simm.s32 $0x2;
	s21 =	simm.s32 $0x2600;
	s28 =	simm.s32 $0x0  }
0x7: {  	s5 =	sand.u32 $0x1, s2;
	s2 =	stileid.u32;
	[smem:$0x7FF] =	sst s3  }
0x8: {  	s4 =	sadd.s32 $0x10400, s6;
	s9 =	sadd.s32 $0x60C00, s6;
	s7 =	smul.u32 $0x140000, s5  }
0x9: {  	s10 =	sadd.s32 $0x3C00, s6;
	s8 =	smul.u32 $0x14000, s2;
	_ =	strace $0x80000056  }
0xa: {  	s22 =	sshll.u32 s5, $0x4;
	s11 =	ssub.s32 $0x2, s5;
	s24 =	smul.u32 $0x50000, s2  }
0xb: {  	s5 =	sadd.s32 $0xDC00, s6;
	s26 =	sshll.u32 s2, $0x6;
	s23 =	sor.u32 s2, s22  }
0xc: {  	s12 =	sshrl.u32 s11, $0x1;
	s22 =	simm.s32 $0x1300;
	s7 =	sadd.s32 s8, s7  }
0xd: {  	s13 =	smul.u32 $0x2800, s23;
	s12 =	ssub.s32 s11, s12;
	s25 =	sshrl.u32 s24, $0x2  }
0xe: {  	s23 =	simm.s32 $0x2680;
	s24 =	simm.s32 $0x1380;
	s7 =	sshrl.u32 s7, $0x3  }
0xf: {  	s30 =	sadd.s32 s25, s1;
	s12 =	smax.u32 s12, $0x1;
	s25 =	simm.s32 $0x2700  }
0x10: {  	s14 =	sadd.s32 s7, s6;
	s29 =	sshrl.u32 s13, $0x3;
	s6 =	sor.u32 $0x1C03, s26  }
0x11: {  	s13 =	sshrl.u32 s30, $0x3;
	s26 =	simm.s32 $0x2780;
	s31 =	sadd.s32 $0x280, s29  }
0x12: {  	s7 =	sadd.s32 s9, s29;
	s8 =	sadd.s32 s10, s29;
	s11 =	sadd.s32 $0x6AC00, s14  }
0x13: {  	s14 =	simm.s32 $0x3;
	s9 =	sadd.s32 s9, s31;
	s10 =	sadd.s32 s10, s31  }
.LBB2_1:
0x14: {  	[spmem:s13], [sflag:s6] =	dma.local [hbm:s5], $0x2800  }
0x15: {  	_ =	swait.ge [sflag:s14], $0x2800  }
0x16: {  	[sflag:s14] =	ssyncset.done $0x0  }
0x17: {  	[sflag:s14] =	ssyncadd.s32 $0xFFFFD800  }
0x18: {  	[bflag:$0x0] =	sbarrier.arrive $0xFFFF  }
0x19: {  	[tilespmem:s3], [sflag:$0x3] =	stream.linear.gather [hbm4b:s7+s3], $0x1400, $0x38;
	[tilespmem:$0x1E800] =	vst v63  }
0x1a: {  	_ =	swait.ge [sflag:s14], $0x1400  }
0x1b: {  	[sflag:s14] =	ssyncset.done $0x0  }
0x1c: {  	[sflag:s14] =	ssyncadd.s32 $0xFFFFEC00  }
0x1d: {  	[tilespmem:s15], [sflag:$0x3] =	stream.linear.gather [hbm4b:s8+s3], $0x1400, $0x38;
	[tilespmem:$0x1E800] =	vst v63  }
0x1e: {  	_ =	swait.ge [sflag:s14], $0x1400  }
0x1f: {  	[sflag:s14] =	ssyncset.done $0x0  }
0x20: {  	[sflag:s14] =	ssyncadd.s32 $0xFFFFEC00  }
0x21: {  	[tilespmem:s17], [sflag:$0x1] =	stream.indirect.gather [hbm4b:s4+s16], $0x80, s3, s16, $0xb8;
	[tilespmem:$0x1E800] =	vst v63  }
0x22: {  	_ = 	snop  }
0x23: {  	[tilespmem:s18], [sflag:$0x2] =	stream.indirect.gather [hbm4b:s4+s16], $0x80, s16, s16, $0xb8;
	[tilespmem:$0x1E800] =	vst v63  }
0x24: {  	_ =	swait.ge [sflag:s19], $0x4000  }
0x25: {  	[sflag:s19] =	ssyncset.done $0x0  }
0x26: {  	s29 =	simm.s32 $0x1400;
	[sflag:s19] =	ssyncadd.s32 $0xFFFFC000  }
0x27: {  	[spmem:s1] =	stream.indirect.scatter.add.f32 [tilespmem:s17], [sflag:$0x3], $0x80, s29, s16, $0xb8;
	[tilespmem:$0x1E800] =	vst v63  }
0x28: {  	_ =	swait.ge [sflag:s14], $0x4000  }
0x29: {  	[sflag:s14] =	ssyncset.done $0x0  }
0x2a: {  	s29 =	simm.s32 $0x100;
	[sflag:s14] =	ssyncadd.s32 $0xFFFFC000  }
0x2b: {  	[tilespmem:s17], [sflag:$0x1] =	stream.indirect.gather [hbm4b:s4+s16], $0x80, s29, s16, $0xb8;
	[tilespmem:$0x1E800] =	vst v63  }
0x2c: {  	_ =	swait.ge [sflag:s20], $0x4000  }
0x2d: {  	[sflag:s20] =	ssyncset.done $0x0  }
0x2e: {  	s29 =	simm.s32 $0x1480;
	[sflag:s20] =	ssyncadd.s32 $0xFFFFC000  }
0x2f: {  	[spmem:s1] =	stream.indirect.scatter.add.f32 [tilespmem:s18], [sflag:$0x3], $0x80, s29, s16, $0xb8;
	[tilespmem:$0x1E800] =	vst v63  }
0x30: {  	_ =	swait.ge [sflag:s14], $0x4000  }
0x31: {  	[sflag:s14] =	ssyncset.done $0x0  }
0x32: {  	s30 =	simm.s32 $0x180;
	s29 =	simm.s32 $0x400;
	[sflag:s14] =	ssyncadd.s32 $0xFFFFC000  }
.LBB2_2:
0x33: {  	[tilespmem:s18], [sflag:$0x2] =	stream.indirect.gather [hbm4b:s4+s16], $0x80, s30, s16, $0xb8;
	[tilespmem:$0x1E800] =	vst v63  }
0x34: {  	s30 =	smov.u32 s29  }
0x35: {  	p0 =	sne.s32 s29, $0x4400;
	s29 =	sadd.s32 $0x400, s29;
	_ =	swait.ge [sflag:s19], $0x4000  }
0x36: {  	s30 =	sshra.s32 s30, $0x2;
	[sflag:s19] =	ssyncset.done $0x0  }
0x37: {  	s31 =	sadd.s32 $0x1400, s30;
	[sflag:s19] =	ssyncadd.s32 $0xFFFFC000  }
0x38: {  	[spmem:s1] =	stream.indirect.scatter.add.f32 [tilespmem:s17], [sflag:$0x3], $0x80, s31, s16, $0xb8;
	[tilespmem:$0x1E800] =	vst v63  }
0x39: {  	_ =	swait.ge [sflag:s14], $0x4000  }
0x3a: {  	[sflag:s14] =	ssyncset.done $0x0  }
0x3b: {  	s31 =	sadd.s32 $0x100, s30;
	[sflag:s14] =	ssyncadd.s32 $0xFFFFC000  }
0x3c: {  	[tilespmem:s17], [sflag:$0x1] =	stream.indirect.gather [hbm4b:s4+s16], $0x80, s31, s16, $0xb8;
	[tilespmem:$0x1E800] =	vst v63  }
0x3d: {  	_ =	swait.ge [sflag:s20], $0x4000  }
0x3e: {  	[sflag:s20] =	ssyncset.done $0x0  }
.Ltmp0:
0x3f: {  	s31 =	sadd.s32 $0x1480, s30;
	[sflag:s20] =	ssyncadd.s32 $0xFFFFC000;
	(pc) =	sbr.rel @p0 .LBB2_2-.Ltmp0, $4  }
0x40: {  	[spmem:s1] =	stream.indirect.scatter.add.f32 [tilespmem:s18], [sflag:$0x3], $0x80, s31, s16, $0xb8;
	[tilespmem:$0x1E800] =	vst v63  }
0x41: {  	_ =	swait.ge [sflag:s14], $0x4000  }
0x42: {  	[sflag:s14] =	ssyncset.done $0x0  }
0x43: {  	s30 =	sadd.s32 $0x180, s30;
	[sflag:s14] =	ssyncadd.s32 $0xFFFFC000  }
0x44: {  	[tilespmem:s18], [sflag:$0x2] =	stream.indirect.gather [hbm4b:s4+s16], $0x80, s30, s16, $0xb8;
	[tilespmem:$0x1E800] =	vst v63  }
0x45: {  	_ =	swait.ge [sflag:s19], $0x4000  }
0x46: {  	[sflag:s19] =	ssyncset.done $0x0  }
0x47: {  	[sflag:s19] =	ssyncadd.s32 $0xFFFFC000  }
0x48: {  	[spmem:s1] =	stream.indirect.scatter.add.f32 [tilespmem:s17], [sflag:$0x3], $0x80, s21, s16, $0xb8;
	[tilespmem:$0x1E800] =	vst v63  }
0x49: {  	_ =	swait.ge [sflag:s14], $0x4000  }
0x4a: {  	[sflag:s14] =	ssyncset.done $0x0  }
0x4b: {  	[sflag:s14] =	ssyncadd.s32 $0xFFFFC000  }
0x4c: {  	[tilespmem:s17], [sflag:$0x1] =	stream.indirect.gather [hbm4b:s4+s16], $0x80, s22, s16, $0xb8;
	[tilespmem:$0x1E800] =	vst v63  }
0x4d: {  	_ =	swait.ge [sflag:s20], $0x4000  }
0x4e: {  	[sflag:s20] =	ssyncset.done $0x0  }
0x4f: {  	[sflag:s20] =	ssyncadd.s32 $0xFFFFC000  }
0x50: {  	[spmem:s1] =	stream.indirect.scatter.add.f32 [tilespmem:s18], [sflag:$0x3], $0x80, s23, s16, $0xb8;
	[tilespmem:$0x1E800] =	vst v63  }
0x51: {  	_ =	swait.ge [sflag:s14], $0x4000  }
0x52: {  	[sflag:s14] =	ssyncset.done $0x0  }
0x53: {  	[sflag:s14] =	ssyncadd.s32 $0xFFFFC000  }
0x54: {  	[tilespmem:s18], [sflag:$0x2] =	stream.indirect.gather [hbm4b:s4+s16], $0x80, s24, s16, $0xb8;
	[tilespmem:$0x1E800] =	vst v63  }
0x55: {  	_ =	swait.ge [sflag:s19], $0x4000  }
0x56: {  	[sflag:s19] =	ssyncset.done $0x0  }
0x57: {  	[sflag:s19] =	ssyncadd.s32 $0xFFFFC000  }
0x58: {  	[spmem:s1] =	stream.indirect.scatter.add.f32 [tilespmem:s17], [sflag:$0x3], $0x80, s25, s16, $0xb8;
	[tilespmem:$0x1E800] =	vst v63  }
0x59: {  	_ =	swait.ge [sflag:s14], $0x4000  }
0x5a: {  	[sflag:s14] =	ssyncset.done $0x0  }
0x5b: {  	[sflag:s14] =	ssyncadd.s32 $0xFFFFC000  }
0x5c: {  	[tilespmem:s17], [sflag:$0x1] =	stream.indirect.gather [hbm4b:s4+s16], $0x80, s24, s16, $0xb8;
	[tilespmem:$0x1E800] =	vst v63  }
0x5d: {  	_ =	swait.ge [sflag:s20], $0x4000  }
0x5e: {  	[sflag:s20] =	ssyncset.done $0x0  }
0x5f: {  	[sflag:s20] =	ssyncadd.s32 $0xFFFFC000  }
0x60: {  	[spmem:s1] =	stream.indirect.scatter.add.f32 [tilespmem:s18], [sflag:$0x3], $0x80, s26, s16, $0xb8;
	[tilespmem:$0x1E800] =	vst v63  }
0x61: {  	_ =	swait.ge [sflag:s14], $0x4000  }
0x62: {  	[sflag:s14] =	ssyncset.done $0x0  }
0x63: {  	[sflag:s14] =	ssyncadd.s32 $0xFFFFC000  }
0x64: {  	[tilespmem:s18], [sflag:$0x2] =	stream.indirect.gather [hbm4b:s4+s16], $0x80, s24, s16, $0xb8;
	[tilespmem:$0x1E800] =	vst v63  }
0x65: {  	_ =	swait.ge [sflag:s19], $0x4000  }
0x66: {  	[sflag:s19] =	ssyncset.done $0x0  }
0x67: {  	[sflag:s19] =	ssyncadd.s32 $0xFFFFC000  }
0x68: {  	_ =	swait.ge [sflag:s20], $0x4000  }
0x69: {  	[sflag:s20] =	ssyncset.done $0x0  }
0x6a: {  	s29 =	simm.s32 $0x0;
	[sflag:s20] =	ssyncadd.s32 $0xFFFFC000  }
0x6b: {  	[tilespmem:s29], [sflag:$0x3] =	stream.linear.gather [hbm4b:s9+s29], $0x1400, $0x38;
	[tilespmem:$0x1E800] =	vst v63  }
0x6c: {  	_ =	swait.ge [sflag:s14], $0x1400  }
0x6d: {  	[sflag:s14] =	ssyncset.done $0x0  }
0x6e: {  	[sflag:s14] =	ssyncadd.s32 $0xFFFFEC00  }
0x6f: {  	[tilespmem:s15], [sflag:$0x3] =	stream.linear.gather [hbm4b:s10+s29], $0x1400, $0x38;
	[tilespmem:$0x1E800] =	vst v63  }
0x70: {  	_ =	swait.ge [sflag:s14], $0x1400  }
0x71: {  	[sflag:s14] =	ssyncset.done $0x0  }
0x72: {  	[sflag:s14] =	ssyncadd.s32 $0xFFFFEC00  }
0x73: {  	[tilespmem:s17], [sflag:$0x1] =	stream.indirect.gather [hbm4b:s4+s16], $0x80, s29, s16, $0xb8;
	[tilespmem:$0x1E800] =	vst v63  }
0x74: {  	_ = 	snop  }
0x75: {  	[tilespmem:s18], [sflag:$0x2] =	stream.indirect.gather [hbm4b:s4+s16], $0x80, s16, s16, $0xb8;
	[tilespmem:$0x1E800] =	vst v63  }
0x76: {  	_ =	swait.ge [sflag:s19], $0x4000  }
0x77: {  	[sflag:s19] =	ssyncset.done $0x0  }
0x78: {  	s29 =	simm.s32 $0x1400;
	[sflag:s19] =	ssyncadd.s32 $0xFFFFC000  }
0x79: {  	[spmem:s1] =	stream.indirect.scatter.add.f32 [tilespmem:s17], [sflag:$0x3], $0x80, s29, s16, $0xb8;
	[tilespmem:$0x1E800] =	vst v63  }
0x7a: {  	_ =	swait.ge [sflag:s14], $0x4000  }
0x7b: {  	[sflag:s14] =	ssyncset.done $0x0  }
0x7c: {  	s29 =	simm.s32 $0x100;
	[sflag:s14] =	ssyncadd.s32 $0xFFFFC000  }
0x7d: {  	[tilespmem:s17], [sflag:$0x1] =	stream.indirect.gather [hbm4b:s4+s16], $0x80, s29, s16, $0xb8;
	[tilespmem:$0x1E800] =	vst v63  }
0x7e: {  	_ =	swait.ge [sflag:s20], $0x4000  }
0x7f: {  	[sflag:s20] =	ssyncset.done $0x0  }
0x80: {  	s29 =	simm.s32 $0x1480;
	[sflag:s20] =	ssyncadd.s32 $0xFFFFC000  }
0x81: {  	[spmem:s1] =	stream.indirect.scatter.add.f32 [tilespmem:s18], [sflag:$0x3], $0x80, s29, s16, $0xb8;
	[tilespmem:$0x1E800] =	vst v63  }
0x82: {  	_ =	swait.ge [sflag:s14], $0x4000  }
0x83: {  	[sflag:s14] =	ssyncset.done $0x0  }
0x84: {  	s30 =	simm.s32 $0x180;
	s29 =	simm.s32 $0x400;
	[sflag:s14] =	ssyncadd.s32 $0xFFFFC000  }
.LBB2_4:
0x85: {  	[tilespmem:s18], [sflag:$0x2] =	stream.indirect.gather [hbm4b:s4+s16], $0x80, s30, s16, $0xb8;
	[tilespmem:$0x1E800] =	vst v63  }
0x86: {  	s30 =	smov.u32 s29  }
0x87: {  	p0 =	sne.s32 s29, $0x4400;
	s29 =	sadd.s32 $0x400, s29;
	_ =	swait.ge [sflag:s19], $0x4000  }
0x88: {  	s30 =	sshra.s32 s30, $0x2;
	[sflag:s19] =	ssyncset.done $0x0  }
0x89: {  	s31 =	sadd.s32 $0x1400, s30;
	[sflag:s19] =	ssyncadd.s32 $0xFFFFC000  }
0x8a: {  	[spmem:s1] =	stream.indirect.scatter.add.f32 [tilespmem:s17], [sflag:$0x3], $0x80, s31, s16, $0xb8;
	[tilespmem:$0x1E800] =	vst v63  }
0x8b: {  	_ =	swait.ge [sflag:s14], $0x4000  }
0x8c: {  	[sflag:s14] =	ssyncset.done $0x0  }
0x8d: {  	s31 =	sadd.s32 $0x100, s30;
	[sflag:s14] =	ssyncadd.s32 $0xFFFFC000  }
0x8e: {  	[tilespmem:s17], [sflag:$0x1] =	stream.indirect.gather [hbm4b:s4+s16], $0x80, s31, s16, $0xb8;
	[tilespmem:$0x1E800] =	vst v63  }
0x8f: {  	_ =	swait.ge [sflag:s20], $0x4000  }
0x90: {  	[sflag:s20] =	ssyncset.done $0x0  }
.Ltmp1:
0x91: {  	s31 =	sadd.s32 $0x1480, s30;
	[sflag:s20] =	ssyncadd.s32 $0xFFFFC000;
	(pc) =	sbr.rel @p0 .LBB2_4-.Ltmp1, $4  }
0x92: {  	[spmem:s1] =	stream.indirect.scatter.add.f32 [tilespmem:s18], [sflag:$0x3], $0x80, s31, s16, $0xb8;
	[tilespmem:$0x1E800] =	vst v63  }
0x93: {  	_ =	swait.ge [sflag:s14], $0x4000  }
0x94: {  	[sflag:s14] =	ssyncset.done $0x0  }
0x95: {  	s30 =	sadd.s32 $0x180, s30;
	[sflag:s14] =	ssyncadd.s32 $0xFFFFC000  }
0x96: {  	[tilespmem:s18], [sflag:$0x2] =	stream.indirect.gather [hbm4b:s4+s16], $0x80, s30, s16, $0xb8;
	[tilespmem:$0x1E800] =	vst v63  }
0x97: {  	_ =	swait.ge [sflag:s19], $0x4000  }
0x98: {  	[sflag:s19] =	ssyncset.done $0x0  }
0x99: {  	[sflag:s19] =	ssyncadd.s32 $0xFFFFC000  }
0x9a: {  	[spmem:s1] =	stream.indirect.scatter.add.f32 [tilespmem:s17], [sflag:$0x3], $0x80, s21, s16, $0xb8;
	[tilespmem:$0x1E800] =	vst v63  }
0x9b: {  	_ =	swait.ge [sflag:s14], $0x4000  }
0x9c: {  	[sflag:s14] =	ssyncset.done $0x0  }
0x9d: {  	[sflag:s14] =	ssyncadd.s32 $0xFFFFC000  }
0x9e: {  	[tilespmem:s17], [sflag:$0x1] =	stream.indirect.gather [hbm4b:s4+s16], $0x80, s22, s16, $0xb8;
	[tilespmem:$0x1E800] =	vst v63  }
0x9f: {  	_ =	swait.ge [sflag:s20], $0x4000  }
0xa0: {  	[sflag:s20] =	ssyncset.done $0x0  }
0xa1: {  	[sflag:s20] =	ssyncadd.s32 $0xFFFFC000  }
0xa2: {  	[spmem:s1] =	stream.indirect.scatter.add.f32 [tilespmem:s18], [sflag:$0x3], $0x80, s23, s16, $0xb8;
	[tilespmem:$0x1E800] =	vst v63  }
0xa3: {  	_ =	swait.ge [sflag:s14], $0x4000  }
0xa4: {  	[sflag:s14] =	ssyncset.done $0x0  }
0xa5: {  	[sflag:s14] =	ssyncadd.s32 $0xFFFFC000  }
0xa6: {  	[tilespmem:s18], [sflag:$0x2] =	stream.indirect.gather [hbm4b:s4+s16], $0x80, s24, s16, $0xb8;
	[tilespmem:$0x1E800] =	vst v63  }
0xa7: {  	_ =	swait.ge [sflag:s19], $0x4000  }
0xa8: {  	[sflag:s19] =	ssyncset.done $0x0  }
0xa9: {  	[sflag:s19] =	ssyncadd.s32 $0xFFFFC000  }
0xaa: {  	[spmem:s1] =	stream.indirect.scatter.add.f32 [tilespmem:s17], [sflag:$0x3], $0x80, s25, s16, $0xb8;
	[tilespmem:$0x1E800] =	vst v63  }
0xab: {  	_ =	swait.ge [sflag:s14], $0x4000  }
0xac: {  	[sflag:s14] =	ssyncset.done $0x0  }
0xad: {  	[sflag:s14] =	ssyncadd.s32 $0xFFFFC000  }
0xae: {  	[tilespmem:s17], [sflag:$0x1] =	stream.indirect.gather [hbm4b:s4+s16], $0x80, s24, s16, $0xb8;
	[tilespmem:$0x1E800] =	vst v63  }
0xaf: {  	_ =	swait.ge [sflag:s20], $0x4000  }
0xb0: {  	[sflag:s20] =	ssyncset.done $0x0  }
0xb1: {  	[sflag:s20] =	ssyncadd.s32 $0xFFFFC000  }
0xb2: {  	[spmem:s1] =	stream.indirect.scatter.add.f32 [tilespmem:s18], [sflag:$0x3], $0x80, s26, s16, $0xb8;
	[tilespmem:$0x1E800] =	vst v63  }
0xb3: {  	_ =	swait.ge [sflag:s14], $0x4000  }
0xb4: {  	[sflag:s14] =	ssyncset.done $0x0  }
0xb5: {  	[sflag:s14] =	ssyncadd.s32 $0xFFFFC000  }
0xb6: {  	[tilespmem:s18], [sflag:$0x2] =	stream.indirect.gather [hbm4b:s4+s16], $0x80, s24, s16, $0xb8;
	[tilespmem:$0x1E800] =	vst v63  }
0xb7: {  	_ =	swait.ge [sflag:s19], $0x4000  }
0xb8: {  	[sflag:s19] =	ssyncset.done $0x0  }
0xb9: {  	[sflag:s19] =	ssyncadd.s32 $0xFFFFC000  }
0xba: {  	_ =	swait.ge [sflag:s20], $0x4000  }
0xbb: {  	s28 =	sadd.s32 $0x1, s28;
	[sflag:s20] =	ssyncset.done $0x0  }
0xbc: {  	p0 =	sne.s32 s28, s12;
	[sflag:s20] =	ssyncadd.s32 $0xFFFFC000  }
.Ltmp2:
0xbd: {  	[bflag:$0x0] =	sbarrier.arrive $0xFFFF;
	(pc) =	sbr.rel @p0 .LBB2_1-.Ltmp2, $4  }
0xbe: {  	[hbm:s11], [sflag:s6] =	dma.local [spmem:s13], $0x2800  }
0xbf: {  	_ =	swait.ge [sflag:s14], $0x2800  }
0xc0: {  	[sflag:s14] =	ssyncset.done $0x0  }
0xc1: {  	[sflag:s14] =	ssyncadd.s32 $0xFFFFD800  }
0xc2: {  	_ =	sfence.sel $0x180000  }
0xc3: {  	[bflag:$0x0] =	sbarrier.arrive $0xFFFF  }
0xc4: {  	p0 =	sne.s32 s2, $0x0;
	_ =	strace $0x90000056  }
0xc5: {  	s0 =	sadd.s32 @!p0 $0x100000, s0;
	[bflag:$0x2] =	sbarrier.arrive $0xFFFF  }
0xc6: {  	[sflag:s0] =	ssyncadd.tile.s32 @!p0 $0x1;
	_ =	shalt  }
.Lfunc_end2:
_tile_overlayer_lowered:
.L_overlay_start_2:
0xc7: {  	(tag) =	ssettag $0x2  }
0xc8: {  	s0 =	rddreg [dreg:$0x0];
	s2 =	stileid.u32  }
0xc9: {  	s1 =	rddreg [dreg:$0x1];
	p0 =	sne.s32 s2, $0x0  }
0xca: {  	s3 =	rddreg [dreg:$0x2];
	[bflag:$0x3] =	sbarrier.arrive $0xFFFF;
	s2 =	simm.s32 @!p0 $0x1C03  }
0xcb: {  	[timem:s3], [sflag:s2] =	dma.local @!p0 [hbm:s0], s1  }
0xcc: {  	s0 =	simm.s32 @!p0 $0x3  }
0xcd: {  	_ =	swait.ge @!p0 [sflag:s0], s1  }
0xce: {  	s1 =	ssub.s32 @!p0 $0x0, s1;
	[sflag:s0] =	ssyncset.done @!p0 $0x0  }
0xcf: {  	[sflag:s0] =	ssyncadd.s32 @!p0 s1  }
0xd0: {  	[bflag:$0x3] =	sbarrier.arrive $0xFFFF  }
0xd1: {  	_ =	shalt  }

// kernel: kernel.35.cloned.1.call-start
scs
__scs_entry_jumppad:
0x0: {  	(pc) =	sbr.rel $0x88, $3  }
0x1: {  	(tag) =	ssettag $0x0;
	lr =	simm.s32 $0x1  }
0x2: {  	[smem:$0x3F98] =	sst lr;
	_ =	strace $0xD0000000  }
0x3: {  	_ = 	snop  }
0x4: {  	_ = 	snop  }
0x5: {  	_ = 	snop  }
0x6: {  	_ = 	snop  }
0x7: {  	_ = 	snop  }
__scs_overlays_trampoline_lowered:
0x8: {  	[smem:$0x3FA7] =	sst s0  }
0x9: {  	[smem:$0x3FA8] =	sst s1  }
0xa: {  	[smem:$0x3FA9] =	sst s2  }
0xb: {  	[smem:$0x3FAA] =	sst s3  }
0xc: {  	[smem:$0x3FAB] =	sst s4  }
0xd: {  	[smem:$0x3FAC] =	sst s5  }
0xe: {  	[smem:$0x3FAD] =	sst s6  }
0xf: {  	[smem:$0x3FAE] =	sst s7  }
0x10: {  	[smem:$0x3FAF] =	sst s8  }
0x11: {  	[smem:$0x3FB0] =	sst s9;
	s0 =	simm.s32 @!p0 $0x0  }
0x12: {  	s1 =	sld [smem:$0x3F96];
	s0 =	simm.s32 @p0 $0x1  }
0x13: {  	[smem:$0x3FB1] =	sst s0;
	s0 =	simm.s32 @!p1 $0x0  }
0x14: {  	s2 =	sld [smem:$0x3F95];
	s0 =	simm.s32 @p1 $0x1  }
0x15: {  	[smem:$0x3FB2] =	sst s0;
	s0 =	simm.s32 @!p2 $0x0  }
0x16: {  	s3 =	sld [smem:$0x3FDB];
	s0 =	simm.s32 @p2 $0x1  }
0x17: {  	s4 =	simm.s32 $0x1BF5;
	[smem:$0x3FB4] =	sst s0  }
0x18: {  	s0 =	sld [smem:$0x3F97];
	_ =	swait.ge [sflag:s4], $0x0  }
0x19: {  	s7 =	sld [smem:$0x3F98]  }
0x1a: {  	s8 =	sadd.s32 $0xFFFFE003, lr  }
0x1b: {  	s9 =	sadd.s32 $0xFFFFFEF7, lr;
	s5 =	simm.s32 $0xFFFFFFFF;
	p2 =	slt.u32 s8, $0xFFFFF086  }
0x1c: {  	p1 =	slt.u32 s9, $0xF7A;
	s5 =	simm.s32 @!p2 $0x0  }
0x1d: {  	s5 =	simm.s32 @p1 $0x1;
	p0 =	seq.s32 s7, s2  }
0x1e: {  	s7 =	smul.u32 @!p0 $0xF7A, s2;
	p2 =	seq.s32 @!p0 s5, $0x0  }
0x1f: {  	s9 =	smul.u32 $0xF7A, s1;
	s8 =	simm.s32 @!p0 $0x1BF5;
	p2 =	por !p2, p0  }
0x20: {  	[sflag:s8] =	ssyncset.s32 @!p0 $0xFFFFF086;
	s6 =	sadd.s32 @!p0 s3, s7;
	s7 =	simm.s32 @!p0 $0x108  }
0x21: {  	s3 =	sadd.s32 s3, s9;
	s6 =	sadd.s32 @!p0 $0x88, s6;
	s7 =	simm.s32 @p2 $0x1082  }
0x22: {  	[simem:s7], [sflag:s8] =	dma.local @!p0 [hbm:s6], $0xF7A  }
0x23: {  	s9 =	sor.u32 $0xD0000000, s2;
	s6 =	simm.s32 $0x108;
	_ =	swait.ge @!p0 [sflag:s8], $0x0  }
0x24: {  	s3 =	sadd.s32 $0x88, s3;
	s6 =	simm.s32 @!p1 $0x1082;
	[sflag:s4] =	ssyncset.s32 $0xFFFFF086  }
0x25: {  	[simem:s6], [sflag:s4] =	dma.local [hbm:s3], $0xF7A  }
0x26: {  	[smem:$0x3F98] =	sst s1;
	(tag) =	ssettag s2;
	_ =	strace s9  }
0x27: {  	s1 =	sld [smem:$0x3FA8]  }
0x28: {  	s2 =	sld [smem:$0x3FA9]  }
0x29: {  	s4 =	sld [smem:$0x3FAB]  }
0x2a: {  	p0 =	seq.s32 s5, $0x0;
	s5 =	sld [smem:$0x3FAC]  }
0x2b: {  	s6 =	sld [smem:$0x3FAD]  }
0x2c: {  	s7 =	sld [smem:$0x3FAE]  }
0x2d: {  	s3 =	simm.s32 $0x108;
	s8 =	sld [smem:$0x3FAF]  }
0x2e: {  	s3 =	simm.s32 @!p0 $0x1082;
	s9 =	sld [smem:$0x3FB0]  }
0x2f: {  	lr =	sadd.s32 s0, s3;
	s0 =	sld [smem:$0x3FA7]  }
0x30: {  	s3 =	sld [smem:$0x3FAA]  }
0x31: {  	[smem:$0x3FB3] =	sst s10  }
0x32: {  	s10 =	sld [smem:$0x3FB1];
	_ =	sdelay $0x3  }
0x33: {  	p0 =	seq.s32 s10, $0x1;
	s10 =	sld [smem:$0x3FB3];
	_ =	sdelay $0x3  }
0x34: {  	[smem:$0x3FB3] =	sst s10  }
0x35: {  	s10 =	sld [smem:$0x3FB2];
	_ =	sdelay $0x3  }
0x36: {  	p1 =	seq.s32 s10, $0x1;
	s10 =	sld [smem:$0x3FB3];
	_ =	sdelay $0x3  }
0x37: {  	[smem:$0x3FB3] =	sst s10  }
0x38: {  	s10 =	sld [smem:$0x3FB4]  }
0x39: {  	_ = 	snop;
	(pc) =	sbr.ind lr, $3  }
0x3a: {  	_ = 	snop  }
0x3b: {  	_ = 	snop  }
0x3c: {  	p2 =	seq.s32 s10, $0x1;
	s10 =	sld [smem:$0x3FB3]  }
0x3d: {  	_ =	shalt  }
0x3e: {  	_ =	shalt  }
0x3f: {  	_ =	shalt  }
0x40: {  	_ =	shalt  }
0x41: {  	_ =	shalt  }
0x42: {  	_ =	shalt  }
0x43: {  	_ =	shalt  }
0x44: {  	_ =	shalt  }
0x45: {  	_ =	shalt  }
0x46: {  	_ =	shalt  }
0x47: {  	_ =	shalt  }
0x48: {  	_ =	shalt  }
0x49: {  	_ =	shalt  }
0x4a: {  	_ =	shalt  }
0x4b: {  	_ =	shalt  }
0x4c: {  	_ =	shalt  }
0x4d: {  	_ =	shalt  }
0x4e: {  	_ =	shalt  }
0x4f: {  	_ =	shalt  }
0x50: {  	_ =	shalt  }
0x51: {  	_ =	shalt  }
0x52: {  	_ =	shalt  }
0x53: {  	_ =	shalt  }
0x54: {  	_ =	shalt  }
0x55: {  	_ =	shalt  }
0x56: {  	_ =	shalt  }
0x57: {  	_ =	shalt  }
0x58: {  	_ =	shalt  }
0x59: {  	_ =	shalt  }
0x5a: {  	_ =	shalt  }
0x5b: {  	_ =	shalt  }
0x5c: {  	_ =	shalt  }
0x5d: {  	_ =	shalt  }
0x5e: {  	_ =	shalt  }
0x5f: {  	_ =	shalt  }
0x60: {  	_ =	shalt  }
0x61: {  	_ =	shalt  }
0x62: {  	_ =	shalt  }
0x63: {  	_ =	shalt  }
0x64: {  	_ =	shalt  }
0x65: {  	_ =	shalt  }
0x66: {  	_ =	shalt  }
0x67: {  	_ =	shalt  }
0x68: {  	_ =	shalt  }
0x69: {  	_ =	shalt  }
0x6a: {  	_ =	shalt  }
0x6b: {  	_ =	shalt  }
0x6c: {  	_ =	shalt  }
0x6d: {  	_ =	shalt  }
0x6e: {  	_ =	shalt  }
0x6f: {  	_ =	shalt  }
0x70: {  	_ =	shalt  }
0x71: {  	_ =	shalt  }
0x72: {  	_ =	shalt  }
0x73: {  	_ =	shalt  }
0x74: {  	_ =	shalt  }
0x75: {  	_ =	shalt  }
0x76: {  	_ =	shalt  }
0x77: {  	_ =	shalt  }
0x78: {  	_ =	shalt  }
0x79: {  	_ =	shalt  }
0x7a: {  	_ =	shalt  }
0x7b: {  	_ =	shalt  }
0x7c: {  	_ =	shalt  }
0x7d: {  	_ =	shalt  }
0x7e: {  	_ =	shalt  }
0x7f: {  	_ =	shalt  }
0x80: {  	_ =	shalt  }
0x81: {  	_ =	shalt  }
0x82: {  	_ =	shalt  }
0x83: {  	_ =	shalt  }
0x84: {  	_ =	shalt  }
0x85: {  	_ =	shalt  }
0x86: {  	_ =	shalt  }
0x87: {  	_ =	shalt  }
.Lfunc_end0:
.L_simem_size_0:
called_computation.6_lowered:
.L_overlay_start_0:
0x88: {  	s2 =	sld [smem:$0x3FD9]  }
0x89: {  	s3 =	sld [smem:$0x3FFE];
	_ =	sdelay $0x1  }
0x8a: {  	s1 =	srdreg.scid  }
0x8b: {  	s0 =	sand.u32 $0x1, s1  }
0x8c: {  	s16 =	sshll.u32 s0, $0xA;
	s2 =	sadd.s32 s3, s2  }
0x8d: {  	s2 =	sadd.s32 s2, s16  }
0x8e: {  	[smem:$0x3FBF] =	sst s2  }
0x8f: {  	_ = 	snop  }
0x90: {  	(tm) =	ssettm $0x1  }
0x91: {  	s17 =	sld [smem:$0x3FFB];
	_ =	sdelay $0x3  }
0x92: {  	_ =	strace s17  }
0x93: {  	s2 =	sld [smem:$0x3FFC];
	_ =	sdelay $0x3  }
0x94: {  	_ =	strace s2  }
0x95: {  	s2 =	sld [smem:$0x3FFD];
	_ =	sdelay $0x3  }
0x96: {  	_ =	strace s2  }
0x97: {  	_ =	strace $0x8FFFFFFF  }
0x98: {  	s18 =	sld [smem:$0x3FDB];
	_ =	sdelay $0x1  }
0x99: {  	s19 =	simm.s32 $_scs_section_size  }
0x9a: {  	s4 =	simm.s32 $_size__tile_overlayer_lowered;
	s5 =	simm.s32 $_tile_overlayer_lowered  }
0x9b: {  	s22 =	simm.s32 $0x1BFF;
	s21 =	sshll.u32 s5, $0x1;
	s2 =	sadd.s32 s19, s18  }
0x9c: {  	s6 =	simm.s32 $0x0;
	s20 =	sshll.u32 s4, $0x1;
	s4 =	sadd.s32 s21, s2  }
0x9d: {  	[timem:s6], [sflag:s22] =	dma.local [hbm:s4], s20  }
0x9e: {  	_ =	swait.ge [sflag:s22], s20  }
0x9f: {  	s3 =	ssub.s32 $0x0, s20;
	[sflag:s22] =	ssyncset.done $0x0  }
0xa0: {  	[sflag:s22] =	ssyncadd.s32 s3;
	_ =	sdelay $0x1  }
0xa1: {  	s23 =	simm.s32 $0x1B8B  }
0xa2: {  	_ =	swait.ge [sflag:s23], $0x1  }
0xa3: {  	[sflag:s23] =	ssyncset.done $0x0  }
0xa4: {  	s25 =	simm.s32 $0x1B8E;
	s24 =	sld [smem:$0x3FFE];
	[sflag:s23] =	ssyncadd.s32 $0xFFFFFFFF  }
0xa5: {  	s26 =	simm.s32 $execute0_lowered;
	[smem:$0x3FD2] =	sst s25  }
0xa6: {  	s4 =	sshll.u32 s26, $0x1;
	_ =	strace $0x80000058;
	[dreg:$0x1] =	wrdreg $0xFFFFFFFF  }
0xa7: {  	s28 =	simm.s32 $_size_execute0_lowered;
	s2 =	sadd.s32 s2, s4;
	[dreg:$0x0] =	wrdreg $0x0  }
0xa8: {  	s4 =	sshll.u32 s28, $0x1;
	[dreg:$0x2] =	wrdreg s2  }
0xa9: {  	[dreg:$0x3] =	wrdreg s4  }
0xaa: {  	[dreg:$0x4] =	wrdreg $0xC0  }
0xab: {  	_ =	task [dreg:s6], $0x5FFFF  }
0xac: {  	[dreg:$0x1] =	wrdreg $0xFFFFFFFF  }
0xad: {  	[dreg:$0x0] =	wrdreg $0x60  }
0xae: {  	[dreg:$0x2] =	wrdreg s24  }
0xaf: {  	[dreg:$0x3] =	wrdreg $0xA8000  }
0xb0: {  	[dreg:$0x4] =	wrdreg $0x9  }
0xb1: {  	_ =	task.clear_ibuf [dreg:s6], $0x5FFFF;
	_ =	strace $0x90000058  }
0xb2: {  	s29 =	simm.s32 $0x9;
	_ =	strace $0x8000005A  }
0xb3: {  	_ =	swait.ge [sflag:s29], $0x1  }
0xb4: {  	[sflag:s29] =	ssyncadd.s32 $0xFFFFFFFF  }
0xb5: {  	_ =	strace $0x9000005A  }
0xb6: {  	_ =	sfence  }
0xb7: {  	s30 =	sld [smem:$0x0];
	_ =	sdelay $0x2  }
0xb8: {  	s31 =	sshll.u32 s1, $0xD;
	s1 =	sshrl.u32 s1, $0x2  }
0xb9: {  	s3 =	sand.u32 $0x4000, s31;
	s1 =	sadd.s32 s1, s30  }
0xba: {  	s0 =	sor.u32 s3, s0;
	s1 =	sshll.u32 s1, $0x11  }
0xbb: {  	s0 =	sor.u32 s1, s0  }
0xbc: {  	s0 =	sadd.s32 $0x8F2B, s0  }
0xbd: {  	[sflag:s0] =	ssyncadd.remote.s32 $0x1  }
0xbe: {  	_ =	sfence.sel $0xFFFF  }
0xbf: {  	[dreg:$0x0] =	wrdreg $0xFFFFFFFF;
	(pc) =	sbr.abs _section_cstart, $3  }
0xc0: {  	[dreg:$0x1] =	wrdreg $0xFFFFFFFF  }
0xc1: {  	_ =	task.clear_ibuf [dreg:s6], $0x2FFFF;
	_ =	strace $0x9FFFFFFF  }
0xc2: {  	(tm) =	ssettm $0x7FFFFFFF  }
0xc3: {  	_ =	shalt  }
tec
execute0_lowered:
.L_overlay_start_1:
0x0: {  	(tag) =	ssettag $0x1  }
0x1: {  	s6 =	rddreg [dreg:$0x0]  }
0x2: {  	s1 =	rddreg [dreg:$0x1]  }
0x3: {  	s2 =	srdreg.scid;
	s0 =	rddreg [dreg:$0x2]  }
0x4: {  	s3 =	simm.s32 $0x0;
	s15 =	simm.s32 $0x1400;
	s16 =	simm.s32 $0x80  }
0x5: {  	s17 =	simm.s32 $0x2800;
	s18 =	simm.s32 $0x6800;
	s19 =	simm.s32 $0x1  }
0x6: {  	s20 =	simm.s32 $0x2;
	s21 =	simm.s32 $0x2600;
	s28 =	simm.s32 $0x0  }
0x7: {  	s5 =	sand.u32 $0x1, s2;
	s2 =	stileid.u32;
	[smem:$0x7FF] =	sst s3  }
0x8: {  	s4 =	sadd.s32 $0x10400, s6;
	s9 =	sadd.s32 $0x60C00, s6;
	s7 =	smul.u32 $0x140000, s5  }
0x9: {  	s10 =	sadd.s32 $0x3C00, s6;
	s8 =	smul.u32 $0x14000, s2;
	_ =	strace $0x80000059  }
0xa: {  	s22 =	sshll.u32 s5, $0x4;
	s11 =	ssub.s32 $0x2, s5;
	s24 =	smul.u32 $0x50000, s2  }
0xb: {  	s5 =	sadd.s32 $0xDC00, s6;
	s26 =	sshll.u32 s2, $0x6;
	s23 =	sor.u32 s2, s22  }
0xc: {  	s12 =	sshrl.u32 s11, $0x1;
	s22 =	simm.s32 $0x1300;
	s7 =	sadd.s32 s8, s7  }
0xd: {  	s13 =	smul.u32 $0x2800, s23;
	s12 =	ssub.s32 s11, s12;
	s25 =	sshrl.u32 s24, $0x2  }
0xe: {  	s23 =	simm.s32 $0x2680;
	s24 =	simm.s32 $0x1380;
	s7 =	sshrl.u32 s7, $0x3  }
0xf: {  	s30 =	sadd.s32 s25, s1;
	s12 =	smax.u32 s12, $0x1;
	s25 =	simm.s32 $0x2700  }
0x10: {  	s14 =	sadd.s32 s7, s6;
	s29 =	sshrl.u32 s13, $0x3;
	s6 =	sor.u32 $0x1C03, s26  }
0x11: {  	s13 =	sshrl.u32 s30, $0x3;
	s26 =	simm.s32 $0x2780;
	s31 =	sadd.s32 $0x280, s29  }
0x12: {  	s7 =	sadd.s32 s9, s29;
	s8 =	sadd.s32 s10, s29;
	s11 =	sadd.s32 $0x6AC00, s14  }
0x13: {  	s14 =	simm.s32 $0x3;
	s9 =	sadd.s32 s9, s31;
	s10 =	sadd.s32 s10, s31  }
.LBB2_1:
0x14: {  	[spmem:s13], [sflag:s6] =	dma.local [hbm:s5], $0x2800  }
0x15: {  	_ =	swait.ge [sflag:s14], $0x2800  }
0x16: {  	[sflag:s14] =	ssyncset.done $0x0  }
0x17: {  	[sflag:s14] =	ssyncadd.s32 $0xFFFFD800  }
0x18: {  	[bflag:$0x0] =	sbarrier.arrive $0xFFFF  }
0x19: {  	[tilespmem:s3], [sflag:$0x3] =	stream.linear.gather [hbm4b:s7+s3], $0x1400, $0x38;
	[tilespmem:$0x1E800] =	vst v63  }
0x1a: {  	_ =	swait.ge [sflag:s14], $0x1400  }
0x1b: {  	[sflag:s14] =	ssyncset.done $0x0  }
0x1c: {  	[sflag:s14] =	ssyncadd.s32 $0xFFFFEC00  }
0x1d: {  	[tilespmem:s15], [sflag:$0x3] =	stream.linear.gather [hbm4b:s8+s3], $0x1400, $0x38;
	[tilespmem:$0x1E800] =	vst v63  }
0x1e: {  	_ =	swait.ge [sflag:s14], $0x1400  }
0x1f: {  	[sflag:s14] =	ssyncset.done $0x0  }
0x20: {  	[sflag:s14] =	ssyncadd.s32 $0xFFFFEC00  }
0x21: {  	[tilespmem:s17], [sflag:$0x1] =	stream.indirect.gather [hbm4b:s4+s16], $0x80, s3, s16, $0xb8;
	[tilespmem:$0x1E800] =	vst v63  }
0x22: {  	_ = 	snop  }
0x23: {  	[tilespmem:s18], [sflag:$0x2] =	stream.indirect.gather [hbm4b:s4+s16], $0x80, s16, s16, $0xb8;
	[tilespmem:$0x1E800] =	vst v63  }
0x24: {  	_ =	swait.ge [sflag:s19], $0x4000  }
0x25: {  	[sflag:s19] =	ssyncset.done $0x0  }
0x26: {  	s29 =	simm.s32 $0x1400;
	[sflag:s19] =	ssyncadd.s32 $0xFFFFC000  }
0x27: {  	[spmem:s1] =	stream.indirect.scatter.add.f32 [tilespmem:s17], [sflag:$0x3], $0x80, s29, s16, $0xb8;
	[tilespmem:$0x1E800] =	vst v63  }
0x28: {  	_ =	swait.ge [sflag:s14], $0x4000  }
0x29: {  	[sflag:s14] =	ssyncset.done $0x0  }
0x2a: {  	s29 =	simm.s32 $0x100;
	[sflag:s14] =	ssyncadd.s32 $0xFFFFC000  }
0x2b: {  	[tilespmem:s17], [sflag:$0x1] =	stream.indirect.gather [hbm4b:s4+s16], $0x80, s29, s16, $0xb8;
	[tilespmem:$0x1E800] =	vst v63  }
0x2c: {  	_ =	swait.ge [sflag:s20], $0x4000  }
0x2d: {  	[sflag:s20] =	ssyncset.done $0x0  }
0x2e: {  	s29 =	simm.s32 $0x1480;
	[sflag:s20] =	ssyncadd.s32 $0xFFFFC000  }
0x2f: {  	[spmem:s1] =	stream.indirect.scatter.add.f32 [tilespmem:s18], [sflag:$0x3], $0x80, s29, s16, $0xb8;
	[tilespmem:$0x1E800] =	vst v63  }
0x30: {  	_ =	swait.ge [sflag:s14], $0x4000  }
0x31: {  	[sflag:s14] =	ssyncset.done $0x0  }
0x32: {  	s30 =	simm.s32 $0x180;
	s29 =	simm.s32 $0x400;
	[sflag:s14] =	ssyncadd.s32 $0xFFFFC000  }
.LBB2_2:
0x33: {  	[tilespmem:s18], [sflag:$0x2] =	stream.indirect.gather [hbm4b:s4+s16], $0x80, s30, s16, $0xb8;
	[tilespmem:$0x1E800] =	vst v63  }
0x34: {  	s30 =	smov.u32 s29  }
0x35: {  	p0 =	sne.s32 s29, $0x4400;
	s29 =	sadd.s32 $0x400, s29;
	_ =	swait.ge [sflag:s19], $0x4000  }
0x36: {  	s30 =	sshra.s32 s30, $0x2;
	[sflag:s19] =	ssyncset.done $0x0  }
0x37: {  	s31 =	sadd.s32 $0x1400, s30;
	[sflag:s19] =	ssyncadd.s32 $0xFFFFC000  }
0x38: {  	[spmem:s1] =	stream.indirect.scatter.add.f32 [tilespmem:s17], [sflag:$0x3], $0x80, s31, s16, $0xb8;
	[tilespmem:$0x1E800] =	vst v63  }
0x39: {  	_ =	swait.ge [sflag:s14], $0x4000  }
0x3a: {  	[sflag:s14] =	ssyncset.done $0x0  }
0x3b: {  	s31 =	sadd.s32 $0x100, s30;
	[sflag:s14] =	ssyncadd.s32 $0xFFFFC000  }
0x3c: {  	[tilespmem:s17], [sflag:$0x1] =	stream.indirect.gather [hbm4b:s4+s16], $0x80, s31, s16, $0xb8;
	[tilespmem:$0x1E800] =	vst v63  }
0x3d: {  	_ =	swait.ge [sflag:s20], $0x4000  }
0x3e: {  	[sflag:s20] =	ssyncset.done $0x0  }
.Ltmp0:
0x3f: {  	s31 =	sadd.s32 $0x1480, s30;
	[sflag:s20] =	ssyncadd.s32 $0xFFFFC000;
	(pc) =	sbr.rel @p0 .LBB2_2-.Ltmp0, $4  }
0x40: {  	[spmem:s1] =	stream.indirect.scatter.add.f32 [tilespmem:s18], [sflag:$0x3], $0x80, s31, s16, $0xb8;
	[tilespmem:$0x1E800] =	vst v63  }
0x41: {  	_ =	swait.ge [sflag:s14], $0x4000  }
0x42: {  	[sflag:s14] =	ssyncset.done $0x0  }
0x43: {  	s30 =	sadd.s32 $0x180, s30;
	[sflag:s14] =	ssyncadd.s32 $0xFFFFC000  }
0x44: {  	[tilespmem:s18], [sflag:$0x2] =	stream.indirect.gather [hbm4b:s4+s16], $0x80, s30, s16, $0xb8;
	[tilespmem:$0x1E800] =	vst v63  }
0x45: {  	_ =	swait.ge [sflag:s19], $0x4000  }
0x46: {  	[sflag:s19] =	ssyncset.done $0x0  }
0x47: {  	[sflag:s19] =	ssyncadd.s32 $0xFFFFC000  }
0x48: {  	[spmem:s1] =	stream.indirect.scatter.add.f32 [tilespmem:s17], [sflag:$0x3], $0x80, s21, s16, $0xb8;
	[tilespmem:$0x1E800] =	vst v63  }
0x49: {  	_ =	swait.ge [sflag:s14], $0x4000  }
0x4a: {  	[sflag:s14] =	ssyncset.done $0x0  }
0x4b: {  	[sflag:s14] =	ssyncadd.s32 $0xFFFFC000  }
0x4c: {  	[tilespmem:s17], [sflag:$0x1] =	stream.indirect.gather [hbm4b:s4+s16], $0x80, s22, s16, $0xb8;
	[tilespmem:$0x1E800] =	vst v63  }
0x4d: {  	_ =	swait.ge [sflag:s20], $0x4000  }
0x4e: {  	[sflag:s20] =	ssyncset.done $0x0  }
0x4f: {  	[sflag:s20] =	ssyncadd.s32 $0xFFFFC000  }
0x50: {  	[spmem:s1] =	stream.indirect.scatter.add.f32 [tilespmem:s18], [sflag:$0x3], $0x80, s23, s16, $0xb8;
	[tilespmem:$0x1E800] =	vst v63  }
0x51: {  	_ =	swait.ge [sflag:s14], $0x4000  }
0x52: {  	[sflag:s14] =	ssyncset.done $0x0  }
0x53: {  	[sflag:s14] =	ssyncadd.s32 $0xFFFFC000  }
0x54: {  	[tilespmem:s18], [sflag:$0x2] =	stream.indirect.gather [hbm4b:s4+s16], $0x80, s24, s16, $0xb8;
	[tilespmem:$0x1E800] =	vst v63  }
0x55: {  	_ =	swait.ge [sflag:s19], $0x4000  }
0x56: {  	[sflag:s19] =	ssyncset.done $0x0  }
0x57: {  	[sflag:s19] =	ssyncadd.s32 $0xFFFFC000  }
0x58: {  	[spmem:s1] =	stream.indirect.scatter.add.f32 [tilespmem:s17], [sflag:$0x3], $0x80, s25, s16, $0xb8;
	[tilespmem:$0x1E800] =	vst v63  }
0x59: {  	_ =	swait.ge [sflag:s14], $0x4000  }
0x5a: {  	[sflag:s14] =	ssyncset.done $0x0  }
0x5b: {  	[sflag:s14] =	ssyncadd.s32 $0xFFFFC000  }
0x5c: {  	[tilespmem:s17], [sflag:$0x1] =	stream.indirect.gather [hbm4b:s4+s16], $0x80, s24, s16, $0xb8;
	[tilespmem:$0x1E800] =	vst v63  }
0x5d: {  	_ =	swait.ge [sflag:s20], $0x4000  }
0x5e: {  	[sflag:s20] =	ssyncset.done $0x0  }
0x5f: {  	[sflag:s20] =	ssyncadd.s32 $0xFFFFC000  }
0x60: {  	[spmem:s1] =	stream.indirect.scatter.add.f32 [tilespmem:s18], [sflag:$0x3], $0x80, s26, s16, $0xb8;
	[tilespmem:$0x1E800] =	vst v63  }
0x61: {  	_ =	swait.ge [sflag:s14], $0x4000  }
0x62: {  	[sflag:s14] =	ssyncset.done $0x0  }
0x63: {  	[sflag:s14] =	ssyncadd.s32 $0xFFFFC000  }
0x64: {  	[tilespmem:s18], [sflag:$0x2] =	stream.indirect.gather [hbm4b:s4+s16], $0x80, s24, s16, $0xb8;
	[tilespmem:$0x1E800] =	vst v63  }
0x65: {  	_ =	swait.ge [sflag:s19], $0x4000  }
0x66: {  	[sflag:s19] =	ssyncset.done $0x0  }
0x67: {  	[sflag:s19] =	ssyncadd.s32 $0xFFFFC000  }
0x68: {  	_ =	swait.ge [sflag:s20], $0x4000  }
0x69: {  	[sflag:s20] =	ssyncset.done $0x0  }
0x6a: {  	s29 =	simm.s32 $0x0;
	[sflag:s20] =	ssyncadd.s32 $0xFFFFC000  }
0x6b: {  	[tilespmem:s29], [sflag:$0x3] =	stream.linear.gather [hbm4b:s9+s29], $0x1400, $0x38;
	[tilespmem:$0x1E800] =	vst v63  }
0x6c: {  	_ =	swait.ge [sflag:s14], $0x1400  }
0x6d: {  	[sflag:s14] =	ssyncset.done $0x0  }
0x6e: {  	[sflag:s14] =	ssyncadd.s32 $0xFFFFEC00  }
0x6f: {  	[tilespmem:s15], [sflag:$0x3] =	stream.linear.gather [hbm4b:s10+s29], $0x1400, $0x38;
	[tilespmem:$0x1E800] =	vst v63  }
0x70: {  	_ =	swait.ge [sflag:s14], $0x1400  }
0x71: {  	[sflag:s14] =	ssyncset.done $0x0  }
0x72: {  	[sflag:s14] =	ssyncadd.s32 $0xFFFFEC00  }
0x73: {  	[tilespmem:s17], [sflag:$0x1] =	stream.indirect.gather [hbm4b:s4+s16], $0x80, s29, s16, $0xb8;
	[tilespmem:$0x1E800] =	vst v63  }
0x74: {  	_ = 	snop  }
0x75: {  	[tilespmem:s18], [sflag:$0x2] =	stream.indirect.gather [hbm4b:s4+s16], $0x80, s16, s16, $0xb8;
	[tilespmem:$0x1E800] =	vst v63  }
0x76: {  	_ =	swait.ge [sflag:s19], $0x4000  }
0x77: {  	[sflag:s19] =	ssyncset.done $0x0  }
0x78: {  	s29 =	simm.s32 $0x1400;
	[sflag:s19] =	ssyncadd.s32 $0xFFFFC000  }
0x79: {  	[spmem:s1] =	stream.indirect.scatter.add.f32 [tilespmem:s17], [sflag:$0x3], $0x80, s29, s16, $0xb8;
	[tilespmem:$0x1E800] =	vst v63  }
0x7a: {  	_ =	swait.ge [sflag:s14], $0x4000  }
0x7b: {  	[sflag:s14] =	ssyncset.done $0x0  }
0x7c: {  	s29 =	simm.s32 $0x100;
	[sflag:s14] =	ssyncadd.s32 $0xFFFFC000  }
0x7d: {  	[tilespmem:s17], [sflag:$0x1] =	stream.indirect.gather [hbm4b:s4+s16], $0x80, s29, s16, $0xb8;
	[tilespmem:$0x1E800] =	vst v63  }
0x7e: {  	_ =	swait.ge [sflag:s20], $0x4000  }
0x7f: {  	[sflag:s20] =	ssyncset.done $0x0  }
0x80: {  	s29 =	simm.s32 $0x1480;
	[sflag:s20] =	ssyncadd.s32 $0xFFFFC000  }
0x81: {  	[spmem:s1] =	stream.indirect.scatter.add.f32 [tilespmem:s18], [sflag:$0x3], $0x80, s29, s16, $0xb8;
	[tilespmem:$0x1E800] =	vst v63  }
0x82: {  	_ =	swait.ge [sflag:s14], $0x4000  }
0x83: {  	[sflag:s14] =	ssyncset.done $0x0  }
0x84: {  	s30 =	simm.s32 $0x180;
	s29 =	simm.s32 $0x400;
	[sflag:s14] =	ssyncadd.s32 $0xFFFFC000  }
.LBB2_4:
0x85: {  	[tilespmem:s18], [sflag:$0x2] =	stream.indirect.gather [hbm4b:s4+s16], $0x80, s30, s16, $0xb8;
	[tilespmem:$0x1E800] =	vst v63  }
0x86: {  	s30 =	smov.u32 s29  }
0x87: {  	p0 =	sne.s32 s29, $0x4400;
	s29 =	sadd.s32 $0x400, s29;
	_ =	swait.ge [sflag:s19], $0x4000  }
0x88: {  	s30 =	sshra.s32 s30, $0x2;
	[sflag:s19] =	ssyncset.done $0x0  }
0x89: {  	s31 =	sadd.s32 $0x1400, s30;
	[sflag:s19] =	ssyncadd.s32 $0xFFFFC000  }
0x8a: {  	[spmem:s1] =	stream.indirect.scatter.add.f32 [tilespmem:s17], [sflag:$0x3], $0x80, s31, s16, $0xb8;
	[tilespmem:$0x1E800] =	vst v63  }
0x8b: {  	_ =	swait.ge [sflag:s14], $0x4000  }
0x8c: {  	[sflag:s14] =	ssyncset.done $0x0  }
0x8d: {  	s31 =	sadd.s32 $0x100, s30;
	[sflag:s14] =	ssyncadd.s32 $0xFFFFC000  }
0x8e: {  	[tilespmem:s17], [sflag:$0x1] =	stream.indirect.gather [hbm4b:s4+s16], $0x80, s31, s16, $0xb8;
	[tilespmem:$0x1E800] =	vst v63  }
0x8f: {  	_ =	swait.ge [sflag:s20], $0x4000  }
0x90: {  	[sflag:s20] =	ssyncset.done $0x0  }
.Ltmp1:
0x91: {  	s31 =	sadd.s32 $0x1480, s30;
	[sflag:s20] =	ssyncadd.s32 $0xFFFFC000;
	(pc) =	sbr.rel @p0 .LBB2_4-.Ltmp1, $4  }
0x92: {  	[spmem:s1] =	stream.indirect.scatter.add.f32 [tilespmem:s18], [sflag:$0x3], $0x80, s31, s16, $0xb8;
	[tilespmem:$0x1E800] =	vst v63  }
0x93: {  	_ =	swait.ge [sflag:s14], $0x4000  }
0x94: {  	[sflag:s14] =	ssyncset.done $0x0  }
0x95: {  	s30 =	sadd.s32 $0x180, s30;
	[sflag:s14] =	ssyncadd.s32 $0xFFFFC000  }
0x96: {  	[tilespmem:s18], [sflag:$0x2] =	stream.indirect.gather [hbm4b:s4+s16], $0x80, s30, s16, $0xb8;
	[tilespmem:$0x1E800] =	vst v63  }
0x97: {  	_ =	swait.ge [sflag:s19], $0x4000  }
0x98: {  	[sflag:s19] =	ssyncset.done $0x0  }
0x99: {  	[sflag:s19] =	ssyncadd.s32 $0xFFFFC000  }
0x9a: {  	[spmem:s1] =	stream.indirect.scatter.add.f32 [tilespmem:s17], [sflag:$0x3], $0x80, s21, s16, $0xb8;
	[tilespmem:$0x1E800] =	vst v63  }
0x9b: {  	_ =	swait.ge [sflag:s14], $0x4000  }
0x9c: {  	[sflag:s14] =	ssyncset.done $0x0  }
0x9d: {  	[sflag:s14] =	ssyncadd.s32 $0xFFFFC000  }
0x9e: {  	[tilespmem:s17], [sflag:$0x1] =	stream.indirect.gather [hbm4b:s4+s16], $0x80, s22, s16, $0xb8;
	[tilespmem:$0x1E800] =	vst v63  }
0x9f: {  	_ =	swait.ge [sflag:s20], $0x4000  }
0xa0: {  	[sflag:s20] =	ssyncset.done $0x0  }
0xa1: {  	[sflag:s20] =	ssyncadd.s32 $0xFFFFC000  }
0xa2: {  	[spmem:s1] =	stream.indirect.scatter.add.f32 [tilespmem:s18], [sflag:$0x3], $0x80, s23, s16, $0xb8;
	[tilespmem:$0x1E800] =	vst v63  }
0xa3: {  	_ =	swait.ge [sflag:s14], $0x4000  }
0xa4: {  	[sflag:s14] =	ssyncset.done $0x0  }
0xa5: {  	[sflag:s14] =	ssyncadd.s32 $0xFFFFC000  }
0xa6: {  	[tilespmem:s18], [sflag:$0x2] =	stream.indirect.gather [hbm4b:s4+s16], $0x80, s24, s16, $0xb8;
	[tilespmem:$0x1E800] =	vst v63  }
0xa7: {  	_ =	swait.ge [sflag:s19], $0x4000  }
0xa8: {  	[sflag:s19] =	ssyncset.done $0x0  }
0xa9: {  	[sflag:s19] =	ssyncadd.s32 $0xFFFFC000  }
0xaa: {  	[spmem:s1] =	stream.indirect.scatter.add.f32 [tilespmem:s17], [sflag:$0x3], $0x80, s25, s16, $0xb8;
	[tilespmem:$0x1E800] =	vst v63  }
0xab: {  	_ =	swait.ge [sflag:s14], $0x4000  }
0xac: {  	[sflag:s14] =	ssyncset.done $0x0  }
0xad: {  	[sflag:s14] =	ssyncadd.s32 $0xFFFFC000  }
0xae: {  	[tilespmem:s17], [sflag:$0x1] =	stream.indirect.gather [hbm4b:s4+s16], $0x80, s24, s16, $0xb8;
	[tilespmem:$0x1E800] =	vst v63  }
0xaf: {  	_ =	swait.ge [sflag:s20], $0x4000  }
0xb0: {  	[sflag:s20] =	ssyncset.done $0x0  }
0xb1: {  	[sflag:s20] =	ssyncadd.s32 $0xFFFFC000  }
0xb2: {  	[spmem:s1] =	stream.indirect.scatter.add.f32 [tilespmem:s18], [sflag:$0x3], $0x80, s26, s16, $0xb8;
	[tilespmem:$0x1E800] =	vst v63  }
0xb3: {  	_ =	swait.ge [sflag:s14], $0x4000  }
0xb4: {  	[sflag:s14] =	ssyncset.done $0x0  }
0xb5: {  	[sflag:s14] =	ssyncadd.s32 $0xFFFFC000  }
0xb6: {  	[tilespmem:s18], [sflag:$0x2] =	stream.indirect.gather [hbm4b:s4+s16], $0x80, s24, s16, $0xb8;
	[tilespmem:$0x1E800] =	vst v63  }
0xb7: {  	_ =	swait.ge [sflag:s19], $0x4000  }
0xb8: {  	[sflag:s19] =	ssyncset.done $0x0  }
0xb9: {  	[sflag:s19] =	ssyncadd.s32 $0xFFFFC000  }
0xba: {  	_ =	swait.ge [sflag:s20], $0x4000  }
0xbb: {  	s28 =	sadd.s32 $0x1, s28;
	[sflag:s20] =	ssyncset.done $0x0  }
0xbc: {  	p0 =	sne.s32 s28, s12;
	[sflag:s20] =	ssyncadd.s32 $0xFFFFC000  }
.Ltmp2:
0xbd: {  	[bflag:$0x0] =	sbarrier.arrive $0xFFFF;
	(pc) =	sbr.rel @p0 .LBB2_1-.Ltmp2, $4  }
0xbe: {  	[hbm:s11], [sflag:s6] =	dma.local [spmem:s13], $0x2800  }
0xbf: {  	_ =	swait.ge [sflag:s14], $0x2800  }
0xc0: {  	[sflag:s14] =	ssyncset.done $0x0  }
0xc1: {  	[sflag:s14] =	ssyncadd.s32 $0xFFFFD800  }
0xc2: {  	_ =	sfence.sel $0x180000  }
0xc3: {  	[bflag:$0x0] =	sbarrier.arrive $0xFFFF  }
0xc4: {  	p0 =	sne.s32 s2, $0x0;
	_ =	strace $0x90000059  }
0xc5: {  	s0 =	sadd.s32 @!p0 $0x100000, s0;
	[bflag:$0x2] =	sbarrier.arrive $0xFFFF  }
0xc6: {  	[sflag:s0] =	ssyncadd.tile.s32 @!p0 $0x1;
	_ =	shalt  }
.Lfunc_end2:
_tile_overlayer_lowered:
.L_overlay_start_2:
0xc7: {  	(tag) =	ssettag $0x2  }
0xc8: {  	s0 =	rddreg [dreg:$0x0];
	s2 =	stileid.u32  }
0xc9: {  	s1 =	rddreg [dreg:$0x1];
	p0 =	sne.s32 s2, $0x0  }
0xca: {  	s3 =	rddreg [dreg:$0x2];
	[bflag:$0x3] =	sbarrier.arrive $0xFFFF;
	s2 =	simm.s32 @!p0 $0x1C03  }
0xcb: {  	[timem:s3], [sflag:s2] =	dma.local @!p0 [hbm:s0], s1  }
0xcc: {  	s0 =	simm.s32 @!p0 $0x3  }
0xcd: {  	_ =	swait.ge @!p0 [sflag:s0], s1  }
0xce: {  	s1 =	ssub.s32 @!p0 $0x0, s1;
	[sflag:s0] =	ssyncset.done @!p0 $0x0  }
0xcf: {  	[sflag:s0] =	ssyncadd.s32 @!p0 s1  }
0xd0: {  	[bflag:$0x3] =	sbarrier.arrive $0xFFFF  }
0xd1: {  	_ =	shalt  }

</sc_bundles>
